<compile_context>
chip_gen: v7x
topology: tpu7x:2x2x1
jax: 0.10.2.dev20260603
libtpu: 0.0.44.dev20260713+nightly
codegen_flags: <defaults>
</compile_context>

<pallas_src>
import functools

import jax
import jax.numpy as jnp
from jax import lax
from jax.experimental import pallas as pl
from jax.experimental.pallas import tpu as pltpu
from jax.experimental.pallas import tpu_sc as plsc

N = 4096
C = 128
K = 16
RT = 512
GRID = N // RT
NW = 32
NPT = N // NW
F32 = jnp.float32



def _embed_body(x_ref, w_ref, b_ref, o_ref):
    o_ref[...] = jnp.maximum(
        jnp.dot(x_ref[...], w_ref[...], preferred_element_type=F32)
        + b_ref[...], 0.0)


def _embed(x, w, b):
    cin = x.shape[1]
    return pl.pallas_call(
        _embed_body,
        grid=(GRID,),
        in_specs=[
            pl.BlockSpec((RT, cin), lambda i: (i, 0)),
            pl.BlockSpec((cin, C), lambda i: (0, 0)),
            pl.BlockSpec((1, C), lambda i: (0, 0)),
        ],
        out_specs=pl.BlockSpec((RT, C), lambda i: (i, 0)),
        out_shape=jax.ShapeDtypeStruct((N, C), F32),
    )(x, w, b.reshape(1, C))


NH = N // 2


def _topk_rows(d, rt):
    q = N // 4
    iota = lax.broadcasted_iota(jnp.int32, (rt, q), 1)
    vals = [d[:, i * q:(i + 1) * q] for i in range(4)]
    sls = [jnp.full((rt, q), i, jnp.int32) for i in range(4)]
    for i, j in [(0, 1), (2, 3), (0, 2), (1, 3), (1, 2)]:
        xi, xj, si, sj = vals[i], vals[j], sls[i], sls[j]
        swap = (xj < xi) | ((xj == xi) & (sj < si))
        vals[i] = jnp.where(swap, xj, xi)
        vals[j] = jnp.where(swap, xi, xj)
        sls[i] = jnp.where(swap, sj, si)
        sls[j] = jnp.where(swap, si, sj)
    r0, r1, r2, r3 = vals
    p = sls[0] | (sls[1] << 2) | (sls[2] << 4) | (sls[3] << 6)
    inf = jnp.float32(jnp.inf)
    cols = []
    for _ in range(K):
        m = jnp.min(r0, axis=1, keepdims=True)
        fi = iota | ((p & 3) << 10)
        am = jnp.min(jnp.where(r0 == m, fi, N), axis=1, keepdims=True)
        cols.append(am)
        pos = fi == am
        r0 = jnp.where(pos, r1, r0)
        r1 = jnp.where(pos, r2, r1)
        r2 = jnp.where(pos, r3, r2)
        r3 = jnp.where(pos, inf, r3)
        p = jnp.where(pos, p >> 2, p)
    return jnp.concatenate(cols, axis=1)


def _knn_body(x_ref, xt_ref, xsqc_ref, xsqr_ref, idx_ref):
    g = jnp.dot(x_ref[...], xt_ref[...], preferred_element_type=F32)
    d = (xsqc_ref[...] - 2.0 * g) + xsqr_ref[...]
    h = RT // 2
    idx_ref[...] = jnp.concatenate(
        [_topk_rows(d[:h], h), _topk_rows(d[h:], h)], axis=0)


def _knn(xh, xft, xsqh, xsqf):
    nl = xh.shape[0]
    return pl.pallas_call(
        _knn_body,
        grid=(nl // RT,),
        in_specs=[
            pl.BlockSpec((RT, C), lambda i: (i, 0)),
            pl.BlockSpec((C, N), lambda i: (0, 0)),
            pl.BlockSpec((RT, 1), lambda i: (i, 0)),
            pl.BlockSpec((1, N), lambda i: (0, 0)),
        ],
        out_specs=pl.BlockSpec((RT, K), lambda i: (i, 0)),
        out_shape=jax.ShapeDtypeStruct((nl, K), jnp.int32),
    )(xh, xft, xsqh.reshape(nl, 1), xsqf.reshape(1, N))


def _edge_body(x_ref, xj_ref, wt_ref, wb_ref, b_ref, r_ref, o_ref):
    xi = x_ref[...]
    a = jnp.dot(xi, wt_ref[...], preferred_element_type=F32) + b_ref[...]
    acc = None
    for j in range(K):
        e = xj_ref[j] - xi
        h = jnp.maximum(
            a + jnp.dot(e, wb_ref[...], preferred_element_type=F32), 0.0)
        acc = h if acc is None else jnp.maximum(acc, h)
    o_ref[...] = acc + r_ref[...]


def _edge(x, xj, wt, wb, b, res):
    return pl.pallas_call(
        _edge_body,
        grid=(x.shape[0] // RT,),
        in_specs=[
            pl.BlockSpec((RT, C), lambda i: (i, 0)),
            pl.BlockSpec((K, RT, C), lambda i: (0, i, 0)),
            pl.BlockSpec((C, C), lambda i: (0, 0)),
            pl.BlockSpec((C, C), lambda i: (0, 0)),
            pl.BlockSpec((1, C), lambda i: (0, 0)),
            pl.BlockSpec((RT, C), lambda i: (i, 0)),
        ],
        out_specs=pl.BlockSpec((RT, C), lambda i: (i, 0)),
        out_shape=jax.ShapeDtypeStruct((x.shape[0], C), F32),
    )(x, xj, wt, wb, b.reshape(1, C), res)



def _sc_gather_body(npt, nl, idx_hbm, x_hbm, out_hbm, idxv, rows, sem):
    wid = lax.axis_index("s") * 2 + lax.axis_index("c")
    pltpu.sync_copy(idx_hbm.at[wid], idxv)

    def slot(j, _):
        pltpu.async_copy(x_hbm.at[idxv.at[j]], rows, sem).wait()
        pltpu.sync_copy(rows, out_hbm.at[pl.ds(j * nl + wid * npt, npt)])
        return 0

    lax.fori_loop(0, K, slot, 0)


def _sc_gather(idx, x):
    nl = idx.shape[0]
    npt = nl // NW
    mesh = plsc.VectorSubcoreMesh(core_axis_name="c", subcore_axis_name="s")
    k = pl.kernel(
        functools.partial(_sc_gather_body, npt, nl),
        out_type=jax.ShapeDtypeStruct((K * nl, C), F32),
        mesh=mesh,
        scratch_types=[
            pltpu.VMEM((K, npt), jnp.int32),
            pltpu.VMEM((npt, C), F32),
            pltpu.SemaphoreType.DMA,
        ],
    )
    idx3 = idx.reshape(NW, npt, K).transpose(0, 2, 1)
    return k(idx3, x)



def kernel(inputs, W_emb, b_emb, W0, b0, W1, b1, W2, b2, W3, b3):
    x = _embed(inputs, W_emb, b_emb)
    feas = []
    zero = jnp.zeros((NH, C), F32)
    for i, (W, b) in enumerate([(W0, b0), (W1, b1), (W2, b2), (W3, b3)]):
        xft = x.T
        xsq = jnp.sum(x * x, axis=-1)
        xa, xb = x[:NH], x[NH:]
        idxa = _knn(xa, xft, xsq[:NH], xsq)
        xja = _sc_gather(idxa, x)
        idxb = _knn(xb, xft, xsq[NH:], xsq)
        xjb = _sc_gather(idxb, x)
        wt, wb_ = W[:C, :], W[C:, :]
        ya = _edge(xa, xja.reshape(K, NH, C), wt, wb_, b,
                   zero if i == 0 else xa)
        yb = _edge(xb, xjb.reshape(K, NH, C), wt, wb_, b,
                   zero if i == 0 else xb)
        x = jnp.concatenate([ya, yb], axis=0)
        feas.append(x)
    return jnp.concatenate(feas, axis=-1)

# --- scband reference (transcript-rebuilt; emitter-appended) ---
"""Pipeline reference for scband-dense-deep-gcn-49744311223020 (READ-ONLY COPY).

The authoritative reference and input builder live on the scoring server;
editing this copy changes nothing except your own understanding.
"""

import jax, jax.numpy as jnp
import numpy as np

N = 4096
C_IN = 128
C = 128
K = 16
N_BLOCKS = 4


def _knn_idx(x, k):
    # dense knn graph: pairwise squared euclidean distance, then top-k nearest
    xsq = jnp.sum(x * x, axis=-1)
    dist = xsq[:, None] - 2.0 * (x @ x.T) + xsq[None, :]
    _, idx = jax.lax.top_k(-dist, k)  # [N, k] neighbor indices
    return idx


def _edge_conv(x, idx, W, b):
    # EdgeConv: max_j relu(W @ cat([x_i, x_j - x_i]))
    x_j = jnp.take(x, idx, axis=0)                      # [N, k, C]
    x_i = jnp.broadcast_to(x[:, None, :], x_j.shape)    # [N, k, C]
    h = jnp.concatenate([x_i, x_j - x_i], axis=-1)      # [N, k, 2C]
    h = jax.nn.relu(h @ W + b)                          # [N, k, C_out]
    return jnp.max(h, axis=1)                           # [N, C_out]


def setup_inputs(seed: int = 0) -> dict:
    key = jax.random.key(seed)
    ks = jax.random.split(key, 2 + N_BLOCKS)
    inp = {"inputs": jax.random.normal(ks[0], (N, C_IN), dtype=jnp.float32)}
    inp["W_emb"] = jax.random.normal(ks[1], (C_IN, C), dtype=jnp.float32) * 0.02
    inp["b_emb"] = jnp.zeros((C,), dtype=jnp.float32)
    for i in range(N_BLOCKS):
        inp["W%d" % i] = jax.random.normal(ks[2 + i], (2 * C, C), dtype=jnp.float32) * (1.0 / np.sqrt(2 * C))
        inp["b%d" % i] = jnp.zeros((C,), dtype=jnp.float32)
    return inp


def reference(inputs, W_emb, b_emb, W0, b0, W1, b1, W2, b2, W3, b3):
    # embedding + relu
    emb = jax.nn.relu(inputs @ W_emb + b_emb)
    # head: knn graph on embedding, then EdgeConv
    idx = _knn_idx(emb, K)
    feas = [_edge_conv(emb, idx, W0, b0)]
    # ResDynBlock2d x (n_blocks-1): dynamic knn + EdgeConv + residual
    for (W, b) in [(W1, b1), (W2, b2), (W3, b3)]:
        x = feas[-1]
        idx = _knn_idx(x, K)
        y = _edge_conv(x, idx, W, b) + x
        feas.append(y)
    # fusion: concatenate along channel dim -> [N, C * n_blocks]
    return jnp.concatenate(feas, axis=-1)

if __name__ == "__main__":
    import jax
    _d = setup_inputs()
    print(jax.jit(kernel)(*tuple(_d.values())))

</pallas_src>

<mosaic_0001>
#map = affine_map<(d0, d1) -> (0, 0, 0)>
#map1 = affine_map<(d0, d1) -> (0, 0)>
module attributes {stable_mosaic.version = 14 : i64} {
  func.func @_sc_gather_body(%arg0: i32, %arg1: i32, %arg2: memref<32x16x64xi32, #tpu.memory_space<hbm>>, %arg3: memref<4096x128xf32, #tpu.memory_space<hbm>>, %arg4: memref<32768x128xf32, #tpu.memory_space<hbm>>, %arg5: memref<16x64xi32, #tpu.memory_space<vmem>>, %arg6: memref<64x128xf32, #tpu.memory_space<vmem>>, %arg7: memref<!tpu.dma_semaphore, #tpu.memory_space<semaphore_mem>>) attributes {dimension_semantics = [#tpu.dimension_semantics<core_parallel>, #tpu.dimension_semantics<subcore_parallel>], iteration_bounds = array<i64: 2, 16>, scalar_prefetch = 0 : i64, scratch_operands = 3 : i64, tpu.core_type = #tpu.core_type<sc_vector_subcore>, window_params = [{transform_indices = #map}, {transform_indices = #map1}, {transform_indices = #map1}]} {
    %mul3A = arith.constant 2 : i32
    %mul3A_0 = arith.muli %arg1, %mul3A : i32
    %add3A = arith.addi %mul3A_0, %arg0 : i32
    "tpu.region"() ({
      %run_scoped3A = tpu.sem_alloc : memref<!tpu.dma_semaphore, #tpu.memory_space<semaphore_mem>>
      %dma_start3A = arith.constant 0 : i32
      %dma_start3A_7 = arith.constant 0 : i32
      %dma_start3A_8 = tpu.memref_slice %arg2[%add3A, %dma_start3A, %dma_start3A_7] : memref<32x16x64xi32, #tpu.memory_space<hbm>> -> memref<1x16x64xi32, #tpu.memory_space<hbm>>
      %dma_start3A_9 = tpu.memref_squeeze %dma_start3A_8 : memref<1x16x64xi32, #tpu.memory_space<hbm>> -> memref<16x64xi32, #tpu.memory_space<hbm>>
      %dma_start3A_10 = arith.constant 0 : i32
      %dma_start3A_11 = arith.constant 0 : i32
      %dma_start3A_12 = tpu.memref_slice %arg2[%add3A, %dma_start3A_10, %dma_start3A_11] : memref<32x16x64xi32, #tpu.memory_space<hbm>> -> memref<1x16x64xi32, #tpu.memory_space<hbm>>
      %dma_start3A_13 = tpu.memref_squeeze %dma_start3A_12 : memref<1x16x64xi32, #tpu.memory_space<hbm>> -> memref<16x64xi32, #tpu.memory_space<hbm>>
      tpu.enqueue_dma source(%dma_start3A_13 : memref<16x64xi32, #tpu.memory_space<hbm>>) target(%arg5 : memref<16x64xi32, #tpu.memory_space<vmem>>) target_semaphore(%run_scoped3A : memref<!tpu.dma_semaphore, #tpu.memory_space<semaphore_mem>>)
      %dma_wait3A = arith.constant 0 : i32
      %dma_wait3A_14 = arith.constant 0 : i32
      %dma_wait3A_15 = tpu.memref_slice %arg2[%add3A, %dma_wait3A, %dma_wait3A_14] : memref<32x16x64xi32, #tpu.memory_space<hbm>> -> memref<1x16x64xi32, #tpu.memory_space<hbm>>
      %dma_wait3A_16 = tpu.memref_squeeze %dma_wait3A_15 : memref<1x16x64xi32, #tpu.memory_space<hbm>> -> memref<16x64xi32, #tpu.memory_space<hbm>>
      %dma_wait3A_17 = arith.constant 0 : i32
      %dma_wait3A_18 = arith.constant 0 : i32
      %dma_wait3A_19 = tpu.memref_slice %arg2[%add3A, %dma_wait3A_17, %dma_wait3A_18] : memref<32x16x64xi32, #tpu.memory_space<hbm>> -> memref<1x16x64xi32, #tpu.memory_space<hbm>>
      %dma_wait3A_20 = tpu.memref_squeeze %dma_wait3A_19 : memref<1x16x64xi32, #tpu.memory_space<hbm>> -> memref<16x64xi32, #tpu.memory_space<hbm>>
      tpu.wait_dma2 semaphore(%run_scoped3A : memref<!tpu.dma_semaphore, #tpu.memory_space<semaphore_mem>>) src(%dma_wait3A_20 : memref<16x64xi32, #tpu.memory_space<hbm>>) dst(%arg5 : memref<16x64xi32, #tpu.memory_space<vmem>>)
      tpu.yield
    }) : () -> ()
    %scan3A = arith.constant 0 : i32
    %scan3A_1 = arith.constant 0 : i32
    %scan3A_2 = arith.constant 16 : i32
    %scan3A_3 = arith.addi %scan3A_1, %scan3A_2 : i32
    %scan3A_4 = arith.constant 1 : i32
    %scan3A_5 = scf.for %scan3A_7 = %scan3A_1 to %scan3A_3 step %scan3A_4 iter_args(%scan3A_8 = %scan3A) -> (i32)  : i32 {
      %dma_start3A = arith.constant 0 : i32
      %dma_start3A_9 = tpu.memref_slice %arg5[%scan3A_7, %dma_start3A] : memref<16x64xi32, #tpu.memory_space<vmem>> -> memref<1x64xi32, #tpu.memory_space<vmem>>
      %dma_start3A_10 = tpu.memref_squeeze %dma_start3A_9 : memref<1x64xi32, #tpu.memory_space<vmem>> -> memref<64xi32, #tpu.memory_space<vmem>>
      %dma_start3A_11 = arith.constant 0 : i32
      %dma_start3A_12 = arith.constant 0 : i32
      %dma_start3A_13 = tpu.memref_slice %arg3[%dma_start3A_11, %dma_start3A_12] : memref<4096x128xf32, #tpu.memory_space<hbm>> -> memref<4096x128xf32, #tpu.memory_space<hbm>>
      tpu.enqueue_indirect_dma source(%dma_start3A_13 : memref<4096x128xf32, #tpu.memory_space<hbm>>) target(%arg6 : memref<64x128xf32, #tpu.memory_space<vmem>>) offsets(%dma_start3A_10 : memref<64xi32, #tpu.memory_space<vmem>>) semaphore(%arg7 : memref<!tpu.dma_semaphore, #tpu.memory_space<semaphore_mem>>)
      %dma_wait3A = arith.constant 0 : i32
      %dma_wait3A_14 = tpu.memref_slice %arg5[%scan3A_7, %dma_wait3A] : memref<16x64xi32, #tpu.memory_space<vmem>> -> memref<1x64xi32, #tpu.memory_space<vmem>>
      %dma_wait3A_15 = tpu.memref_squeeze %dma_wait3A_14 : memref<1x64xi32, #tpu.memory_space<vmem>> -> memref<64xi32, #tpu.memory_space<vmem>>
      %dma_wait3A_16 = arith.constant 0 : i32
      %dma_wait3A_17 = arith.constant 0 : i32
      %dma_wait3A_18 = tpu.memref_slice %arg3[%dma_wait3A_16, %dma_wait3A_17] : memref<4096x128xf32, #tpu.memory_space<hbm>> -> memref<4096x128xf32, #tpu.memory_space<hbm>>
      tpu.wait_indirect_dma semaphore(%arg7 : memref<!tpu.dma_semaphore, #tpu.memory_space<semaphore_mem>>) src(%dma_wait3A_18 : memref<4096x128xf32, #tpu.memory_space<hbm>>) dst(%arg6 : memref<64x128xf32, #tpu.memory_space<vmem>>)
      %mul3A_19 = arith.constant 2048 : i32
      %mul3A_20 = arith.muli %scan3A_7, %mul3A_19 : i32
      %mul3A_21 = arith.constant 64 : i32
      %mul3A_22 = arith.muli %add3A, %mul3A_21 : i32
      %add3A_23 = arith.addi %mul3A_20, %mul3A_22 : i32
      "tpu.region"() ({
        %run_scoped3A = tpu.sem_alloc : memref<!tpu.dma_semaphore, #tpu.memory_space<semaphore_mem>>
        %dma_start3A_25 = arith.constant 0 : i32
        %dma_start3A_26 = tpu.memref_slice %arg4[%add3A_23, %dma_start3A_25] : memref<32768x128xf32, #tpu.memory_space<hbm>> -> memref<64x128xf32, #tpu.memory_space<hbm>>
        %dma_start3A_27 = arith.constant 0 : i32
        %dma_start3A_28 = tpu.memref_slice %arg4[%add3A_23, %dma_start3A_27] : memref<32768x128xf32, #tpu.memory_space<hbm>> -> memref<64x128xf32, #tpu.memory_space<hbm>>
        tpu.enqueue_dma source(%arg6 : memref<64x128xf32, #tpu.memory_space<vmem>>) target(%dma_start3A_28 : memref<64x128xf32, #tpu.memory_space<hbm>>) target_semaphore(%run_scoped3A : memref<!tpu.dma_semaphore, #tpu.memory_space<semaphore_mem>>)
        %dma_wait3A_29 = arith.constant 0 : i32
        %dma_wait3A_30 = tpu.memref_slice %arg4[%add3A_23, %dma_wait3A_29] : memref<32768x128xf32, #tpu.memory_space<hbm>> -> memref<64x128xf32, #tpu.memory_space<hbm>>
        %dma_wait3A_31 = arith.constant 0 : i32
        %dma_wait3A_32 = tpu.memref_slice %arg4[%add3A_23, %dma_wait3A_31] : memref<32768x128xf32, #tpu.memory_space<hbm>> -> memref<64x128xf32, #tpu.memory_space<hbm>>
        tpu.wait_dma2 semaphore(%run_scoped3A : memref<!tpu.dma_semaphore, #tpu.memory_space<semaphore_mem>>) src(%arg6 : memref<64x128xf32, #tpu.memory_space<vmem>>) dst(%dma_wait3A_32 : memref<64x128xf32, #tpu.memory_space<hbm>>)
        tpu.yield
      }) : () -> ()
      %scan3A_24 = arith.constant 0 : i32
      scf.yield %scan3A_24 : i32
    }
    %scan3A_6 = arith.constant 16 : i32
    return
  }
}

#map = affine_map<(d0, d1) -> (0, 0, 0)>
#map1 = affine_map<(d0, d1) -> (0, 0)>
module attributes {stable_mosaic.version = 14 : i64} {
  func.func @_sc_gather_body(%arg0: i32, %arg1: i32, %arg2: memref<32x16x64xi32, #tpu.memory_space<hbm>>, %arg3: memref<4096x128xf32, #tpu.memory_space<hbm>>, %arg4: memref<32768x128xf32, #tpu.memory_space<hbm>>, %arg5: memref<16x64xi32, #tpu.memory_space<vmem>>, %arg6: memref<64x128xf32, #tpu.memory_space<vmem>>, %arg7: memref<!tpu.dma_semaphore, #tpu.memory_space<semaphore_mem>>) attributes {dimension_semantics = [#tpu.dimension_semantics<core_parallel>, #tpu.dimension_semantics<subcore_parallel>], iteration_bounds = array<i64: 2, 16>, scalar_prefetch = 0 : i64, scratch_operands = 3 : i64, tpu.core_type = #tpu.core_type<sc_vector_subcore>, window_params = [{transform_indices = #map}, {transform_indices = #map1}, {transform_indices = #map1}]} {
    %mul3A = arith.constant 2 : i32
    %mul3A_0 = arith.muli %arg1, %mul3A : i32
    %add3A = arith.addi %mul3A_0, %arg0 : i32
    "tpu.region"() ({
      %run_scoped3A = tpu.sem_alloc : memref<!tpu.dma_semaphore, #tpu.memory_space<semaphore_mem>>
      %dma_start3A = arith.constant 0 : i32
      %dma_start3A_7 = arith.constant 0 : i32
      %dma_start3A_8 = tpu.memref_slice %arg2[%add3A, %dma_start3A, %dma_start3A_7] : memref<32x16x64xi32, #tpu.memory_space<hbm>> -> memref<1x16x64xi32, #tpu.memory_space<hbm>>
      %dma_start3A_9 = tpu.memref_squeeze %dma_start3A_8 : memref<1x16x64xi32, #tpu.memory_space<hbm>> -> memref<16x64xi32, #tpu.memory_space<hbm>>
      %dma_start3A_10 = arith.constant 0 : i32
      %dma_start3A_11 = arith.constant 0 : i32
      %dma_start3A_12 = tpu.memref_slice %arg2[%add3A, %dma_start3A_10, %dma_start3A_11] : memref<32x16x64xi32, #tpu.memory_space<hbm>> -> memref<1x16x64xi32, #tpu.memory_space<hbm>>
      %dma_start3A_13 = tpu.memref_squeeze %dma_start3A_12 : memref<1x16x64xi32, #tpu.memory_space<hbm>> -> memref<16x64xi32, #tpu.memory_space<hbm>>
      tpu.enqueue_dma source(%dma_start3A_13 : memref<16x64xi32, #tpu.memory_space<hbm>>) target(%arg5 : memref<16x64xi32, #tpu.memory_space<vmem>>) target_semaphore(%run_scoped3A : memref<!tpu.dma_semaphore, #tpu.memory_space<semaphore_mem>>)
      %dma_wait3A = arith.constant 0 : i32
      %dma_wait3A_14 = arith.constant 0 : i32
      %dma_wait3A_15 = tpu.memref_slice %arg2[%add3A, %dma_wait3A, %dma_wait3A_14] : memref<32x16x64xi32, #tpu.memory_space<hbm>> -> memref<1x16x64xi32, #tpu.memory_space<hbm>>
      %dma_wait3A_16 = tpu.memref_squeeze %dma_wait3A_15 : memref<1x16x64xi32, #tpu.memory_space<hbm>> -> memref<16x64xi32, #tpu.memory_space<hbm>>
      %dma_wait3A_17 = arith.constant 0 : i32
      %dma_wait3A_18 = arith.constant 0 : i32
      %dma_wait3A_19 = tpu.memref_slice %arg2[%add3A, %dma_wait3A_17, %dma_wait3A_18] : memref<32x16x64xi32, #tpu.memory_space<hbm>> -> memref<1x16x64xi32, #tpu.memory_space<hbm>>
      %dma_wait3A_20 = tpu.memref_squeeze %dma_wait3A_19 : memref<1x16x64xi32, #tpu.memory_space<hbm>> -> memref<16x64xi32, #tpu.memory_space<hbm>>
      tpu.wait_dma2 semaphore(%run_scoped3A : memref<!tpu.dma_semaphore, #tpu.memory_space<semaphore_mem>>) src(%dma_wait3A_20 : memref<16x64xi32, #tpu.memory_space<hbm>>) dst(%arg5 : memref<16x64xi32, #tpu.memory_space<vmem>>)
      tpu.yield
    }) : () -> ()
    %scan3A = arith.constant 0 : i32
    %scan3A_1 = arith.constant 0 : i32
    %scan3A_2 = arith.constant 16 : i32
    %scan3A_3 = arith.addi %scan3A_1, %scan3A_2 : i32
    %scan3A_4 = arith.constant 1 : i32
    %scan3A_5 = scf.for %scan3A_7 = %scan3A_1 to %scan3A_3 step %scan3A_4 iter_args(%scan3A_8 = %scan3A) -> (i32)  : i32 {
      %dma_start3A = arith.constant 0 : i32
      %dma_start3A_9 = tpu.memref_slice %arg5[%scan3A_7, %dma_start3A] : memref<16x64xi32, #tpu.memory_space<vmem>> -> memref<1x64xi32, #tpu.memory_space<vmem>>
      %dma_start3A_10 = tpu.memref_squeeze %dma_start3A_9 : memref<1x64xi32, #tpu.memory_space<vmem>> -> memref<64xi32, #tpu.memory_space<vmem>>
      %dma_start3A_11 = arith.constant 0 : i32
      %dma_start3A_12 = arith.constant 0 : i32
      %dma_start3A_13 = tpu.memref_slice %arg3[%dma_start3A_11, %dma_start3A_12] : memref<4096x128xf32, #tpu.memory_space<hbm>> -> memref<4096x128xf32, #tpu.memory_space<hbm>>
      tpu.enqueue_indirect_dma source(%dma_start3A_13 : memref<4096x128xf32, #tpu.memory_space<hbm>>) target(%arg6 : memref<64x128xf32, #tpu.memory_space<vmem>>) offsets(%dma_start3A_10 : memref<64xi32, #tpu.memory_space<vmem>>) semaphore(%arg7 : memref<!tpu.dma_semaphore, #tpu.memory_space<semaphore_mem>>)
      %dma_wait3A = arith.constant 0 : i32
      %dma_wait3A_14 = tpu.memref_slice %arg5[%scan3A_7, %dma_wait3A] : memref<16x64xi32, #tpu.memory_space<vmem>> -> memref<1x64xi32, #tpu.memory_space<vmem>>
      %dma_wait3A_15 = tpu.memref_squeeze %dma_wait3A_14 : memref<1x64xi32, #tpu.memory_space<vmem>> -> memref<64xi32, #tpu.memory_space<vmem>>
      %dma_wait3A_16 = arith.constant 0 : i32
      %dma_wait3A_17 = arith.constant 0 : i32
      %dma_wait3A_18 = tpu.memref_slice %arg3[%dma_wait3A_16, %dma_wait3A_17] : memref<4096x128xf32, #tpu.memory_space<hbm>> -> memref<4096x128xf32, #tpu.memory_space<hbm>>
      tpu.wait_indirect_dma semaphore(%arg7 : memref<!tpu.dma_semaphore, #tpu.memory_space<semaphore_mem>>) src(%dma_wait3A_18 : memref<4096x128xf32, #tpu.memory_space<hbm>>) dst(%arg6 : memref<64x128xf32, #tpu.memory_space<vmem>>)
      %mul3A_19 = arith.constant 2048 : i32
      %mul3A_20 = arith.muli %scan3A_7, %mul3A_19 : i32
      %mul3A_21 = arith.constant 64 : i32
      %mul3A_22 = arith.muli %add3A, %mul3A_21 : i32
      %add3A_23 = arith.addi %mul3A_20, %mul3A_22 : i32
      "tpu.region"() ({
        %run_scoped3A = tpu.sem_alloc : memref<!tpu.dma_semaphore, #tpu.memory_space<semaphore_mem>>
        %dma_start3A_25 = arith.constant 0 : i32
        %dma_start3A_26 = tpu.memref_slice %arg4[%add3A_23, %dma_start3A_25] : memref<32768x128xf32, #tpu.memory_space<hbm>> -> memref<64x128xf32, #tpu.memory_space<hbm>>
        %dma_start3A_27 = arith.constant 0 : i32
        %dma_start3A_28 = tpu.memref_slice %arg4[%add3A_23, %dma_start3A_27] : memref<32768x128xf32, #tpu.memory_space<hbm>> -> memref<64x128xf32, #tpu.memory_space<hbm>>
        tpu.enqueue_dma source(%arg6 : memref<64x128xf32, #tpu.memory_space<vmem>>) target(%dma_start3A_28 : memref<64x128xf32, #tpu.memory_space<hbm>>) target_semaphore(%run_scoped3A : memref<!tpu.dma_semaphore, #tpu.memory_space<semaphore_mem>>)
        %dma_wait3A_29 = arith.constant 0 : i32
        %dma_wait3A_30 = tpu.memref_slice %arg4[%add3A_23, %dma_wait3A_29] : memref<32768x128xf32, #tpu.memory_space<hbm>> -> memref<64x128xf32, #tpu.memory_space<hbm>>
        %dma_wait3A_31 = arith.constant 0 : i32
        %dma_wait3A_32 = tpu.memref_slice %arg4[%add3A_23, %dma_wait3A_31] : memref<32768x128xf32, #tpu.memory_space<hbm>> -> memref<64x128xf32, #tpu.memory_space<hbm>>
        tpu.wait_dma2 semaphore(%run_scoped3A : memref<!tpu.dma_semaphore, #tpu.memory_space<semaphore_mem>>) src(%arg6 : memref<64x128xf32, #tpu.memory_space<vmem>>) dst(%dma_wait3A_32 : memref<64x128xf32, #tpu.memory_space<hbm>>)
        tpu.yield
      }) : () -> ()
      %scan3A_24 = arith.constant 0 : i32
      scf.yield %scan3A_24 : i32
    }
    %scan3A_6 = arith.constant 16 : i32
    return
  }
}

#map = affine_map<(d0, d1) -> (0, 0, 0)>
#map1 = affine_map<(d0, d1) -> (0, 0)>
module attributes {stable_mosaic.version = 14 : i64} {
  func.func @_sc_gather_body(%arg0: i32, %arg1: i32, %arg2: memref<32x16x64xi32, #tpu.memory_space<hbm>>, %arg3: memref<4096x128xf32, #tpu.memory_space<hbm>>, %arg4: memref<32768x128xf32, #tpu.memory_space<hbm>>, %arg5: memref<16x64xi32, #tpu.memory_space<vmem>>, %arg6: memref<64x128xf32, #tpu.memory_space<vmem>>, %arg7: memref<!tpu.dma_semaphore, #tpu.memory_space<semaphore_mem>>) attributes {dimension_semantics = [#tpu.dimension_semantics<core_parallel>, #tpu.dimension_semantics<subcore_parallel>], iteration_bounds = array<i64: 2, 16>, scalar_prefetch = 0 : i64, scratch_operands = 3 : i64, tpu.core_type = #tpu.core_type<sc_vector_subcore>, window_params = [{transform_indices = #map}, {transform_indices = #map1}, {transform_indices = #map1}]} {
    %mul3A = arith.constant 2 : i32
    %mul3A_0 = arith.muli %arg1, %mul3A : i32
    %add3A = arith.addi %mul3A_0, %arg0 : i32
    "tpu.region"() ({
      %run_scoped3A = tpu.sem_alloc : memref<!tpu.dma_semaphore, #tpu.memory_space<semaphore_mem>>
      %dma_start3A = arith.constant 0 : i32
      %dma_start3A_7 = arith.constant 0 : i32
      %dma_start3A_8 = tpu.memref_slice %arg2[%add3A, %dma_start3A, %dma_start3A_7] : memref<32x16x64xi32, #tpu.memory_space<hbm>> -> memref<1x16x64xi32, #tpu.memory_space<hbm>>
      %dma_start3A_9 = tpu.memref_squeeze %dma_start3A_8 : memref<1x16x64xi32, #tpu.memory_space<hbm>> -> memref<16x64xi32, #tpu.memory_space<hbm>>
      %dma_start3A_10 = arith.constant 0 : i32
      %dma_start3A_11 = arith.constant 0 : i32
      %dma_start3A_12 = tpu.memref_slice %arg2[%add3A, %dma_start3A_10, %dma_start3A_11] : memref<32x16x64xi32, #tpu.memory_space<hbm>> -> memref<1x16x64xi32, #tpu.memory_space<hbm>>
      %dma_start3A_13 = tpu.memref_squeeze %dma_start3A_12 : memref<1x16x64xi32, #tpu.memory_space<hbm>> -> memref<16x64xi32, #tpu.memory_space<hbm>>
      tpu.enqueue_dma source(%dma_start3A_13 : memref<16x64xi32, #tpu.memory_space<hbm>>) target(%arg5 : memref<16x64xi32, #tpu.memory_space<vmem>>) target_semaphore(%run_scoped3A : memref<!tpu.dma_semaphore, #tpu.memory_space<semaphore_mem>>)
      %dma_wait3A = arith.constant 0 : i32
      %dma_wait3A_14 = arith.constant 0 : i32
      %dma_wait3A_15 = tpu.memref_slice %arg2[%add3A, %dma_wait3A, %dma_wait3A_14] : memref<32x16x64xi32, #tpu.memory_space<hbm>> -> memref<1x16x64xi32, #tpu.memory_space<hbm>>
      %dma_wait3A_16 = tpu.memref_squeeze %dma_wait3A_15 : memref<1x16x64xi32, #tpu.memory_space<hbm>> -> memref<16x64xi32, #tpu.memory_space<hbm>>
      %dma_wait3A_17 = arith.constant 0 : i32
      %dma_wait3A_18 = arith.constant 0 : i32
      %dma_wait3A_19 = tpu.memref_slice %arg2[%add3A, %dma_wait3A_17, %dma_wait3A_18] : memref<32x16x64xi32, #tpu.memory_space<hbm>> -> memref<1x16x64xi32, #tpu.memory_space<hbm>>
      %dma_wait3A_20 = tpu.memref_squeeze %dma_wait3A_19 : memref<1x16x64xi32, #tpu.memory_space<hbm>> -> memref<16x64xi32, #tpu.memory_space<hbm>>
      tpu.wait_dma2 semaphore(%run_scoped3A : memref<!tpu.dma_semaphore, #tpu.memory_space<semaphore_mem>>) src(%dma_wait3A_20 : memref<16x64xi32, #tpu.memory_space<hbm>>) dst(%arg5 : memref<16x64xi32, #tpu.memory_space<vmem>>)
      tpu.yield
    }) : () -> ()
    %scan3A = arith.constant 0 : i32
    %scan3A_1 = arith.constant 0 : i32
    %scan3A_2 = arith.constant 16 : i32
    %scan3A_3 = arith.addi %scan3A_1, %scan3A_2 : i32
    %scan3A_4 = arith.constant 1 : i32
    %scan3A_5 = scf.for %scan3A_7 = %scan3A_1 to %scan3A_3 step %scan3A_4 iter_args(%scan3A_8 = %scan3A) -> (i32)  : i32 {
      %dma_start3A = arith.constant 0 : i32
      %dma_start3A_9 = tpu.memref_slice %arg5[%scan3A_7, %dma_start3A] : memref<16x64xi32, #tpu.memory_space<vmem>> -> memref<1x64xi32, #tpu.memory_space<vmem>>
      %dma_start3A_10 = tpu.memref_squeeze %dma_start3A_9 : memref<1x64xi32, #tpu.memory_space<vmem>> -> memref<64xi32, #tpu.memory_space<vmem>>
      %dma_start3A_11 = arith.constant 0 : i32
      %dma_start3A_12 = arith.constant 0 : i32
      %dma_start3A_13 = tpu.memref_slice %arg3[%dma_start3A_11, %dma_start3A_12] : memref<4096x128xf32, #tpu.memory_space<hbm>> -> memref<4096x128xf32, #tpu.memory_space<hbm>>
      tpu.enqueue_indirect_dma source(%dma_start3A_13 : memref<4096x128xf32, #tpu.memory_space<hbm>>) target(%arg6 : memref<64x128xf32, #tpu.memory_space<vmem>>) offsets(%dma_start3A_10 : memref<64xi32, #tpu.memory_space<vmem>>) semaphore(%arg7 : memref<!tpu.dma_semaphore, #tpu.memory_space<semaphore_mem>>)
      %dma_wait3A = arith.constant 0 : i32
      %dma_wait3A_14 = tpu.memref_slice %arg5[%scan3A_7, %dma_wait3A] : memref<16x64xi32, #tpu.memory_space<vmem>> -> memref<1x64xi32, #tpu.memory_space<vmem>>
      %dma_wait3A_15 = tpu.memref_squeeze %dma_wait3A_14 : memref<1x64xi32, #tpu.memory_space<vmem>> -> memref<64xi32, #tpu.memory_space<vmem>>
      %dma_wait3A_16 = arith.constant 0 : i32
      %dma_wait3A_17 = arith.constant 0 : i32
      %dma_wait3A_18 = tpu.memref_slice %arg3[%dma_wait3A_16, %dma_wait3A_17] : memref<4096x128xf32, #tpu.memory_space<hbm>> -> memref<4096x128xf32, #tpu.memory_space<hbm>>
      tpu.wait_indirect_dma semaphore(%arg7 : memref<!tpu.dma_semaphore, #tpu.memory_space<semaphore_mem>>) src(%dma_wait3A_18 : memref<4096x128xf32, #tpu.memory_space<hbm>>) dst(%arg6 : memref<64x128xf32, #tpu.memory_space<vmem>>)
      %mul3A_19 = arith.constant 2048 : i32
      %mul3A_20 = arith.muli %scan3A_7, %mul3A_19 : i32
      %mul3A_21 = arith.constant 64 : i32
      %mul3A_22 = arith.muli %add3A, %mul3A_21 : i32
      %add3A_23 = arith.addi %mul3A_20, %mul3A_22 : i32
      "tpu.region"() ({
        %run_scoped3A = tpu.sem_alloc : memref<!tpu.dma_semaphore, #tpu.memory_space<semaphore_mem>>
        %dma_start3A_25 = arith.constant 0 : i32
        %dma_start3A_26 = tpu.memref_slice %arg4[%add3A_23, %dma_start3A_25] : memref<32768x128xf32, #tpu.memory_space<hbm>> -> memref<64x128xf32, #tpu.memory_space<hbm>>
        %dma_start3A_27 = arith.constant 0 : i32
        %dma_start3A_28 = tpu.memref_slice %arg4[%add3A_23, %dma_start3A_27] : memref<32768x128xf32, #tpu.memory_space<hbm>> -> memref<64x128xf32, #tpu.memory_space<hbm>>
        tpu.enqueue_dma source(%arg6 : memref<64x128xf32, #tpu.memory_space<vmem>>) target(%dma_start3A_28 : memref<64x128xf32, #tpu.memory_space<hbm>>) target_semaphore(%run_scoped3A : memref<!tpu.dma_semaphore, #tpu.memory_space<semaphore_mem>>)
        %dma_wait3A_29 = arith.constant 0 : i32
        %dma_wait3A_30 = tpu.memref_slice %arg4[%add3A_23, %dma_wait3A_29] : memref<32768x128xf32, #tpu.memory_space<hbm>> -> memref<64x128xf32, #tpu.memory_space<hbm>>
        %dma_wait3A_31 = arith.constant 0 : i32
        %dma_wait3A_32 = tpu.memref_slice %arg4[%add3A_23, %dma_wait3A_31] : memref<32768x128xf32, #tpu.memory_space<hbm>> -> memref<64x128xf32, #tpu.memory_space<hbm>>
        tpu.wait_dma2 semaphore(%run_scoped3A : memref<!tpu.dma_semaphore, #tpu.memory_space<semaphore_mem>>) src(%arg6 : memref<64x128xf32, #tpu.memory_space<vmem>>) dst(%dma_wait3A_32 : memref<64x128xf32, #tpu.memory_space<hbm>>)
        tpu.yield
      }) : () -> ()
      %scan3A_24 = arith.constant 0 : i32
      scf.yield %scan3A_24 : i32
    }
    %scan3A_6 = arith.constant 16 : i32
    return
  }
}

#map = affine_map<(d0, d1) -> (0, 0, 0)>
#map1 = affine_map<(d0, d1) -> (0, 0)>
module attributes {stable_mosaic.version = 14 : i64} {
  func.func @_sc_gather_body(%arg0: i32, %arg1: i32, %arg2: memref<32x16x64xi32, #tpu.memory_space<hbm>>, %arg3: memref<4096x128xf32, #tpu.memory_space<hbm>>, %arg4: memref<32768x128xf32, #tpu.memory_space<hbm>>, %arg5: memref<16x64xi32, #tpu.memory_space<vmem>>, %arg6: memref<64x128xf32, #tpu.memory_space<vmem>>, %arg7: memref<!tpu.dma_semaphore, #tpu.memory_space<semaphore_mem>>) attributes {dimension_semantics = [#tpu.dimension_semantics<core_parallel>, #tpu.dimension_semantics<subcore_parallel>], iteration_bounds = array<i64: 2, 16>, scalar_prefetch = 0 : i64, scratch_operands = 3 : i64, tpu.core_type = #tpu.core_type<sc_vector_subcore>, window_params = [{transform_indices = #map}, {transform_indices = #map1}, {transform_indices = #map1}]} {
    %mul3A = arith.constant 2 : i32
    %mul3A_0 = arith.muli %arg1, %mul3A : i32
    %add3A = arith.addi %mul3A_0, %arg0 : i32
    "tpu.region"() ({
      %run_scoped3A = tpu.sem_alloc : memref<!tpu.dma_semaphore, #tpu.memory_space<semaphore_mem>>
      %dma_start3A = arith.constant 0 : i32
      %dma_start3A_7 = arith.constant 0 : i32
      %dma_start3A_8 = tpu.memref_slice %arg2[%add3A, %dma_start3A, %dma_start3A_7] : memref<32x16x64xi32, #tpu.memory_space<hbm>> -> memref<1x16x64xi32, #tpu.memory_space<hbm>>
      %dma_start3A_9 = tpu.memref_squeeze %dma_start3A_8 : memref<1x16x64xi32, #tpu.memory_space<hbm>> -> memref<16x64xi32, #tpu.memory_space<hbm>>
      %dma_start3A_10 = arith.constant 0 : i32
      %dma_start3A_11 = arith.constant 0 : i32
      %dma_start3A_12 = tpu.memref_slice %arg2[%add3A, %dma_start3A_10, %dma_start3A_11] : memref<32x16x64xi32, #tpu.memory_space<hbm>> -> memref<1x16x64xi32, #tpu.memory_space<hbm>>
      %dma_start3A_13 = tpu.memref_squeeze %dma_start3A_12 : memref<1x16x64xi32, #tpu.memory_space<hbm>> -> memref<16x64xi32, #tpu.memory_space<hbm>>
      tpu.enqueue_dma source(%dma_start3A_13 : memref<16x64xi32, #tpu.memory_space<hbm>>) target(%arg5 : memref<16x64xi32, #tpu.memory_space<vmem>>) target_semaphore(%run_scoped3A : memref<!tpu.dma_semaphore, #tpu.memory_space<semaphore_mem>>)
      %dma_wait3A = arith.constant 0 : i32
      %dma_wait3A_14 = arith.constant 0 : i32
      %dma_wait3A_15 = tpu.memref_slice %arg2[%add3A, %dma_wait3A, %dma_wait3A_14] : memref<32x16x64xi32, #tpu.memory_space<hbm>> -> memref<1x16x64xi32, #tpu.memory_space<hbm>>
      %dma_wait3A_16 = tpu.memref_squeeze %dma_wait3A_15 : memref<1x16x64xi32, #tpu.memory_space<hbm>> -> memref<16x64xi32, #tpu.memory_space<hbm>>
      %dma_wait3A_17 = arith.constant 0 : i32
      %dma_wait3A_18 = arith.constant 0 : i32
      %dma_wait3A_19 = tpu.memref_slice %arg2[%add3A, %dma_wait3A_17, %dma_wait3A_18] : memref<32x16x64xi32, #tpu.memory_space<hbm>> -> memref<1x16x64xi32, #tpu.memory_space<hbm>>
      %dma_wait3A_20 = tpu.memref_squeeze %dma_wait3A_19 : memref<1x16x64xi32, #tpu.memory_space<hbm>> -> memref<16x64xi32, #tpu.memory_space<hbm>>
      tpu.wait_dma2 semaphore(%run_scoped3A : memref<!tpu.dma_semaphore, #tpu.memory_space<semaphore_mem>>) src(%dma_wait3A_20 : memref<16x64xi32, #tpu.memory_space<hbm>>) dst(%arg5 : memref<16x64xi32, #tpu.memory_space<vmem>>)
      tpu.yield
    }) : () -> ()
    %scan3A = arith.constant 0 : i32
    %scan3A_1 = arith.constant 0 : i32
    %scan3A_2 = arith.constant 16 : i32
    %scan3A_3 = arith.addi %scan3A_1, %scan3A_2 : i32
    %scan3A_4 = arith.constant 1 : i32
    %scan3A_5 = scf.for %scan3A_7 = %scan3A_1 to %scan3A_3 step %scan3A_4 iter_args(%scan3A_8 = %scan3A) -> (i32)  : i32 {
      %dma_start3A = arith.constant 0 : i32
      %dma_start3A_9 = tpu.memref_slice %arg5[%scan3A_7, %dma_start3A] : memref<16x64xi32, #tpu.memory_space<vmem>> -> memref<1x64xi32, #tpu.memory_space<vmem>>
      %dma_start3A_10 = tpu.memref_squeeze %dma_start3A_9 : memref<1x64xi32, #tpu.memory_space<vmem>> -> memref<64xi32, #tpu.memory_space<vmem>>
      %dma_start3A_11 = arith.constant 0 : i32
      %dma_start3A_12 = arith.constant 0 : i32
      %dma_start3A_13 = tpu.memref_slice %arg3[%dma_start3A_11, %dma_start3A_12] : memref<4096x128xf32, #tpu.memory_space<hbm>> -> memref<4096x128xf32, #tpu.memory_space<hbm>>
      tpu.enqueue_indirect_dma source(%dma_start3A_13 : memref<4096x128xf32, #tpu.memory_space<hbm>>) target(%arg6 : memref<64x128xf32, #tpu.memory_space<vmem>>) offsets(%dma_start3A_10 : memref<64xi32, #tpu.memory_space<vmem>>) semaphore(%arg7 : memref<!tpu.dma_semaphore, #tpu.memory_space<semaphore_mem>>)
      %dma_wait3A = arith.constant 0 : i32
      %dma_wait3A_14 = tpu.memref_slice %arg5[%scan3A_7, %dma_wait3A] : memref<16x64xi32, #tpu.memory_space<vmem>> -> memref<1x64xi32, #tpu.memory_space<vmem>>
      %dma_wait3A_15 = tpu.memref_squeeze %dma_wait3A_14 : memref<1x64xi32, #tpu.memory_space<vmem>> -> memref<64xi32, #tpu.memory_space<vmem>>
      %dma_wait3A_16 = arith.constant 0 : i32
      %dma_wait3A_17 = arith.constant 0 : i32
      %dma_wait3A_18 = tpu.memref_slice %arg3[%dma_wait3A_16, %dma_wait3A_17] : memref<4096x128xf32, #tpu.memory_space<hbm>> -> memref<4096x128xf32, #tpu.memory_space<hbm>>
      tpu.wait_indirect_dma semaphore(%arg7 : memref<!tpu.dma_semaphore, #tpu.memory_space<semaphore_mem>>) src(%dma_wait3A_18 : memref<4096x128xf32, #tpu.memory_space<hbm>>) dst(%arg6 : memref<64x128xf32, #tpu.memory_space<vmem>>)
      %mul3A_19 = arith.constant 2048 : i32
      %mul3A_20 = arith.muli %scan3A_7, %mul3A_19 : i32
      %mul3A_21 = arith.constant 64 : i32
      %mul3A_22 = arith.muli %add3A, %mul3A_21 : i32
      %add3A_23 = arith.addi %mul3A_20, %mul3A_22 : i32
      "tpu.region"() ({
        %run_scoped3A = tpu.sem_alloc : memref<!tpu.dma_semaphore, #tpu.memory_space<semaphore_mem>>
        %dma_start3A_25 = arith.constant 0 : i32
        %dma_start3A_26 = tpu.memref_slice %arg4[%add3A_23, %dma_start3A_25] : memref<32768x128xf32, #tpu.memory_space<hbm>> -> memref<64x128xf32, #tpu.memory_space<hbm>>
        %dma_start3A_27 = arith.constant 0 : i32
        %dma_start3A_28 = tpu.memref_slice %arg4[%add3A_23, %dma_start3A_27] : memref<32768x128xf32, #tpu.memory_space<hbm>> -> memref<64x128xf32, #tpu.memory_space<hbm>>
        tpu.enqueue_dma source(%arg6 : memref<64x128xf32, #tpu.memory_space<vmem>>) target(%dma_start3A_28 : memref<64x128xf32, #tpu.memory_space<hbm>>) target_semaphore(%run_scoped3A : memref<!tpu.dma_semaphore, #tpu.memory_space<semaphore_mem>>)
        %dma_wait3A_29 = arith.constant 0 : i32
        %dma_wait3A_30 = tpu.memref_slice %arg4[%add3A_23, %dma_wait3A_29] : memref<32768x128xf32, #tpu.memory_space<hbm>> -> memref<64x128xf32, #tpu.memory_space<hbm>>
        %dma_wait3A_31 = arith.constant 0 : i32
        %dma_wait3A_32 = tpu.memref_slice %arg4[%add3A_23, %dma_wait3A_31] : memref<32768x128xf32, #tpu.memory_space<hbm>> -> memref<64x128xf32, #tpu.memory_space<hbm>>
        tpu.wait_dma2 semaphore(%run_scoped3A : memref<!tpu.dma_semaphore, #tpu.memory_space<semaphore_mem>>) src(%arg6 : memref<64x128xf32, #tpu.memory_space<vmem>>) dst(%dma_wait3A_32 : memref<64x128xf32, #tpu.memory_space<hbm>>)
        tpu.yield
      }) : () -> ()
      %scan3A_24 = arith.constant 0 : i32
      scf.yield %scan3A_24 : i32
    }
    %scan3A_6 = arith.constant 16 : i32
    return
  }
}

#map = affine_map<(d0, d1) -> (0, 0, 0)>
#map1 = affine_map<(d0, d1) -> (0, 0)>
module attributes {stable_mosaic.version = 14 : i64} {
  func.func @_sc_gather_body(%arg0: i32, %arg1: i32, %arg2: memref<32x16x64xi32, #tpu.memory_space<hbm>>, %arg3: memref<4096x128xf32, #tpu.memory_space<hbm>>, %arg4: memref<32768x128xf32, #tpu.memory_space<hbm>>, %arg5: memref<16x64xi32, #tpu.memory_space<vmem>>, %arg6: memref<64x128xf32, #tpu.memory_space<vmem>>, %arg7: memref<!tpu.dma_semaphore, #tpu.memory_space<semaphore_mem>>) attributes {dimension_semantics = [#tpu.dimension_semantics<core_parallel>, #tpu.dimension_semantics<subcore_parallel>], iteration_bounds = array<i64: 2, 16>, scalar_prefetch = 0 : i64, scratch_operands = 3 : i64, tpu.core_type = #tpu.core_type<sc_vector_subcore>, window_params = [{transform_indices = #map}, {transform_indices = #map1}, {transform_indices = #map1}]} {
    %mul3A = arith.constant 2 : i32
    %mul3A_0 = arith.muli %arg1, %mul3A : i32
    %add3A = arith.addi %mul3A_0, %arg0 : i32
    "tpu.region"() ({
      %run_scoped3A = tpu.sem_alloc : memref<!tpu.dma_semaphore, #tpu.memory_space<semaphore_mem>>
      %dma_start3A = arith.constant 0 : i32
      %dma_start3A_7 = arith.constant 0 : i32
      %dma_start3A_8 = tpu.memref_slice %arg2[%add3A, %dma_start3A, %dma_start3A_7] : memref<32x16x64xi32, #tpu.memory_space<hbm>> -> memref<1x16x64xi32, #tpu.memory_space<hbm>>
      %dma_start3A_9 = tpu.memref_squeeze %dma_start3A_8 : memref<1x16x64xi32, #tpu.memory_space<hbm>> -> memref<16x64xi32, #tpu.memory_space<hbm>>
      %dma_start3A_10 = arith.constant 0 : i32
      %dma_start3A_11 = arith.constant 0 : i32
      %dma_start3A_12 = tpu.memref_slice %arg2[%add3A, %dma_start3A_10, %dma_start3A_11] : memref<32x16x64xi32, #tpu.memory_space<hbm>> -> memref<1x16x64xi32, #tpu.memory_space<hbm>>
      %dma_start3A_13 = tpu.memref_squeeze %dma_start3A_12 : memref<1x16x64xi32, #tpu.memory_space<hbm>> -> memref<16x64xi32, #tpu.memory_space<hbm>>
      tpu.enqueue_dma source(%dma_start3A_13 : memref<16x64xi32, #tpu.memory_space<hbm>>) target(%arg5 : memref<16x64xi32, #tpu.memory_space<vmem>>) target_semaphore(%run_scoped3A : memref<!tpu.dma_semaphore, #tpu.memory_space<semaphore_mem>>)
      %dma_wait3A = arith.constant 0 : i32
      %dma_wait3A_14 = arith.constant 0 : i32
      %dma_wait3A_15 = tpu.memref_slice %arg2[%add3A, %dma_wait3A, %dma_wait3A_14] : memref<32x16x64xi32, #tpu.memory_space<hbm>> -> memref<1x16x64xi32, #tpu.memory_space<hbm>>
      %dma_wait3A_16 = tpu.memref_squeeze %dma_wait3A_15 : memref<1x16x64xi32, #tpu.memory_space<hbm>> -> memref<16x64xi32, #tpu.memory_space<hbm>>
      %dma_wait3A_17 = arith.constant 0 : i32
      %dma_wait3A_18 = arith.constant 0 : i32
      %dma_wait3A_19 = tpu.memref_slice %arg2[%add3A, %dma_wait3A_17, %dma_wait3A_18] : memref<32x16x64xi32, #tpu.memory_space<hbm>> -> memref<1x16x64xi32, #tpu.memory_space<hbm>>
      %dma_wait3A_20 = tpu.memref_squeeze %dma_wait3A_19 : memref<1x16x64xi32, #tpu.memory_space<hbm>> -> memref<16x64xi32, #tpu.memory_space<hbm>>
      tpu.wait_dma2 semaphore(%run_scoped3A : memref<!tpu.dma_semaphore, #tpu.memory_space<semaphore_mem>>) src(%dma_wait3A_20 : memref<16x64xi32, #tpu.memory_space<hbm>>) dst(%arg5 : memref<16x64xi32, #tpu.memory_space<vmem>>)
      tpu.yield
    }) : () -> ()
    %scan3A = arith.constant 0 : i32
    %scan3A_1 = arith.constant 0 : i32
    %scan3A_2 = arith.constant 16 : i32
    %scan3A_3 = arith.addi %scan3A_1, %scan3A_2 : i32
    %scan3A_4 = arith.constant 1 : i32
    %scan3A_5 = scf.for %scan3A_7 = %scan3A_1 to %scan3A_3 step %scan3A_4 iter_args(%scan3A_8 = %scan3A) -> (i32)  : i32 {
      %dma_start3A = arith.constant 0 : i32
      %dma_start3A_9 = tpu.memref_slice %arg5[%scan3A_7, %dma_start3A] : memref<16x64xi32, #tpu.memory_space<vmem>> -> memref<1x64xi32, #tpu.memory_space<vmem>>
      %dma_start3A_10 = tpu.memref_squeeze %dma_start3A_9 : memref<1x64xi32, #tpu.memory_space<vmem>> -> memref<64xi32, #tpu.memory_space<vmem>>
      %dma_start3A_11 = arith.constant 0 : i32
      %dma_start3A_12 = arith.constant 0 : i32
      %dma_start3A_13 = tpu.memref_slice %arg3[%dma_start3A_11, %dma_start3A_12] : memref<4096x128xf32, #tpu.memory_space<hbm>> -> memref<4096x128xf32, #tpu.memory_space<hbm>>
      tpu.enqueue_indirect_dma source(%dma_start3A_13 : memref<4096x128xf32, #tpu.memory_space<hbm>>) target(%arg6 : memref<64x128xf32, #tpu.memory_space<vmem>>) offsets(%dma_start3A_10 : memref<64xi32, #tpu.memory_space<vmem>>) semaphore(%arg7 : memref<!tpu.dma_semaphore, #tpu.memory_space<semaphore_mem>>)
      %dma_wait3A = arith.constant 0 : i32
      %dma_wait3A_14 = tpu.memref_slice %arg5[%scan3A_7, %dma_wait3A] : memref<16x64xi32, #tpu.memory_space<vmem>> -> memref<1x64xi32, #tpu.memory_space<vmem>>
      %dma_wait3A_15 = tpu.memref_squeeze %dma_wait3A_14 : memref<1x64xi32, #tpu.memory_space<vmem>> -> memref<64xi32, #tpu.memory_space<vmem>>
      %dma_wait3A_16 = arith.constant 0 : i32
      %dma_wait3A_17 = arith.constant 0 : i32
      %dma_wait3A_18 = tpu.memref_slice %arg3[%dma_wait3A_16, %dma_wait3A_17] : memref<4096x128xf32, #tpu.memory_space<hbm>> -> memref<4096x128xf32, #tpu.memory_space<hbm>>
      tpu.wait_indirect_dma semaphore(%arg7 : memref<!tpu.dma_semaphore, #tpu.memory_space<semaphore_mem>>) src(%dma_wait3A_18 : memref<4096x128xf32, #tpu.memory_space<hbm>>) dst(%arg6 : memref<64x128xf32, #tpu.memory_space<vmem>>)
      %mul3A_19 = arith.constant 2048 : i32
      %mul3A_20 = arith.muli %scan3A_7, %mul3A_19 : i32
      %mul3A_21 = arith.constant 64 : i32
      %mul3A_22 = arith.muli %add3A, %mul3A_21 : i32
      %add3A_23 = arith.addi %mul3A_20, %mul3A_22 : i32
      "tpu.region"() ({
        %run_scoped3A = tpu.sem_alloc : memref<!tpu.dma_semaphore, #tpu.memory_space<semaphore_mem>>
        %dma_start3A_25 = arith.constant 0 : i32
        %dma_start3A_26 = tpu.memref_slice %arg4[%add3A_23, %dma_start3A_25] : memref<32768x128xf32, #tpu.memory_space<hbm>> -> memref<64x128xf32, #tpu.memory_space<hbm>>
        %dma_start3A_27 = arith.constant 0 : i32
        %dma_start3A_28 = tpu.memref_slice %arg4[%add3A_23, %dma_start3A_27] : memref<32768x128xf32, #tpu.memory_space<hbm>> -> memref<64x128xf32, #tpu.memory_space<hbm>>
        tpu.enqueue_dma source(%arg6 : memref<64x128xf32, #tpu.memory_space<vmem>>) target(%dma_start3A_28 : memref<64x128xf32, #tpu.memory_space<hbm>>) target_semaphore(%run_scoped3A : memref<!tpu.dma_semaphore, #tpu.memory_space<semaphore_mem>>)
        %dma_wait3A_29 = arith.constant 0 : i32
        %dma_wait3A_30 = tpu.memref_slice %arg4[%add3A_23, %dma_wait3A_29] : memref<32768x128xf32, #tpu.memory_space<hbm>> -> memref<64x128xf32, #tpu.memory_space<hbm>>
        %dma_wait3A_31 = arith.constant 0 : i32
        %dma_wait3A_32 = tpu.memref_slice %arg4[%add3A_23, %dma_wait3A_31] : memref<32768x128xf32, #tpu.memory_space<hbm>> -> memref<64x128xf32, #tpu.memory_space<hbm>>
        tpu.wait_dma2 semaphore(%run_scoped3A : memref<!tpu.dma_semaphore, #tpu.memory_space<semaphore_mem>>) src(%arg6 : memref<64x128xf32, #tpu.memory_space<vmem>>) dst(%dma_wait3A_32 : memref<64x128xf32, #tpu.memory_space<hbm>>)
        tpu.yield
      }) : () -> ()
      %scan3A_24 = arith.constant 0 : i32
      scf.yield %scan3A_24 : i32
    }
    %scan3A_6 = arith.constant 16 : i32
    return
  }
}

#map = affine_map<(d0, d1) -> (0, 0, 0)>
#map1 = affine_map<(d0, d1) -> (0, 0)>
module attributes {stable_mosaic.version = 14 : i64} {
  func.func @_sc_gather_body(%arg0: i32, %arg1: i32, %arg2: memref<32x16x64xi32, #tpu.memory_space<hbm>>, %arg3: memref<4096x128xf32, #tpu.memory_space<hbm>>, %arg4: memref<32768x128xf32, #tpu.memory_space<hbm>>, %arg5: memref<16x64xi32, #tpu.memory_space<vmem>>, %arg6: memref<64x128xf32, #tpu.memory_space<vmem>>, %arg7: memref<!tpu.dma_semaphore, #tpu.memory_space<semaphore_mem>>) attributes {dimension_semantics = [#tpu.dimension_semantics<core_parallel>, #tpu.dimension_semantics<subcore_parallel>], iteration_bounds = array<i64: 2, 16>, scalar_prefetch = 0 : i64, scratch_operands = 3 : i64, tpu.core_type = #tpu.core_type<sc_vector_subcore>, window_params = [{transform_indices = #map}, {transform_indices = #map1}, {transform_indices = #map1}]} {
    %mul3A = arith.constant 2 : i32
    %mul3A_0 = arith.muli %arg1, %mul3A : i32
    %add3A = arith.addi %mul3A_0, %arg0 : i32
    "tpu.region"() ({
      %run_scoped3A = tpu.sem_alloc : memref<!tpu.dma_semaphore, #tpu.memory_space<semaphore_mem>>
      %dma_start3A = arith.constant 0 : i32
      %dma_start3A_7 = arith.constant 0 : i32
      %dma_start3A_8 = tpu.memref_slice %arg2[%add3A, %dma_start3A, %dma_start3A_7] : memref<32x16x64xi32, #tpu.memory_space<hbm>> -> memref<1x16x64xi32, #tpu.memory_space<hbm>>
      %dma_start3A_9 = tpu.memref_squeeze %dma_start3A_8 : memref<1x16x64xi32, #tpu.memory_space<hbm>> -> memref<16x64xi32, #tpu.memory_space<hbm>>
      %dma_start3A_10 = arith.constant 0 : i32
      %dma_start3A_11 = arith.constant 0 : i32
      %dma_start3A_12 = tpu.memref_slice %arg2[%add3A, %dma_start3A_10, %dma_start3A_11] : memref<32x16x64xi32, #tpu.memory_space<hbm>> -> memref<1x16x64xi32, #tpu.memory_space<hbm>>
      %dma_start3A_13 = tpu.memref_squeeze %dma_start3A_12 : memref<1x16x64xi32, #tpu.memory_space<hbm>> -> memref<16x64xi32, #tpu.memory_space<hbm>>
      tpu.enqueue_dma source(%dma_start3A_13 : memref<16x64xi32, #tpu.memory_space<hbm>>) target(%arg5 : memref<16x64xi32, #tpu.memory_space<vmem>>) target_semaphore(%run_scoped3A : memref<!tpu.dma_semaphore, #tpu.memory_space<semaphore_mem>>)
      %dma_wait3A = arith.constant 0 : i32
      %dma_wait3A_14 = arith.constant 0 : i32
      %dma_wait3A_15 = tpu.memref_slice %arg2[%add3A, %dma_wait3A, %dma_wait3A_14] : memref<32x16x64xi32, #tpu.memory_space<hbm>> -> memref<1x16x64xi32, #tpu.memory_space<hbm>>
      %dma_wait3A_16 = tpu.memref_squeeze %dma_wait3A_15 : memref<1x16x64xi32, #tpu.memory_space<hbm>> -> memref<16x64xi32, #tpu.memory_space<hbm>>
      %dma_wait3A_17 = arith.constant 0 : i32
      %dma_wait3A_18 = arith.constant 0 : i32
      %dma_wait3A_19 = tpu.memref_slice %arg2[%add3A, %dma_wait3A_17, %dma_wait3A_18] : memref<32x16x64xi32, #tpu.memory_space<hbm>> -> memref<1x16x64xi32, #tpu.memory_space<hbm>>
      %dma_wait3A_20 = tpu.memref_squeeze %dma_wait3A_19 : memref<1x16x64xi32, #tpu.memory_space<hbm>> -> memref<16x64xi32, #tpu.memory_space<hbm>>
      tpu.wait_dma2 semaphore(%run_scoped3A : memref<!tpu.dma_semaphore, #tpu.memory_space<semaphore_mem>>) src(%dma_wait3A_20 : memref<16x64xi32, #tpu.memory_space<hbm>>) dst(%arg5 : memref<16x64xi32, #tpu.memory_space<vmem>>)
      tpu.yield
    }) : () -> ()
    %scan3A = arith.constant 0 : i32
    %scan3A_1 = arith.constant 0 : i32
    %scan3A_2 = arith.constant 16 : i32
    %scan3A_3 = arith.addi %scan3A_1, %scan3A_2 : i32
    %scan3A_4 = arith.constant 1 : i32
    %scan3A_5 = scf.for %scan3A_7 = %scan3A_1 to %scan3A_3 step %scan3A_4 iter_args(%scan3A_8 = %scan3A) -> (i32)  : i32 {
      %dma_start3A = arith.constant 0 : i32
      %dma_start3A_9 = tpu.memref_slice %arg5[%scan3A_7, %dma_start3A] : memref<16x64xi32, #tpu.memory_space<vmem>> -> memref<1x64xi32, #tpu.memory_space<vmem>>
      %dma_start3A_10 = tpu.memref_squeeze %dma_start3A_9 : memref<1x64xi32, #tpu.memory_space<vmem>> -> memref<64xi32, #tpu.memory_space<vmem>>
      %dma_start3A_11 = arith.constant 0 : i32
      %dma_start3A_12 = arith.constant 0 : i32
      %dma_start3A_13 = tpu.memref_slice %arg3[%dma_start3A_11, %dma_start3A_12] : memref<4096x128xf32, #tpu.memory_space<hbm>> -> memref<4096x128xf32, #tpu.memory_space<hbm>>
      tpu.enqueue_indirect_dma source(%dma_start3A_13 : memref<4096x128xf32, #tpu.memory_space<hbm>>) target(%arg6 : memref<64x128xf32, #tpu.memory_space<vmem>>) offsets(%dma_start3A_10 : memref<64xi32, #tpu.memory_space<vmem>>) semaphore(%arg7 : memref<!tpu.dma_semaphore, #tpu.memory_space<semaphore_mem>>)
      %dma_wait3A = arith.constant 0 : i32
      %dma_wait3A_14 = tpu.memref_slice %arg5[%scan3A_7, %dma_wait3A] : memref<16x64xi32, #tpu.memory_space<vmem>> -> memref<1x64xi32, #tpu.memory_space<vmem>>
      %dma_wait3A_15 = tpu.memref_squeeze %dma_wait3A_14 : memref<1x64xi32, #tpu.memory_space<vmem>> -> memref<64xi32, #tpu.memory_space<vmem>>
      %dma_wait3A_16 = arith.constant 0 : i32
      %dma_wait3A_17 = arith.constant 0 : i32
      %dma_wait3A_18 = tpu.memref_slice %arg3[%dma_wait3A_16, %dma_wait3A_17] : memref<4096x128xf32, #tpu.memory_space<hbm>> -> memref<4096x128xf32, #tpu.memory_space<hbm>>
      tpu.wait_indirect_dma semaphore(%arg7 : memref<!tpu.dma_semaphore, #tpu.memory_space<semaphore_mem>>) src(%dma_wait3A_18 : memref<4096x128xf32, #tpu.memory_space<hbm>>) dst(%arg6 : memref<64x128xf32, #tpu.memory_space<vmem>>)
      %mul3A_19 = arith.constant 2048 : i32
      %mul3A_20 = arith.muli %scan3A_7, %mul3A_19 : i32
      %mul3A_21 = arith.constant 64 : i32
      %mul3A_22 = arith.muli %add3A, %mul3A_21 : i32
      %add3A_23 = arith.addi %mul3A_20, %mul3A_22 : i32
      "tpu.region"() ({
        %run_scoped3A = tpu.sem_alloc : memref<!tpu.dma_semaphore, #tpu.memory_space<semaphore_mem>>
        %dma_start3A_25 = arith.constant 0 : i32
        %dma_start3A_26 = tpu.memref_slice %arg4[%add3A_23, %dma_start3A_25] : memref<32768x128xf32, #tpu.memory_space<hbm>> -> memref<64x128xf32, #tpu.memory_space<hbm>>
        %dma_start3A_27 = arith.constant 0 : i32
        %dma_start3A_28 = tpu.memref_slice %arg4[%add3A_23, %dma_start3A_27] : memref<32768x128xf32, #tpu.memory_space<hbm>> -> memref<64x128xf32, #tpu.memory_space<hbm>>
        tpu.enqueue_dma source(%arg6 : memref<64x128xf32, #tpu.memory_space<vmem>>) target(%dma_start3A_28 : memref<64x128xf32, #tpu.memory_space<hbm>>) target_semaphore(%run_scoped3A : memref<!tpu.dma_semaphore, #tpu.memory_space<semaphore_mem>>)
        %dma_wait3A_29 = arith.constant 0 : i32
        %dma_wait3A_30 = tpu.memref_slice %arg4[%add3A_23, %dma_wait3A_29] : memref<32768x128xf32, #tpu.memory_space<hbm>> -> memref<64x128xf32, #tpu.memory_space<hbm>>
        %dma_wait3A_31 = arith.constant 0 : i32
        %dma_wait3A_32 = tpu.memref_slice %arg4[%add3A_23, %dma_wait3A_31] : memref<32768x128xf32, #tpu.memory_space<hbm>> -> memref<64x128xf32, #tpu.memory_space<hbm>>
        tpu.wait_dma2 semaphore(%run_scoped3A : memref<!tpu.dma_semaphore, #tpu.memory_space<semaphore_mem>>) src(%arg6 : memref<64x128xf32, #tpu.memory_space<vmem>>) dst(%dma_wait3A_32 : memref<64x128xf32, #tpu.memory_space<hbm>>)
        tpu.yield
      }) : () -> ()
      %scan3A_24 = arith.constant 0 : i32
      scf.yield %scan3A_24 : i32
    }
    %scan3A_6 = arith.constant 16 : i32
    return
  }
}

#map = affine_map<(d0, d1) -> (0, 0, 0)>
#map1 = affine_map<(d0, d1) -> (0, 0)>
module attributes {stable_mosaic.version = 14 : i64} {
  func.func @_sc_gather_body(%arg0: i32, %arg1: i32, %arg2: memref<32x16x64xi32, #tpu.memory_space<hbm>>, %arg3: memref<4096x128xf32, #tpu.memory_space<hbm>>, %arg4: memref<32768x128xf32, #tpu.memory_space<hbm>>, %arg5: memref<16x64xi32, #tpu.memory_space<vmem>>, %arg6: memref<64x128xf32, #tpu.memory_space<vmem>>, %arg7: memref<!tpu.dma_semaphore, #tpu.memory_space<semaphore_mem>>) attributes {dimension_semantics = [#tpu.dimension_semantics<core_parallel>, #tpu.dimension_semantics<subcore_parallel>], iteration_bounds = array<i64: 2, 16>, scalar_prefetch = 0 : i64, scratch_operands = 3 : i64, tpu.core_type = #tpu.core_type<sc_vector_subcore>, window_params = [{transform_indices = #map}, {transform_indices = #map1}, {transform_indices = #map1}]} {
    %mul3A = arith.constant 2 : i32
    %mul3A_0 = arith.muli %arg1, %mul3A : i32
    %add3A = arith.addi %mul3A_0, %arg0 : i32
    "tpu.region"() ({
      %run_scoped3A = tpu.sem_alloc : memref<!tpu.dma_semaphore, #tpu.memory_space<semaphore_mem>>
      %dma_start3A = arith.constant 0 : i32
      %dma_start3A_7 = arith.constant 0 : i32
      %dma_start3A_8 = tpu.memref_slice %arg2[%add3A, %dma_start3A, %dma_start3A_7] : memref<32x16x64xi32, #tpu.memory_space<hbm>> -> memref<1x16x64xi32, #tpu.memory_space<hbm>>
      %dma_start3A_9 = tpu.memref_squeeze %dma_start3A_8 : memref<1x16x64xi32, #tpu.memory_space<hbm>> -> memref<16x64xi32, #tpu.memory_space<hbm>>
      %dma_start3A_10 = arith.constant 0 : i32
      %dma_start3A_11 = arith.constant 0 : i32
      %dma_start3A_12 = tpu.memref_slice %arg2[%add3A, %dma_start3A_10, %dma_start3A_11] : memref<32x16x64xi32, #tpu.memory_space<hbm>> -> memref<1x16x64xi32, #tpu.memory_space<hbm>>
      %dma_start3A_13 = tpu.memref_squeeze %dma_start3A_12 : memref<1x16x64xi32, #tpu.memory_space<hbm>> -> memref<16x64xi32, #tpu.memory_space<hbm>>
      tpu.enqueue_dma source(%dma_start3A_13 : memref<16x64xi32, #tpu.memory_space<hbm>>) target(%arg5 : memref<16x64xi32, #tpu.memory_space<vmem>>) target_semaphore(%run_scoped3A : memref<!tpu.dma_semaphore, #tpu.memory_space<semaphore_mem>>)
      %dma_wait3A = arith.constant 0 : i32
      %dma_wait3A_14 = arith.constant 0 : i32
      %dma_wait3A_15 = tpu.memref_slice %arg2[%add3A, %dma_wait3A, %dma_wait3A_14] : memref<32x16x64xi32, #tpu.memory_space<hbm>> -> memref<1x16x64xi32, #tpu.memory_space<hbm>>
      %dma_wait3A_16 = tpu.memref_squeeze %dma_wait3A_15 : memref<1x16x64xi32, #tpu.memory_space<hbm>> -> memref<16x64xi32, #tpu.memory_space<hbm>>
      %dma_wait3A_17 = arith.constant 0 : i32
      %dma_wait3A_18 = arith.constant 0 : i32
      %dma_wait3A_19 = tpu.memref_slice %arg2[%add3A, %dma_wait3A_17, %dma_wait3A_18] : memref<32x16x64xi32, #tpu.memory_space<hbm>> -> memref<1x16x64xi32, #tpu.memory_space<hbm>>
      %dma_wait3A_20 = tpu.memref_squeeze %dma_wait3A_19 : memref<1x16x64xi32, #tpu.memory_space<hbm>> -> memref<16x64xi32, #tpu.memory_space<hbm>>
      tpu.wait_dma2 semaphore(%run_scoped3A : memref<!tpu.dma_semaphore, #tpu.memory_space<semaphore_mem>>) src(%dma_wait3A_20 : memref<16x64xi32, #tpu.memory_space<hbm>>) dst(%arg5 : memref<16x64xi32, #tpu.memory_space<vmem>>)
      tpu.yield
    }) : () -> ()
    %scan3A = arith.constant 0 : i32
    %scan3A_1 = arith.constant 0 : i32
    %scan3A_2 = arith.constant 16 : i32
    %scan3A_3 = arith.addi %scan3A_1, %scan3A_2 : i32
    %scan3A_4 = arith.constant 1 : i32
    %scan3A_5 = scf.for %scan3A_7 = %scan3A_1 to %scan3A_3 step %scan3A_4 iter_args(%scan3A_8 = %scan3A) -> (i32)  : i32 {
      %dma_start3A = arith.constant 0 : i32
      %dma_start3A_9 = tpu.memref_slice %arg5[%scan3A_7, %dma_start3A] : memref<16x64xi32, #tpu.memory_space<vmem>> -> memref<1x64xi32, #tpu.memory_space<vmem>>
      %dma_start3A_10 = tpu.memref_squeeze %dma_start3A_9 : memref<1x64xi32, #tpu.memory_space<vmem>> -> memref<64xi32, #tpu.memory_space<vmem>>
      %dma_start3A_11 = arith.constant 0 : i32
      %dma_start3A_12 = arith.constant 0 : i32
      %dma_start3A_13 = tpu.memref_slice %arg3[%dma_start3A_11, %dma_start3A_12] : memref<4096x128xf32, #tpu.memory_space<hbm>> -> memref<4096x128xf32, #tpu.memory_space<hbm>>
      tpu.enqueue_indirect_dma source(%dma_start3A_13 : memref<4096x128xf32, #tpu.memory_space<hbm>>) target(%arg6 : memref<64x128xf32, #tpu.memory_space<vmem>>) offsets(%dma_start3A_10 : memref<64xi32, #tpu.memory_space<vmem>>) semaphore(%arg7 : memref<!tpu.dma_semaphore, #tpu.memory_space<semaphore_mem>>)
      %dma_wait3A = arith.constant 0 : i32
      %dma_wait3A_14 = tpu.memref_slice %arg5[%scan3A_7, %dma_wait3A] : memref<16x64xi32, #tpu.memory_space<vmem>> -> memref<1x64xi32, #tpu.memory_space<vmem>>
      %dma_wait3A_15 = tpu.memref_squeeze %dma_wait3A_14 : memref<1x64xi32, #tpu.memory_space<vmem>> -> memref<64xi32, #tpu.memory_space<vmem>>
      %dma_wait3A_16 = arith.constant 0 : i32
      %dma_wait3A_17 = arith.constant 0 : i32
      %dma_wait3A_18 = tpu.memref_slice %arg3[%dma_wait3A_16, %dma_wait3A_17] : memref<4096x128xf32, #tpu.memory_space<hbm>> -> memref<4096x128xf32, #tpu.memory_space<hbm>>
      tpu.wait_indirect_dma semaphore(%arg7 : memref<!tpu.dma_semaphore, #tpu.memory_space<semaphore_mem>>) src(%dma_wait3A_18 : memref<4096x128xf32, #tpu.memory_space<hbm>>) dst(%arg6 : memref<64x128xf32, #tpu.memory_space<vmem>>)
      %mul3A_19 = arith.constant 2048 : i32
      %mul3A_20 = arith.muli %scan3A_7, %mul3A_19 : i32
      %mul3A_21 = arith.constant 64 : i32
      %mul3A_22 = arith.muli %add3A, %mul3A_21 : i32
      %add3A_23 = arith.addi %mul3A_20, %mul3A_22 : i32
      "tpu.region"() ({
        %run_scoped3A = tpu.sem_alloc : memref<!tpu.dma_semaphore, #tpu.memory_space<semaphore_mem>>
        %dma_start3A_25 = arith.constant 0 : i32
        %dma_start3A_26 = tpu.memref_slice %arg4[%add3A_23, %dma_start3A_25] : memref<32768x128xf32, #tpu.memory_space<hbm>> -> memref<64x128xf32, #tpu.memory_space<hbm>>
        %dma_start3A_27 = arith.constant 0 : i32
        %dma_start3A_28 = tpu.memref_slice %arg4[%add3A_23, %dma_start3A_27] : memref<32768x128xf32, #tpu.memory_space<hbm>> -> memref<64x128xf32, #tpu.memory_space<hbm>>
        tpu.enqueue_dma source(%arg6 : memref<64x128xf32, #tpu.memory_space<vmem>>) target(%dma_start3A_28 : memref<64x128xf32, #tpu.memory_space<hbm>>) target_semaphore(%run_scoped3A : memref<!tpu.dma_semaphore, #tpu.memory_space<semaphore_mem>>)
        %dma_wait3A_29 = arith.constant 0 : i32
        %dma_wait3A_30 = tpu.memref_slice %arg4[%add3A_23, %dma_wait3A_29] : memref<32768x128xf32, #tpu.memory_space<hbm>> -> memref<64x128xf32, #tpu.memory_space<hbm>>
        %dma_wait3A_31 = arith.constant 0 : i32
        %dma_wait3A_32 = tpu.memref_slice %arg4[%add3A_23, %dma_wait3A_31] : memref<32768x128xf32, #tpu.memory_space<hbm>> -> memref<64x128xf32, #tpu.memory_space<hbm>>
        tpu.wait_dma2 semaphore(%run_scoped3A : memref<!tpu.dma_semaphore, #tpu.memory_space<semaphore_mem>>) src(%arg6 : memref<64x128xf32, #tpu.memory_space<vmem>>) dst(%dma_wait3A_32 : memref<64x128xf32, #tpu.memory_space<hbm>>)
        tpu.yield
      }) : () -> ()
      %scan3A_24 = arith.constant 0 : i32
      scf.yield %scan3A_24 : i32
    }
    %scan3A_6 = arith.constant 16 : i32
    return
  }
}

#map = affine_map<(d0, d1) -> (0, 0, 0)>
#map1 = affine_map<(d0, d1) -> (0, 0)>
module attributes {stable_mosaic.version = 14 : i64} {
  func.func @_sc_gather_body(%arg0: i32, %arg1: i32, %arg2: memref<32x16x64xi32, #tpu.memory_space<hbm>>, %arg3: memref<4096x128xf32, #tpu.memory_space<hbm>>, %arg4: memref<32768x128xf32, #tpu.memory_space<hbm>>, %arg5: memref<16x64xi32, #tpu.memory_space<vmem>>, %arg6: memref<64x128xf32, #tpu.memory_space<vmem>>, %arg7: memref<!tpu.dma_semaphore, #tpu.memory_space<semaphore_mem>>) attributes {dimension_semantics = [#tpu.dimension_semantics<core_parallel>, #tpu.dimension_semantics<subcore_parallel>], iteration_bounds = array<i64: 2, 16>, scalar_prefetch = 0 : i64, scratch_operands = 3 : i64, tpu.core_type = #tpu.core_type<sc_vector_subcore>, window_params = [{transform_indices = #map}, {transform_indices = #map1}, {transform_indices = #map1}]} {
    %mul3A = arith.constant 2 : i32
    %mul3A_0 = arith.muli %arg1, %mul3A : i32
    %add3A = arith.addi %mul3A_0, %arg0 : i32
    "tpu.region"() ({
      %run_scoped3A = tpu.sem_alloc : memref<!tpu.dma_semaphore, #tpu.memory_space<semaphore_mem>>
      %dma_start3A = arith.constant 0 : i32
      %dma_start3A_7 = arith.constant 0 : i32
      %dma_start3A_8 = tpu.memref_slice %arg2[%add3A, %dma_start3A, %dma_start3A_7] : memref<32x16x64xi32, #tpu.memory_space<hbm>> -> memref<1x16x64xi32, #tpu.memory_space<hbm>>
      %dma_start3A_9 = tpu.memref_squeeze %dma_start3A_8 : memref<1x16x64xi32, #tpu.memory_space<hbm>> -> memref<16x64xi32, #tpu.memory_space<hbm>>
      %dma_start3A_10 = arith.constant 0 : i32
      %dma_start3A_11 = arith.constant 0 : i32
      %dma_start3A_12 = tpu.memref_slice %arg2[%add3A, %dma_start3A_10, %dma_start3A_11] : memref<32x16x64xi32, #tpu.memory_space<hbm>> -> memref<1x16x64xi32, #tpu.memory_space<hbm>>
      %dma_start3A_13 = tpu.memref_squeeze %dma_start3A_12 : memref<1x16x64xi32, #tpu.memory_space<hbm>> -> memref<16x64xi32, #tpu.memory_space<hbm>>
      tpu.enqueue_dma source(%dma_start3A_13 : memref<16x64xi32, #tpu.memory_space<hbm>>) target(%arg5 : memref<16x64xi32, #tpu.memory_space<vmem>>) target_semaphore(%run_scoped3A : memref<!tpu.dma_semaphore, #tpu.memory_space<semaphore_mem>>)
      %dma_wait3A = arith.constant 0 : i32
      %dma_wait3A_14 = arith.constant 0 : i32
      %dma_wait3A_15 = tpu.memref_slice %arg2[%add3A, %dma_wait3A, %dma_wait3A_14] : memref<32x16x64xi32, #tpu.memory_space<hbm>> -> memref<1x16x64xi32, #tpu.memory_space<hbm>>
      %dma_wait3A_16 = tpu.memref_squeeze %dma_wait3A_15 : memref<1x16x64xi32, #tpu.memory_space<hbm>> -> memref<16x64xi32, #tpu.memory_space<hbm>>
      %dma_wait3A_17 = arith.constant 0 : i32
      %dma_wait3A_18 = arith.constant 0 : i32
      %dma_wait3A_19 = tpu.memref_slice %arg2[%add3A, %dma_wait3A_17, %dma_wait3A_18] : memref<32x16x64xi32, #tpu.memory_space<hbm>> -> memref<1x16x64xi32, #tpu.memory_space<hbm>>
      %dma_wait3A_20 = tpu.memref_squeeze %dma_wait3A_19 : memref<1x16x64xi32, #tpu.memory_space<hbm>> -> memref<16x64xi32, #tpu.memory_space<hbm>>
      tpu.wait_dma2 semaphore(%run_scoped3A : memref<!tpu.dma_semaphore, #tpu.memory_space<semaphore_mem>>) src(%dma_wait3A_20 : memref<16x64xi32, #tpu.memory_space<hbm>>) dst(%arg5 : memref<16x64xi32, #tpu.memory_space<vmem>>)
      tpu.yield
    }) : () -> ()
    %scan3A = arith.constant 0 : i32
    %scan3A_1 = arith.constant 0 : i32
    %scan3A_2 = arith.constant 16 : i32
    %scan3A_3 = arith.addi %scan3A_1, %scan3A_2 : i32
    %scan3A_4 = arith.constant 1 : i32
    %scan3A_5 = scf.for %scan3A_7 = %scan3A_1 to %scan3A_3 step %scan3A_4 iter_args(%scan3A_8 = %scan3A) -> (i32)  : i32 {
      %dma_start3A = arith.constant 0 : i32
      %dma_start3A_9 = tpu.memref_slice %arg5[%scan3A_7, %dma_start3A] : memref<16x64xi32, #tpu.memory_space<vmem>> -> memref<1x64xi32, #tpu.memory_space<vmem>>
      %dma_start3A_10 = tpu.memref_squeeze %dma_start3A_9 : memref<1x64xi32, #tpu.memory_space<vmem>> -> memref<64xi32, #tpu.memory_space<vmem>>
      %dma_start3A_11 = arith.constant 0 : i32
      %dma_start3A_12 = arith.constant 0 : i32
      %dma_start3A_13 = tpu.memref_slice %arg3[%dma_start3A_11, %dma_start3A_12] : memref<4096x128xf32, #tpu.memory_space<hbm>> -> memref<4096x128xf32, #tpu.memory_space<hbm>>
      tpu.enqueue_indirect_dma source(%dma_start3A_13 : memref<4096x128xf32, #tpu.memory_space<hbm>>) target(%arg6 : memref<64x128xf32, #tpu.memory_space<vmem>>) offsets(%dma_start3A_10 : memref<64xi32, #tpu.memory_space<vmem>>) semaphore(%arg7 : memref<!tpu.dma_semaphore, #tpu.memory_space<semaphore_mem>>)
      %dma_wait3A = arith.constant 0 : i32
      %dma_wait3A_14 = tpu.memref_slice %arg5[%scan3A_7, %dma_wait3A] : memref<16x64xi32, #tpu.memory_space<vmem>> -> memref<1x64xi32, #tpu.memory_space<vmem>>
      %dma_wait3A_15 = tpu.memref_squeeze %dma_wait3A_14 : memref<1x64xi32, #tpu.memory_space<vmem>> -> memref<64xi32, #tpu.memory_space<vmem>>
      %dma_wait3A_16 = arith.constant 0 : i32
      %dma_wait3A_17 = arith.constant 0 : i32
      %dma_wait3A_18 = tpu.memref_slice %arg3[%dma_wait3A_16, %dma_wait3A_17] : memref<4096x128xf32, #tpu.memory_space<hbm>> -> memref<4096x128xf32, #tpu.memory_space<hbm>>
      tpu.wait_indirect_dma semaphore(%arg7 : memref<!tpu.dma_semaphore, #tpu.memory_space<semaphore_mem>>) src(%dma_wait3A_18 : memref<4096x128xf32, #tpu.memory_space<hbm>>) dst(%arg6 : memref<64x128xf32, #tpu.memory_space<vmem>>)
      %mul3A_19 = arith.constant 2048 : i32
      %mul3A_20 = arith.muli %scan3A_7, %mul3A_19 : i32
      %mul3A_21 = arith.constant 64 : i32
      %mul3A_22 = arith.muli %add3A, %mul3A_21 : i32
      %add3A_23 = arith.addi %mul3A_20, %mul3A_22 : i32
      "tpu.region"() ({
        %run_scoped3A = tpu.sem_alloc : memref<!tpu.dma_semaphore, #tpu.memory_space<semaphore_mem>>
        %dma_start3A_25 = arith.constant 0 : i32
        %dma_start3A_26 = tpu.memref_slice %arg4[%add3A_23, %dma_start3A_25] : memref<32768x128xf32, #tpu.memory_space<hbm>> -> memref<64x128xf32, #tpu.memory_space<hbm>>
        %dma_start3A_27 = arith.constant 0 : i32
        %dma_start3A_28 = tpu.memref_slice %arg4[%add3A_23, %dma_start3A_27] : memref<32768x128xf32, #tpu.memory_space<hbm>> -> memref<64x128xf32, #tpu.memory_space<hbm>>
        tpu.enqueue_dma source(%arg6 : memref<64x128xf32, #tpu.memory_space<vmem>>) target(%dma_start3A_28 : memref<64x128xf32, #tpu.memory_space<hbm>>) target_semaphore(%run_scoped3A : memref<!tpu.dma_semaphore, #tpu.memory_space<semaphore_mem>>)
        %dma_wait3A_29 = arith.constant 0 : i32
        %dma_wait3A_30 = tpu.memref_slice %arg4[%add3A_23, %dma_wait3A_29] : memref<32768x128xf32, #tpu.memory_space<hbm>> -> memref<64x128xf32, #tpu.memory_space<hbm>>
        %dma_wait3A_31 = arith.constant 0 : i32
        %dma_wait3A_32 = tpu.memref_slice %arg4[%add3A_23, %dma_wait3A_31] : memref<32768x128xf32, #tpu.memory_space<hbm>> -> memref<64x128xf32, #tpu.memory_space<hbm>>
        tpu.wait_dma2 semaphore(%run_scoped3A : memref<!tpu.dma_semaphore, #tpu.memory_space<semaphore_mem>>) src(%arg6 : memref<64x128xf32, #tpu.memory_space<vmem>>) dst(%dma_wait3A_32 : memref<64x128xf32, #tpu.memory_space<hbm>>)
        tpu.yield
      }) : () -> ()
      %scan3A_24 = arith.constant 0 : i32
      scf.yield %scan3A_24 : i32
    }
    %scan3A_6 = arith.constant 16 : i32
    return
  }
}

module attributes {stable_mosaic.version = 14 : i64} {
  func.func @_embed_body(%arg0: i32, %arg1: memref<512x128xf32, #tpu.memory_space<vmem>>, %arg2: memref<128x128xf32, #tpu.memory_space<vmem>>, %arg3: memref<1x128xf32, #tpu.memory_space<vmem>>, %arg4: memref<512x128xf32, #tpu.memory_space<vmem>>) attributes {dimension_semantics = [#tpu.dimension_semantics<arbitrary>], iteration_bounds = array<i64: 8>, scalar_prefetch = 0 : i64, scratch_operands = 0 : i64, tpu.core_type = #tpu.core_type<tc>, window_params = [{transform_indices = @transform_0, window_bounds = array<i64: 512, 128>}, {pipeline_mode = #tpu.pipeline_mode<synchronous>, transform_indices = @transform_1, window_bounds = array<i64: 128, 128>}, {pipeline_mode = #tpu.pipeline_mode<synchronous>, transform_indices = @transform_2, window_bounds = array<i64: 1, 128>}, {transform_indices = @transform_3, window_bounds = array<i64: 512, 128>}]} {
    %get3A = arith.constant 0 : index
    %get3A_0 = arith.constant 0 : index
    %get3A_1 = vector.load %arg1[%get3A, %get3A_0] : memref<512x128xf32, #tpu.memory_space<vmem>>, vector<512x128xf32>
    %get3A_2 = arith.constant 0 : index
    %get3A_3 = arith.constant 0 : index
    %get3A_4 = vector.load %arg2[%get3A_2, %get3A_3] : memref<128x128xf32, #tpu.memory_space<vmem>>, vector<128x128xf32>
    %dot_general3A = arith.constant dense<0.000000e+00> : vector<512x128xf32>
    %dot_general3A_5 = tpu.matmul %get3A_1, %get3A_4, %dot_general3A {dimension_numbers = #tpu.dot_dimension_numbers<[1], [0], [0], [1], [0, 0, 1, 1], [], []>, transpose_lhs_hint = false} : vector<512x128xf32>, vector<128x128xf32>, vector<512x128xf32> -> vector<512x128xf32>
    %get3A_6 = arith.constant 0 : index
    %get3A_7 = arith.constant 0 : index
    %get3A_8 = vector.load %arg3[%get3A_6, %get3A_7] : memref<1x128xf32, #tpu.memory_space<vmem>>, vector<1x128xf32>
    %add3A = vector.broadcast %get3A_8 : vector<1x128xf32> to vector<512x128xf32>
    %add3A_9 = arith.addf %dot_general3A_5, %add3A : vector<512x128xf32>
    %max3A = arith.constant 0.000000e+00 : f32
    %max3A_10 = vector.broadcast %max3A : f32 to vector<512x128xf32>
    %max3A_11 = arith.maximumf %add3A_9, %max3A_10 : vector<512x128xf32>
    %swap3A = arith.constant 0 : index
    %swap3A_12 = arith.constant 0 : index
    %swap3A_13 = vector.load %arg4[%swap3A, %swap3A_12] : memref<512x128xf32, #tpu.memory_space<vmem>>, vector<512x128xf32>
    tpu.vector_store %arg4[%swap3A, %swap3A_12], %max3A_11 {strides = array<i32>} : memref<512x128xf32, #tpu.memory_space<vmem>>, vector<512x128xf32>,
    return
  }
  func.func @transform_0(%arg0: i32) -> (i32, i32) {
    %c0_i32 = arith.constant 0 : i32
    %c0_i32_0 = arith.constant 0 : i32
    return %arg0, %c0_i32 : i32, i32
  }
  func.func @transform_1(%arg0: i32) -> (i32, i32) {
    %c0_i32 = arith.constant 0 : i32
    %c0_i32_0 = arith.constant 0 : i32
    %c0_i32_1 = arith.constant 0 : i32
    return %c0_i32, %c0_i32_0 : i32, i32
  }
  func.func @transform_2(%arg0: i32) -> (i32, i32) {
    %c0_i32 = arith.constant 0 : i32
    %c0_i32_0 = arith.constant 0 : i32
    %c0_i32_1 = arith.constant 0 : i32
    return %c0_i32, %c0_i32_0 : i32, i32
  }
  func.func @transform_3(%arg0: i32) -> (i32, i32) {
    %c0_i32 = arith.constant 0 : i32
    %c0_i32_0 = arith.constant 0 : i32
    return %arg0, %c0_i32 : i32, i32
  }
}

module attributes {stable_mosaic.version = 14 : i64} {
  func.func @_knn_body(%arg0: i32, %arg1: memref<512x128xf32, #tpu.memory_space<vmem>>, %arg2: memref<128x4096xf32, #tpu.memory_space<vmem>>, %arg3: memref<512x1xf32, #tpu.memory_space<vmem>>, %arg4: memref<1x4096xf32, #tpu.memory_space<vmem>>, %arg5: memref<512x16xi32, #tpu.memory_space<vmem>>) attributes {dimension_semantics = [#tpu.dimension_semantics<arbitrary>], iteration_bounds = array<i64: 4>, scalar_prefetch = 0 : i64, scratch_operands = 0 : i64, tpu.core_type = #tpu.core_type<tc>, window_params = [{transform_indices = @transform_0, window_bounds = array<i64: 512, 128>}, {pipeline_mode = #tpu.pipeline_mode<synchronous>, transform_indices = @transform_1, window_bounds = array<i64: 128, 4096>}, {transform_indices = @transform_2, window_bounds = array<i64: 512, 1>}, {pipeline_mode = #tpu.pipeline_mode<synchronous>, transform_indices = @transform_3, window_bounds = array<i64: 1, 4096>}, {transform_indices = @transform_4, window_bounds = array<i64: 512, 16>}]} {
    %get3A = arith.constant 0 : index
    %get3A_0 = arith.constant 0 : index
    %get3A_1 = vector.load %arg1[%get3A, %get3A_0] : memref<512x128xf32, #tpu.memory_space<vmem>>, vector<512x128xf32>
    %get3A_2 = arith.constant 0 : index
    %get3A_3 = arith.constant 0 : index
    %get3A_4 = vector.load %arg2[%get3A_2, %get3A_3] : memref<128x4096xf32, #tpu.memory_space<vmem>>, vector<128x4096xf32>
    %dot_general3A = arith.constant dense<0.000000e+00> : vector<512x4096xf32>
    %dot_general3A_5 = tpu.matmul %get3A_1, %get3A_4, %dot_general3A {dimension_numbers = #tpu.dot_dimension_numbers<[1], [0], [0], [1], [0, 0, 1, 1], [], []>, transpose_lhs_hint = false} : vector<512x128xf32>, vector<128x4096xf32>, vector<512x4096xf32> -> vector<512x4096xf32>
    %get3A_6 = arith.constant 0 : index
    %get3A_7 = arith.constant 0 : index
    %get3A_8 = vector.load %arg3[%get3A_6, %get3A_7] : memref<512x1xf32, #tpu.memory_space<vmem>>, vector<512x1xf32>
    %mul3A = arith.constant 2.000000e+00 : f32
    %mul3A_9 = vector.broadcast %mul3A : f32 to vector<512x4096xf32>
    %mul3A_10 = arith.mulf %mul3A_9, %dot_general3A_5 : vector<512x4096xf32>
    %sub3A = vector.broadcast %get3A_8 : vector<512x1xf32> to vector<512x4096xf32>
    %sub3A_11 = arith.subf %sub3A, %mul3A_10 : vector<512x4096xf32>
    %get3A_12 = arith.constant 0 : index
    %get3A_13 = arith.constant 0 : index
    %get3A_14 = vector.load %arg4[%get3A_12, %get3A_13] : memref<1x4096xf32, #tpu.memory_space<vmem>>, vector<1x4096xf32>
    %add3A = vector.broadcast %get3A_14 : vector<1x4096xf32> to vector<512x4096xf32>
    %add3A_15 = arith.addf %sub3A_11, %add3A : vector<512x4096xf32>
    %slice3A = vector.extract_strided_slice %add3A_15 {offsets = [0, 0], sizes = [256, 4096], strides = [1, 1]} : vector<512x4096xf32> to vector<256x4096xf32>
    %iota3A = tpu.iota {dimensions = array<i32: 1>} : vector<256x1024xi32>
    %slice3A_16 = vector.extract_strided_slice %slice3A {offsets = [0, 0], sizes = [256, 1024], strides = [1, 1]} : vector<256x4096xf32> to vector<256x1024xf32>
    %slice3A_17 = vector.extract_strided_slice %slice3A {offsets = [0, 1024], sizes = [256, 1024], strides = [1, 1]} : vector<256x4096xf32> to vector<256x1024xf32>
    %slice3A_18 = vector.extract_strided_slice %slice3A {offsets = [0, 2048], sizes = [256, 1024], strides = [1, 1]} : vector<256x4096xf32> to vector<256x1024xf32>
    %slice3A_19 = vector.extract_strided_slice %slice3A {offsets = [0, 3072], sizes = [256, 1024], strides = [1, 1]} : vector<256x4096xf32> to vector<256x1024xf32>
    %broadcast_in_dim3A = arith.constant 0 : i32
    %broadcast_in_dim3A_20 = vector.broadcast %broadcast_in_dim3A : i32 to vector<256x1024xi32>
    %broadcast_in_dim3A_21 = arith.constant 1 : i32
    %broadcast_in_dim3A_22 = vector.broadcast %broadcast_in_dim3A_21 : i32 to vector<256x1024xi32>
    %broadcast_in_dim3A_23 = arith.constant 2 : i32
    %broadcast_in_dim3A_24 = vector.broadcast %broadcast_in_dim3A_23 : i32 to vector<256x1024xi32>
    %broadcast_in_dim3A_25 = arith.constant 3 : i32
    %broadcast_in_dim3A_26 = vector.broadcast %broadcast_in_dim3A_25 : i32 to vector<256x1024xi32>
    %lt3A = arith.cmpf olt, %slice3A_17, %slice3A_16 : vector<256x1024xf32>
    %eq3A = arith.cmpf oeq, %slice3A_17, %slice3A_16 : vector<256x1024xf32>
    %lt3A_27 = arith.cmpi slt, %broadcast_in_dim3A_22, %broadcast_in_dim3A_20 : vector<256x1024xi32>
    %and3A = arith.andi %eq3A, %lt3A_27 : vector<256x1024xi1>
    %or3A = arith.ori %lt3A, %and3A : vector<256x1024xi1>
    %select_n3A = arith.select %or3A, %slice3A_17, %slice3A_16 : vector<256x1024xi1>, vector<256x1024xf32>
    %select_n3A_28 = arith.select %or3A, %slice3A_16, %slice3A_17 : vector<256x1024xi1>, vector<256x1024xf32>
    %select_n3A_29 = arith.select %or3A, %broadcast_in_dim3A_22, %broadcast_in_dim3A_20 : vector<256x1024xi1>, vector<256x1024xi32>
    %select_n3A_30 = arith.select %or3A, %broadcast_in_dim3A_20, %broadcast_in_dim3A_22 : vector<256x1024xi1>, vector<256x1024xi32>
    %lt3A_31 = arith.cmpf olt, %slice3A_19, %slice3A_18 : vector<256x1024xf32>
    %eq3A_32 = arith.cmpf oeq, %slice3A_19, %slice3A_18 : vector<256x1024xf32>
    %lt3A_33 = arith.cmpi slt, %broadcast_in_dim3A_26, %broadcast_in_dim3A_24 : vector<256x1024xi32>
    %and3A_34 = arith.andi %eq3A_32, %lt3A_33 : vector<256x1024xi1>
    %or3A_35 = arith.ori %lt3A_31, %and3A_34 : vector<256x1024xi1>
    %select_n3A_36 = arith.select %or3A_35, %slice3A_19, %slice3A_18 : vector<256x1024xi1>, vector<256x1024xf32>
    %select_n3A_37 = arith.select %or3A_35, %slice3A_18, %slice3A_19 : vector<256x1024xi1>, vector<256x1024xf32>
    %select_n3A_38 = arith.select %or3A_35, %broadcast_in_dim3A_26, %broadcast_in_dim3A_24 : vector<256x1024xi1>, vector<256x1024xi32>
    %select_n3A_39 = arith.select %or3A_35, %broadcast_in_dim3A_24, %broadcast_in_dim3A_26 : vector<256x1024xi1>, vector<256x1024xi32>
    %lt3A_40 = arith.cmpf olt, %select_n3A_36, %select_n3A : vector<256x1024xf32>
    %eq3A_41 = arith.cmpf oeq, %select_n3A_36, %select_n3A : vector<256x1024xf32>
    %lt3A_42 = arith.cmpi slt, %select_n3A_38, %select_n3A_29 : vector<256x1024xi32>
    %and3A_43 = arith.andi %eq3A_41, %lt3A_42 : vector<256x1024xi1>
    %or3A_44 = arith.ori %lt3A_40, %and3A_43 : vector<256x1024xi1>
    %select_n3A_45 = arith.select %or3A_44, %select_n3A_36, %select_n3A : vector<256x1024xi1>, vector<256x1024xf32>
    %select_n3A_46 = arith.select %or3A_44, %select_n3A, %select_n3A_36 : vector<256x1024xi1>, vector<256x1024xf32>
    %select_n3A_47 = arith.select %or3A_44, %select_n3A_38, %select_n3A_29 : vector<256x1024xi1>, vector<256x1024xi32>
    %select_n3A_48 = arith.select %or3A_44, %select_n3A_29, %select_n3A_38 : vector<256x1024xi1>, vector<256x1024xi32>
    %lt3A_49 = arith.cmpf olt, %select_n3A_37, %select_n3A_28 : vector<256x1024xf32>
    %eq3A_50 = arith.cmpf oeq, %select_n3A_37, %select_n3A_28 : vector<256x1024xf32>
    %lt3A_51 = arith.cmpi slt, %select_n3A_39, %select_n3A_30 : vector<256x1024xi32>
    %and3A_52 = arith.andi %eq3A_50, %lt3A_51 : vector<256x1024xi1>
    %or3A_53 = arith.ori %lt3A_49, %and3A_52 : vector<256x1024xi1>
    %select_n3A_54 = arith.select %or3A_53, %select_n3A_37, %select_n3A_28 : vector<256x1024xi1>, vector<256x1024xf32>
    %select_n3A_55 = arith.select %or3A_53, %select_n3A_28, %select_n3A_37 : vector<256x1024xi1>, vector<256x1024xf32>
    %select_n3A_56 = arith.select %or3A_53, %select_n3A_39, %select_n3A_30 : vector<256x1024xi1>, vector<256x1024xi32>
    %select_n3A_57 = arith.select %or3A_53, %select_n3A_30, %select_n3A_39 : vector<256x1024xi1>, vector<256x1024xi32>
    %lt3A_58 = arith.cmpf olt, %select_n3A_46, %select_n3A_54 : vector<256x1024xf32>
    %eq3A_59 = arith.cmpf oeq, %select_n3A_46, %select_n3A_54 : vector<256x1024xf32>
    %lt3A_60 = arith.cmpi slt, %select_n3A_48, %select_n3A_56 : vector<256x1024xi32>
    %and3A_61 = arith.andi %eq3A_59, %lt3A_60 : vector<256x1024xi1>
    %or3A_62 = arith.ori %lt3A_58, %and3A_61 : vector<256x1024xi1>
    %select_n3A_63 = arith.select %or3A_62, %select_n3A_46, %select_n3A_54 : vector<256x1024xi1>, vector<256x1024xf32>
    %select_n3A_64 = arith.select %or3A_62, %select_n3A_54, %select_n3A_46 : vector<256x1024xi1>, vector<256x1024xf32>
    %select_n3A_65 = arith.select %or3A_62, %select_n3A_48, %select_n3A_56 : vector<256x1024xi1>, vector<256x1024xi32>
    %select_n3A_66 = arith.select %or3A_62, %select_n3A_56, %select_n3A_48 : vector<256x1024xi1>, vector<256x1024xi32>
    %shift_left3A = arith.constant 2 : i32
    %shift_left3A_67 = vector.broadcast %shift_left3A : i32 to vector<256x1024xi32>
    %shift_left3A_68 = arith.shli %select_n3A_65, %shift_left3A_67 : vector<256x1024xi32>
    %or3A_69 = arith.ori %select_n3A_47, %shift_left3A_68 : vector<256x1024xi32>
    %shift_left3A_70 = arith.constant 4 : i32
    %shift_left3A_71 = vector.broadcast %shift_left3A_70 : i32 to vector<256x1024xi32>
    %shift_left3A_72 = arith.shli %select_n3A_66, %shift_left3A_71 : vector<256x1024xi32>
    %or3A_73 = arith.ori %or3A_69, %shift_left3A_72 : vector<256x1024xi32>
    %shift_left3A_74 = arith.constant 6 : i32
    %shift_left3A_75 = vector.broadcast %shift_left3A_74 : i32 to vector<256x1024xi32>
    %shift_left3A_76 = arith.shli %select_n3A_57, %shift_left3A_75 : vector<256x1024xi32>
    %or3A_77 = arith.ori %or3A_73, %shift_left3A_76 : vector<256x1024xi32>
    %reduce_min3A = arith.constant dense<0x7F800000> : vector<256xf32>
    %reduce_min3A_78 = vector.multi_reduction <minimumf>, %select_n3A_45, %reduce_min3A [1] : vector<256x1024xf32> to vector<256xf32>
    %broadcast_in_dim3A_79 = vector.shape_cast %reduce_min3A_78 : vector<256xf32> to vector<256x1xf32>
    %and3A_80 = arith.constant 3 : i32
    %and3A_81 = vector.broadcast %and3A_80 : i32 to vector<256x1024xi32>
    %and3A_82 = arith.andi %or3A_77, %and3A_81 : vector<256x1024xi32>
    %shift_left3A_83 = arith.constant 10 : i32
    %shift_left3A_84 = vector.broadcast %shift_left3A_83 : i32 to vector<256x1024xi32>
    %shift_left3A_85 = arith.shli %and3A_82, %shift_left3A_84 : vector<256x1024xi32>
    %or3A_86 = arith.ori %iota3A, %shift_left3A_85 : vector<256x1024xi32>
    %eq3A_87 = vector.broadcast %broadcast_in_dim3A_79 : vector<256x1xf32> to vector<256x1024xf32>
    %eq3A_88 = arith.cmpf oeq, %select_n3A_45, %eq3A_87 : vector<256x1024xf32>
    %jit3A = arith.constant 4096 : i32
    %broadcast_in_dim3A_89 = vector.broadcast %jit3A : i32 to vector<256x1024xi32>
    %select_n3A_90 = arith.select %eq3A_88, %or3A_86, %broadcast_in_dim3A_89 : vector<256x1024xi1>, vector<256x1024xi32>
    %reduce_min3A_91 = arith.constant dense<2147483647> : vector<256xi32>
    %reduce_min3A_92 = vector.multi_reduction <minsi>, %select_n3A_90, %reduce_min3A_91 [1] : vector<256x1024xi32> to vector<256xi32>
    %broadcast_in_dim3A_93 = vector.shape_cast %reduce_min3A_92 : vector<256xi32> to vector<256x1xi32>
    %eq3A_94 = vector.broadcast %broadcast_in_dim3A_93 : vector<256x1xi32> to vector<256x1024xi32>
    %eq3A_95 = arith.cmpi eq, %or3A_86, %eq3A_94 : vector<256x1024xi32>
    %select_n3A_96 = arith.select %eq3A_95, %select_n3A_63, %select_n3A_45 : vector<256x1024xi1>, vector<256x1024xf32>
    %select_n3A_97 = arith.select %eq3A_95, %select_n3A_64, %select_n3A_63 : vector<256x1024xi1>, vector<256x1024xf32>
    %select_n3A_98 = arith.select %eq3A_95, %select_n3A_55, %select_n3A_64 : vector<256x1024xi1>, vector<256x1024xf32>
    %jit3A_99 = arith.constant 0x7F800000 : f32
    %broadcast_in_dim3A_100 = vector.broadcast %jit3A_99 : f32 to vector<256x1024xf32>
    %select_n3A_101 = arith.select %eq3A_95, %broadcast_in_dim3A_100, %select_n3A_55 : vector<256x1024xi1>, vector<256x1024xf32>
    %shift_right_arithmetic3A = arith.constant 2 : i32
    %shift_right_arithmetic3A_102 = vector.broadcast %shift_right_arithmetic3A : i32 to vector<256x1024xi32>
    %shift_right_arithmetic3A_103 = arith.shrsi %or3A_77, %shift_right_arithmetic3A_102 : vector<256x1024xi32>
    %select_n3A_104 = arith.select %eq3A_95, %shift_right_arithmetic3A_103, %or3A_77 : vector<256x1024xi1>, vector<256x1024xi32>
    %reduce_min3A_105 = arith.constant dense<0x7F800000> : vector<256xf32>
    %reduce_min3A_106 = vector.multi_reduction <minimumf>, %select_n3A_96, %reduce_min3A_105 [1] : vector<256x1024xf32> to vector<256xf32>
    %broadcast_in_dim3A_107 = vector.shape_cast %reduce_min3A_106 : vector<256xf32> to vector<256x1xf32>
    %and3A_108 = arith.constant 3 : i32
    %and3A_109 = vector.broadcast %and3A_108 : i32 to vector<256x1024xi32>
    %and3A_110 = arith.andi %select_n3A_104, %and3A_109 : vector<256x1024xi32>
    %shift_left3A_111 = arith.constant 10 : i32
    %shift_left3A_112 = vector.broadcast %shift_left3A_111 : i32 to vector<256x1024xi32>
    %shift_left3A_113 = arith.shli %and3A_110, %shift_left3A_112 : vector<256x1024xi32>
    %or3A_114 = arith.ori %iota3A, %shift_left3A_113 : vector<256x1024xi32>
    %eq3A_115 = vector.broadcast %broadcast_in_dim3A_107 : vector<256x1xf32> to vector<256x1024xf32>
    %eq3A_116 = arith.cmpf oeq, %select_n3A_96, %eq3A_115 : vector<256x1024xf32>
    %jit3A_117 = arith.constant 4096 : i32
    %broadcast_in_dim3A_118 = vector.broadcast %jit3A_117 : i32 to vector<256x1024xi32>
    %select_n3A_119 = arith.select %eq3A_116, %or3A_114, %broadcast_in_dim3A_118 : vector<256x1024xi1>, vector<256x1024xi32>
    %reduce_min3A_120 = arith.constant dense<2147483647> : vector<256xi32>
    %reduce_min3A_121 = vector.multi_reduction <minsi>, %select_n3A_119, %reduce_min3A_120 [1] : vector<256x1024xi32> to vector<256xi32>
    %broadcast_in_dim3A_122 = vector.shape_cast %reduce_min3A_121 : vector<256xi32> to vector<256x1xi32>
    %eq3A_123 = vector.broadcast %broadcast_in_dim3A_122 : vector<256x1xi32> to vector<256x1024xi32>
    %eq3A_124 = arith.cmpi eq, %or3A_114, %eq3A_123 : vector<256x1024xi32>
    %select_n3A_125 = arith.select %eq3A_124, %select_n3A_97, %select_n3A_96 : vector<256x1024xi1>, vector<256x1024xf32>
    %select_n3A_126 = arith.select %eq3A_124, %select_n3A_98, %select_n3A_97 : vector<256x1024xi1>, vector<256x1024xf32>
    %select_n3A_127 = arith.select %eq3A_124, %select_n3A_101, %select_n3A_98 : vector<256x1024xi1>, vector<256x1024xf32>
    %jit3A_128 = arith.constant 0x7F800000 : f32
    %broadcast_in_dim3A_129 = vector.broadcast %jit3A_128 : f32 to vector<256x1024xf32>
    %select_n3A_130 = arith.select %eq3A_124, %broadcast_in_dim3A_129, %select_n3A_101 : vector<256x1024xi1>, vector<256x1024xf32>
    %shift_right_arithmetic3A_131 = arith.constant 2 : i32
    %shift_right_arithmetic3A_132 = vector.broadcast %shift_right_arithmetic3A_131 : i32 to vector<256x1024xi32>
    %shift_right_arithmetic3A_133 = arith.shrsi %select_n3A_104, %shift_right_arithmetic3A_132 : vector<256x1024xi32>
    %select_n3A_134 = arith.select %eq3A_124, %shift_right_arithmetic3A_133, %select_n3A_104 : vector<256x1024xi1>, vector<256x1024xi32>
    %reduce_min3A_135 = arith.constant dense<0x7F800000> : vector<256xf32>
    %reduce_min3A_136 = vector.multi_reduction <minimumf>, %select_n3A_125, %reduce_min3A_135 [1] : vector<256x1024xf32> to vector<256xf32>
    %broadcast_in_dim3A_137 = vector.shape_cast %reduce_min3A_136 : vector<256xf32> to vector<256x1xf32>
    %and3A_138 = arith.constant 3 : i32
    %and3A_139 = vector.broadcast %and3A_138 : i32 to vector<256x1024xi32>
    %and3A_140 = arith.andi %select_n3A_134, %and3A_139 : vector<256x1024xi32>
    %shift_left3A_141 = arith.constant 10 : i32
    %shift_left3A_142 = vector.broadcast %shift_left3A_141 : i32 to vector<256x1024xi32>
    %shift_left3A_143 = arith.shli %and3A_140, %shift_left3A_142 : vector<256x1024xi32>
    %or3A_144 = arith.ori %iota3A, %shift_left3A_143 : vector<256x1024xi32>
    %eq3A_145 = vector.broadcast %broadcast_in_dim3A_137 : vector<256x1xf32> to vector<256x1024xf32>
    %eq3A_146 = arith.cmpf oeq, %select_n3A_125, %eq3A_145 : vector<256x1024xf32>
    %jit3A_147 = arith.constant 4096 : i32
    %broadcast_in_dim3A_148 = vector.broadcast %jit3A_147 : i32 to vector<256x1024xi32>
    %select_n3A_149 = arith.select %eq3A_146, %or3A_144, %broadcast_in_dim3A_148 : vector<256x1024xi1>, vector<256x1024xi32>
    %reduce_min3A_150 = arith.constant dense<2147483647> : vector<256xi32>
    %reduce_min3A_151 = vector.multi_reduction <minsi>, %select_n3A_149, %reduce_min3A_150 [1] : vector<256x1024xi32> to vector<256xi32>
    %broadcast_in_dim3A_152 = vector.shape_cast %reduce_min3A_151 : vector<256xi32> to vector<256x1xi32>
    %eq3A_153 = vector.broadcast %broadcast_in_dim3A_152 : vector<256x1xi32> to vector<256x1024xi32>
    %eq3A_154 = arith.cmpi eq, %or3A_144, %eq3A_153 : vector<256x1024xi32>
    %select_n3A_155 = arith.select %eq3A_154, %select_n3A_126, %select_n3A_125 : vector<256x1024xi1>, vector<256x1024xf32>
    %select_n3A_156 = arith.select %eq3A_154, %select_n3A_127, %select_n3A_126 : vector<256x1024xi1>, vector<256x1024xf32>
    %select_n3A_157 = arith.select %eq3A_154, %select_n3A_130, %select_n3A_127 : vector<256x1024xi1>, vector<256x1024xf32>
    %jit3A_158 = arith.constant 0x7F800000 : f32
    %broadcast_in_dim3A_159 = vector.broadcast %jit3A_158 : f32 to vector<256x1024xf32>
    %select_n3A_160 = arith.select %eq3A_154, %broadcast_in_dim3A_159, %select_n3A_130 : vector<256x1024xi1>, vector<256x1024xf32>
    %shift_right_arithmetic3A_161 = arith.constant 2 : i32
    %shift_right_arithmetic3A_162 = vector.broadcast %shift_right_arithmetic3A_161 : i32 to vector<256x1024xi32>
    %shift_right_arithmetic3A_163 = arith.shrsi %select_n3A_134, %shift_right_arithmetic3A_162 : vector<256x1024xi32>
    %select_n3A_164 = arith.select %eq3A_154, %shift_right_arithmetic3A_163, %select_n3A_134 : vector<256x1024xi1>, vector<256x1024xi32>
    %reduce_min3A_165 = arith.constant dense<0x7F800000> : vector<256xf32>
    %reduce_min3A_166 = vector.multi_reduction <minimumf>, %select_n3A_155, %reduce_min3A_165 [1] : vector<256x1024xf32> to vector<256xf32>
    %broadcast_in_dim3A_167 = vector.shape_cast %reduce_min3A_166 : vector<256xf32> to vector<256x1xf32>
    %and3A_168 = arith.constant 3 : i32
    %and3A_169 = vector.broadcast %and3A_168 : i32 to vector<256x1024xi32>
    %and3A_170 = arith.andi %select_n3A_164, %and3A_169 : vector<256x1024xi32>
    %shift_left3A_171 = arith.constant 10 : i32
    %shift_left3A_172 = vector.broadcast %shift_left3A_171 : i32 to vector<256x1024xi32>
    %shift_left3A_173 = arith.shli %and3A_170, %shift_left3A_172 : vector<256x1024xi32>
    %or3A_174 = arith.ori %iota3A, %shift_left3A_173 : vector<256x1024xi32>
    %eq3A_175 = vector.broadcast %broadcast_in_dim3A_167 : vector<256x1xf32> to vector<256x1024xf32>
    %eq3A_176 = arith.cmpf oeq, %select_n3A_155, %eq3A_175 : vector<256x1024xf32>
    %jit3A_177 = arith.constant 4096 : i32
    %broadcast_in_dim3A_178 = vector.broadcast %jit3A_177 : i32 to vector<256x1024xi32>
    %select_n3A_179 = arith.select %eq3A_176, %or3A_174, %broadcast_in_dim3A_178 : vector<256x1024xi1>, vector<256x1024xi32>
    %reduce_min3A_180 = arith.constant dense<2147483647> : vector<256xi32>
    %reduce_min3A_181 = vector.multi_reduction <minsi>, %select_n3A_179, %reduce_min3A_180 [1] : vector<256x1024xi32> to vector<256xi32>
    %broadcast_in_dim3A_182 = vector.shape_cast %reduce_min3A_181 : vector<256xi32> to vector<256x1xi32>
    %eq3A_183 = vector.broadcast %broadcast_in_dim3A_182 : vector<256x1xi32> to vector<256x1024xi32>
    %eq3A_184 = arith.cmpi eq, %or3A_174, %eq3A_183 : vector<256x1024xi32>
    %select_n3A_185 = arith.select %eq3A_184, %select_n3A_156, %select_n3A_155 : vector<256x1024xi1>, vector<256x1024xf32>
    %select_n3A_186 = arith.select %eq3A_184, %select_n3A_157, %select_n3A_156 : vector<256x1024xi1>, vector<256x1024xf32>
    %select_n3A_187 = arith.select %eq3A_184, %select_n3A_160, %select_n3A_157 : vector<256x1024xi1>, vector<256x1024xf32>
    %jit3A_188 = arith.constant 0x7F800000 : f32
    %broadcast_in_dim3A_189 = vector.broadcast %jit3A_188 : f32 to vector<256x1024xf32>
    %select_n3A_190 = arith.select %eq3A_184, %broadcast_in_dim3A_189, %select_n3A_160 : vector<256x1024xi1>, vector<256x1024xf32>
    %shift_right_arithmetic3A_191 = arith.constant 2 : i32
    %shift_right_arithmetic3A_192 = vector.broadcast %shift_right_arithmetic3A_191 : i32 to vector<256x1024xi32>
    %shift_right_arithmetic3A_193 = arith.shrsi %select_n3A_164, %shift_right_arithmetic3A_192 : vector<256x1024xi32>
    %select_n3A_194 = arith.select %eq3A_184, %shift_right_arithmetic3A_193, %select_n3A_164 : vector<256x1024xi1>, vector<256x1024xi32>
    %reduce_min3A_195 = arith.constant dense<0x7F800000> : vector<256xf32>
    %reduce_min3A_196 = vector.multi_reduction <minimumf>, %select_n3A_185, %reduce_min3A_195 [1] : vector<256x1024xf32> to vector<256xf32>
    %broadcast_in_dim3A_197 = vector.shape_cast %reduce_min3A_196 : vector<256xf32> to vector<256x1xf32>
    %and3A_198 = arith.constant 3 : i32
    %and3A_199 = vector.broadcast %and3A_198 : i32 to vector<256x1024xi32>
    %and3A_200 = arith.andi %select_n3A_194, %and3A_199 : vector<256x1024xi32>
    %shift_left3A_201 = arith.constant 10 : i32
    %shift_left3A_202 = vector.broadcast %shift_left3A_201 : i32 to vector<256x1024xi32>
    %shift_left3A_203 = arith.shli %and3A_200, %shift_left3A_202 : vector<256x1024xi32>
    %or3A_204 = arith.ori %iota3A, %shift_left3A_203 : vector<256x1024xi32>
    %eq3A_205 = vector.broadcast %broadcast_in_dim3A_197 : vector<256x1xf32> to vector<256x1024xf32>
    %eq3A_206 = arith.cmpf oeq, %select_n3A_185, %eq3A_205 : vector<256x1024xf32>
    %jit3A_207 = arith.constant 4096 : i32
    %broadcast_in_dim3A_208 = vector.broadcast %jit3A_207 : i32 to vector<256x1024xi32>
    %select_n3A_209 = arith.select %eq3A_206, %or3A_204, %broadcast_in_dim3A_208 : vector<256x1024xi1>, vector<256x1024xi32>
    %reduce_min3A_210 = arith.constant dense<2147483647> : vector<256xi32>
    %reduce_min3A_211 = vector.multi_reduction <minsi>, %select_n3A_209, %reduce_min3A_210 [1] : vector<256x1024xi32> to vector<256xi32>
    %broadcast_in_dim3A_212 = vector.shape_cast %reduce_min3A_211 : vector<256xi32> to vector<256x1xi32>
    %eq3A_213 = vector.broadcast %broadcast_in_dim3A_212 : vector<256x1xi32> to vector<256x1024xi32>
    %eq3A_214 = arith.cmpi eq, %or3A_204, %eq3A_213 : vector<256x1024xi32>
    %select_n3A_215 = arith.select %eq3A_214, %select_n3A_186, %select_n3A_185 : vector<256x1024xi1>, vector<256x1024xf32>
    %select_n3A_216 = arith.select %eq3A_214, %select_n3A_187, %select_n3A_186 : vector<256x1024xi1>, vector<256x1024xf32>
    %select_n3A_217 = arith.select %eq3A_214, %select_n3A_190, %select_n3A_187 : vector<256x1024xi1>, vector<256x1024xf32>
    %jit3A_218 = arith.constant 0x7F800000 : f32
    %broadcast_in_dim3A_219 = vector.broadcast %jit3A_218 : f32 to vector<256x1024xf32>
    %select_n3A_220 = arith.select %eq3A_214, %broadcast_in_dim3A_219, %select_n3A_190 : vector<256x1024xi1>, vector<256x1024xf32>
    %shift_right_arithmetic3A_221 = arith.constant 2 : i32
    %shift_right_arithmetic3A_222 = vector.broadcast %shift_right_arithmetic3A_221 : i32 to vector<256x1024xi32>
    %shift_right_arithmetic3A_223 = arith.shrsi %select_n3A_194, %shift_right_arithmetic3A_222 : vector<256x1024xi32>
    %select_n3A_224 = arith.select %eq3A_214, %shift_right_arithmetic3A_223, %select_n3A_194 : vector<256x1024xi1>, vector<256x1024xi32>
    %reduce_min3A_225 = arith.constant dense<0x7F800000> : vector<256xf32>
    %reduce_min3A_226 = vector.multi_reduction <minimumf>, %select_n3A_215, %reduce_min3A_225 [1] : vector<256x1024xf32> to vector<256xf32>
    %broadcast_in_dim3A_227 = vector.shape_cast %reduce_min3A_226 : vector<256xf32> to vector<256x1xf32>
    %and3A_228 = arith.constant 3 : i32
    %and3A_229 = vector.broadcast %and3A_228 : i32 to vector<256x1024xi32>
    %and3A_230 = arith.andi %select_n3A_224, %and3A_229 : vector<256x1024xi32>
    %shift_left3A_231 = arith.constant 10 : i32
    %shift_left3A_232 = vector.broadcast %shift_left3A_231 : i32 to vector<256x1024xi32>
    %shift_left3A_233 = arith.shli %and3A_230, %shift_left3A_232 : vector<256x1024xi32>
    %or3A_234 = arith.ori %iota3A, %shift_left3A_233 : vector<256x1024xi32>
    %eq3A_235 = vector.broadcast %broadcast_in_dim3A_227 : vector<256x1xf32> to vector<256x1024xf32>
    %eq3A_236 = arith.cmpf oeq, %select_n3A_215, %eq3A_235 : vector<256x1024xf32>
    %jit3A_237 = arith.constant 4096 : i32
    %broadcast_in_dim3A_238 = vector.broadcast %jit3A_237 : i32 to vector<256x1024xi32>
    %select_n3A_239 = arith.select %eq3A_236, %or3A_234, %broadcast_in_dim3A_238 : vector<256x1024xi1>, vector<256x1024xi32>
    %reduce_min3A_240 = arith.constant dense<2147483647> : vector<256xi32>
    %reduce_min3A_241 = vector.multi_reduction <minsi>, %select_n3A_239, %reduce_min3A_240 [1] : vector<256x1024xi32> to vector<256xi32>
    %broadcast_in_dim3A_242 = vector.shape_cast %reduce_min3A_241 : vector<256xi32> to vector<256x1xi32>
    %eq3A_243 = vector.broadcast %broadcast_in_dim3A_242 : vector<256x1xi32> to vector<256x1024xi32>
    %eq3A_244 = arith.cmpi eq, %or3A_234, %eq3A_243 : vector<256x1024xi32>
    %select_n3A_245 = arith.select %eq3A_244, %select_n3A_216, %select_n3A_215 : vector<256x1024xi1>, vector<256x1024xf32>
    %select_n3A_246 = arith.select %eq3A_244, %select_n3A_217, %select_n3A_216 : vector<256x1024xi1>, vector<256x1024xf32>
    %select_n3A_247 = arith.select %eq3A_244, %select_n3A_220, %select_n3A_217 : vector<256x1024xi1>, vector<256x1024xf32>
    %jit3A_248 = arith.constant 0x7F800000 : f32
    %broadcast_in_dim3A_249 = vector.broadcast %jit3A_248 : f32 to vector<256x1024xf32>
    %select_n3A_250 = arith.select %eq3A_244, %broadcast_in_dim3A_249, %select_n3A_220 : vector<256x1024xi1>, vector<256x1024xf32>
    %shift_right_arithmetic3A_251 = arith.constant 2 : i32
    %shift_right_arithmetic3A_252 = vector.broadcast %shift_right_arithmetic3A_251 : i32 to vector<256x1024xi32>
    %shift_right_arithmetic3A_253 = arith.shrsi %select_n3A_224, %shift_right_arithmetic3A_252 : vector<256x1024xi32>
    %select_n3A_254 = arith.select %eq3A_244, %shift_right_arithmetic3A_253, %select_n3A_224 : vector<256x1024xi1>, vector<256x1024xi32>
    %reduce_min3A_255 = arith.constant dense<0x7F800000> : vector<256xf32>
    %reduce_min3A_256 = vector.multi_reduction <minimumf>, %select_n3A_245, %reduce_min3A_255 [1] : vector<256x1024xf32> to vector<256xf32>
    %broadcast_in_dim3A_257 = vector.shape_cast %reduce_min3A_256 : vector<256xf32> to vector<256x1xf32>
    %and3A_258 = arith.constant 3 : i32
    %and3A_259 = vector.broadcast %and3A_258 : i32 to vector<256x1024xi32>
    %and3A_260 = arith.andi %select_n3A_254, %and3A_259 : vector<256x1024xi32>
    %shift_left3A_261 = arith.constant 10 : i32
    %shift_left3A_262 = vector.broadcast %shift_left3A_261 : i32 to vector<256x1024xi32>
    %shift_left3A_263 = arith.shli %and3A_260, %shift_left3A_262 : vector<256x1024xi32>
    %or3A_264 = arith.ori %iota3A, %shift_left3A_263 : vector<256x1024xi32>
    %eq3A_265 = vector.broadcast %broadcast_in_dim3A_257 : vector<256x1xf32> to vector<256x1024xf32>
    %eq3A_266 = arith.cmpf oeq, %select_n3A_245, %eq3A_265 : vector<256x1024xf32>
    %jit3A_267 = arith.constant 4096 : i32
    %broadcast_in_dim3A_268 = vector.broadcast %jit3A_267 : i32 to vector<256x1024xi32>
    %select_n3A_269 = arith.select %eq3A_266, %or3A_264, %broadcast_in_dim3A_268 : vector<256x1024xi1>, vector<256x1024xi32>
    %reduce_min3A_270 = arith.constant dense<2147483647> : vector<256xi32>
    %reduce_min3A_271 = vector.multi_reduction <minsi>, %select_n3A_269, %reduce_min3A_270 [1] : vector<256x1024xi32> to vector<256xi32>
    %broadcast_in_dim3A_272 = vector.shape_cast %reduce_min3A_271 : vector<256xi32> to vector<256x1xi32>
    %eq3A_273 = vector.broadcast %broadcast_in_dim3A_272 : vector<256x1xi32> to vector<256x1024xi32>
    %eq3A_274 = arith.cmpi eq, %or3A_264, %eq3A_273 : vector<256x1024xi32>
    %select_n3A_275 = arith.select %eq3A_274, %select_n3A_246, %select_n3A_245 : vector<256x1024xi1>, vector<256x1024xf32>
    %select_n3A_276 = arith.select %eq3A_274, %select_n3A_247, %select_n3A_246 : vector<256x1024xi1>, vector<256x1024xf32>
    %select_n3A_277 = arith.select %eq3A_274, %select_n3A_250, %select_n3A_247 : vector<256x1024xi1>, vector<256x1024xf32>
    %jit3A_278 = arith.constant 0x7F800000 : f32
    %broadcast_in_dim3A_279 = vector.broadcast %jit3A_278 : f32 to vector<256x1024xf32>
    %select_n3A_280 = arith.select %eq3A_274, %broadcast_in_dim3A_279, %select_n3A_250 : vector<256x1024xi1>, vector<256x1024xf32>
    %shift_right_arithmetic3A_281 = arith.constant 2 : i32
    %shift_right_arithmetic3A_282 = vector.broadcast %shift_right_arithmetic3A_281 : i32 to vector<256x1024xi32>
    %shift_right_arithmetic3A_283 = arith.shrsi %select_n3A_254, %shift_right_arithmetic3A_282 : vector<256x1024xi32>
    %select_n3A_284 = arith.select %eq3A_274, %shift_right_arithmetic3A_283, %select_n3A_254 : vector<256x1024xi1>, vector<256x1024xi32>
    %reduce_min3A_285 = arith.constant dense<0x7F800000> : vector<256xf32>
    %reduce_min3A_286 = vector.multi_reduction <minimumf>, %select_n3A_275, %reduce_min3A_285 [1] : vector<256x1024xf32> to vector<256xf32>
    %broadcast_in_dim3A_287 = vector.shape_cast %reduce_min3A_286 : vector<256xf32> to vector<256x1xf32>
    %and3A_288 = arith.constant 3 : i32
    %and3A_289 = vector.broadcast %and3A_288 : i32 to vector<256x1024xi32>
    %and3A_290 = arith.andi %select_n3A_284, %and3A_289 : vector<256x1024xi32>
    %shift_left3A_291 = arith.constant 10 : i32
    %shift_left3A_292 = vector.broadcast %shift_left3A_291 : i32 to vector<256x1024xi32>
    %shift_left3A_293 = arith.shli %and3A_290, %shift_left3A_292 : vector<256x1024xi32>
    %or3A_294 = arith.ori %iota3A, %shift_left3A_293 : vector<256x1024xi32>
    %eq3A_295 = vector.broadcast %broadcast_in_dim3A_287 : vector<256x1xf32> to vector<256x1024xf32>
    %eq3A_296 = arith.cmpf oeq, %select_n3A_275, %eq3A_295 : vector<256x1024xf32>
    %jit3A_297 = arith.constant 4096 : i32
    %broadcast_in_dim3A_298 = vector.broadcast %jit3A_297 : i32 to vector<256x1024xi32>
    %select_n3A_299 = arith.select %eq3A_296, %or3A_294, %broadcast_in_dim3A_298 : vector<256x1024xi1>, vector<256x1024xi32>
    %reduce_min3A_300 = arith.constant dense<2147483647> : vector<256xi32>
    %reduce_min3A_301 = vector.multi_reduction <minsi>, %select_n3A_299, %reduce_min3A_300 [1] : vector<256x1024xi32> to vector<256xi32>
    %broadcast_in_dim3A_302 = vector.shape_cast %reduce_min3A_301 : vector<256xi32> to vector<256x1xi32>
    %eq3A_303 = vector.broadcast %broadcast_in_dim3A_302 : vector<256x1xi32> to vector<256x1024xi32>
    %eq3A_304 = arith.cmpi eq, %or3A_294, %eq3A_303 : vector<256x1024xi32>
    %select_n3A_305 = arith.select %eq3A_304, %select_n3A_276, %select_n3A_275 : vector<256x1024xi1>, vector<256x1024xf32>
    %select_n3A_306 = arith.select %eq3A_304, %select_n3A_277, %select_n3A_276 : vector<256x1024xi1>, vector<256x1024xf32>
    %select_n3A_307 = arith.select %eq3A_304, %select_n3A_280, %select_n3A_277 : vector<256x1024xi1>, vector<256x1024xf32>
    %jit3A_308 = arith.constant 0x7F800000 : f32
    %broadcast_in_dim3A_309 = vector.broadcast %jit3A_308 : f32 to vector<256x1024xf32>
    %select_n3A_310 = arith.select %eq3A_304, %broadcast_in_dim3A_309, %select_n3A_280 : vector<256x1024xi1>, vector<256x1024xf32>
    %shift_right_arithmetic3A_311 = arith.constant 2 : i32
    %shift_right_arithmetic3A_312 = vector.broadcast %shift_right_arithmetic3A_311 : i32 to vector<256x1024xi32>
    %shift_right_arithmetic3A_313 = arith.shrsi %select_n3A_284, %shift_right_arithmetic3A_312 : vector<256x1024xi32>
    %select_n3A_314 = arith.select %eq3A_304, %shift_right_arithmetic3A_313, %select_n3A_284 : vector<256x1024xi1>, vector<256x1024xi32>
    %reduce_min3A_315 = arith.constant dense<0x7F800000> : vector<256xf32>
    %reduce_min3A_316 = vector.multi_reduction <minimumf>, %select_n3A_305, %reduce_min3A_315 [1] : vector<256x1024xf32> to vector<256xf32>
    %broadcast_in_dim3A_317 = vector.shape_cast %reduce_min3A_316 : vector<256xf32> to vector<256x1xf32>
    %and3A_318 = arith.constant 3 : i32
    %and3A_319 = vector.broadcast %and3A_318 : i32 to vector<256x1024xi32>
    %and3A_320 = arith.andi %select_n3A_314, %and3A_319 : vector<256x1024xi32>
    %shift_left3A_321 = arith.constant 10 : i32
    %shift_left3A_322 = vector.broadcast %shift_left3A_321 : i32 to vector<256x1024xi32>
    %shift_left3A_323 = arith.shli %and3A_320, %shift_left3A_322 : vector<256x1024xi32>
    %or3A_324 = arith.ori %iota3A, %shift_left3A_323 : vector<256x1024xi32>
    %eq3A_325 = vector.broadcast %broadcast_in_dim3A_317 : vector<256x1xf32> to vector<256x1024xf32>
    %eq3A_326 = arith.cmpf oeq, %select_n3A_305, %eq3A_325 : vector<256x1024xf32>
    %jit3A_327 = arith.constant 4096 : i32
    %broadcast_in_dim3A_328 = vector.broadcast %jit3A_327 : i32 to vector<256x1024xi32>
    %select_n3A_329 = arith.select %eq3A_326, %or3A_324, %broadcast_in_dim3A_328 : vector<256x1024xi1>, vector<256x1024xi32>
    %reduce_min3A_330 = arith.constant dense<2147483647> : vector<256xi32>
    %reduce_min3A_331 = vector.multi_reduction <minsi>, %select_n3A_329, %reduce_min3A_330 [1] : vector<256x1024xi32> to vector<256xi32>
    %broadcast_in_dim3A_332 = vector.shape_cast %reduce_min3A_331 : vector<256xi32> to vector<256x1xi32>
    %eq3A_333 = vector.broadcast %broadcast_in_dim3A_332 : vector<256x1xi32> to vector<256x1024xi32>
    %eq3A_334 = arith.cmpi eq, %or3A_324, %eq3A_333 : vector<256x1024xi32>
    %select_n3A_335 = arith.select %eq3A_334, %select_n3A_306, %select_n3A_305 : vector<256x1024xi1>, vector<256x1024xf32>
    %select_n3A_336 = arith.select %eq3A_334, %select_n3A_307, %select_n3A_306 : vector<256x1024xi1>, vector<256x1024xf32>
    %select_n3A_337 = arith.select %eq3A_334, %select_n3A_310, %select_n3A_307 : vector<256x1024xi1>, vector<256x1024xf32>
    %jit3A_338 = arith.constant 0x7F800000 : f32
    %broadcast_in_dim3A_339 = vector.broadcast %jit3A_338 : f32 to vector<256x1024xf32>
    %select_n3A_340 = arith.select %eq3A_334, %broadcast_in_dim3A_339, %select_n3A_310 : vector<256x1024xi1>, vector<256x1024xf32>
    %shift_right_arithmetic3A_341 = arith.constant 2 : i32
    %shift_right_arithmetic3A_342 = vector.broadcast %shift_right_arithmetic3A_341 : i32 to vector<256x1024xi32>
    %shift_right_arithmetic3A_343 = arith.shrsi %select_n3A_314, %shift_right_arithmetic3A_342 : vector<256x1024xi32>
    %select_n3A_344 = arith.select %eq3A_334, %shift_right_arithmetic3A_343, %select_n3A_314 : vector<256x1024xi1>, vector<256x1024xi32>
    %reduce_min3A_345 = arith.constant dense<0x7F800000> : vector<256xf32>
    %reduce_min3A_346 = vector.multi_reduction <minimumf>, %select_n3A_335, %reduce_min3A_345 [1] : vector<256x1024xf32> to vector<256xf32>
    %broadcast_in_dim3A_347 = vector.shape_cast %reduce_min3A_346 : vector<256xf32> to vector<256x1xf32>
    %and3A_348 = arith.constant 3 : i32
    %and3A_349 = vector.broadcast %and3A_348 : i32 to vector<256x1024xi32>
    %and3A_350 = arith.andi %select_n3A_344, %and3A_349 : vector<256x1024xi32>
    %shift_left3A_351 = arith.constant 10 : i32
    %shift_left3A_352 = vector.broadcast %shift_left3A_351 : i32 to vector<256x1024xi32>
    %shift_left3A_353 = arith.shli %and3A_350, %shift_left3A_352 : vector<256x1024xi32>
    %or3A_354 = arith.ori %iota3A, %shift_left3A_353 : vector<256x1024xi32>
    %eq3A_355 = vector.broadcast %broadcast_in_dim3A_347 : vector<256x1xf32> to vector<256x1024xf32>
    %eq3A_356 = arith.cmpf oeq, %select_n3A_335, %eq3A_355 : vector<256x1024xf32>
    %jit3A_357 = arith.constant 4096 : i32
    %broadcast_in_dim3A_358 = vector.broadcast %jit3A_357 : i32 to vector<256x1024xi32>
    %select_n3A_359 = arith.select %eq3A_356, %or3A_354, %broadcast_in_dim3A_358 : vector<256x1024xi1>, vector<256x1024xi32>
    %reduce_min3A_360 = arith.constant dense<2147483647> : vector<256xi32>
    %reduce_min3A_361 = vector.multi_reduction <minsi>, %select_n3A_359, %reduce_min3A_360 [1] : vector<256x1024xi32> to vector<256xi32>
    %broadcast_in_dim3A_362 = vector.shape_cast %reduce_min3A_361 : vector<256xi32> to vector<256x1xi32>
    %eq3A_363 = vector.broadcast %broadcast_in_dim3A_362 : vector<256x1xi32> to vector<256x1024xi32>
    %eq3A_364 = arith.cmpi eq, %or3A_354, %eq3A_363 : vector<256x1024xi32>
    %select_n3A_365 = arith.select %eq3A_364, %select_n3A_336, %select_n3A_335 : vector<256x1024xi1>, vector<256x1024xf32>
    %select_n3A_366 = arith.select %eq3A_364, %select_n3A_337, %select_n3A_336 : vector<256x1024xi1>, vector<256x1024xf32>
    %select_n3A_367 = arith.select %eq3A_364, %select_n3A_340, %select_n3A_337 : vector<256x1024xi1>, vector<256x1024xf32>
    %jit3A_368 = arith.constant 0x7F800000 : f32
    %broadcast_in_dim3A_369 = vector.broadcast %jit3A_368 : f32 to vector<256x1024xf32>
    %select_n3A_370 = arith.select %eq3A_364, %broadcast_in_dim3A_369, %select_n3A_340 : vector<256x1024xi1>, vector<256x1024xf32>
    %shift_right_arithmetic3A_371 = arith.constant 2 : i32
    %shift_right_arithmetic3A_372 = vector.broadcast %shift_right_arithmetic3A_371 : i32 to vector<256x1024xi32>
    %shift_right_arithmetic3A_373 = arith.shrsi %select_n3A_344, %shift_right_arithmetic3A_372 : vector<256x1024xi32>
    %select_n3A_374 = arith.select %eq3A_364, %shift_right_arithmetic3A_373, %select_n3A_344 : vector<256x1024xi1>, vector<256x1024xi32>
    %reduce_min3A_375 = arith.constant dense<0x7F800000> : vector<256xf32>
    %reduce_min3A_376 = vector.multi_reduction <minimumf>, %select_n3A_365, %reduce_min3A_375 [1] : vector<256x1024xf32> to vector<256xf32>
    %broadcast_in_dim3A_377 = vector.shape_cast %reduce_min3A_376 : vector<256xf32> to vector<256x1xf32>
    %and3A_378 = arith.constant 3 : i32
    %and3A_379 = vector.broadcast %and3A_378 : i32 to vector<256x1024xi32>
    %and3A_380 = arith.andi %select_n3A_374, %and3A_379 : vector<256x1024xi32>
    %shift_left3A_381 = arith.constant 10 : i32
    %shift_left3A_382 = vector.broadcast %shift_left3A_381 : i32 to vector<256x1024xi32>
    %shift_left3A_383 = arith.shli %and3A_380, %shift_left3A_382 : vector<256x1024xi32>
    %or3A_384 = arith.ori %iota3A, %shift_left3A_383 : vector<256x1024xi32>
    %eq3A_385 = vector.broadcast %broadcast_in_dim3A_377 : vector<256x1xf32> to vector<256x1024xf32>
    %eq3A_386 = arith.cmpf oeq, %select_n3A_365, %eq3A_385 : vector<256x1024xf32>
    %jit3A_387 = arith.constant 4096 : i32
    %broadcast_in_dim3A_388 = vector.broadcast %jit3A_387 : i32 to vector<256x1024xi32>
    %select_n3A_389 = arith.select %eq3A_386, %or3A_384, %broadcast_in_dim3A_388 : vector<256x1024xi1>, vector<256x1024xi32>
    %reduce_min3A_390 = arith.constant dense<2147483647> : vector<256xi32>
    %reduce_min3A_391 = vector.multi_reduction <minsi>, %select_n3A_389, %reduce_min3A_390 [1] : vector<256x1024xi32> to vector<256xi32>
    %broadcast_in_dim3A_392 = vector.shape_cast %reduce_min3A_391 : vector<256xi32> to vector<256x1xi32>
    %eq3A_393 = vector.broadcast %broadcast_in_dim3A_392 : vector<256x1xi32> to vector<256x1024xi32>
    %eq3A_394 = arith.cmpi eq, %or3A_384, %eq3A_393 : vector<256x1024xi32>
    %select_n3A_395 = arith.select %eq3A_394, %select_n3A_366, %select_n3A_365 : vector<256x1024xi1>, vector<256x1024xf32>
    %select_n3A_396 = arith.select %eq3A_394, %select_n3A_367, %select_n3A_366 : vector<256x1024xi1>, vector<256x1024xf32>
    %select_n3A_397 = arith.select %eq3A_394, %select_n3A_370, %select_n3A_367 : vector<256x1024xi1>, vector<256x1024xf32>
    %jit3A_398 = arith.constant 0x7F800000 : f32
    %broadcast_in_dim3A_399 = vector.broadcast %jit3A_398 : f32 to vector<256x1024xf32>
    %select_n3A_400 = arith.select %eq3A_394, %broadcast_in_dim3A_399, %select_n3A_370 : vector<256x1024xi1>, vector<256x1024xf32>
    %shift_right_arithmetic3A_401 = arith.constant 2 : i32
    %shift_right_arithmetic3A_402 = vector.broadcast %shift_right_arithmetic3A_401 : i32 to vector<256x1024xi32>
    %shift_right_arithmetic3A_403 = arith.shrsi %select_n3A_374, %shift_right_arithmetic3A_402 : vector<256x1024xi32>
    %select_n3A_404 = arith.select %eq3A_394, %shift_right_arithmetic3A_403, %select_n3A_374 : vector<256x1024xi1>, vector<256x1024xi32>
    %reduce_min3A_405 = arith.constant dense<0x7F800000> : vector<256xf32>
    %reduce_min3A_406 = vector.multi_reduction <minimumf>, %select_n3A_395, %reduce_min3A_405 [1] : vector<256x1024xf32> to vector<256xf32>
    %broadcast_in_dim3A_407 = vector.shape_cast %reduce_min3A_406 : vector<256xf32> to vector<256x1xf32>
    %and3A_408 = arith.constant 3 : i32
    %and3A_409 = vector.broadcast %and3A_408 : i32 to vector<256x1024xi32>
    %and3A_410 = arith.andi %select_n3A_404, %and3A_409 : vector<256x1024xi32>
    %shift_left3A_411 = arith.constant 10 : i32
    %shift_left3A_412 = vector.broadcast %shift_left3A_411 : i32 to vector<256x1024xi32>
    %shift_left3A_413 = arith.shli %and3A_410, %shift_left3A_412 : vector<256x1024xi32>
    %or3A_414 = arith.ori %iota3A, %shift_left3A_413 : vector<256x1024xi32>
    %eq3A_415 = vector.broadcast %broadcast_in_dim3A_407 : vector<256x1xf32> to vector<256x1024xf32>
    %eq3A_416 = arith.cmpf oeq, %select_n3A_395, %eq3A_415 : vector<256x1024xf32>
    %jit3A_417 = arith.constant 4096 : i32
    %broadcast_in_dim3A_418 = vector.broadcast %jit3A_417 : i32 to vector<256x1024xi32>
    %select_n3A_419 = arith.select %eq3A_416, %or3A_414, %broadcast_in_dim3A_418 : vector<256x1024xi1>, vector<256x1024xi32>
    %reduce_min3A_420 = arith.constant dense<2147483647> : vector<256xi32>
    %reduce_min3A_421 = vector.multi_reduction <minsi>, %select_n3A_419, %reduce_min3A_420 [1] : vector<256x1024xi32> to vector<256xi32>
    %broadcast_in_dim3A_422 = vector.shape_cast %reduce_min3A_421 : vector<256xi32> to vector<256x1xi32>
    %eq3A_423 = vector.broadcast %broadcast_in_dim3A_422 : vector<256x1xi32> to vector<256x1024xi32>
    %eq3A_424 = arith.cmpi eq, %or3A_414, %eq3A_423 : vector<256x1024xi32>
    %select_n3A_425 = arith.select %eq3A_424, %select_n3A_396, %select_n3A_395 : vector<256x1024xi1>, vector<256x1024xf32>
    %select_n3A_426 = arith.select %eq3A_424, %select_n3A_397, %select_n3A_396 : vector<256x1024xi1>, vector<256x1024xf32>
    %select_n3A_427 = arith.select %eq3A_424, %select_n3A_400, %select_n3A_397 : vector<256x1024xi1>, vector<256x1024xf32>
    %jit3A_428 = arith.constant 0x7F800000 : f32
    %broadcast_in_dim3A_429 = vector.broadcast %jit3A_428 : f32 to vector<256x1024xf32>
    %select_n3A_430 = arith.select %eq3A_424, %broadcast_in_dim3A_429, %select_n3A_400 : vector<256x1024xi1>, vector<256x1024xf32>
    %shift_right_arithmetic3A_431 = arith.constant 2 : i32
    %shift_right_arithmetic3A_432 = vector.broadcast %shift_right_arithmetic3A_431 : i32 to vector<256x1024xi32>
    %shift_right_arithmetic3A_433 = arith.shrsi %select_n3A_404, %shift_right_arithmetic3A_432 : vector<256x1024xi32>
    %select_n3A_434 = arith.select %eq3A_424, %shift_right_arithmetic3A_433, %select_n3A_404 : vector<256x1024xi1>, vector<256x1024xi32>
    %reduce_min3A_435 = arith.constant dense<0x7F800000> : vector<256xf32>
    %reduce_min3A_436 = vector.multi_reduction <minimumf>, %select_n3A_425, %reduce_min3A_435 [1] : vector<256x1024xf32> to vector<256xf32>
    %broadcast_in_dim3A_437 = vector.shape_cast %reduce_min3A_436 : vector<256xf32> to vector<256x1xf32>
    %and3A_438 = arith.constant 3 : i32
    %and3A_439 = vector.broadcast %and3A_438 : i32 to vector<256x1024xi32>
    %and3A_440 = arith.andi %select_n3A_434, %and3A_439 : vector<256x1024xi32>
    %shift_left3A_441 = arith.constant 10 : i32
    %shift_left3A_442 = vector.broadcast %shift_left3A_441 : i32 to vector<256x1024xi32>
    %shift_left3A_443 = arith.shli %and3A_440, %shift_left3A_442 : vector<256x1024xi32>
    %or3A_444 = arith.ori %iota3A, %shift_left3A_443 : vector<256x1024xi32>
    %eq3A_445 = vector.broadcast %broadcast_in_dim3A_437 : vector<256x1xf32> to vector<256x1024xf32>
    %eq3A_446 = arith.cmpf oeq, %select_n3A_425, %eq3A_445 : vector<256x1024xf32>
    %jit3A_447 = arith.constant 4096 : i32
    %broadcast_in_dim3A_448 = vector.broadcast %jit3A_447 : i32 to vector<256x1024xi32>
    %select_n3A_449 = arith.select %eq3A_446, %or3A_444, %broadcast_in_dim3A_448 : vector<256x1024xi1>, vector<256x1024xi32>
    %reduce_min3A_450 = arith.constant dense<2147483647> : vector<256xi32>
    %reduce_min3A_451 = vector.multi_reduction <minsi>, %select_n3A_449, %reduce_min3A_450 [1] : vector<256x1024xi32> to vector<256xi32>
    %broadcast_in_dim3A_452 = vector.shape_cast %reduce_min3A_451 : vector<256xi32> to vector<256x1xi32>
    %eq3A_453 = vector.broadcast %broadcast_in_dim3A_452 : vector<256x1xi32> to vector<256x1024xi32>
    %eq3A_454 = arith.cmpi eq, %or3A_444, %eq3A_453 : vector<256x1024xi32>
    %select_n3A_455 = arith.select %eq3A_454, %select_n3A_426, %select_n3A_425 : vector<256x1024xi1>, vector<256x1024xf32>
    %select_n3A_456 = arith.select %eq3A_454, %select_n3A_427, %select_n3A_426 : vector<256x1024xi1>, vector<256x1024xf32>
    %select_n3A_457 = arith.select %eq3A_454, %select_n3A_430, %select_n3A_427 : vector<256x1024xi1>, vector<256x1024xf32>
    %shift_right_arithmetic3A_458 = arith.constant 2 : i32
    %shift_right_arithmetic3A_459 = vector.broadcast %shift_right_arithmetic3A_458 : i32 to vector<256x1024xi32>
    %shift_right_arithmetic3A_460 = arith.shrsi %select_n3A_434, %shift_right_arithmetic3A_459 : vector<256x1024xi32>
    %select_n3A_461 = arith.select %eq3A_454, %shift_right_arithmetic3A_460, %select_n3A_434 : vector<256x1024xi1>, vector<256x1024xi32>
    %reduce_min3A_462 = arith.constant dense<0x7F800000> : vector<256xf32>
    %reduce_min3A_463 = vector.multi_reduction <minimumf>, %select_n3A_455, %reduce_min3A_462 [1] : vector<256x1024xf32> to vector<256xf32>
    %broadcast_in_dim3A_464 = vector.shape_cast %reduce_min3A_463 : vector<256xf32> to vector<256x1xf32>
    %and3A_465 = arith.constant 3 : i32
    %and3A_466 = vector.broadcast %and3A_465 : i32 to vector<256x1024xi32>
    %and3A_467 = arith.andi %select_n3A_461, %and3A_466 : vector<256x1024xi32>
    %shift_left3A_468 = arith.constant 10 : i32
    %shift_left3A_469 = vector.broadcast %shift_left3A_468 : i32 to vector<256x1024xi32>
    %shift_left3A_470 = arith.shli %and3A_467, %shift_left3A_469 : vector<256x1024xi32>
    %or3A_471 = arith.ori %iota3A, %shift_left3A_470 : vector<256x1024xi32>
    %eq3A_472 = vector.broadcast %broadcast_in_dim3A_464 : vector<256x1xf32> to vector<256x1024xf32>
    %eq3A_473 = arith.cmpf oeq, %select_n3A_455, %eq3A_472 : vector<256x1024xf32>
    %jit3A_474 = arith.constant 4096 : i32
    %broadcast_in_dim3A_475 = vector.broadcast %jit3A_474 : i32 to vector<256x1024xi32>
    %select_n3A_476 = arith.select %eq3A_473, %or3A_471, %broadcast_in_dim3A_475 : vector<256x1024xi1>, vector<256x1024xi32>
    %reduce_min3A_477 = arith.constant dense<2147483647> : vector<256xi32>
    %reduce_min3A_478 = vector.multi_reduction <minsi>, %select_n3A_476, %reduce_min3A_477 [1] : vector<256x1024xi32> to vector<256xi32>
    %broadcast_in_dim3A_479 = vector.shape_cast %reduce_min3A_478 : vector<256xi32> to vector<256x1xi32>
    %eq3A_480 = vector.broadcast %broadcast_in_dim3A_479 : vector<256x1xi32> to vector<256x1024xi32>
    %eq3A_481 = arith.cmpi eq, %or3A_471, %eq3A_480 : vector<256x1024xi32>
    %select_n3A_482 = arith.select %eq3A_481, %select_n3A_456, %select_n3A_455 : vector<256x1024xi1>, vector<256x1024xf32>
    %select_n3A_483 = arith.select %eq3A_481, %select_n3A_457, %select_n3A_456 : vector<256x1024xi1>, vector<256x1024xf32>
    %shift_right_arithmetic3A_484 = arith.constant 2 : i32
    %shift_right_arithmetic3A_485 = vector.broadcast %shift_right_arithmetic3A_484 : i32 to vector<256x1024xi32>
    %shift_right_arithmetic3A_486 = arith.shrsi %select_n3A_461, %shift_right_arithmetic3A_485 : vector<256x1024xi32>
    %select_n3A_487 = arith.select %eq3A_481, %shift_right_arithmetic3A_486, %select_n3A_461 : vector<256x1024xi1>, vector<256x1024xi32>
    %reduce_min3A_488 = arith.constant dense<0x7F800000> : vector<256xf32>
    %reduce_min3A_489 = vector.multi_reduction <minimumf>, %select_n3A_482, %reduce_min3A_488 [1] : vector<256x1024xf32> to vector<256xf32>
    %broadcast_in_dim3A_490 = vector.shape_cast %reduce_min3A_489 : vector<256xf32> to vector<256x1xf32>
    %and3A_491 = arith.constant 3 : i32
    %and3A_492 = vector.broadcast %and3A_491 : i32 to vector<256x1024xi32>
    %and3A_493 = arith.andi %select_n3A_487, %and3A_492 : vector<256x1024xi32>
    %shift_left3A_494 = arith.constant 10 : i32
    %shift_left3A_495 = vector.broadcast %shift_left3A_494 : i32 to vector<256x1024xi32>
    %shift_left3A_496 = arith.shli %and3A_493, %shift_left3A_495 : vector<256x1024xi32>
    %or3A_497 = arith.ori %iota3A, %shift_left3A_496 : vector<256x1024xi32>
    %eq3A_498 = vector.broadcast %broadcast_in_dim3A_490 : vector<256x1xf32> to vector<256x1024xf32>
    %eq3A_499 = arith.cmpf oeq, %select_n3A_482, %eq3A_498 : vector<256x1024xf32>
    %jit3A_500 = arith.constant 4096 : i32
    %broadcast_in_dim3A_501 = vector.broadcast %jit3A_500 : i32 to vector<256x1024xi32>
    %select_n3A_502 = arith.select %eq3A_499, %or3A_497, %broadcast_in_dim3A_501 : vector<256x1024xi1>, vector<256x1024xi32>
    %reduce_min3A_503 = arith.constant dense<2147483647> : vector<256xi32>
    %reduce_min3A_504 = vector.multi_reduction <minsi>, %select_n3A_502, %reduce_min3A_503 [1] : vector<256x1024xi32> to vector<256xi32>
    %broadcast_in_dim3A_505 = vector.shape_cast %reduce_min3A_504 : vector<256xi32> to vector<256x1xi32>
    %eq3A_506 = vector.broadcast %broadcast_in_dim3A_505 : vector<256x1xi32> to vector<256x1024xi32>
    %eq3A_507 = arith.cmpi eq, %or3A_497, %eq3A_506 : vector<256x1024xi32>
    %select_n3A_508 = arith.select %eq3A_507, %select_n3A_483, %select_n3A_482 : vector<256x1024xi1>, vector<256x1024xf32>
    %shift_right_arithmetic3A_509 = arith.constant 2 : i32
    %shift_right_arithmetic3A_510 = vector.broadcast %shift_right_arithmetic3A_509 : i32 to vector<256x1024xi32>
    %shift_right_arithmetic3A_511 = arith.shrsi %select_n3A_487, %shift_right_arithmetic3A_510 : vector<256x1024xi32>
    %select_n3A_512 = arith.select %eq3A_507, %shift_right_arithmetic3A_511, %select_n3A_487 : vector<256x1024xi1>, vector<256x1024xi32>
    %reduce_min3A_513 = arith.constant dense<0x7F800000> : vector<256xf32>
    %reduce_min3A_514 = vector.multi_reduction <minimumf>, %select_n3A_508, %reduce_min3A_513 [1] : vector<256x1024xf32> to vector<256xf32>
    %broadcast_in_dim3A_515 = vector.shape_cast %reduce_min3A_514 : vector<256xf32> to vector<256x1xf32>
    %and3A_516 = arith.constant 3 : i32
    %and3A_517 = vector.broadcast %and3A_516 : i32 to vector<256x1024xi32>
    %and3A_518 = arith.andi %select_n3A_512, %and3A_517 : vector<256x1024xi32>
    %shift_left3A_519 = arith.constant 10 : i32
    %shift_left3A_520 = vector.broadcast %shift_left3A_519 : i32 to vector<256x1024xi32>
    %shift_left3A_521 = arith.shli %and3A_518, %shift_left3A_520 : vector<256x1024xi32>
    %or3A_522 = arith.ori %iota3A, %shift_left3A_521 : vector<256x1024xi32>
    %eq3A_523 = vector.broadcast %broadcast_in_dim3A_515 : vector<256x1xf32> to vector<256x1024xf32>
    %eq3A_524 = arith.cmpf oeq, %select_n3A_508, %eq3A_523 : vector<256x1024xf32>
    %jit3A_525 = arith.constant 4096 : i32
    %broadcast_in_dim3A_526 = vector.broadcast %jit3A_525 : i32 to vector<256x1024xi32>
    %select_n3A_527 = arith.select %eq3A_524, %or3A_522, %broadcast_in_dim3A_526 : vector<256x1024xi1>, vector<256x1024xi32>
    %reduce_min3A_528 = arith.constant dense<2147483647> : vector<256xi32>
    %reduce_min3A_529 = vector.multi_reduction <minsi>, %select_n3A_527, %reduce_min3A_528 [1] : vector<256x1024xi32> to vector<256xi32>
    %broadcast_in_dim3A_530 = vector.shape_cast %reduce_min3A_529 : vector<256xi32> to vector<256x1xi32>
    %concatenate3A = tpu.concatenate %broadcast_in_dim3A_93, %broadcast_in_dim3A_122, %broadcast_in_dim3A_152, %broadcast_in_dim3A_182, %broadcast_in_dim3A_212, %broadcast_in_dim3A_242, %broadcast_in_dim3A_272, %broadcast_in_dim3A_302, %broadcast_in_dim3A_332, %broadcast_in_dim3A_362, %broadcast_in_dim3A_392, %broadcast_in_dim3A_422, %broadcast_in_dim3A_452, %broadcast_in_dim3A_479, %broadcast_in_dim3A_505, %broadcast_in_dim3A_530 in 1 : vector<256x1xi32>, vector<256x1xi32>, vector<256x1xi32>, vector<256x1xi32>, vector<256x1xi32>, vector<256x1xi32>, vector<256x1xi32>, vector<256x1xi32>, vector<256x1xi32>, vector<256x1xi32>, vector<256x1xi32>, vector<256x1xi32>, vector<256x1xi32>, vector<256x1xi32>, vector<256x1xi32>, vector<256x1xi32> -> vector<256x16xi32>
    %slice3A_531 = vector.extract_strided_slice %add3A_15 {offsets = [256, 0], sizes = [256, 4096], strides = [1, 1]} : vector<512x4096xf32> to vector<256x4096xf32>
    %iota3A_532 = tpu.iota {dimensions = array<i32: 1>} : vector<256x1024xi32>
    %slice3A_533 = vector.extract_strided_slice %slice3A_531 {offsets = [0, 0], sizes = [256, 1024], strides = [1, 1]} : vector<256x4096xf32> to vector<256x1024xf32>
    %slice3A_534 = vector.extract_strided_slice %slice3A_531 {offsets = [0, 1024], sizes = [256, 1024], strides = [1, 1]} : vector<256x4096xf32> to vector<256x1024xf32>
    %slice3A_535 = vector.extract_strided_slice %slice3A_531 {offsets = [0, 2048], sizes = [256, 1024], strides = [1, 1]} : vector<256x4096xf32> to vector<256x1024xf32>
    %slice3A_536 = vector.extract_strided_slice %slice3A_531 {offsets = [0, 3072], sizes = [256, 1024], strides = [1, 1]} : vector<256x4096xf32> to vector<256x1024xf32>
    %broadcast_in_dim3A_537 = arith.constant 0 : i32
    %broadcast_in_dim3A_538 = vector.broadcast %broadcast_in_dim3A_537 : i32 to vector<256x1024xi32>
    %broadcast_in_dim3A_539 = arith.constant 1 : i32
    %broadcast_in_dim3A_540 = vector.broadcast %broadcast_in_dim3A_539 : i32 to vector<256x1024xi32>
    %broadcast_in_dim3A_541 = arith.constant 2 : i32
    %broadcast_in_dim3A_542 = vector.broadcast %broadcast_in_dim3A_541 : i32 to vector<256x1024xi32>
    %broadcast_in_dim3A_543 = arith.constant 3 : i32
    %broadcast_in_dim3A_544 = vector.broadcast %broadcast_in_dim3A_543 : i32 to vector<256x1024xi32>
    %lt3A_545 = arith.cmpf olt, %slice3A_534, %slice3A_533 : vector<256x1024xf32>
    %eq3A_546 = arith.cmpf oeq, %slice3A_534, %slice3A_533 : vector<256x1024xf32>
    %lt3A_547 = arith.cmpi slt, %broadcast_in_dim3A_540, %broadcast_in_dim3A_538 : vector<256x1024xi32>
    %and3A_548 = arith.andi %eq3A_546, %lt3A_547 : vector<256x1024xi1>
    %or3A_549 = arith.ori %lt3A_545, %and3A_548 : vector<256x1024xi1>
    %select_n3A_550 = arith.select %or3A_549, %slice3A_534, %slice3A_533 : vector<256x1024xi1>, vector<256x1024xf32>
    %select_n3A_551 = arith.select %or3A_549, %slice3A_533, %slice3A_534 : vector<256x1024xi1>, vector<256x1024xf32>
    %select_n3A_552 = arith.select %or3A_549, %broadcast_in_dim3A_540, %broadcast_in_dim3A_538 : vector<256x1024xi1>, vector<256x1024xi32>
    %select_n3A_553 = arith.select %or3A_549, %broadcast_in_dim3A_538, %broadcast_in_dim3A_540 : vector<256x1024xi1>, vector<256x1024xi32>
    %lt3A_554 = arith.cmpf olt, %slice3A_536, %slice3A_535 : vector<256x1024xf32>
    %eq3A_555 = arith.cmpf oeq, %slice3A_536, %slice3A_535 : vector<256x1024xf32>
    %lt3A_556 = arith.cmpi slt, %broadcast_in_dim3A_544, %broadcast_in_dim3A_542 : vector<256x1024xi32>
    %and3A_557 = arith.andi %eq3A_555, %lt3A_556 : vector<256x1024xi1>
    %or3A_558 = arith.ori %lt3A_554, %and3A_557 : vector<256x1024xi1>
    %select_n3A_559 = arith.select %or3A_558, %slice3A_536, %slice3A_535 : vector<256x1024xi1>, vector<256x1024xf32>
    %select_n3A_560 = arith.select %or3A_558, %slice3A_535, %slice3A_536 : vector<256x1024xi1>, vector<256x1024xf32>
    %select_n3A_561 = arith.select %or3A_558, %broadcast_in_dim3A_544, %broadcast_in_dim3A_542 : vector<256x1024xi1>, vector<256x1024xi32>
    %select_n3A_562 = arith.select %or3A_558, %broadcast_in_dim3A_542, %broadcast_in_dim3A_544 : vector<256x1024xi1>, vector<256x1024xi32>
    %lt3A_563 = arith.cmpf olt, %select_n3A_559, %select_n3A_550 : vector<256x1024xf32>
    %eq3A_564 = arith.cmpf oeq, %select_n3A_559, %select_n3A_550 : vector<256x1024xf32>
    %lt3A_565 = arith.cmpi slt, %select_n3A_561, %select_n3A_552 : vector<256x1024xi32>
    %and3A_566 = arith.andi %eq3A_564, %lt3A_565 : vector<256x1024xi1>
    %or3A_567 = arith.ori %lt3A_563, %and3A_566 : vector<256x1024xi1>
    %select_n3A_568 = arith.select %or3A_567, %select_n3A_559, %select_n3A_550 : vector<256x1024xi1>, vector<256x1024xf32>
    %select_n3A_569 = arith.select %or3A_567, %select_n3A_550, %select_n3A_559 : vector<256x1024xi1>, vector<256x1024xf32>
    %select_n3A_570 = arith.select %or3A_567, %select_n3A_561, %select_n3A_552 : vector<256x1024xi1>, vector<256x1024xi32>
    %select_n3A_571 = arith.select %or3A_567, %select_n3A_552, %select_n3A_561 : vector<256x1024xi1>, vector<256x1024xi32>
    %lt3A_572 = arith.cmpf olt, %select_n3A_560, %select_n3A_551 : vector<256x1024xf32>
    %eq3A_573 = arith.cmpf oeq, %select_n3A_560, %select_n3A_551 : vector<256x1024xf32>
    %lt3A_574 = arith.cmpi slt, %select_n3A_562, %select_n3A_553 : vector<256x1024xi32>
    %and3A_575 = arith.andi %eq3A_573, %lt3A_574 : vector<256x1024xi1>
    %or3A_576 = arith.ori %lt3A_572, %and3A_575 : vector<256x1024xi1>
    %select_n3A_577 = arith.select %or3A_576, %select_n3A_560, %select_n3A_551 : vector<256x1024xi1>, vector<256x1024xf32>
    %select_n3A_578 = arith.select %or3A_576, %select_n3A_551, %select_n3A_560 : vector<256x1024xi1>, vector<256x1024xf32>
    %select_n3A_579 = arith.select %or3A_576, %select_n3A_562, %select_n3A_553 : vector<256x1024xi1>, vector<256x1024xi32>
    %select_n3A_580 = arith.select %or3A_576, %select_n3A_553, %select_n3A_562 : vector<256x1024xi1>, vector<256x1024xi32>
    %lt3A_581 = arith.cmpf olt, %select_n3A_569, %select_n3A_577 : vector<256x1024xf32>
    %eq3A_582 = arith.cmpf oeq, %select_n3A_569, %select_n3A_577 : vector<256x1024xf32>
    %lt3A_583 = arith.cmpi slt, %select_n3A_571, %select_n3A_579 : vector<256x1024xi32>
    %and3A_584 = arith.andi %eq3A_582, %lt3A_583 : vector<256x1024xi1>
    %or3A_585 = arith.ori %lt3A_581, %and3A_584 : vector<256x1024xi1>
    %select_n3A_586 = arith.select %or3A_585, %select_n3A_569, %select_n3A_577 : vector<256x1024xi1>, vector<256x1024xf32>
    %select_n3A_587 = arith.select %or3A_585, %select_n3A_577, %select_n3A_569 : vector<256x1024xi1>, vector<256x1024xf32>
    %select_n3A_588 = arith.select %or3A_585, %select_n3A_571, %select_n3A_579 : vector<256x1024xi1>, vector<256x1024xi32>
    %select_n3A_589 = arith.select %or3A_585, %select_n3A_579, %select_n3A_571 : vector<256x1024xi1>, vector<256x1024xi32>
    %shift_left3A_590 = arith.constant 2 : i32
    %shift_left3A_591 = vector.broadcast %shift_left3A_590 : i32 to vector<256x1024xi32>
    %shift_left3A_592 = arith.shli %select_n3A_588, %shift_left3A_591 : vector<256x1024xi32>
    %or3A_593 = arith.ori %select_n3A_570, %shift_left3A_592 : vector<256x1024xi32>
    %shift_left3A_594 = arith.constant 4 : i32
    %shift_left3A_595 = vector.broadcast %shift_left3A_594 : i32 to vector<256x1024xi32>
    %shift_left3A_596 = arith.shli %select_n3A_589, %shift_left3A_595 : vector<256x1024xi32>
    %or3A_597 = arith.ori %or3A_593, %shift_left3A_596 : vector<256x1024xi32>
    %shift_left3A_598 = arith.constant 6 : i32
    %shift_left3A_599 = vector.broadcast %shift_left3A_598 : i32 to vector<256x1024xi32>
    %shift_left3A_600 = arith.shli %select_n3A_580, %shift_left3A_599 : vector<256x1024xi32>
    %or3A_601 = arith.ori %or3A_597, %shift_left3A_600 : vector<256x1024xi32>
    %reduce_min3A_602 = arith.constant dense<0x7F800000> : vector<256xf32>
    %reduce_min3A_603 = vector.multi_reduction <minimumf>, %select_n3A_568, %reduce_min3A_602 [1] : vector<256x1024xf32> to vector<256xf32>
    %broadcast_in_dim3A_604 = vector.shape_cast %reduce_min3A_603 : vector<256xf32> to vector<256x1xf32>
    %and3A_605 = arith.constant 3 : i32
    %and3A_606 = vector.broadcast %and3A_605 : i32 to vector<256x1024xi32>
    %and3A_607 = arith.andi %or3A_601, %and3A_606 : vector<256x1024xi32>
    %shift_left3A_608 = arith.constant 10 : i32
    %shift_left3A_609 = vector.broadcast %shift_left3A_608 : i32 to vector<256x1024xi32>
    %shift_left3A_610 = arith.shli %and3A_607, %shift_left3A_609 : vector<256x1024xi32>
    %or3A_611 = arith.ori %iota3A_532, %shift_left3A_610 : vector<256x1024xi32>
    %eq3A_612 = vector.broadcast %broadcast_in_dim3A_604 : vector<256x1xf32> to vector<256x1024xf32>
    %eq3A_613 = arith.cmpf oeq, %select_n3A_568, %eq3A_612 : vector<256x1024xf32>
    %jit3A_614 = arith.constant 4096 : i32
    %broadcast_in_dim3A_615 = vector.broadcast %jit3A_614 : i32 to vector<256x1024xi32>
    %select_n3A_616 = arith.select %eq3A_613, %or3A_611, %broadcast_in_dim3A_615 : vector<256x1024xi1>, vector<256x1024xi32>
    %reduce_min3A_617 = arith.constant dense<2147483647> : vector<256xi32>
    %reduce_min3A_618 = vector.multi_reduction <minsi>, %select_n3A_616, %reduce_min3A_617 [1] : vector<256x1024xi32> to vector<256xi32>
    %broadcast_in_dim3A_619 = vector.shape_cast %reduce_min3A_618 : vector<256xi32> to vector<256x1xi32>
    %eq3A_620 = vector.broadcast %broadcast_in_dim3A_619 : vector<256x1xi32> to vector<256x1024xi32>
    %eq3A_621 = arith.cmpi eq, %or3A_611, %eq3A_620 : vector<256x1024xi32>
    %select_n3A_622 = arith.select %eq3A_621, %select_n3A_586, %select_n3A_568 : vector<256x1024xi1>, vector<256x1024xf32>
    %select_n3A_623 = arith.select %eq3A_621, %select_n3A_587, %select_n3A_586 : vector<256x1024xi1>, vector<256x1024xf32>
    %select_n3A_624 = arith.select %eq3A_621, %select_n3A_578, %select_n3A_587 : vector<256x1024xi1>, vector<256x1024xf32>
    %jit3A_625 = arith.constant 0x7F800000 : f32
    %broadcast_in_dim3A_626 = vector.broadcast %jit3A_625 : f32 to vector<256x1024xf32>
    %select_n3A_627 = arith.select %eq3A_621, %broadcast_in_dim3A_626, %select_n3A_578 : vector<256x1024xi1>, vector<256x1024xf32>
    %shift_right_arithmetic3A_628 = arith.constant 2 : i32
    %shift_right_arithmetic3A_629 = vector.broadcast %shift_right_arithmetic3A_628 : i32 to vector<256x1024xi32>
    %shift_right_arithmetic3A_630 = arith.shrsi %or3A_601, %shift_right_arithmetic3A_629 : vector<256x1024xi32>
    %select_n3A_631 = arith.select %eq3A_621, %shift_right_arithmetic3A_630, %or3A_601 : vector<256x1024xi1>, vector<256x1024xi32>
    %reduce_min3A_632 = arith.constant dense<0x7F800000> : vector<256xf32>
    %reduce_min3A_633 = vector.multi_reduction <minimumf>, %select_n3A_622, %reduce_min3A_632 [1] : vector<256x1024xf32> to vector<256xf32>
    %broadcast_in_dim3A_634 = vector.shape_cast %reduce_min3A_633 : vector<256xf32> to vector<256x1xf32>
    %and3A_635 = arith.constant 3 : i32
    %and3A_636 = vector.broadcast %and3A_635 : i32 to vector<256x1024xi32>
    %and3A_637 = arith.andi %select_n3A_631, %and3A_636 : vector<256x1024xi32>
    %shift_left3A_638 = arith.constant 10 : i32
    %shift_left3A_639 = vector.broadcast %shift_left3A_638 : i32 to vector<256x1024xi32>
    %shift_left3A_640 = arith.shli %and3A_637, %shift_left3A_639 : vector<256x1024xi32>
    %or3A_641 = arith.ori %iota3A_532, %shift_left3A_640 : vector<256x1024xi32>
    %eq3A_642 = vector.broadcast %broadcast_in_dim3A_634 : vector<256x1xf32> to vector<256x1024xf32>
    %eq3A_643 = arith.cmpf oeq, %select_n3A_622, %eq3A_642 : vector<256x1024xf32>
    %jit3A_644 = arith.constant 4096 : i32
    %broadcast_in_dim3A_645 = vector.broadcast %jit3A_644 : i32 to vector<256x1024xi32>
    %select_n3A_646 = arith.select %eq3A_643, %or3A_641, %broadcast_in_dim3A_645 : vector<256x1024xi1>, vector<256x1024xi32>
    %reduce_min3A_647 = arith.constant dense<2147483647> : vector<256xi32>
    %reduce_min3A_648 = vector.multi_reduction <minsi>, %select_n3A_646, %reduce_min3A_647 [1] : vector<256x1024xi32> to vector<256xi32>
    %broadcast_in_dim3A_649 = vector.shape_cast %reduce_min3A_648 : vector<256xi32> to vector<256x1xi32>
    %eq3A_650 = vector.broadcast %broadcast_in_dim3A_649 : vector<256x1xi32> to vector<256x1024xi32>
    %eq3A_651 = arith.cmpi eq, %or3A_641, %eq3A_650 : vector<256x1024xi32>
    %select_n3A_652 = arith.select %eq3A_651, %select_n3A_623, %select_n3A_622 : vector<256x1024xi1>, vector<256x1024xf32>
    %select_n3A_653 = arith.select %eq3A_651, %select_n3A_624, %select_n3A_623 : vector<256x1024xi1>, vector<256x1024xf32>
    %select_n3A_654 = arith.select %eq3A_651, %select_n3A_627, %select_n3A_624 : vector<256x1024xi1>, vector<256x1024xf32>
    %jit3A_655 = arith.constant 0x7F800000 : f32
    %broadcast_in_dim3A_656 = vector.broadcast %jit3A_655 : f32 to vector<256x1024xf32>
    %select_n3A_657 = arith.select %eq3A_651, %broadcast_in_dim3A_656, %select_n3A_627 : vector<256x1024xi1>, vector<256x1024xf32>
    %shift_right_arithmetic3A_658 = arith.constant 2 : i32
    %shift_right_arithmetic3A_659 = vector.broadcast %shift_right_arithmetic3A_658 : i32 to vector<256x1024xi32>
    %shift_right_arithmetic3A_660 = arith.shrsi %select_n3A_631, %shift_right_arithmetic3A_659 : vector<256x1024xi32>
    %select_n3A_661 = arith.select %eq3A_651, %shift_right_arithmetic3A_660, %select_n3A_631 : vector<256x1024xi1>, vector<256x1024xi32>
    %reduce_min3A_662 = arith.constant dense<0x7F800000> : vector<256xf32>
    %reduce_min3A_663 = vector.multi_reduction <minimumf>, %select_n3A_652, %reduce_min3A_662 [1] : vector<256x1024xf32> to vector<256xf32>
    %broadcast_in_dim3A_664 = vector.shape_cast %reduce_min3A_663 : vector<256xf32> to vector<256x1xf32>
    %and3A_665 = arith.constant 3 : i32
    %and3A_666 = vector.broadcast %and3A_665 : i32 to vector<256x1024xi32>
    %and3A_667 = arith.andi %select_n3A_661, %and3A_666 : vector<256x1024xi32>
    %shift_left3A_668 = arith.constant 10 : i32
    %shift_left3A_669 = vector.broadcast %shift_left3A_668 : i32 to vector<256x1024xi32>
    %shift_left3A_670 = arith.shli %and3A_667, %shift_left3A_669 : vector<256x1024xi32>
    %or3A_671 = arith.ori %iota3A_532, %shift_left3A_670 : vector<256x1024xi32>
    %eq3A_672 = vector.broadcast %broadcast_in_dim3A_664 : vector<256x1xf32> to vector<256x1024xf32>
    %eq3A_673 = arith.cmpf oeq, %select_n3A_652, %eq3A_672 : vector<256x1024xf32>
    %jit3A_674 = arith.constant 4096 : i32
    %broadcast_in_dim3A_675 = vector.broadcast %jit3A_674 : i32 to vector<256x1024xi32>
    %select_n3A_676 = arith.select %eq3A_673, %or3A_671, %broadcast_in_dim3A_675 : vector<256x1024xi1>, vector<256x1024xi32>
    %reduce_min3A_677 = arith.constant dense<2147483647> : vector<256xi32>
    %reduce_min3A_678 = vector.multi_reduction <minsi>, %select_n3A_676, %reduce_min3A_677 [1] : vector<256x1024xi32> to vector<256xi32>
    %broadcast_in_dim3A_679 = vector.shape_cast %reduce_min3A_678 : vector<256xi32> to vector<256x1xi32>
    %eq3A_680 = vector.broadcast %broadcast_in_dim3A_679 : vector<256x1xi32> to vector<256x1024xi32>
    %eq3A_681 = arith.cmpi eq, %or3A_671, %eq3A_680 : vector<256x1024xi32>
    %select_n3A_682 = arith.select %eq3A_681, %select_n3A_653, %select_n3A_652 : vector<256x1024xi1>, vector<256x1024xf32>
    %select_n3A_683 = arith.select %eq3A_681, %select_n3A_654, %select_n3A_653 : vector<256x1024xi1>, vector<256x1024xf32>
    %select_n3A_684 = arith.select %eq3A_681, %select_n3A_657, %select_n3A_654 : vector<256x1024xi1>, vector<256x1024xf32>
    %jit3A_685 = arith.constant 0x7F800000 : f32
    %broadcast_in_dim3A_686 = vector.broadcast %jit3A_685 : f32 to vector<256x1024xf32>
    %select_n3A_687 = arith.select %eq3A_681, %broadcast_in_dim3A_686, %select_n3A_657 : vector<256x1024xi1>, vector<256x1024xf32>
    %shift_right_arithmetic3A_688 = arith.constant 2 : i32
    %shift_right_arithmetic3A_689 = vector.broadcast %shift_right_arithmetic3A_688 : i32 to vector<256x1024xi32>
    %shift_right_arithmetic3A_690 = arith.shrsi %select_n3A_661, %shift_right_arithmetic3A_689 : vector<256x1024xi32>
    %select_n3A_691 = arith.select %eq3A_681, %shift_right_arithmetic3A_690, %select_n3A_661 : vector<256x1024xi1>, vector<256x1024xi32>
    %reduce_min3A_692 = arith.constant dense<0x7F800000> : vector<256xf32>
    %reduce_min3A_693 = vector.multi_reduction <minimumf>, %select_n3A_682, %reduce_min3A_692 [1] : vector<256x1024xf32> to vector<256xf32>
    %broadcast_in_dim3A_694 = vector.shape_cast %reduce_min3A_693 : vector<256xf32> to vector<256x1xf32>
    %and3A_695 = arith.constant 3 : i32
    %and3A_696 = vector.broadcast %and3A_695 : i32 to vector<256x1024xi32>
    %and3A_697 = arith.andi %select_n3A_691, %and3A_696 : vector<256x1024xi32>
    %shift_left3A_698 = arith.constant 10 : i32
    %shift_left3A_699 = vector.broadcast %shift_left3A_698 : i32 to vector<256x1024xi32>
    %shift_left3A_700 = arith.shli %and3A_697, %shift_left3A_699 : vector<256x1024xi32>
    %or3A_701 = arith.ori %iota3A_532, %shift_left3A_700 : vector<256x1024xi32>
    %eq3A_702 = vector.broadcast %broadcast_in_dim3A_694 : vector<256x1xf32> to vector<256x1024xf32>
    %eq3A_703 = arith.cmpf oeq, %select_n3A_682, %eq3A_702 : vector<256x1024xf32>
    %jit3A_704 = arith.constant 4096 : i32
    %broadcast_in_dim3A_705 = vector.broadcast %jit3A_704 : i32 to vector<256x1024xi32>
    %select_n3A_706 = arith.select %eq3A_703, %or3A_701, %broadcast_in_dim3A_705 : vector<256x1024xi1>, vector<256x1024xi32>
    %reduce_min3A_707 = arith.constant dense<2147483647> : vector<256xi32>
    %reduce_min3A_708 = vector.multi_reduction <minsi>, %select_n3A_706, %reduce_min3A_707 [1] : vector<256x1024xi32> to vector<256xi32>
    %broadcast_in_dim3A_709 = vector.shape_cast %reduce_min3A_708 : vector<256xi32> to vector<256x1xi32>
    %eq3A_710 = vector.broadcast %broadcast_in_dim3A_709 : vector<256x1xi32> to vector<256x1024xi32>
    %eq3A_711 = arith.cmpi eq, %or3A_701, %eq3A_710 : vector<256x1024xi32>
    %select_n3A_712 = arith.select %eq3A_711, %select_n3A_683, %select_n3A_682 : vector<256x1024xi1>, vector<256x1024xf32>
    %select_n3A_713 = arith.select %eq3A_711, %select_n3A_684, %select_n3A_683 : vector<256x1024xi1>, vector<256x1024xf32>
    %select_n3A_714 = arith.select %eq3A_711, %select_n3A_687, %select_n3A_684 : vector<256x1024xi1>, vector<256x1024xf32>
    %jit3A_715 = arith.constant 0x7F800000 : f32
    %broadcast_in_dim3A_716 = vector.broadcast %jit3A_715 : f32 to vector<256x1024xf32>
    %select_n3A_717 = arith.select %eq3A_711, %broadcast_in_dim3A_716, %select_n3A_687 : vector<256x1024xi1>, vector<256x1024xf32>
    %shift_right_arithmetic3A_718 = arith.constant 2 : i32
    %shift_right_arithmetic3A_719 = vector.broadcast %shift_right_arithmetic3A_718 : i32 to vector<256x1024xi32>
    %shift_right_arithmetic3A_720 = arith.shrsi %select_n3A_691, %shift_right_arithmetic3A_719 : vector<256x1024xi32>
    %select_n3A_721 = arith.select %eq3A_711, %shift_right_arithmetic3A_720, %select_n3A_691 : vector<256x1024xi1>, vector<256x1024xi32>
    %reduce_min3A_722 = arith.constant dense<0x7F800000> : vector<256xf32>
    %reduce_min3A_723 = vector.multi_reduction <minimumf>, %select_n3A_712, %reduce_min3A_722 [1] : vector<256x1024xf32> to vector<256xf32>
    %broadcast_in_dim3A_724 = vector.shape_cast %reduce_min3A_723 : vector<256xf32> to vector<256x1xf32>
    %and3A_725 = arith.constant 3 : i32
    %and3A_726 = vector.broadcast %and3A_725 : i32 to vector<256x1024xi32>
    %and3A_727 = arith.andi %select_n3A_721, %and3A_726 : vector<256x1024xi32>
    %shift_left3A_728 = arith.constant 10 : i32
    %shift_left3A_729 = vector.broadcast %shift_left3A_728 : i32 to vector<256x1024xi32>
    %shift_left3A_730 = arith.shli %and3A_727, %shift_left3A_729 : vector<256x1024xi32>
    %or3A_731 = arith.ori %iota3A_532, %shift_left3A_730 : vector<256x1024xi32>
    %eq3A_732 = vector.broadcast %broadcast_in_dim3A_724 : vector<256x1xf32> to vector<256x1024xf32>
    %eq3A_733 = arith.cmpf oeq, %select_n3A_712, %eq3A_732 : vector<256x1024xf32>
    %jit3A_734 = arith.constant 4096 : i32
    %broadcast_in_dim3A_735 = vector.broadcast %jit3A_734 : i32 to vector<256x1024xi32>
    %select_n3A_736 = arith.select %eq3A_733, %or3A_731, %broadcast_in_dim3A_735 : vector<256x1024xi1>, vector<256x1024xi32>
    %reduce_min3A_737 = arith.constant dense<2147483647> : vector<256xi32>
    %reduce_min3A_738 = vector.multi_reduction <minsi>, %select_n3A_736, %reduce_min3A_737 [1] : vector<256x1024xi32> to vector<256xi32>
    %broadcast_in_dim3A_739 = vector.shape_cast %reduce_min3A_738 : vector<256xi32> to vector<256x1xi32>
    %eq3A_740 = vector.broadcast %broadcast_in_dim3A_739 : vector<256x1xi32> to vector<256x1024xi32>
    %eq3A_741 = arith.cmpi eq, %or3A_731, %eq3A_740 : vector<256x1024xi32>
    %select_n3A_742 = arith.select %eq3A_741, %select_n3A_713, %select_n3A_712 : vector<256x1024xi1>, vector<256x1024xf32>
    %select_n3A_743 = arith.select %eq3A_741, %select_n3A_714, %select_n3A_713 : vector<256x1024xi1>, vector<256x1024xf32>
    %select_n3A_744 = arith.select %eq3A_741, %select_n3A_717, %select_n3A_714 : vector<256x1024xi1>, vector<256x1024xf32>
    %jit3A_745 = arith.constant 0x7F800000 : f32
    %broadcast_in_dim3A_746 = vector.broadcast %jit3A_745 : f32 to vector<256x1024xf32>
    %select_n3A_747 = arith.select %eq3A_741, %broadcast_in_dim3A_746, %select_n3A_717 : vector<256x1024xi1>, vector<256x1024xf32>
    %shift_right_arithmetic3A_748 = arith.constant 2 : i32
    %shift_right_arithmetic3A_749 = vector.broadcast %shift_right_arithmetic3A_748 : i32 to vector<256x1024xi32>
    %shift_right_arithmetic3A_750 = arith.shrsi %select_n3A_721, %shift_right_arithmetic3A_749 : vector<256x1024xi32>
    %select_n3A_751 = arith.select %eq3A_741, %shift_right_arithmetic3A_750, %select_n3A_721 : vector<256x1024xi1>, vector<256x1024xi32>
    %reduce_min3A_752 = arith.constant dense<0x7F800000> : vector<256xf32>
    %reduce_min3A_753 = vector.multi_reduction <minimumf>, %select_n3A_742, %reduce_min3A_752 [1] : vector<256x1024xf32> to vector<256xf32>
    %broadcast_in_dim3A_754 = vector.shape_cast %reduce_min3A_753 : vector<256xf32> to vector<256x1xf32>
    %and3A_755 = arith.constant 3 : i32
    %and3A_756 = vector.broadcast %and3A_755 : i32 to vector<256x1024xi32>
    %and3A_757 = arith.andi %select_n3A_751, %and3A_756 : vector<256x1024xi32>
    %shift_left3A_758 = arith.constant 10 : i32
    %shift_left3A_759 = vector.broadcast %shift_left3A_758 : i32 to vector<256x1024xi32>
    %shift_left3A_760 = arith.shli %and3A_757, %shift_left3A_759 : vector<256x1024xi32>
    %or3A_761 = arith.ori %iota3A_532, %shift_left3A_760 : vector<256x1024xi32>
    %eq3A_762 = vector.broadcast %broadcast_in_dim3A_754 : vector<256x1xf32> to vector<256x1024xf32>
    %eq3A_763 = arith.cmpf oeq, %select_n3A_742, %eq3A_762 : vector<256x1024xf32>
    %jit3A_764 = arith.constant 4096 : i32
    %broadcast_in_dim3A_765 = vector.broadcast %jit3A_764 : i32 to vector<256x1024xi32>
    %select_n3A_766 = arith.select %eq3A_763, %or3A_761, %broadcast_in_dim3A_765 : vector<256x1024xi1>, vector<256x1024xi32>
    %reduce_min3A_767 = arith.constant dense<2147483647> : vector<256xi32>
    %reduce_min3A_768 = vector.multi_reduction <minsi>, %select_n3A_766, %reduce_min3A_767 [1] : vector<256x1024xi32> to vector<256xi32>
    %broadcast_in_dim3A_769 = vector.shape_cast %reduce_min3A_768 : vector<256xi32> to vector<256x1xi32>
    %eq3A_770 = vector.broadcast %broadcast_in_dim3A_769 : vector<256x1xi32> to vector<256x1024xi32>
    %eq3A_771 = arith.cmpi eq, %or3A_761, %eq3A_770 : vector<256x1024xi32>
    %select_n3A_772 = arith.select %eq3A_771, %select_n3A_743, %select_n3A_742 : vector<256x1024xi1>, vector<256x1024xf32>
    %select_n3A_773 = arith.select %eq3A_771, %select_n3A_744, %select_n3A_743 : vector<256x1024xi1>, vector<256x1024xf32>
    %select_n3A_774 = arith.select %eq3A_771, %select_n3A_747, %select_n3A_744 : vector<256x1024xi1>, vector<256x1024xf32>
    %jit3A_775 = arith.constant 0x7F800000 : f32
    %broadcast_in_dim3A_776 = vector.broadcast %jit3A_775 : f32 to vector<256x1024xf32>
    %select_n3A_777 = arith.select %eq3A_771, %broadcast_in_dim3A_776, %select_n3A_747 : vector<256x1024xi1>, vector<256x1024xf32>
    %shift_right_arithmetic3A_778 = arith.constant 2 : i32
    %shift_right_arithmetic3A_779 = vector.broadcast %shift_right_arithmetic3A_778 : i32 to vector<256x1024xi32>
    %shift_right_arithmetic3A_780 = arith.shrsi %select_n3A_751, %shift_right_arithmetic3A_779 : vector<256x1024xi32>
    %select_n3A_781 = arith.select %eq3A_771, %shift_right_arithmetic3A_780, %select_n3A_751 : vector<256x1024xi1>, vector<256x1024xi32>
    %reduce_min3A_782 = arith.constant dense<0x7F800000> : vector<256xf32>
    %reduce_min3A_783 = vector.multi_reduction <minimumf>, %select_n3A_772, %reduce_min3A_782 [1] : vector<256x1024xf32> to vector<256xf32>
    %broadcast_in_dim3A_784 = vector.shape_cast %reduce_min3A_783 : vector<256xf32> to vector<256x1xf32>
    %and3A_785 = arith.constant 3 : i32
    %and3A_786 = vector.broadcast %and3A_785 : i32 to vector<256x1024xi32>
    %and3A_787 = arith.andi %select_n3A_781, %and3A_786 : vector<256x1024xi32>
    %shift_left3A_788 = arith.constant 10 : i32
    %shift_left3A_789 = vector.broadcast %shift_left3A_788 : i32 to vector<256x1024xi32>
    %shift_left3A_790 = arith.shli %and3A_787, %shift_left3A_789 : vector<256x1024xi32>
    %or3A_791 = arith.ori %iota3A_532, %shift_left3A_790 : vector<256x1024xi32>
    %eq3A_792 = vector.broadcast %broadcast_in_dim3A_784 : vector<256x1xf32> to vector<256x1024xf32>
    %eq3A_793 = arith.cmpf oeq, %select_n3A_772, %eq3A_792 : vector<256x1024xf32>
    %jit3A_794 = arith.constant 4096 : i32
    %broadcast_in_dim3A_795 = vector.broadcast %jit3A_794 : i32 to vector<256x1024xi32>
    %select_n3A_796 = arith.select %eq3A_793, %or3A_791, %broadcast_in_dim3A_795 : vector<256x1024xi1>, vector<256x1024xi32>
    %reduce_min3A_797 = arith.constant dense<2147483647> : vector<256xi32>
    %reduce_min3A_798 = vector.multi_reduction <minsi>, %select_n3A_796, %reduce_min3A_797 [1] : vector<256x1024xi32> to vector<256xi32>
    %broadcast_in_dim3A_799 = vector.shape_cast %reduce_min3A_798 : vector<256xi32> to vector<256x1xi32>
    %eq3A_800 = vector.broadcast %broadcast_in_dim3A_799 : vector<256x1xi32> to vector<256x1024xi32>
    %eq3A_801 = arith.cmpi eq, %or3A_791, %eq3A_800 : vector<256x1024xi32>
    %select_n3A_802 = arith.select %eq3A_801, %select_n3A_773, %select_n3A_772 : vector<256x1024xi1>, vector<256x1024xf32>
    %select_n3A_803 = arith.select %eq3A_801, %select_n3A_774, %select_n3A_773 : vector<256x1024xi1>, vector<256x1024xf32>
    %select_n3A_804 = arith.select %eq3A_801, %select_n3A_777, %select_n3A_774 : vector<256x1024xi1>, vector<256x1024xf32>
    %jit3A_805 = arith.constant 0x7F800000 : f32
    %broadcast_in_dim3A_806 = vector.broadcast %jit3A_805 : f32 to vector<256x1024xf32>
    %select_n3A_807 = arith.select %eq3A_801, %broadcast_in_dim3A_806, %select_n3A_777 : vector<256x1024xi1>, vector<256x1024xf32>
    %shift_right_arithmetic3A_808 = arith.constant 2 : i32
    %shift_right_arithmetic3A_809 = vector.broadcast %shift_right_arithmetic3A_808 : i32 to vector<256x1024xi32>
    %shift_right_arithmetic3A_810 = arith.shrsi %select_n3A_781, %shift_right_arithmetic3A_809 : vector<256x1024xi32>
    %select_n3A_811 = arith.select %eq3A_801, %shift_right_arithmetic3A_810, %select_n3A_781 : vector<256x1024xi1>, vector<256x1024xi32>
    %reduce_min3A_812 = arith.constant dense<0x7F800000> : vector<256xf32>
    %reduce_min3A_813 = vector.multi_reduction <minimumf>, %select_n3A_802, %reduce_min3A_812 [1] : vector<256x1024xf32> to vector<256xf32>
    %broadcast_in_dim3A_814 = vector.shape_cast %reduce_min3A_813 : vector<256xf32> to vector<256x1xf32>
    %and3A_815 = arith.constant 3 : i32
    %and3A_816 = vector.broadcast %and3A_815 : i32 to vector<256x1024xi32>
    %and3A_817 = arith.andi %select_n3A_811, %and3A_816 : vector<256x1024xi32>
    %shift_left3A_818 = arith.constant 10 : i32
    %shift_left3A_819 = vector.broadcast %shift_left3A_818 : i32 to vector<256x1024xi32>
    %shift_left3A_820 = arith.shli %and3A_817, %shift_left3A_819 : vector<256x1024xi32>
    %or3A_821 = arith.ori %iota3A_532, %shift_left3A_820 : vector<256x1024xi32>
    %eq3A_822 = vector.broadcast %broadcast_in_dim3A_814 : vector<256x1xf32> to vector<256x1024xf32>
    %eq3A_823 = arith.cmpf oeq, %select_n3A_802, %eq3A_822 : vector<256x1024xf32>
    %jit3A_824 = arith.constant 4096 : i32
    %broadcast_in_dim3A_825 = vector.broadcast %jit3A_824 : i32 to vector<256x1024xi32>
    %select_n3A_826 = arith.select %eq3A_823, %or3A_821, %broadcast_in_dim3A_825 : vector<256x1024xi1>, vector<256x1024xi32>
    %reduce_min3A_827 = arith.constant dense<2147483647> : vector<256xi32>
    %reduce_min3A_828 = vector.multi_reduction <minsi>, %select_n3A_826, %reduce_min3A_827 [1] : vector<256x1024xi32> to vector<256xi32>
    %broadcast_in_dim3A_829 = vector.shape_cast %reduce_min3A_828 : vector<256xi32> to vector<256x1xi32>
    %eq3A_830 = vector.broadcast %broadcast_in_dim3A_829 : vector<256x1xi32> to vector<256x1024xi32>
    %eq3A_831 = arith.cmpi eq, %or3A_821, %eq3A_830 : vector<256x1024xi32>
    %select_n3A_832 = arith.select %eq3A_831, %select_n3A_803, %select_n3A_802 : vector<256x1024xi1>, vector<256x1024xf32>
    %select_n3A_833 = arith.select %eq3A_831, %select_n3A_804, %select_n3A_803 : vector<256x1024xi1>, vector<256x1024xf32>
    %select_n3A_834 = arith.select %eq3A_831, %select_n3A_807, %select_n3A_804 : vector<256x1024xi1>, vector<256x1024xf32>
    %jit3A_835 = arith.constant 0x7F800000 : f32
    %broadcast_in_dim3A_836 = vector.broadcast %jit3A_835 : f32 to vector<256x1024xf32>
    %select_n3A_837 = arith.select %eq3A_831, %broadcast_in_dim3A_836, %select_n3A_807 : vector<256x1024xi1>, vector<256x1024xf32>
    %shift_right_arithmetic3A_838 = arith.constant 2 : i32
    %shift_right_arithmetic3A_839 = vector.broadcast %shift_right_arithmetic3A_838 : i32 to vector<256x1024xi32>
    %shift_right_arithmetic3A_840 = arith.shrsi %select_n3A_811, %shift_right_arithmetic3A_839 : vector<256x1024xi32>
    %select_n3A_841 = arith.select %eq3A_831, %shift_right_arithmetic3A_840, %select_n3A_811 : vector<256x1024xi1>, vector<256x1024xi32>
    %reduce_min3A_842 = arith.constant dense<0x7F800000> : vector<256xf32>
    %reduce_min3A_843 = vector.multi_reduction <minimumf>, %select_n3A_832, %reduce_min3A_842 [1] : vector<256x1024xf32> to vector<256xf32>
    %broadcast_in_dim3A_844 = vector.shape_cast %reduce_min3A_843 : vector<256xf32> to vector<256x1xf32>
    %and3A_845 = arith.constant 3 : i32
    %and3A_846 = vector.broadcast %and3A_845 : i32 to vector<256x1024xi32>
    %and3A_847 = arith.andi %select_n3A_841, %and3A_846 : vector<256x1024xi32>
    %shift_left3A_848 = arith.constant 10 : i32
    %shift_left3A_849 = vector.broadcast %shift_left3A_848 : i32 to vector<256x1024xi32>
    %shift_left3A_850 = arith.shli %and3A_847, %shift_left3A_849 : vector<256x1024xi32>
    %or3A_851 = arith.ori %iota3A_532, %shift_left3A_850 : vector<256x1024xi32>
    %eq3A_852 = vector.broadcast %broadcast_in_dim3A_844 : vector<256x1xf32> to vector<256x1024xf32>
    %eq3A_853 = arith.cmpf oeq, %select_n3A_832, %eq3A_852 : vector<256x1024xf32>
    %jit3A_854 = arith.constant 4096 : i32
    %broadcast_in_dim3A_855 = vector.broadcast %jit3A_854 : i32 to vector<256x1024xi32>
    %select_n3A_856 = arith.select %eq3A_853, %or3A_851, %broadcast_in_dim3A_855 : vector<256x1024xi1>, vector<256x1024xi32>
    %reduce_min3A_857 = arith.constant dense<2147483647> : vector<256xi32>
    %reduce_min3A_858 = vector.multi_reduction <minsi>, %select_n3A_856, %reduce_min3A_857 [1] : vector<256x1024xi32> to vector<256xi32>
    %broadcast_in_dim3A_859 = vector.shape_cast %reduce_min3A_858 : vector<256xi32> to vector<256x1xi32>
    %eq3A_860 = vector.broadcast %broadcast_in_dim3A_859 : vector<256x1xi32> to vector<256x1024xi32>
    %eq3A_861 = arith.cmpi eq, %or3A_851, %eq3A_860 : vector<256x1024xi32>
    %select_n3A_862 = arith.select %eq3A_861, %select_n3A_833, %select_n3A_832 : vector<256x1024xi1>, vector<256x1024xf32>
    %select_n3A_863 = arith.select %eq3A_861, %select_n3A_834, %select_n3A_833 : vector<256x1024xi1>, vector<256x1024xf32>
    %select_n3A_864 = arith.select %eq3A_861, %select_n3A_837, %select_n3A_834 : vector<256x1024xi1>, vector<256x1024xf32>
    %jit3A_865 = arith.constant 0x7F800000 : f32
    %broadcast_in_dim3A_866 = vector.broadcast %jit3A_865 : f32 to vector<256x1024xf32>
    %select_n3A_867 = arith.select %eq3A_861, %broadcast_in_dim3A_866, %select_n3A_837 : vector<256x1024xi1>, vector<256x1024xf32>
    %shift_right_arithmetic3A_868 = arith.constant 2 : i32
    %shift_right_arithmetic3A_869 = vector.broadcast %shift_right_arithmetic3A_868 : i32 to vector<256x1024xi32>
    %shift_right_arithmetic3A_870 = arith.shrsi %select_n3A_841, %shift_right_arithmetic3A_869 : vector<256x1024xi32>
    %select_n3A_871 = arith.select %eq3A_861, %shift_right_arithmetic3A_870, %select_n3A_841 : vector<256x1024xi1>, vector<256x1024xi32>
    %reduce_min3A_872 = arith.constant dense<0x7F800000> : vector<256xf32>
    %reduce_min3A_873 = vector.multi_reduction <minimumf>, %select_n3A_862, %reduce_min3A_872 [1] : vector<256x1024xf32> to vector<256xf32>
    %broadcast_in_dim3A_874 = vector.shape_cast %reduce_min3A_873 : vector<256xf32> to vector<256x1xf32>
    %and3A_875 = arith.constant 3 : i32
    %and3A_876 = vector.broadcast %and3A_875 : i32 to vector<256x1024xi32>
    %and3A_877 = arith.andi %select_n3A_871, %and3A_876 : vector<256x1024xi32>
    %shift_left3A_878 = arith.constant 10 : i32
    %shift_left3A_879 = vector.broadcast %shift_left3A_878 : i32 to vector<256x1024xi32>
    %shift_left3A_880 = arith.shli %and3A_877, %shift_left3A_879 : vector<256x1024xi32>
    %or3A_881 = arith.ori %iota3A_532, %shift_left3A_880 : vector<256x1024xi32>
    %eq3A_882 = vector.broadcast %broadcast_in_dim3A_874 : vector<256x1xf32> to vector<256x1024xf32>
    %eq3A_883 = arith.cmpf oeq, %select_n3A_862, %eq3A_882 : vector<256x1024xf32>
    %jit3A_884 = arith.constant 4096 : i32
    %broadcast_in_dim3A_885 = vector.broadcast %jit3A_884 : i32 to vector<256x1024xi32>
    %select_n3A_886 = arith.select %eq3A_883, %or3A_881, %broadcast_in_dim3A_885 : vector<256x1024xi1>, vector<256x1024xi32>
    %reduce_min3A_887 = arith.constant dense<2147483647> : vector<256xi32>
    %reduce_min3A_888 = vector.multi_reduction <minsi>, %select_n3A_886, %reduce_min3A_887 [1] : vector<256x1024xi32> to vector<256xi32>
    %broadcast_in_dim3A_889 = vector.shape_cast %reduce_min3A_888 : vector<256xi32> to vector<256x1xi32>
    %eq3A_890 = vector.broadcast %broadcast_in_dim3A_889 : vector<256x1xi32> to vector<256x1024xi32>
    %eq3A_891 = arith.cmpi eq, %or3A_881, %eq3A_890 : vector<256x1024xi32>
    %select_n3A_892 = arith.select %eq3A_891, %select_n3A_863, %select_n3A_862 : vector<256x1024xi1>, vector<256x1024xf32>
    %select_n3A_893 = arith.select %eq3A_891, %select_n3A_864, %select_n3A_863 : vector<256x1024xi1>, vector<256x1024xf32>
    %select_n3A_894 = arith.select %eq3A_891, %select_n3A_867, %select_n3A_864 : vector<256x1024xi1>, vector<256x1024xf32>
    %jit3A_895 = arith.constant 0x7F800000 : f32
    %broadcast_in_dim3A_896 = vector.broadcast %jit3A_895 : f32 to vector<256x1024xf32>
    %select_n3A_897 = arith.select %eq3A_891, %broadcast_in_dim3A_896, %select_n3A_867 : vector<256x1024xi1>, vector<256x1024xf32>
    %shift_right_arithmetic3A_898 = arith.constant 2 : i32
    %shift_right_arithmetic3A_899 = vector.broadcast %shift_right_arithmetic3A_898 : i32 to vector<256x1024xi32>
    %shift_right_arithmetic3A_900 = arith.shrsi %select_n3A_871, %shift_right_arithmetic3A_899 : vector<256x1024xi32>
    %select_n3A_901 = arith.select %eq3A_891, %shift_right_arithmetic3A_900, %select_n3A_871 : vector<256x1024xi1>, vector<256x1024xi32>
    %reduce_min3A_902 = arith.constant dense<0x7F800000> : vector<256xf32>
    %reduce_min3A_903 = vector.multi_reduction <minimumf>, %select_n3A_892, %reduce_min3A_902 [1] : vector<256x1024xf32> to vector<256xf32>
    %broadcast_in_dim3A_904 = vector.shape_cast %reduce_min3A_903 : vector<256xf32> to vector<256x1xf32>
    %and3A_905 = arith.constant 3 : i32
    %and3A_906 = vector.broadcast %and3A_905 : i32 to vector<256x1024xi32>
    %and3A_907 = arith.andi %select_n3A_901, %and3A_906 : vector<256x1024xi32>
    %shift_left3A_908 = arith.constant 10 : i32
    %shift_left3A_909 = vector.broadcast %shift_left3A_908 : i32 to vector<256x1024xi32>
    %shift_left3A_910 = arith.shli %and3A_907, %shift_left3A_909 : vector<256x1024xi32>
    %or3A_911 = arith.ori %iota3A_532, %shift_left3A_910 : vector<256x1024xi32>
    %eq3A_912 = vector.broadcast %broadcast_in_dim3A_904 : vector<256x1xf32> to vector<256x1024xf32>
    %eq3A_913 = arith.cmpf oeq, %select_n3A_892, %eq3A_912 : vector<256x1024xf32>
    %jit3A_914 = arith.constant 4096 : i32
    %broadcast_in_dim3A_915 = vector.broadcast %jit3A_914 : i32 to vector<256x1024xi32>
    %select_n3A_916 = arith.select %eq3A_913, %or3A_911, %broadcast_in_dim3A_915 : vector<256x1024xi1>, vector<256x1024xi32>
    %reduce_min3A_917 = arith.constant dense<2147483647> : vector<256xi32>
    %reduce_min3A_918 = vector.multi_reduction <minsi>, %select_n3A_916, %reduce_min3A_917 [1] : vector<256x1024xi32> to vector<256xi32>
    %broadcast_in_dim3A_919 = vector.shape_cast %reduce_min3A_918 : vector<256xi32> to vector<256x1xi32>
    %eq3A_920 = vector.broadcast %broadcast_in_dim3A_919 : vector<256x1xi32> to vector<256x1024xi32>
    %eq3A_921 = arith.cmpi eq, %or3A_911, %eq3A_920 : vector<256x1024xi32>
    %select_n3A_922 = arith.select %eq3A_921, %select_n3A_893, %select_n3A_892 : vector<256x1024xi1>, vector<256x1024xf32>
    %select_n3A_923 = arith.select %eq3A_921, %select_n3A_894, %select_n3A_893 : vector<256x1024xi1>, vector<256x1024xf32>
    %select_n3A_924 = arith.select %eq3A_921, %select_n3A_897, %select_n3A_894 : vector<256x1024xi1>, vector<256x1024xf32>
    %jit3A_925 = arith.constant 0x7F800000 : f32
    %broadcast_in_dim3A_926 = vector.broadcast %jit3A_925 : f32 to vector<256x1024xf32>
    %select_n3A_927 = arith.select %eq3A_921, %broadcast_in_dim3A_926, %select_n3A_897 : vector<256x1024xi1>, vector<256x1024xf32>
    %shift_right_arithmetic3A_928 = arith.constant 2 : i32
    %shift_right_arithmetic3A_929 = vector.broadcast %shift_right_arithmetic3A_928 : i32 to vector<256x1024xi32>
    %shift_right_arithmetic3A_930 = arith.shrsi %select_n3A_901, %shift_right_arithmetic3A_929 : vector<256x1024xi32>
    %select_n3A_931 = arith.select %eq3A_921, %shift_right_arithmetic3A_930, %select_n3A_901 : vector<256x1024xi1>, vector<256x1024xi32>
    %reduce_min3A_932 = arith.constant dense<0x7F800000> : vector<256xf32>
    %reduce_min3A_933 = vector.multi_reduction <minimumf>, %select_n3A_922, %reduce_min3A_932 [1] : vector<256x1024xf32> to vector<256xf32>
    %broadcast_in_dim3A_934 = vector.shape_cast %reduce_min3A_933 : vector<256xf32> to vector<256x1xf32>
    %and3A_935 = arith.constant 3 : i32
    %and3A_936 = vector.broadcast %and3A_935 : i32 to vector<256x1024xi32>
    %and3A_937 = arith.andi %select_n3A_931, %and3A_936 : vector<256x1024xi32>
    %shift_left3A_938 = arith.constant 10 : i32
    %shift_left3A_939 = vector.broadcast %shift_left3A_938 : i32 to vector<256x1024xi32>
    %shift_left3A_940 = arith.shli %and3A_937, %shift_left3A_939 : vector<256x1024xi32>
    %or3A_941 = arith.ori %iota3A_532, %shift_left3A_940 : vector<256x1024xi32>
    %eq3A_942 = vector.broadcast %broadcast_in_dim3A_934 : vector<256x1xf32> to vector<256x1024xf32>
    %eq3A_943 = arith.cmpf oeq, %select_n3A_922, %eq3A_942 : vector<256x1024xf32>
    %jit3A_944 = arith.constant 4096 : i32
    %broadcast_in_dim3A_945 = vector.broadcast %jit3A_944 : i32 to vector<256x1024xi32>
    %select_n3A_946 = arith.select %eq3A_943, %or3A_941, %broadcast_in_dim3A_945 : vector<256x1024xi1>, vector<256x1024xi32>
    %reduce_min3A_947 = arith.constant dense<2147483647> : vector<256xi32>
    %reduce_min3A_948 = vector.multi_reduction <minsi>, %select_n3A_946, %reduce_min3A_947 [1] : vector<256x1024xi32> to vector<256xi32>
    %broadcast_in_dim3A_949 = vector.shape_cast %reduce_min3A_948 : vector<256xi32> to vector<256x1xi32>
    %eq3A_950 = vector.broadcast %broadcast_in_dim3A_949 : vector<256x1xi32> to vector<256x1024xi32>
    %eq3A_951 = arith.cmpi eq, %or3A_941, %eq3A_950 : vector<256x1024xi32>
    %select_n3A_952 = arith.select %eq3A_951, %select_n3A_923, %select_n3A_922 : vector<256x1024xi1>, vector<256x1024xf32>
    %select_n3A_953 = arith.select %eq3A_951, %select_n3A_924, %select_n3A_923 : vector<256x1024xi1>, vector<256x1024xf32>
    %select_n3A_954 = arith.select %eq3A_951, %select_n3A_927, %select_n3A_924 : vector<256x1024xi1>, vector<256x1024xf32>
    %jit3A_955 = arith.constant 0x7F800000 : f32
    %broadcast_in_dim3A_956 = vector.broadcast %jit3A_955 : f32 to vector<256x1024xf32>
    %select_n3A_957 = arith.select %eq3A_951, %broadcast_in_dim3A_956, %select_n3A_927 : vector<256x1024xi1>, vector<256x1024xf32>
    %shift_right_arithmetic3A_958 = arith.constant 2 : i32
    %shift_right_arithmetic3A_959 = vector.broadcast %shift_right_arithmetic3A_958 : i32 to vector<256x1024xi32>
    %shift_right_arithmetic3A_960 = arith.shrsi %select_n3A_931, %shift_right_arithmetic3A_959 : vector<256x1024xi32>
    %select_n3A_961 = arith.select %eq3A_951, %shift_right_arithmetic3A_960, %select_n3A_931 : vector<256x1024xi1>, vector<256x1024xi32>
    %reduce_min3A_962 = arith.constant dense<0x7F800000> : vector<256xf32>
    %reduce_min3A_963 = vector.multi_reduction <minimumf>, %select_n3A_952, %reduce_min3A_962 [1] : vector<256x1024xf32> to vector<256xf32>
    %broadcast_in_dim3A_964 = vector.shape_cast %reduce_min3A_963 : vector<256xf32> to vector<256x1xf32>
    %and3A_965 = arith.constant 3 : i32
    %and3A_966 = vector.broadcast %and3A_965 : i32 to vector<256x1024xi32>
    %and3A_967 = arith.andi %select_n3A_961, %and3A_966 : vector<256x1024xi32>
    %shift_left3A_968 = arith.constant 10 : i32
    %shift_left3A_969 = vector.broadcast %shift_left3A_968 : i32 to vector<256x1024xi32>
    %shift_left3A_970 = arith.shli %and3A_967, %shift_left3A_969 : vector<256x1024xi32>
    %or3A_971 = arith.ori %iota3A_532, %shift_left3A_970 : vector<256x1024xi32>
    %eq3A_972 = vector.broadcast %broadcast_in_dim3A_964 : vector<256x1xf32> to vector<256x1024xf32>
    %eq3A_973 = arith.cmpf oeq, %select_n3A_952, %eq3A_972 : vector<256x1024xf32>
    %jit3A_974 = arith.constant 4096 : i32
    %broadcast_in_dim3A_975 = vector.broadcast %jit3A_974 : i32 to vector<256x1024xi32>
    %select_n3A_976 = arith.select %eq3A_973, %or3A_971, %broadcast_in_dim3A_975 : vector<256x1024xi1>, vector<256x1024xi32>
    %reduce_min3A_977 = arith.constant dense<2147483647> : vector<256xi32>
    %reduce_min3A_978 = vector.multi_reduction <minsi>, %select_n3A_976, %reduce_min3A_977 [1] : vector<256x1024xi32> to vector<256xi32>
    %broadcast_in_dim3A_979 = vector.shape_cast %reduce_min3A_978 : vector<256xi32> to vector<256x1xi32>
    %eq3A_980 = vector.broadcast %broadcast_in_dim3A_979 : vector<256x1xi32> to vector<256x1024xi32>
    %eq3A_981 = arith.cmpi eq, %or3A_971, %eq3A_980 : vector<256x1024xi32>
    %select_n3A_982 = arith.select %eq3A_981, %select_n3A_953, %select_n3A_952 : vector<256x1024xi1>, vector<256x1024xf32>
    %select_n3A_983 = arith.select %eq3A_981, %select_n3A_954, %select_n3A_953 : vector<256x1024xi1>, vector<256x1024xf32>
    %select_n3A_984 = arith.select %eq3A_981, %select_n3A_957, %select_n3A_954 : vector<256x1024xi1>, vector<256x1024xf32>
    %shift_right_arithmetic3A_985 = arith.constant 2 : i32
    %shift_right_arithmetic3A_986 = vector.broadcast %shift_right_arithmetic3A_985 : i32 to vector<256x1024xi32>
    %shift_right_arithmetic3A_987 = arith.shrsi %select_n3A_961, %shift_right_arithmetic3A_986 : vector<256x1024xi32>
    %select_n3A_988 = arith.select %eq3A_981, %shift_right_arithmetic3A_987, %select_n3A_961 : vector<256x1024xi1>, vector<256x1024xi32>
    %reduce_min3A_989 = arith.constant dense<0x7F800000> : vector<256xf32>
    %reduce_min3A_990 = vector.multi_reduction <minimumf>, %select_n3A_982, %reduce_min3A_989 [1] : vector<256x1024xf32> to vector<256xf32>
    %broadcast_in_dim3A_991 = vector.shape_cast %reduce_min3A_990 : vector<256xf32> to vector<256x1xf32>
    %and3A_992 = arith.constant 3 : i32
    %and3A_993 = vector.broadcast %and3A_992 : i32 to vector<256x1024xi32>
    %and3A_994 = arith.andi %select_n3A_988, %and3A_993 : vector<256x1024xi32>
    %shift_left3A_995 = arith.constant 10 : i32
    %shift_left3A_996 = vector.broadcast %shift_left3A_995 : i32 to vector<256x1024xi32>
    %shift_left3A_997 = arith.shli %and3A_994, %shift_left3A_996 : vector<256x1024xi32>
    %or3A_998 = arith.ori %iota3A_532, %shift_left3A_997 : vector<256x1024xi32>
    %eq3A_999 = vector.broadcast %broadcast_in_dim3A_991 : vector<256x1xf32> to vector<256x1024xf32>
    %eq3A_1000 = arith.cmpf oeq, %select_n3A_982, %eq3A_999 : vector<256x1024xf32>
    %jit3A_1001 = arith.constant 4096 : i32
    %broadcast_in_dim3A_1002 = vector.broadcast %jit3A_1001 : i32 to vector<256x1024xi32>
    %select_n3A_1003 = arith.select %eq3A_1000, %or3A_998, %broadcast_in_dim3A_1002 : vector<256x1024xi1>, vector<256x1024xi32>
    %reduce_min3A_1004 = arith.constant dense<2147483647> : vector<256xi32>
    %reduce_min3A_1005 = vector.multi_reduction <minsi>, %select_n3A_1003, %reduce_min3A_1004 [1] : vector<256x1024xi32> to vector<256xi32>
    %broadcast_in_dim3A_1006 = vector.shape_cast %reduce_min3A_1005 : vector<256xi32> to vector<256x1xi32>
    %eq3A_1007 = vector.broadcast %broadcast_in_dim3A_1006 : vector<256x1xi32> to vector<256x1024xi32>
    %eq3A_1008 = arith.cmpi eq, %or3A_998, %eq3A_1007 : vector<256x1024xi32>
    %select_n3A_1009 = arith.select %eq3A_1008, %select_n3A_983, %select_n3A_982 : vector<256x1024xi1>, vector<256x1024xf32>
    %select_n3A_1010 = arith.select %eq3A_1008, %select_n3A_984, %select_n3A_983 : vector<256x1024xi1>, vector<256x1024xf32>
    %shift_right_arithmetic3A_1011 = arith.constant 2 : i32
    %shift_right_arithmetic3A_1012 = vector.broadcast %shift_right_arithmetic3A_1011 : i32 to vector<256x1024xi32>
    %shift_right_arithmetic3A_1013 = arith.shrsi %select_n3A_988, %shift_right_arithmetic3A_1012 : vector<256x1024xi32>
    %select_n3A_1014 = arith.select %eq3A_1008, %shift_right_arithmetic3A_1013, %select_n3A_988 : vector<256x1024xi1>, vector<256x1024xi32>
    %reduce_min3A_1015 = arith.constant dense<0x7F800000> : vector<256xf32>
    %reduce_min3A_1016 = vector.multi_reduction <minimumf>, %select_n3A_1009, %reduce_min3A_1015 [1] : vector<256x1024xf32> to vector<256xf32>
    %broadcast_in_dim3A_1017 = vector.shape_cast %reduce_min3A_1016 : vector<256xf32> to vector<256x1xf32>
    %and3A_1018 = arith.constant 3 : i32
    %and3A_1019 = vector.broadcast %and3A_1018 : i32 to vector<256x1024xi32>
    %and3A_1020 = arith.andi %select_n3A_1014, %and3A_1019 : vector<256x1024xi32>
    %shift_left3A_1021 = arith.constant 10 : i32
    %shift_left3A_1022 = vector.broadcast %shift_left3A_1021 : i32 to vector<256x1024xi32>
    %shift_left3A_1023 = arith.shli %and3A_1020, %shift_left3A_1022 : vector<256x1024xi32>
    %or3A_1024 = arith.ori %iota3A_532, %shift_left3A_1023 : vector<256x1024xi32>
    %eq3A_1025 = vector.broadcast %broadcast_in_dim3A_1017 : vector<256x1xf32> to vector<256x1024xf32>
    %eq3A_1026 = arith.cmpf oeq, %select_n3A_1009, %eq3A_1025 : vector<256x1024xf32>
    %jit3A_1027 = arith.constant 4096 : i32
    %broadcast_in_dim3A_1028 = vector.broadcast %jit3A_1027 : i32 to vector<256x1024xi32>
    %select_n3A_1029 = arith.select %eq3A_1026, %or3A_1024, %broadcast_in_dim3A_1028 : vector<256x1024xi1>, vector<256x1024xi32>
    %reduce_min3A_1030 = arith.constant dense<2147483647> : vector<256xi32>
    %reduce_min3A_1031 = vector.multi_reduction <minsi>, %select_n3A_1029, %reduce_min3A_1030 [1] : vector<256x1024xi32> to vector<256xi32>
    %broadcast_in_dim3A_1032 = vector.shape_cast %reduce_min3A_1031 : vector<256xi32> to vector<256x1xi32>
    %eq3A_1033 = vector.broadcast %broadcast_in_dim3A_1032 : vector<256x1xi32> to vector<256x1024xi32>
    %eq3A_1034 = arith.cmpi eq, %or3A_1024, %eq3A_1033 : vector<256x1024xi32>
    %select_n3A_1035 = arith.select %eq3A_1034, %select_n3A_1010, %select_n3A_1009 : vector<256x1024xi1>, vector<256x1024xf32>
    %shift_right_arithmetic3A_1036 = arith.constant 2 : i32
    %shift_right_arithmetic3A_1037 = vector.broadcast %shift_right_arithmetic3A_1036 : i32 to vector<256x1024xi32>
    %shift_right_arithmetic3A_1038 = arith.shrsi %select_n3A_1014, %shift_right_arithmetic3A_1037 : vector<256x1024xi32>
    %select_n3A_1039 = arith.select %eq3A_1034, %shift_right_arithmetic3A_1038, %select_n3A_1014 : vector<256x1024xi1>, vector<256x1024xi32>
    %reduce_min3A_1040 = arith.constant dense<0x7F800000> : vector<256xf32>
    %reduce_min3A_1041 = vector.multi_reduction <minimumf>, %select_n3A_1035, %reduce_min3A_1040 [1] : vector<256x1024xf32> to vector<256xf32>
    %broadcast_in_dim3A_1042 = vector.shape_cast %reduce_min3A_1041 : vector<256xf32> to vector<256x1xf32>
    %and3A_1043 = arith.constant 3 : i32
    %and3A_1044 = vector.broadcast %and3A_1043 : i32 to vector<256x1024xi32>
    %and3A_1045 = arith.andi %select_n3A_1039, %and3A_1044 : vector<256x1024xi32>
    %shift_left3A_1046 = arith.constant 10 : i32
    %shift_left3A_1047 = vector.broadcast %shift_left3A_1046 : i32 to vector<256x1024xi32>
    %shift_left3A_1048 = arith.shli %and3A_1045, %shift_left3A_1047 : vector<256x1024xi32>
    %or3A_1049 = arith.ori %iota3A_532, %shift_left3A_1048 : vector<256x1024xi32>
    %eq3A_1050 = vector.broadcast %broadcast_in_dim3A_1042 : vector<256x1xf32> to vector<256x1024xf32>
    %eq3A_1051 = arith.cmpf oeq, %select_n3A_1035, %eq3A_1050 : vector<256x1024xf32>
    %jit3A_1052 = arith.constant 4096 : i32
    %broadcast_in_dim3A_1053 = vector.broadcast %jit3A_1052 : i32 to vector<256x1024xi32>
    %select_n3A_1054 = arith.select %eq3A_1051, %or3A_1049, %broadcast_in_dim3A_1053 : vector<256x1024xi1>, vector<256x1024xi32>
    %reduce_min3A_1055 = arith.constant dense<2147483647> : vector<256xi32>
    %reduce_min3A_1056 = vector.multi_reduction <minsi>, %select_n3A_1054, %reduce_min3A_1055 [1] : vector<256x1024xi32> to vector<256xi32>
    %broadcast_in_dim3A_1057 = vector.shape_cast %reduce_min3A_1056 : vector<256xi32> to vector<256x1xi32>
    %concatenate3A_1058 = tpu.concatenate %broadcast_in_dim3A_619, %broadcast_in_dim3A_649, %broadcast_in_dim3A_679, %broadcast_in_dim3A_709, %broadcast_in_dim3A_739, %broadcast_in_dim3A_769, %broadcast_in_dim3A_799, %broadcast_in_dim3A_829, %broadcast_in_dim3A_859, %broadcast_in_dim3A_889, %broadcast_in_dim3A_919, %broadcast_in_dim3A_949, %broadcast_in_dim3A_979, %broadcast_in_dim3A_1006, %broadcast_in_dim3A_1032, %broadcast_in_dim3A_1057 in 1 : vector<256x1xi32>, vector<256x1xi32>, vector<256x1xi32>, vector<256x1xi32>, vector<256x1xi32>, vector<256x1xi32>, vector<256x1xi32>, vector<256x1xi32>, vector<256x1xi32>, vector<256x1xi32>, vector<256x1xi32>, vector<256x1xi32>, vector<256x1xi32>, vector<256x1xi32>, vector<256x1xi32>, vector<256x1xi32> -> vector<256x16xi32>
    %concatenate3A_1059 = tpu.concatenate %concatenate3A, %concatenate3A_1058 in 0 : vector<256x16xi32>, vector<256x16xi32> -> vector<512x16xi32>
    %swap3A = arith.constant 0 : index
    %swap3A_1060 = arith.constant 0 : index
    %swap3A_1061 = vector.load %arg5[%swap3A, %swap3A_1060] : memref<512x16xi32, #tpu.memory_space<vmem>>, vector<512x16xi32>
    tpu.vector_store %arg5[%swap3A, %swap3A_1060], %concatenate3A_1059 {strides = array<i32>} : memref<512x16xi32, #tpu.memory_space<vmem>>, vector<512x16xi32>,
    return
  }
  func.func @transform_0(%arg0: i32) -> (i32, i32) {
    %c0_i32 = arith.constant 0 : i32
    %c0_i32_0 = arith.constant 0 : i32
    return %arg0, %c0_i32 : i32, i32
  }
  func.func @transform_1(%arg0: i32) -> (i32, i32) {
    %c0_i32 = arith.constant 0 : i32
    %c0_i32_0 = arith.constant 0 : i32
    %c0_i32_1 = arith.constant 0 : i32
    return %c0_i32, %c0_i32_0 : i32, i32
  }
  func.func @transform_2(%arg0: i32) -> (i32, i32) {
    %c0_i32 = arith.constant 0 : i32
    %c0_i32_0 = arith.constant 0 : i32
    return %arg0, %c0_i32 : i32, i32
  }
  func.func @transform_3(%arg0: i32) -> (i32, i32) {
    %c0_i32 = arith.constant 0 : i32
    %c0_i32_0 = arith.constant 0 : i32
    %c0_i32_1 = arith.constant 0 : i32
    return %c0_i32, %c0_i32_0 : i32, i32
  }
  func.func @transform_4(%arg0: i32) -> (i32, i32) {
    %c0_i32 = arith.constant 0 : i32
    %c0_i32_0 = arith.constant 0 : i32
    return %arg0, %c0_i32 : i32, i32
  }
}

module attributes {stable_mosaic.version = 14 : i64} {
  func.func @_edge_body(%arg0: i32, %arg1: memref<512x128xf32, #tpu.memory_space<vmem>>, %arg2: memref<16x512x128xf32, #tpu.memory_space<vmem>>, %arg3: memref<128x128xf32, #tpu.memory_space<vmem>>, %arg4: memref<128x128xf32, #tpu.memory_space<vmem>>, %arg5: memref<1x128xf32, #tpu.memory_space<vmem>>, %arg6: memref<512x128xf32, #tpu.memory_space<vmem>>, %arg7: memref<512x128xf32, #tpu.memory_space<vmem>>) attributes {dimension_semantics = [#tpu.dimension_semantics<arbitrary>], iteration_bounds = array<i64: 4>, scalar_prefetch = 0 : i64, scratch_operands = 0 : i64, tpu.core_type = #tpu.core_type<tc>, window_params = [{transform_indices = @transform_0, window_bounds = array<i64: 512, 128>}, {transform_indices = @transform_1, window_bounds = array<i64: 16, 512, 128>}, {pipeline_mode = #tpu.pipeline_mode<synchronous>, transform_indices = @transform_2, window_bounds = array<i64: 128, 128>}, {pipeline_mode = #tpu.pipeline_mode<synchronous>, transform_indices = @transform_3, window_bounds = array<i64: 128, 128>}, {pipeline_mode = #tpu.pipeline_mode<synchronous>, transform_indices = @transform_4, window_bounds = array<i64: 1, 128>}, {transform_indices = @transform_5, window_bounds = array<i64: 512, 128>}, {transform_indices = @transform_6, window_bounds = array<i64: 512, 128>}]} {
    %get3A = arith.constant 0 : index
    %get3A_0 = arith.constant 0 : index
    %get3A_1 = vector.load %arg1[%get3A, %get3A_0] : memref<512x128xf32, #tpu.memory_space<vmem>>, vector<512x128xf32>
    %get3A_2 = arith.constant 0 : index
    %get3A_3 = arith.constant 0 : index
    %get3A_4 = vector.load %arg3[%get3A_2, %get3A_3] : memref<128x128xf32, #tpu.memory_space<vmem>>, vector<128x128xf32>
    %dot_general3A = arith.constant dense<0.000000e+00> : vector<512x128xf32>
    %dot_general3A_5 = tpu.matmul %get3A_1, %get3A_4, %dot_general3A {dimension_numbers = #tpu.dot_dimension_numbers<[1], [0], [0], [1], [0, 0, 1, 1], [], []>, transpose_lhs_hint = false} : vector<512x128xf32>, vector<128x128xf32>, vector<512x128xf32> -> vector<512x128xf32>
    %get3A_6 = arith.constant 0 : index
    %get3A_7 = arith.constant 0 : index
    %get3A_8 = vector.load %arg5[%get3A_6, %get3A_7] : memref<1x128xf32, #tpu.memory_space<vmem>>, vector<1x128xf32>
    %add3A = vector.broadcast %get3A_8 : vector<1x128xf32> to vector<512x128xf32>
    %add3A_9 = arith.addf %dot_general3A_5, %add3A : vector<512x128xf32>
    %get3A_10 = arith.constant 0 : index
    %get3A_11 = arith.constant 0 : index
    %get3A_12 = arith.constant 0 : index
    %get3A_13 = vector.load %arg2[%get3A_10, %get3A_11, %get3A_12] : memref<16x512x128xf32, #tpu.memory_space<vmem>>, vector<1x512x128xf32>
    %get3A_14 = vector.shape_cast %get3A_13 : vector<1x512x128xf32> to vector<512x128xf32>
    %sub3A = arith.subf %get3A_14, %get3A_1 : vector<512x128xf32>
    %get3A_15 = arith.constant 0 : index
    %get3A_16 = arith.constant 0 : index
    %get3A_17 = vector.load %arg4[%get3A_15, %get3A_16] : memref<128x128xf32, #tpu.memory_space<vmem>>, vector<128x128xf32>
    %dot_general3A_18 = arith.constant dense<0.000000e+00> : vector<512x128xf32>
    %dot_general3A_19 = tpu.matmul %sub3A, %get3A_17, %dot_general3A_18 {dimension_numbers = #tpu.dot_dimension_numbers<[1], [0], [0], [1], [0, 0, 1, 1], [], []>, transpose_lhs_hint = false} : vector<512x128xf32>, vector<128x128xf32>, vector<512x128xf32> -> vector<512x128xf32>
    %add3A_20 = arith.addf %add3A_9, %dot_general3A_19 : vector<512x128xf32>
    %max3A = arith.constant 0.000000e+00 : f32
    %max3A_21 = vector.broadcast %max3A : f32 to vector<512x128xf32>
    %max3A_22 = arith.maximumf %add3A_20, %max3A_21 : vector<512x128xf32>
    %get3A_23 = arith.constant 1 : index
    %get3A_24 = arith.constant 0 : index
    %get3A_25 = arith.constant 0 : index
    %get3A_26 = vector.load %arg2[%get3A_23, %get3A_24, %get3A_25] : memref<16x512x128xf32, #tpu.memory_space<vmem>>, vector<1x512x128xf32>
    %get3A_27 = vector.shape_cast %get3A_26 : vector<1x512x128xf32> to vector<512x128xf32>
    %sub3A_28 = arith.subf %get3A_27, %get3A_1 : vector<512x128xf32>
    %get3A_29 = arith.constant 0 : index
    %get3A_30 = arith.constant 0 : index
    %get3A_31 = vector.load %arg4[%get3A_29, %get3A_30] : memref<128x128xf32, #tpu.memory_space<vmem>>, vector<128x128xf32>
    %dot_general3A_32 = arith.constant dense<0.000000e+00> : vector<512x128xf32>
    %dot_general3A_33 = tpu.matmul %sub3A_28, %get3A_31, %dot_general3A_32 {dimension_numbers = #tpu.dot_dimension_numbers<[1], [0], [0], [1], [0, 0, 1, 1], [], []>, transpose_lhs_hint = false} : vector<512x128xf32>, vector<128x128xf32>, vector<512x128xf32> -> vector<512x128xf32>
    %add3A_34 = arith.addf %add3A_9, %dot_general3A_33 : vector<512x128xf32>
    %max3A_35 = arith.constant 0.000000e+00 : f32
    %max3A_36 = vector.broadcast %max3A_35 : f32 to vector<512x128xf32>
    %max3A_37 = arith.maximumf %add3A_34, %max3A_36 : vector<512x128xf32>
    %max3A_38 = arith.maximumf %max3A_22, %max3A_37 : vector<512x128xf32>
    %get3A_39 = arith.constant 2 : index
    %get3A_40 = arith.constant 0 : index
    %get3A_41 = arith.constant 0 : index
    %get3A_42 = vector.load %arg2[%get3A_39, %get3A_40, %get3A_41] : memref<16x512x128xf32, #tpu.memory_space<vmem>>, vector<1x512x128xf32>
    %get3A_43 = vector.shape_cast %get3A_42 : vector<1x512x128xf32> to vector<512x128xf32>
    %sub3A_44 = arith.subf %get3A_43, %get3A_1 : vector<512x128xf32>
    %get3A_45 = arith.constant 0 : index
    %get3A_46 = arith.constant 0 : index
    %get3A_47 = vector.load %arg4[%get3A_45, %get3A_46] : memref<128x128xf32, #tpu.memory_space<vmem>>, vector<128x128xf32>
    %dot_general3A_48 = arith.constant dense<0.000000e+00> : vector<512x128xf32>
    %dot_general3A_49 = tpu.matmul %sub3A_44, %get3A_47, %dot_general3A_48 {dimension_numbers = #tpu.dot_dimension_numbers<[1], [0], [0], [1], [0, 0, 1, 1], [], []>, transpose_lhs_hint = false} : vector<512x128xf32>, vector<128x128xf32>, vector<512x128xf32> -> vector<512x128xf32>
    %add3A_50 = arith.addf %add3A_9, %dot_general3A_49 : vector<512x128xf32>
    %max3A_51 = arith.constant 0.000000e+00 : f32
    %max3A_52 = vector.broadcast %max3A_51 : f32 to vector<512x128xf32>
    %max3A_53 = arith.maximumf %add3A_50, %max3A_52 : vector<512x128xf32>
    %max3A_54 = arith.maximumf %max3A_38, %max3A_53 : vector<512x128xf32>
    %get3A_55 = arith.constant 3 : index
    %get3A_56 = arith.constant 0 : index
    %get3A_57 = arith.constant 0 : index
    %get3A_58 = vector.load %arg2[%get3A_55, %get3A_56, %get3A_57] : memref<16x512x128xf32, #tpu.memory_space<vmem>>, vector<1x512x128xf32>
    %get3A_59 = vector.shape_cast %get3A_58 : vector<1x512x128xf32> to vector<512x128xf32>
    %sub3A_60 = arith.subf %get3A_59, %get3A_1 : vector<512x128xf32>
    %get3A_61 = arith.constant 0 : index
    %get3A_62 = arith.constant 0 : index
    %get3A_63 = vector.load %arg4[%get3A_61, %get3A_62] : memref<128x128xf32, #tpu.memory_space<vmem>>, vector<128x128xf32>
    %dot_general3A_64 = arith.constant dense<0.000000e+00> : vector<512x128xf32>
    %dot_general3A_65 = tpu.matmul %sub3A_60, %get3A_63, %dot_general3A_64 {dimension_numbers = #tpu.dot_dimension_numbers<[1], [0], [0], [1], [0, 0, 1, 1], [], []>, transpose_lhs_hint = false} : vector<512x128xf32>, vector<128x128xf32>, vector<512x128xf32> -> vector<512x128xf32>
    %add3A_66 = arith.addf %add3A_9, %dot_general3A_65 : vector<512x128xf32>
    %max3A_67 = arith.constant 0.000000e+00 : f32
    %max3A_68 = vector.broadcast %max3A_67 : f32 to vector<512x128xf32>
    %max3A_69 = arith.maximumf %add3A_66, %max3A_68 : vector<512x128xf32>
    %max3A_70 = arith.maximumf %max3A_54, %max3A_69 : vector<512x128xf32>
    %get3A_71 = arith.constant 4 : index
    %get3A_72 = arith.constant 0 : index
    %get3A_73 = arith.constant 0 : index
    %get3A_74 = vector.load %arg2[%get3A_71, %get3A_72, %get3A_73] : memref<16x512x128xf32, #tpu.memory_space<vmem>>, vector<1x512x128xf32>
    %get3A_75 = vector.shape_cast %get3A_74 : vector<1x512x128xf32> to vector<512x128xf32>
    %sub3A_76 = arith.subf %get3A_75, %get3A_1 : vector<512x128xf32>
    %get3A_77 = arith.constant 0 : index
    %get3A_78 = arith.constant 0 : index
    %get3A_79 = vector.load %arg4[%get3A_77, %get3A_78] : memref<128x128xf32, #tpu.memory_space<vmem>>, vector<128x128xf32>
    %dot_general3A_80 = arith.constant dense<0.000000e+00> : vector<512x128xf32>
    %dot_general3A_81 = tpu.matmul %sub3A_76, %get3A_79, %dot_general3A_80 {dimension_numbers = #tpu.dot_dimension_numbers<[1], [0], [0], [1], [0, 0, 1, 1], [], []>, transpose_lhs_hint = false} : vector<512x128xf32>, vector<128x128xf32>, vector<512x128xf32> -> vector<512x128xf32>
    %add3A_82 = arith.addf %add3A_9, %dot_general3A_81 : vector<512x128xf32>
    %max3A_83 = arith.constant 0.000000e+00 : f32
    %max3A_84 = vector.broadcast %max3A_83 : f32 to vector<512x128xf32>
    %max3A_85 = arith.maximumf %add3A_82, %max3A_84 : vector<512x128xf32>
    %max3A_86 = arith.maximumf %max3A_70, %max3A_85 : vector<512x128xf32>
    %get3A_87 = arith.constant 5 : index
    %get3A_88 = arith.constant 0 : index
    %get3A_89 = arith.constant 0 : index
    %get3A_90 = vector.load %arg2[%get3A_87, %get3A_88, %get3A_89] : memref<16x512x128xf32, #tpu.memory_space<vmem>>, vector<1x512x128xf32>
    %get3A_91 = vector.shape_cast %get3A_90 : vector<1x512x128xf32> to vector<512x128xf32>
    %sub3A_92 = arith.subf %get3A_91, %get3A_1 : vector<512x128xf32>
    %get3A_93 = arith.constant 0 : index
    %get3A_94 = arith.constant 0 : index
    %get3A_95 = vector.load %arg4[%get3A_93, %get3A_94] : memref<128x128xf32, #tpu.memory_space<vmem>>, vector<128x128xf32>
    %dot_general3A_96 = arith.constant dense<0.000000e+00> : vector<512x128xf32>
    %dot_general3A_97 = tpu.matmul %sub3A_92, %get3A_95, %dot_general3A_96 {dimension_numbers = #tpu.dot_dimension_numbers<[1], [0], [0], [1], [0, 0, 1, 1], [], []>, transpose_lhs_hint = false} : vector<512x128xf32>, vector<128x128xf32>, vector<512x128xf32> -> vector<512x128xf32>
    %add3A_98 = arith.addf %add3A_9, %dot_general3A_97 : vector<512x128xf32>
    %max3A_99 = arith.constant 0.000000e+00 : f32
    %max3A_100 = vector.broadcast %max3A_99 : f32 to vector<512x128xf32>
    %max3A_101 = arith.maximumf %add3A_98, %max3A_100 : vector<512x128xf32>
    %max3A_102 = arith.maximumf %max3A_86, %max3A_101 : vector<512x128xf32>
    %get3A_103 = arith.constant 6 : index
    %get3A_104 = arith.constant 0 : index
    %get3A_105 = arith.constant 0 : index
    %get3A_106 = vector.load %arg2[%get3A_103, %get3A_104, %get3A_105] : memref<16x512x128xf32, #tpu.memory_space<vmem>>, vector<1x512x128xf32>
    %get3A_107 = vector.shape_cast %get3A_106 : vector<1x512x128xf32> to vector<512x128xf32>
    %sub3A_108 = arith.subf %get3A_107, %get3A_1 : vector<512x128xf32>
    %get3A_109 = arith.constant 0 : index
    %get3A_110 = arith.constant 0 : index
    %get3A_111 = vector.load %arg4[%get3A_109, %get3A_110] : memref<128x128xf32, #tpu.memory_space<vmem>>, vector<128x128xf32>
    %dot_general3A_112 = arith.constant dense<0.000000e+00> : vector<512x128xf32>
    %dot_general3A_113 = tpu.matmul %sub3A_108, %get3A_111, %dot_general3A_112 {dimension_numbers = #tpu.dot_dimension_numbers<[1], [0], [0], [1], [0, 0, 1, 1], [], []>, transpose_lhs_hint = false} : vector<512x128xf32>, vector<128x128xf32>, vector<512x128xf32> -> vector<512x128xf32>
    %add3A_114 = arith.addf %add3A_9, %dot_general3A_113 : vector<512x128xf32>
    %max3A_115 = arith.constant 0.000000e+00 : f32
    %max3A_116 = vector.broadcast %max3A_115 : f32 to vector<512x128xf32>
    %max3A_117 = arith.maximumf %add3A_114, %max3A_116 : vector<512x128xf32>
    %max3A_118 = arith.maximumf %max3A_102, %max3A_117 : vector<512x128xf32>
    %get3A_119 = arith.constant 7 : index
    %get3A_120 = arith.constant 0 : index
    %get3A_121 = arith.constant 0 : index
    %get3A_122 = vector.load %arg2[%get3A_119, %get3A_120, %get3A_121] : memref<16x512x128xf32, #tpu.memory_space<vmem>>, vector<1x512x128xf32>
    %get3A_123 = vector.shape_cast %get3A_122 : vector<1x512x128xf32> to vector<512x128xf32>
    %sub3A_124 = arith.subf %get3A_123, %get3A_1 : vector<512x128xf32>
    %get3A_125 = arith.constant 0 : index
    %get3A_126 = arith.constant 0 : index
    %get3A_127 = vector.load %arg4[%get3A_125, %get3A_126] : memref<128x128xf32, #tpu.memory_space<vmem>>, vector<128x128xf32>
    %dot_general3A_128 = arith.constant dense<0.000000e+00> : vector<512x128xf32>
    %dot_general3A_129 = tpu.matmul %sub3A_124, %get3A_127, %dot_general3A_128 {dimension_numbers = #tpu.dot_dimension_numbers<[1], [0], [0], [1], [0, 0, 1, 1], [], []>, transpose_lhs_hint = false} : vector<512x128xf32>, vector<128x128xf32>, vector<512x128xf32> -> vector<512x128xf32>
    %add3A_130 = arith.addf %add3A_9, %dot_general3A_129 : vector<512x128xf32>
    %max3A_131 = arith.constant 0.000000e+00 : f32
    %max3A_132 = vector.broadcast %max3A_131 : f32 to vector<512x128xf32>
    %max3A_133 = arith.maximumf %add3A_130, %max3A_132 : vector<512x128xf32>
    %max3A_134 = arith.maximumf %max3A_118, %max3A_133 : vector<512x128xf32>
    %get3A_135 = arith.constant 8 : index
    %get3A_136 = arith.constant 0 : index
    %get3A_137 = arith.constant 0 : index
    %get3A_138 = vector.load %arg2[%get3A_135, %get3A_136, %get3A_137] : memref<16x512x128xf32, #tpu.memory_space<vmem>>, vector<1x512x128xf32>
    %get3A_139 = vector.shape_cast %get3A_138 : vector<1x512x128xf32> to vector<512x128xf32>
    %sub3A_140 = arith.subf %get3A_139, %get3A_1 : vector<512x128xf32>
    %get3A_141 = arith.constant 0 : index
    %get3A_142 = arith.constant 0 : index
    %get3A_143 = vector.load %arg4[%get3A_141, %get3A_142] : memref<128x128xf32, #tpu.memory_space<vmem>>, vector<128x128xf32>
    %dot_general3A_144 = arith.constant dense<0.000000e+00> : vector<512x128xf32>
    %dot_general3A_145 = tpu.matmul %sub3A_140, %get3A_143, %dot_general3A_144 {dimension_numbers = #tpu.dot_dimension_numbers<[1], [0], [0], [1], [0, 0, 1, 1], [], []>, transpose_lhs_hint = false} : vector<512x128xf32>, vector<128x128xf32>, vector<512x128xf32> -> vector<512x128xf32>
    %add3A_146 = arith.addf %add3A_9, %dot_general3A_145 : vector<512x128xf32>
    %max3A_147 = arith.constant 0.000000e+00 : f32
    %max3A_148 = vector.broadcast %max3A_147 : f32 to vector<512x128xf32>
    %max3A_149 = arith.maximumf %add3A_146, %max3A_148 : vector<512x128xf32>
    %max3A_150 = arith.maximumf %max3A_134, %max3A_149 : vector<512x128xf32>
    %get3A_151 = arith.constant 9 : index
    %get3A_152 = arith.constant 0 : index
    %get3A_153 = arith.constant 0 : index
    %get3A_154 = vector.load %arg2[%get3A_151, %get3A_152, %get3A_153] : memref<16x512x128xf32, #tpu.memory_space<vmem>>, vector<1x512x128xf32>
    %get3A_155 = vector.shape_cast %get3A_154 : vector<1x512x128xf32> to vector<512x128xf32>
    %sub3A_156 = arith.subf %get3A_155, %get3A_1 : vector<512x128xf32>
    %get3A_157 = arith.constant 0 : index
    %get3A_158 = arith.constant 0 : index
    %get3A_159 = vector.load %arg4[%get3A_157, %get3A_158] : memref<128x128xf32, #tpu.memory_space<vmem>>, vector<128x128xf32>
    %dot_general3A_160 = arith.constant dense<0.000000e+00> : vector<512x128xf32>
    %dot_general3A_161 = tpu.matmul %sub3A_156, %get3A_159, %dot_general3A_160 {dimension_numbers = #tpu.dot_dimension_numbers<[1], [0], [0], [1], [0, 0, 1, 1], [], []>, transpose_lhs_hint = false} : vector<512x128xf32>, vector<128x128xf32>, vector<512x128xf32> -> vector<512x128xf32>
    %add3A_162 = arith.addf %add3A_9, %dot_general3A_161 : vector<512x128xf32>
    %max3A_163 = arith.constant 0.000000e+00 : f32
    %max3A_164 = vector.broadcast %max3A_163 : f32 to vector<512x128xf32>
    %max3A_165 = arith.maximumf %add3A_162, %max3A_164 : vector<512x128xf32>
    %max3A_166 = arith.maximumf %max3A_150, %max3A_165 : vector<512x128xf32>
    %get3A_167 = arith.constant 10 : index
    %get3A_168 = arith.constant 0 : index
    %get3A_169 = arith.constant 0 : index
    %get3A_170 = vector.load %arg2[%get3A_167, %get3A_168, %get3A_169] : memref<16x512x128xf32, #tpu.memory_space<vmem>>, vector<1x512x128xf32>
    %get3A_171 = vector.shape_cast %get3A_170 : vector<1x512x128xf32> to vector<512x128xf32>
    %sub3A_172 = arith.subf %get3A_171, %get3A_1 : vector<512x128xf32>
    %get3A_173 = arith.constant 0 : index
    %get3A_174 = arith.constant 0 : index
    %get3A_175 = vector.load %arg4[%get3A_173, %get3A_174] : memref<128x128xf32, #tpu.memory_space<vmem>>, vector<128x128xf32>
    %dot_general3A_176 = arith.constant dense<0.000000e+00> : vector<512x128xf32>
    %dot_general3A_177 = tpu.matmul %sub3A_172, %get3A_175, %dot_general3A_176 {dimension_numbers = #tpu.dot_dimension_numbers<[1], [0], [0], [1], [0, 0, 1, 1], [], []>, transpose_lhs_hint = false} : vector<512x128xf32>, vector<128x128xf32>, vector<512x128xf32> -> vector<512x128xf32>
    %add3A_178 = arith.addf %add3A_9, %dot_general3A_177 : vector<512x128xf32>
    %max3A_179 = arith.constant 0.000000e+00 : f32
    %max3A_180 = vector.broadcast %max3A_179 : f32 to vector<512x128xf32>
    %max3A_181 = arith.maximumf %add3A_178, %max3A_180 : vector<512x128xf32>
    %max3A_182 = arith.maximumf %max3A_166, %max3A_181 : vector<512x128xf32>
    %get3A_183 = arith.constant 11 : index
    %get3A_184 = arith.constant 0 : index
    %get3A_185 = arith.constant 0 : index
    %get3A_186 = vector.load %arg2[%get3A_183, %get3A_184, %get3A_185] : memref<16x512x128xf32, #tpu.memory_space<vmem>>, vector<1x512x128xf32>
    %get3A_187 = vector.shape_cast %get3A_186 : vector<1x512x128xf32> to vector<512x128xf32>
    %sub3A_188 = arith.subf %get3A_187, %get3A_1 : vector<512x128xf32>
    %get3A_189 = arith.constant 0 : index
    %get3A_190 = arith.constant 0 : index
    %get3A_191 = vector.load %arg4[%get3A_189, %get3A_190] : memref<128x128xf32, #tpu.memory_space<vmem>>, vector<128x128xf32>
    %dot_general3A_192 = arith.constant dense<0.000000e+00> : vector<512x128xf32>
    %dot_general3A_193 = tpu.matmul %sub3A_188, %get3A_191, %dot_general3A_192 {dimension_numbers = #tpu.dot_dimension_numbers<[1], [0], [0], [1], [0, 0, 1, 1], [], []>, transpose_lhs_hint = false} : vector<512x128xf32>, vector<128x128xf32>, vector<512x128xf32> -> vector<512x128xf32>
    %add3A_194 = arith.addf %add3A_9, %dot_general3A_193 : vector<512x128xf32>
    %max3A_195 = arith.constant 0.000000e+00 : f32
    %max3A_196 = vector.broadcast %max3A_195 : f32 to vector<512x128xf32>
    %max3A_197 = arith.maximumf %add3A_194, %max3A_196 : vector<512x128xf32>
    %max3A_198 = arith.maximumf %max3A_182, %max3A_197 : vector<512x128xf32>
    %get3A_199 = arith.constant 12 : index
    %get3A_200 = arith.constant 0 : index
    %get3A_201 = arith.constant 0 : index
    %get3A_202 = vector.load %arg2[%get3A_199, %get3A_200, %get3A_201] : memref<16x512x128xf32, #tpu.memory_space<vmem>>, vector<1x512x128xf32>
    %get3A_203 = vector.shape_cast %get3A_202 : vector<1x512x128xf32> to vector<512x128xf32>
    %sub3A_204 = arith.subf %get3A_203, %get3A_1 : vector<512x128xf32>
    %get3A_205 = arith.constant 0 : index
    %get3A_206 = arith.constant 0 : index
    %get3A_207 = vector.load %arg4[%get3A_205, %get3A_206] : memref<128x128xf32, #tpu.memory_space<vmem>>, vector<128x128xf32>
    %dot_general3A_208 = arith.constant dense<0.000000e+00> : vector<512x128xf32>
    %dot_general3A_209 = tpu.matmul %sub3A_204, %get3A_207, %dot_general3A_208 {dimension_numbers = #tpu.dot_dimension_numbers<[1], [0], [0], [1], [0, 0, 1, 1], [], []>, transpose_lhs_hint = false} : vector<512x128xf32>, vector<128x128xf32>, vector<512x128xf32> -> vector<512x128xf32>
    %add3A_210 = arith.addf %add3A_9, %dot_general3A_209 : vector<512x128xf32>
    %max3A_211 = arith.constant 0.000000e+00 : f32
    %max3A_212 = vector.broadcast %max3A_211 : f32 to vector<512x128xf32>
    %max3A_213 = arith.maximumf %add3A_210, %max3A_212 : vector<512x128xf32>
    %max3A_214 = arith.maximumf %max3A_198, %max3A_213 : vector<512x128xf32>
    %get3A_215 = arith.constant 13 : index
    %get3A_216 = arith.constant 0 : index
    %get3A_217 = arith.constant 0 : index
    %get3A_218 = vector.load %arg2[%get3A_215, %get3A_216, %get3A_217] : memref<16x512x128xf32, #tpu.memory_space<vmem>>, vector<1x512x128xf32>
    %get3A_219 = vector.shape_cast %get3A_218 : vector<1x512x128xf32> to vector<512x128xf32>
    %sub3A_220 = arith.subf %get3A_219, %get3A_1 : vector<512x128xf32>
    %get3A_221 = arith.constant 0 : index
    %get3A_222 = arith.constant 0 : index
    %get3A_223 = vector.load %arg4[%get3A_221, %get3A_222] : memref<128x128xf32, #tpu.memory_space<vmem>>, vector<128x128xf32>
    %dot_general3A_224 = arith.constant dense<0.000000e+00> : vector<512x128xf32>
    %dot_general3A_225 = tpu.matmul %sub3A_220, %get3A_223, %dot_general3A_224 {dimension_numbers = #tpu.dot_dimension_numbers<[1], [0], [0], [1], [0, 0, 1, 1], [], []>, transpose_lhs_hint = false} : vector<512x128xf32>, vector<128x128xf32>, vector<512x128xf32> -> vector<512x128xf32>
    %add3A_226 = arith.addf %add3A_9, %dot_general3A_225 : vector<512x128xf32>
    %max3A_227 = arith.constant 0.000000e+00 : f32
    %max3A_228 = vector.broadcast %max3A_227 : f32 to vector<512x128xf32>
    %max3A_229 = arith.maximumf %add3A_226, %max3A_228 : vector<512x128xf32>
    %max3A_230 = arith.maximumf %max3A_214, %max3A_229 : vector<512x128xf32>
    %get3A_231 = arith.constant 14 : index
    %get3A_232 = arith.constant 0 : index
    %get3A_233 = arith.constant 0 : index
    %get3A_234 = vector.load %arg2[%get3A_231, %get3A_232, %get3A_233] : memref<16x512x128xf32, #tpu.memory_space<vmem>>, vector<1x512x128xf32>
    %get3A_235 = vector.shape_cast %get3A_234 : vector<1x512x128xf32> to vector<512x128xf32>
    %sub3A_236 = arith.subf %get3A_235, %get3A_1 : vector<512x128xf32>
    %get3A_237 = arith.constant 0 : index
    %get3A_238 = arith.constant 0 : index
    %get3A_239 = vector.load %arg4[%get3A_237, %get3A_238] : memref<128x128xf32, #tpu.memory_space<vmem>>, vector<128x128xf32>
    %dot_general3A_240 = arith.constant dense<0.000000e+00> : vector<512x128xf32>
    %dot_general3A_241 = tpu.matmul %sub3A_236, %get3A_239, %dot_general3A_240 {dimension_numbers = #tpu.dot_dimension_numbers<[1], [0], [0], [1], [0, 0, 1, 1], [], []>, transpose_lhs_hint = false} : vector<512x128xf32>, vector<128x128xf32>, vector<512x128xf32> -> vector<512x128xf32>
    %add3A_242 = arith.addf %add3A_9, %dot_general3A_241 : vector<512x128xf32>
    %max3A_243 = arith.constant 0.000000e+00 : f32
    %max3A_244 = vector.broadcast %max3A_243 : f32 to vector<512x128xf32>
    %max3A_245 = arith.maximumf %add3A_242, %max3A_244 : vector<512x128xf32>
    %max3A_246 = arith.maximumf %max3A_230, %max3A_245 : vector<512x128xf32>
    %get3A_247 = arith.constant 15 : index
    %get3A_248 = arith.constant 0 : index
    %get3A_249 = arith.constant 0 : index
    %get3A_250 = vector.load %arg2[%get3A_247, %get3A_248, %get3A_249] : memref<16x512x128xf32, #tpu.memory_space<vmem>>, vector<1x512x128xf32>
    %get3A_251 = vector.shape_cast %get3A_250 : vector<1x512x128xf32> to vector<512x128xf32>
    %sub3A_252 = arith.subf %get3A_251, %get3A_1 : vector<512x128xf32>
    %get3A_253 = arith.constant 0 : index
    %get3A_254 = arith.constant 0 : index
    %get3A_255 = vector.load %arg4[%get3A_253, %get3A_254] : memref<128x128xf32, #tpu.memory_space<vmem>>, vector<128x128xf32>
    %dot_general3A_256 = arith.constant dense<0.000000e+00> : vector<512x128xf32>
    %dot_general3A_257 = tpu.matmul %sub3A_252, %get3A_255, %dot_general3A_256 {dimension_numbers = #tpu.dot_dimension_numbers<[1], [0], [0], [1], [0, 0, 1, 1], [], []>, transpose_lhs_hint = false} : vector<512x128xf32>, vector<128x128xf32>, vector<512x128xf32> -> vector<512x128xf32>
    %add3A_258 = arith.addf %add3A_9, %dot_general3A_257 : vector<512x128xf32>
    %max3A_259 = arith.constant 0.000000e+00 : f32
    %max3A_260 = vector.broadcast %max3A_259 : f32 to vector<512x128xf32>
    %max3A_261 = arith.maximumf %add3A_258, %max3A_260 : vector<512x128xf32>
    %max3A_262 = arith.maximumf %max3A_246, %max3A_261 : vector<512x128xf32>
    %get3A_263 = arith.constant 0 : index
    %get3A_264 = arith.constant 0 : index
    %get3A_265 = vector.load %arg6[%get3A_263, %get3A_264] : memref<512x128xf32, #tpu.memory_space<vmem>>, vector<512x128xf32>
    %add3A_266 = arith.addf %max3A_262, %get3A_265 : vector<512x128xf32>
    %swap3A = arith.constant 0 : index
    %swap3A_267 = arith.constant 0 : index
    %swap3A_268 = vector.load %arg7[%swap3A, %swap3A_267] : memref<512x128xf32, #tpu.memory_space<vmem>>, vector<512x128xf32>
    tpu.vector_store %arg7[%swap3A, %swap3A_267], %add3A_266 {strides = array<i32>} : memref<512x128xf32, #tpu.memory_space<vmem>>, vector<512x128xf32>,
    return
  }
  func.func @transform_0(%arg0: i32) -> (i32, i32) {
    %c0_i32 = arith.constant 0 : i32
    %c0_i32_0 = arith.constant 0 : i32
    return %arg0, %c0_i32 : i32, i32
  }
  func.func @transform_1(%arg0: i32) -> (i32, i32, i32) {
    %c0_i32 = arith.constant 0 : i32
    %c0_i32_0 = arith.constant 0 : i32
    %c0_i32_1 = arith.constant 0 : i32
    return %c0_i32, %arg0, %c0_i32_0 : i32, i32, i32
  }
  func.func @transform_2(%arg0: i32) -> (i32, i32) {
    %c0_i32 = arith.constant 0 : i32
    %c0_i32_0 = arith.constant 0 : i32
    %c0_i32_1 = arith.constant 0 : i32
    return %c0_i32, %c0_i32_0 : i32, i32
  }
  func.func @transform_3(%arg0: i32) -> (i32, i32) {
    %c0_i32 = arith.constant 0 : i32
    %c0_i32_0 = arith.constant 0 : i32
    %c0_i32_1 = arith.constant 0 : i32
    return %c0_i32, %c0_i32_0 : i32, i32
  }
  func.func @transform_4(%arg0: i32) -> (i32, i32) {
    %c0_i32 = arith.constant 0 : i32
    %c0_i32_0 = arith.constant 0 : i32
    %c0_i32_1 = arith.constant 0 : i32
    return %c0_i32, %c0_i32_0 : i32, i32
  }
  func.func @transform_5(%arg0: i32) -> (i32, i32) {
    %c0_i32 = arith.constant 0 : i32
    %c0_i32_0 = arith.constant 0 : i32
    return %arg0, %c0_i32 : i32, i32
  }
  func.func @transform_6(%arg0: i32) -> (i32, i32) {
    %c0_i32 = arith.constant 0 : i32
    %c0_i32_0 = arith.constant 0 : i32
    return %arg0, %c0_i32 : i32, i32
  }
}

</mosaic_0001>

<sc_bundles>
// kernel: kernel.27.cloned.1.call-start
scs
__scs_entry_jumppad:
0x0: {  	(pc) =	sbr.rel $0x88, $3  }
0x1: {  	(tag) =	ssettag $0x0;
	lr =	simm.s32 $0x1  }
0x2: {  	[smem:$0x3F96] =	sst lr;
	_ =	strace $0xD0000000  }
0x3: {  	_ = 	snop  }
0x4: {  	_ = 	snop  }
0x5: {  	_ = 	snop  }
0x6: {  	_ = 	snop  }
0x7: {  	_ = 	snop  }
__scs_overlays_trampoline_lowered:
0x8: {  	[smem:$0x3FA5] =	sst s0  }
0x9: {  	[smem:$0x3FA6] =	sst s1  }
0xa: {  	[smem:$0x3FA7] =	sst s2  }
0xb: {  	[smem:$0x3FA8] =	sst s3  }
0xc: {  	[smem:$0x3FA9] =	sst s4  }
0xd: {  	[smem:$0x3FAA] =	sst s5  }
0xe: {  	[smem:$0x3FAB] =	sst s6  }
0xf: {  	[smem:$0x3FAC] =	sst s7  }
0x10: {  	[smem:$0x3FAD] =	sst s8  }
0x11: {  	[smem:$0x3FAE] =	sst s9;
	s0 =	simm.s32 @!p0 $0x0  }
0x12: {  	s1 =	sld [smem:$0x3F94];
	s0 =	simm.s32 @p0 $0x1  }
0x13: {  	[smem:$0x3FAF] =	sst s0;
	s0 =	simm.s32 @!p1 $0x0  }
0x14: {  	s2 =	sld [smem:$0x3F93];
	s0 =	simm.s32 @p1 $0x1  }
0x15: {  	[smem:$0x3FB0] =	sst s0;
	s0 =	simm.s32 @!p2 $0x0  }
0x16: {  	s3 =	sld [smem:$0x3FDB];
	s0 =	simm.s32 @p2 $0x1  }
0x17: {  	s4 =	simm.s32 $0x1BF5;
	[smem:$0x3FB2] =	sst s0  }
0x18: {  	s0 =	sld [smem:$0x3F95];
	_ =	swait.ge [sflag:s4], $0x0  }
0x19: {  	s7 =	sld [smem:$0x3F96]  }
0x1a: {  	s8 =	sadd.s32 $0xFFFFE003, lr  }
0x1b: {  	s9 =	sadd.s32 $0xFFFFFEF7, lr;
	s5 =	simm.s32 $0xFFFFFFFF;
	p2 =	slt.u32 s8, $0xFFFFF086  }
0x1c: {  	p1 =	slt.u32 s9, $0xF7A;
	s5 =	simm.s32 @!p2 $0x0  }
0x1d: {  	s5 =	simm.s32 @p1 $0x1;
	p0 =	seq.s32 s7, s2  }
0x1e: {  	s7 =	smul.u32 @!p0 $0xF7A, s2;
	p2 =	seq.s32 @!p0 s5, $0x0  }
0x1f: {  	s9 =	smul.u32 $0xF7A, s1;
	s8 =	simm.s32 @!p0 $0x1BF5;
	p2 =	por !p2, p0  }
0x20: {  	[sflag:s8] =	ssyncset.s32 @!p0 $0xFFFFF086;
	s6 =	sadd.s32 @!p0 s3, s7;
	s7 =	simm.s32 @!p0 $0x108  }
0x21: {  	s3 =	sadd.s32 s3, s9;
	s6 =	sadd.s32 @!p0 $0x88, s6;
	s7 =	simm.s32 @p2 $0x1082  }
0x22: {  	[simem:s7], [sflag:s8] =	dma.local @!p0 [hbm:s6], $0xF7A  }
0x23: {  	s9 =	sor.u32 $0xD0000000, s2;
	s6 =	simm.s32 $0x108;
	_ =	swait.ge @!p0 [sflag:s8], $0x0  }
0x24: {  	s3 =	sadd.s32 $0x88, s3;
	s6 =	simm.s32 @!p1 $0x1082;
	[sflag:s4] =	ssyncset.s32 $0xFFFFF086  }
0x25: {  	[simem:s6], [sflag:s4] =	dma.local [hbm:s3], $0xF7A  }
0x26: {  	[smem:$0x3F96] =	sst s1;
	(tag) =	ssettag s2;
	_ =	strace s9  }
0x27: {  	s1 =	sld [smem:$0x3FA6]  }
0x28: {  	s2 =	sld [smem:$0x3FA7]  }
0x29: {  	s4 =	sld [smem:$0x3FA9]  }
0x2a: {  	p0 =	seq.s32 s5, $0x0;
	s5 =	sld [smem:$0x3FAA]  }
0x2b: {  	s6 =	sld [smem:$0x3FAB]  }
0x2c: {  	s7 =	sld [smem:$0x3FAC]  }
0x2d: {  	s3 =	simm.s32 $0x108;
	s8 =	sld [smem:$0x3FAD]  }
0x2e: {  	s3 =	simm.s32 @!p0 $0x1082;
	s9 =	sld [smem:$0x3FAE]  }
0x2f: {  	lr =	sadd.s32 s0, s3;
	s0 =	sld [smem:$0x3FA5]  }
0x30: {  	s3 =	sld [smem:$0x3FA8]  }
0x31: {  	[smem:$0x3FB1] =	sst s10  }
0x32: {  	s10 =	sld [smem:$0x3FAF];
	_ =	sdelay $0x3  }
0x33: {  	p0 =	seq.s32 s10, $0x1;
	s10 =	sld [smem:$0x3FB1];
	_ =	sdelay $0x3  }
0x34: {  	[smem:$0x3FB1] =	sst s10  }
0x35: {  	s10 =	sld [smem:$0x3FB0];
	_ =	sdelay $0x3  }
0x36: {  	p1 =	seq.s32 s10, $0x1;
	s10 =	sld [smem:$0x3FB1];
	_ =	sdelay $0x3  }
0x37: {  	[smem:$0x3FB1] =	sst s10  }
0x38: {  	s10 =	sld [smem:$0x3FB2]  }
0x39: {  	_ = 	snop;
	(pc) =	sbr.ind lr, $3  }
0x3a: {  	_ = 	snop  }
0x3b: {  	_ = 	snop  }
0x3c: {  	p2 =	seq.s32 s10, $0x1;
	s10 =	sld [smem:$0x3FB1]  }
0x3d: {  	_ =	shalt  }
0x3e: {  	_ =	shalt  }
0x3f: {  	_ =	shalt  }
0x40: {  	_ =	shalt  }
0x41: {  	_ =	shalt  }
0x42: {  	_ =	shalt  }
0x43: {  	_ =	shalt  }
0x44: {  	_ =	shalt  }
0x45: {  	_ =	shalt  }
0x46: {  	_ =	shalt  }
0x47: {  	_ =	shalt  }
0x48: {  	_ =	shalt  }
0x49: {  	_ =	shalt  }
0x4a: {  	_ =	shalt  }
0x4b: {  	_ =	shalt  }
0x4c: {  	_ =	shalt  }
0x4d: {  	_ =	shalt  }
0x4e: {  	_ =	shalt  }
0x4f: {  	_ =	shalt  }
0x50: {  	_ =	shalt  }
0x51: {  	_ =	shalt  }
0x52: {  	_ =	shalt  }
0x53: {  	_ =	shalt  }
0x54: {  	_ =	shalt  }
0x55: {  	_ =	shalt  }
0x56: {  	_ =	shalt  }
0x57: {  	_ =	shalt  }
0x58: {  	_ =	shalt  }
0x59: {  	_ =	shalt  }
0x5a: {  	_ =	shalt  }
0x5b: {  	_ =	shalt  }
0x5c: {  	_ =	shalt  }
0x5d: {  	_ =	shalt  }
0x5e: {  	_ =	shalt  }
0x5f: {  	_ =	shalt  }
0x60: {  	_ =	shalt  }
0x61: {  	_ =	shalt  }
0x62: {  	_ =	shalt  }
0x63: {  	_ =	shalt  }
0x64: {  	_ =	shalt  }
0x65: {  	_ =	shalt  }
0x66: {  	_ =	shalt  }
0x67: {  	_ =	shalt  }
0x68: {  	_ =	shalt  }
0x69: {  	_ =	shalt  }
0x6a: {  	_ =	shalt  }
0x6b: {  	_ =	shalt  }
0x6c: {  	_ =	shalt  }
0x6d: {  	_ =	shalt  }
0x6e: {  	_ =	shalt  }
0x6f: {  	_ =	shalt  }
0x70: {  	_ =	shalt  }
0x71: {  	_ =	shalt  }
0x72: {  	_ =	shalt  }
0x73: {  	_ =	shalt  }
0x74: {  	_ =	shalt  }
0x75: {  	_ =	shalt  }
0x76: {  	_ =	shalt  }
0x77: {  	_ =	shalt  }
0x78: {  	_ =	shalt  }
0x79: {  	_ =	shalt  }
0x7a: {  	_ =	shalt  }
0x7b: {  	_ =	shalt  }
0x7c: {  	_ =	shalt  }
0x7d: {  	_ =	shalt  }
0x7e: {  	_ =	shalt  }
0x7f: {  	_ =	shalt  }
0x80: {  	_ =	shalt  }
0x81: {  	_ =	shalt  }
0x82: {  	_ =	shalt  }
0x83: {  	_ =	shalt  }
0x84: {  	_ =	shalt  }
0x85: {  	_ =	shalt  }
0x86: {  	_ =	shalt  }
0x87: {  	_ =	shalt  }
.Lfunc_end0:
.L_simem_size_0:
called_computation_lowered:
.L_overlay_start_0:
0x88: {  	s2 =	sld [smem:$0x3FD9]  }
0x89: {  	s3 =	sld [smem:$0x3FFE];
	_ =	sdelay $0x1  }
0x8a: {  	s1 =	srdreg.scid  }
0x8b: {  	s0 =	sand.u32 $0x1, s1  }
0x8c: {  	s17 =	sshll.u32 s0, $0xA;
	s2 =	sadd.s32 s3, s2  }
0x8d: {  	s2 =	sadd.s32 s2, s17  }
0x8e: {  	[smem:$0x3FBD] =	sst s2  }
0x8f: {  	_ = 	snop  }
0x90: {  	s2 =	sld [smem:$0x3FD0];
	(tm) =	ssettm $0x1  }
0x91: {  	s18 =	sld [smem:$0x3FFB];
	_ =	sdelay $0x3  }
0x92: {  	_ =	strace s18  }
0x93: {  	s3 =	sld [smem:$0x3FFC];
	_ =	sdelay $0x3  }
0x94: {  	_ =	strace s3  }
0x95: {  	s3 =	sld [smem:$0x3FFD];
	_ =	sdelay $0x3  }
0x96: {  	_ =	strace s3  }
0x97: {  	_ =	strace $0x8FFFFFFF  }
0x98: {  	s19 =	sld [smem:$0x3FDB];
	_ =	sdelay $0x1  }
0x99: {  	s4 =	simm.s32 $_scs_section_size  }
0x9a: {  	s5 =	simm.s32 $_size__tile_overlayer_lowered;
	s6 =	simm.s32 $_tile_overlayer_lowered  }
0x9b: {  	s22 =	simm.s32 $0x1BFF;
	s21 =	sshll.u32 s6, $0x1;
	s3 =	sadd.s32 s4, s19  }
0x9c: {  	s7 =	simm.s32 $0x0;
	s20 =	sshll.u32 s5, $0x1;
	s5 =	sadd.s32 s21, s3  }
0x9d: {  	[timem:s7], [sflag:s22] =	dma.local [hbm:s5], s20  }
0x9e: {  	_ =	swait.ge [sflag:s22], s20  }
0x9f: {  	s4 =	ssub.s32 $0x0, s20;
	[sflag:s22] =	ssyncset.done $0x0  }
0xa0: {  	[sflag:s22] =	ssyncadd.s32 s4;
	_ =	sdelay $0x1  }
0xa1: {  	s23 =	simm.s32 $0x1B8B  }
0xa2: {  	_ =	swait.ge [sflag:s23], $0x1  }
0xa3: {  	[sflag:s23] =	ssyncset.done $0x0  }
0xa4: {  	s25 =	simm.s32 $0x1B8E;
	s24 =	sld [smem:$0x3FFE];
	[sflag:s23] =	ssyncadd.s32 $0xFFFFFFFF  }
0xa5: {  	s26 =	simm.s32 $execute0_lowered;
	[smem:$0x3FD2] =	sst s25  }
0xa6: {  	s5 =	sshll.u32 s26, $0x1;
	_ =	strace $0x80000046;
	[dreg:$0x1] =	wrdreg $0xFFFFFFFF  }
0xa7: {  	s28 =	simm.s32 $_size_execute0_lowered;
	s3 =	sadd.s32 s3, s5;
	[dreg:$0x0] =	wrdreg $0x0  }
0xa8: {  	s5 =	sshll.u32 s28, $0x1;
	[dreg:$0x2] =	wrdreg s3  }
0xa9: {  	[dreg:$0x3] =	wrdreg s5  }
0xaa: {  	[dreg:$0x4] =	wrdreg $0xC0  }
0xab: {  	_ =	task [dreg:s7], $0x5FFFF  }
0xac: {  	[dreg:$0x1] =	wrdreg $0xFFFFFFFF  }
0xad: {  	[dreg:$0x0] =	wrdreg $0x60  }
0xae: {  	[dreg:$0x2] =	wrdreg s24  }
0xaf: {  	[dreg:$0x3] =	wrdreg s2  }
0xb0: {  	[dreg:$0x4] =	wrdreg $0x9  }
0xb1: {  	_ =	task.clear_ibuf [dreg:s7], $0x5FFFF;
	_ =	strace $0x90000046  }
0xb2: {  	s29 =	simm.s32 $0x9;
	_ =	strace $0x80000048  }
0xb3: {  	_ =	swait.ge [sflag:s29], $0x1  }
0xb4: {  	[sflag:s29] =	ssyncadd.s32 $0xFFFFFFFF  }
0xb5: {  	_ =	strace $0x90000048  }
0xb6: {  	_ =	sfence  }
0xb7: {  	s30 =	sld [smem:$0x0];
	_ =	sdelay $0x2  }
0xb8: {  	s31 =	sshll.u32 s1, $0xD;
	s1 =	sshrl.u32 s1, $0x2  }
0xb9: {  	s3 =	sand.u32 $0x4000, s31;
	s1 =	sadd.s32 s1, s30  }
0xba: {  	s0 =	sor.u32 s3, s0;
	s1 =	sshll.u32 s1, $0x11  }
0xbb: {  	s0 =	sor.u32 s1, s0  }
0xbc: {  	s0 =	sadd.s32 $0x8F2B, s0  }
0xbd: {  	[sflag:s0] =	ssyncadd.remote.s32 $0x1  }
0xbe: {  	_ =	sfence.sel $0xFFFF  }
0xbf: {  	[dreg:$0x0] =	wrdreg $0xFFFFFFFF;
	(pc) =	sbr.abs _section_cstart, $3  }
0xc0: {  	[dreg:$0x1] =	wrdreg $0xFFFFFFFF  }
0xc1: {  	_ =	task.clear_ibuf [dreg:s7], $0x2FFFF;
	_ =	strace $0x9FFFFFFF  }
0xc2: {  	(tm) =	ssettm $0x7FFFFFFF  }
0xc3: {  	_ =	shalt  }
tec
execute0_lowered:
.L_overlay_start_1:
0x0: {  	(tag) =	ssettag $0x1  }
0x1: {  	s4 =	rddreg [dreg:$0x0]  }
0x2: {  	s2 =	rddreg [dreg:$0x1]  }
0x3: {  	s0 =	rddreg [dreg:$0x2];
	s5 =	srdreg.scid  }
0x4: {  	s3 =	simm.s32 $0x0;
	s1 =	stileid.u32;
	s10 =	simm.s32 $0x1  }
0x5: {  	s11 =	simm.s32 $0x0;
	s5 =	sand.u32 $0x1, s5;
	[smem:$0x7FF] =	sst s3  }
0x6: {  	s6 =	sshll.u32 s1, $0x9;
	s8 =	sshll.u32 s1, $0xB;
	s7 =	sshll.u32 s5, $0x8  }
0x7: {  	_ =	strace $0x80000047;
	s29 =	ssub.s32 $0x2, s5;
	s8 =	sadd.s32 s8, s4  }
0x8: {  	s30 =	sshll.u32 s5, $0xA;
	s6 =	sor.u32 s7, s6;
	s9 =	sshrl.u32 s29, $0x1  }
0x9: {  	s31 =	sadd.s32 s30, s8;
	s8 =	simm.s32 $0x40;
	s6 =	sadd.s32 s6, s4  }
0xa: {  	s7 =	ssub.s32 s29, s9;
	s9 =	simm.s32 $0x800;
	s4 =	sadd.s32 $0x4A00, s6  }
0xb: {  	s5 =	smax.u32 s7, $0x1;
	s6 =	sadd.s32 $0x6A00, s31;
	s7 =	simm.s32 $0x2  }
.LBB2_1:
0xc: {  	[tilespmem:s3], [sflag:$0x2] =	stream.linear.gather [hbm4b:s4+s3], $0x800, $0x38;
	[tilespmem:$0x2800] =	vst v63  }
0xd: {  	_ =	swait.ge [sflag:s7], $0x800  }
0xe: {  	[sflag:s7] =	ssyncset.done $0x0  }
0xf: {  	s12 =	simm.s32 $0x0;
	[sflag:s7] =	ssyncadd.s32 $0xFFFFF800  }
0x10: {  	[tilespmem:s9], [sflag:$0x1] =	stream.indirect.gather [hbm4b:s2+s8], $0x80, s12, s8, $0xb8;
	[tilespmem:$0x2800] =	vst v63  }
0x11: {  	_ =	swait.ge [sflag:s10], $0x2000  }
0x12: {  	[sflag:s10] =	ssyncset.done $0x0  }
0x13: {  	[sflag:s10] =	ssyncadd.s32 $0xFFFFE000  }
0x14: {  	[hbm4b:s6+s3] =	stream.linear.scatter [tilespmem:s9], [sflag:$0x2], $0x2000, $0x38;
	[tilespmem:$0x2800] =	vst v63  }
0x15: {  	s13 =	simm.s32 $0x200;
	_ =	swait.ge [sflag:s7], $0x2000  }
0x16: {  	s14 =	simm.s32 $0x400;
	s12 =	sadd.s32 $0x8000, s6;
	[sflag:s7] =	ssyncset.done $0x0  }
.LBB2_2:
0x17: {  	s15 =	sshra.s32 s13, $0x2  }
0x18: {  	[sflag:s7] =	ssyncadd.s32 $0xFFFFE000;
	s13 =	smov.u32 s14;
	s16 =	sadd.s32 $0x200, s14  }
0x19: {  	[tilespmem:s9], [sflag:$0x1] =	stream.indirect.gather [hbm4b:s2+s8], $0x80, s15, s8, $0xb8;
	[tilespmem:$0x2800] =	vst v63  }
0x1a: {  	p0 =	sne.s32 s14, $0x1E00;
	_ =	swait.ge [sflag:s10], $0x2000  }
.Ltmp0:
0x1b: {  	[sflag:s10] =	ssyncset.done $0x0;
	(pc) =	sbr.rel @p0 .LBB2_2-.Ltmp0, $4  }
0x1c: {  	[sflag:s10] =	ssyncadd.s32 $0xFFFFE000  }
0x1d: {  	[hbm4b:s12+s3] =	stream.linear.scatter [tilespmem:s9], [sflag:$0x2], $0x2000, $0x38;
	[tilespmem:$0x2800] =	vst v63  }
0x1e: {  	_ =	swait.ge [sflag:s7], $0x2000  }
0x1f: {  	s14 =	smov.u32 s16;
	s12 =	sadd.s32 $0x8000, s12;
	[sflag:s7] =	ssyncset.done $0x0  }
0x20: {  	s13 =	sshra.s32 s13, $0x2;
	[sflag:s7] =	ssyncadd.s32 $0xFFFFE000  }
0x21: {  	[tilespmem:s9], [sflag:$0x1] =	stream.indirect.gather [hbm4b:s2+s8], $0x80, s13, s8, $0xb8;
	[tilespmem:$0x2800] =	vst v63  }
0x22: {  	s11 =	sadd.s32 $0x1, s11;
	_ =	swait.ge [sflag:s10], $0x2000  }
0x23: {  	p0 =	sne.s32 s11, s5;
	[sflag:s10] =	ssyncset.done $0x0  }
.Ltmp1:
0x24: {  	[sflag:s10] =	ssyncadd.s32 $0xFFFFE000;
	(pc) =	sbr.rel @p0 .LBB2_1-.Ltmp1, $4  }
0x25: {  	[hbm4b:s12+s3] =	stream.linear.scatter [tilespmem:s9], [sflag:$0x2], $0x2000, $0x38;
	[tilespmem:$0x2800] =	vst v63  }
0x26: {  	_ =	swait.ge [sflag:s7], $0x2000  }
0x27: {  	[sflag:s7] =	ssyncset.done $0x0  }
0x28: {  	[sflag:s7] =	ssyncadd.s32 $0xFFFFE000  }
0x29: {  	_ =	sfence.sel $0x180000  }
0x2a: {  	[bflag:$0x0] =	sbarrier.arrive $0xFFFF  }
0x2b: {  	p0 =	sne.s32 s1, $0x0;
	_ =	strace $0x90000047  }
0x2c: {  	s0 =	sadd.s32 @!p0 $0x100000, s0;
	[bflag:$0x2] =	sbarrier.arrive $0xFFFF  }
0x2d: {  	[sflag:s0] =	ssyncadd.tile.s32 @!p0 $0x1;
	_ =	shalt  }
.Lfunc_end2:
_tile_overlayer_lowered:
.L_overlay_start_2:
0x2e: {  	(tag) =	ssettag $0x2  }
0x2f: {  	s0 =	rddreg [dreg:$0x0];
	s2 =	stileid.u32  }
0x30: {  	s1 =	rddreg [dreg:$0x1];
	p0 =	sne.s32 s2, $0x0  }
0x31: {  	s3 =	rddreg [dreg:$0x2];
	[bflag:$0x3] =	sbarrier.arrive $0xFFFF;
	s2 =	simm.s32 @!p0 $0x1C02  }
0x32: {  	[timem:s3], [sflag:s2] =	dma.local @!p0 [hbm:s0], s1  }
0x33: {  	s0 =	simm.s32 @!p0 $0x2  }
0x34: {  	_ =	swait.ge @!p0 [sflag:s0], s1  }
0x35: {  	s1 =	ssub.s32 @!p0 $0x0, s1;
	[sflag:s0] =	ssyncset.done @!p0 $0x0  }
0x36: {  	[sflag:s0] =	ssyncadd.s32 @!p0 s1  }
0x37: {  	[bflag:$0x3] =	sbarrier.arrive $0xFFFF  }
0x38: {  	_ =	shalt  }

// kernel: kernel.30.cloned.1.call-start
scs
__scs_entry_jumppad:
0x0: {  	(pc) =	sbr.rel $0x88, $3  }
0x1: {  	(tag) =	ssettag $0x0;
	lr =	simm.s32 $0x1  }
0x2: {  	[smem:$0x3F96] =	sst lr;
	_ =	strace $0xD0000000  }
0x3: {  	_ = 	snop  }
0x4: {  	_ = 	snop  }
0x5: {  	_ = 	snop  }
0x6: {  	_ = 	snop  }
0x7: {  	_ = 	snop  }
__scs_overlays_trampoline_lowered:
0x8: {  	[smem:$0x3FA5] =	sst s0  }
0x9: {  	[smem:$0x3FA6] =	sst s1  }
0xa: {  	[smem:$0x3FA7] =	sst s2  }
0xb: {  	[smem:$0x3FA8] =	sst s3  }
0xc: {  	[smem:$0x3FA9] =	sst s4  }
0xd: {  	[smem:$0x3FAA] =	sst s5  }
0xe: {  	[smem:$0x3FAB] =	sst s6  }
0xf: {  	[smem:$0x3FAC] =	sst s7  }
0x10: {  	[smem:$0x3FAD] =	sst s8  }
0x11: {  	[smem:$0x3FAE] =	sst s9;
	s0 =	simm.s32 @!p0 $0x0  }
0x12: {  	s1 =	sld [smem:$0x3F94];
	s0 =	simm.s32 @p0 $0x1  }
0x13: {  	[smem:$0x3FAF] =	sst s0;
	s0 =	simm.s32 @!p1 $0x0  }
0x14: {  	s2 =	sld [smem:$0x3F93];
	s0 =	simm.s32 @p1 $0x1  }
0x15: {  	[smem:$0x3FB0] =	sst s0;
	s0 =	simm.s32 @!p2 $0x0  }
0x16: {  	s3 =	sld [smem:$0x3FDB];
	s0 =	simm.s32 @p2 $0x1  }
0x17: {  	s4 =	simm.s32 $0x1BF5;
	[smem:$0x3FB2] =	sst s0  }
0x18: {  	s0 =	sld [smem:$0x3F95];
	_ =	swait.ge [sflag:s4], $0x0  }
0x19: {  	s7 =	sld [smem:$0x3F96]  }
0x1a: {  	s8 =	sadd.s32 $0xFFFFE003, lr  }
0x1b: {  	s9 =	sadd.s32 $0xFFFFFEF7, lr;
	s5 =	simm.s32 $0xFFFFFFFF;
	p2 =	slt.u32 s8, $0xFFFFF086  }
0x1c: {  	p1 =	slt.u32 s9, $0xF7A;
	s5 =	simm.s32 @!p2 $0x0  }
0x1d: {  	s5 =	simm.s32 @p1 $0x1;
	p0 =	seq.s32 s7, s2  }
0x1e: {  	s7 =	smul.u32 @!p0 $0xF7A, s2;
	p2 =	seq.s32 @!p0 s5, $0x0  }
0x1f: {  	s9 =	smul.u32 $0xF7A, s1;
	s8 =	simm.s32 @!p0 $0x1BF5;
	p2 =	por !p2, p0  }
0x20: {  	[sflag:s8] =	ssyncset.s32 @!p0 $0xFFFFF086;
	s6 =	sadd.s32 @!p0 s3, s7;
	s7 =	simm.s32 @!p0 $0x108  }
0x21: {  	s3 =	sadd.s32 s3, s9;
	s6 =	sadd.s32 @!p0 $0x88, s6;
	s7 =	simm.s32 @p2 $0x1082  }
0x22: {  	[simem:s7], [sflag:s8] =	dma.local @!p0 [hbm:s6], $0xF7A  }
0x23: {  	s9 =	sor.u32 $0xD0000000, s2;
	s6 =	simm.s32 $0x108;
	_ =	swait.ge @!p0 [sflag:s8], $0x0  }
0x24: {  	s3 =	sadd.s32 $0x88, s3;
	s6 =	simm.s32 @!p1 $0x1082;
	[sflag:s4] =	ssyncset.s32 $0xFFFFF086  }
0x25: {  	[simem:s6], [sflag:s4] =	dma.local [hbm:s3], $0xF7A  }
0x26: {  	[smem:$0x3F96] =	sst s1;
	(tag) =	ssettag s2;
	_ =	strace s9  }
0x27: {  	s1 =	sld [smem:$0x3FA6]  }
0x28: {  	s2 =	sld [smem:$0x3FA7]  }
0x29: {  	s4 =	sld [smem:$0x3FA9]  }
0x2a: {  	p0 =	seq.s32 s5, $0x0;
	s5 =	sld [smem:$0x3FAA]  }
0x2b: {  	s6 =	sld [smem:$0x3FAB]  }
0x2c: {  	s7 =	sld [smem:$0x3FAC]  }
0x2d: {  	s3 =	simm.s32 $0x108;
	s8 =	sld [smem:$0x3FAD]  }
0x2e: {  	s3 =	simm.s32 @!p0 $0x1082;
	s9 =	sld [smem:$0x3FAE]  }
0x2f: {  	lr =	sadd.s32 s0, s3;
	s0 =	sld [smem:$0x3FA5]  }
0x30: {  	s3 =	sld [smem:$0x3FA8]  }
0x31: {  	[smem:$0x3FB1] =	sst s10  }
0x32: {  	s10 =	sld [smem:$0x3FAF];
	_ =	sdelay $0x3  }
0x33: {  	p0 =	seq.s32 s10, $0x1;
	s10 =	sld [smem:$0x3FB1];
	_ =	sdelay $0x3  }
0x34: {  	[smem:$0x3FB1] =	sst s10  }
0x35: {  	s10 =	sld [smem:$0x3FB0];
	_ =	sdelay $0x3  }
0x36: {  	p1 =	seq.s32 s10, $0x1;
	s10 =	sld [smem:$0x3FB1];
	_ =	sdelay $0x3  }
0x37: {  	[smem:$0x3FB1] =	sst s10  }
0x38: {  	s10 =	sld [smem:$0x3FB2]  }
0x39: {  	_ = 	snop;
	(pc) =	sbr.ind lr, $3  }
0x3a: {  	_ = 	snop  }
0x3b: {  	_ = 	snop  }
0x3c: {  	p2 =	seq.s32 s10, $0x1;
	s10 =	sld [smem:$0x3FB1]  }
0x3d: {  	_ =	shalt  }
0x3e: {  	_ =	shalt  }
0x3f: {  	_ =	shalt  }
0x40: {  	_ =	shalt  }
0x41: {  	_ =	shalt  }
0x42: {  	_ =	shalt  }
0x43: {  	_ =	shalt  }
0x44: {  	_ =	shalt  }
0x45: {  	_ =	shalt  }
0x46: {  	_ =	shalt  }
0x47: {  	_ =	shalt  }
0x48: {  	_ =	shalt  }
0x49: {  	_ =	shalt  }
0x4a: {  	_ =	shalt  }
0x4b: {  	_ =	shalt  }
0x4c: {  	_ =	shalt  }
0x4d: {  	_ =	shalt  }
0x4e: {  	_ =	shalt  }
0x4f: {  	_ =	shalt  }
0x50: {  	_ =	shalt  }
0x51: {  	_ =	shalt  }
0x52: {  	_ =	shalt  }
0x53: {  	_ =	shalt  }
0x54: {  	_ =	shalt  }
0x55: {  	_ =	shalt  }
0x56: {  	_ =	shalt  }
0x57: {  	_ =	shalt  }
0x58: {  	_ =	shalt  }
0x59: {  	_ =	shalt  }
0x5a: {  	_ =	shalt  }
0x5b: {  	_ =	shalt  }
0x5c: {  	_ =	shalt  }
0x5d: {  	_ =	shalt  }
0x5e: {  	_ =	shalt  }
0x5f: {  	_ =	shalt  }
0x60: {  	_ =	shalt  }
0x61: {  	_ =	shalt  }
0x62: {  	_ =	shalt  }
0x63: {  	_ =	shalt  }
0x64: {  	_ =	shalt  }
0x65: {  	_ =	shalt  }
0x66: {  	_ =	shalt  }
0x67: {  	_ =	shalt  }
0x68: {  	_ =	shalt  }
0x69: {  	_ =	shalt  }
0x6a: {  	_ =	shalt  }
0x6b: {  	_ =	shalt  }
0x6c: {  	_ =	shalt  }
0x6d: {  	_ =	shalt  }
0x6e: {  	_ =	shalt  }
0x6f: {  	_ =	shalt  }
0x70: {  	_ =	shalt  }
0x71: {  	_ =	shalt  }
0x72: {  	_ =	shalt  }
0x73: {  	_ =	shalt  }
0x74: {  	_ =	shalt  }
0x75: {  	_ =	shalt  }
0x76: {  	_ =	shalt  }
0x77: {  	_ =	shalt  }
0x78: {  	_ =	shalt  }
0x79: {  	_ =	shalt  }
0x7a: {  	_ =	shalt  }
0x7b: {  	_ =	shalt  }
0x7c: {  	_ =	shalt  }
0x7d: {  	_ =	shalt  }
0x7e: {  	_ =	shalt  }
0x7f: {  	_ =	shalt  }
0x80: {  	_ =	shalt  }
0x81: {  	_ =	shalt  }
0x82: {  	_ =	shalt  }
0x83: {  	_ =	shalt  }
0x84: {  	_ =	shalt  }
0x85: {  	_ =	shalt  }
0x86: {  	_ =	shalt  }
0x87: {  	_ =	shalt  }
.Lfunc_end0:
.L_simem_size_0:
called_computation.1_lowered:
.L_overlay_start_0:
0x88: {  	s2 =	sld [smem:$0x3FD9]  }
0x89: {  	s3 =	sld [smem:$0x3FFE];
	_ =	sdelay $0x1  }
0x8a: {  	s1 =	srdreg.scid  }
0x8b: {  	s0 =	sand.u32 $0x1, s1  }
0x8c: {  	s17 =	sshll.u32 s0, $0xA;
	s2 =	sadd.s32 s3, s2  }
0x8d: {  	s2 =	sadd.s32 s2, s17  }
0x8e: {  	[smem:$0x3FBD] =	sst s2  }
0x8f: {  	_ = 	snop  }
0x90: {  	s18 =	sld [smem:$0x3FD0];
	(tm) =	ssettm $0x1  }
0x91: {  	s19 =	sld [smem:$0x3FFB];
	_ =	sdelay $0x3  }
0x92: {  	_ =	strace s19  }
0x93: {  	s2 =	sld [smem:$0x3FFC];
	_ =	sdelay $0x3  }
0x94: {  	_ =	strace s2  }
0x95: {  	s2 =	sld [smem:$0x3FFD];
	_ =	sdelay $0x3  }
0x96: {  	_ =	strace s2  }
0x97: {  	_ =	strace $0x8FFFFFFF  }
0x98: {  	s20 =	sld [smem:$0x3FDB];
	_ =	sdelay $0x1  }
0x99: {  	s4 =	simm.s32 $_scs_section_size  }
0x9a: {  	s5 =	simm.s32 $_size__tile_overlayer_lowered;
	s6 =	simm.s32 $_tile_overlayer_lowered  }
0x9b: {  	s7 =	simm.s32 $0x1BFF;
	s21 =	sshll.u32 s6, $0x1;
	s4 =	sadd.s32 s4, s20  }
0x9c: {  	s22 =	simm.s32 $0x0;
	s5 =	sshll.u32 s5, $0x1;
	s6 =	sadd.s32 s21, s4  }
0x9d: {  	[timem:s22], [sflag:s7] =	dma.local [hbm:s6], s5  }
0x9e: {  	_ =	swait.ge [sflag:s7], s5  }
0x9f: {  	s5 =	ssub.s32 $0x0, s5;
	[sflag:s7] =	ssyncset.done $0x0  }
0xa0: {  	[sflag:s7] =	ssyncadd.s32 s5;
	_ =	sdelay $0x1  }
0xa1: {  	s23 =	simm.s32 $0x1B8B  }
0xa2: {  	_ =	swait.ge [sflag:s23], $0x1  }
0xa3: {  	[sflag:s23] =	ssyncset.done $0x0  }
0xa4: {  	[sflag:s23] =	ssyncadd.s32 $0xFFFFFFFF  }
0xa5: {  	s5 =	sld [smem:$0x0]  }
0xa6: {  	s6 =	sand.u32 $0xFFFFFFFE, s1  }
0xa7: {  	p0 =	sne.s32 s1, s6  }
0xa8: {  	s6 =	sshll.u32 @p0 s6, $0xE  }
0xa9: {  	s6 =	sadd.s32 @p0 $0x11B8D, s6;
	s7 =	sshll.u32 @p0 s5, $0x11  }
0xaa: {  	s6 =	sor.u32 @p0 s7, s6  }
0xab: {  	[sflag:s6] =	ssyncadd.remote.s32 @p0 $0x1;
	_ =	sdelay $0x1  }
0xac: {  	s6 =	simm.s32 @p0 $0x1B8D  }
0xad: {  	_ =	swait.eq @p0 [sflag:s6], $0x1  }
0xae: {  	[sflag:s6] =	ssyncadd.s32 @p0 $0xFFFFFFFF  }
0xaf: {  	s7 =	sshll.u32 @!p0 s1, $0xE  }
0xb0: {  	s7 =	sor.u32 @!p0 $0x4000, s7;
	s6 =	simm.s32 @!p0 $0x1B8D  }
0xb1: {  	s5 =	sshll.u32 @!p0 s5, $0x11;
	s7 =	sadd.s32 @!p0 $0x11B8D, s7;
	_ =	swait.eq @!p0 [sflag:s6], $0x1  }
0xb2: {  	s5 =	sor.u32 @!p0 s5, s7;
	[sflag:s6] =	ssyncadd.s32 @!p0 $0xFFFFFFFF  }
0xb3: {  	s25 =	simm.s32 $0x1B8E;
	s24 =	sld [smem:$0x3FFE];
	[sflag:s5] =	ssyncadd.remote.s32 @!p0 $0x1  }
0xb4: {  	s26 =	simm.s32 $execute0_lowered;
	[smem:$0x3FD2] =	sst s25  }
0xb5: {  	s6 =	sshll.u32 s26, $0x1;
	_ =	strace $0x80000049;
	[dreg:$0x1] =	wrdreg $0xFFFFFFFF  }
0xb6: {  	s28 =	simm.s32 $_size_execute0_lowered;
	s4 =	sadd.s32 s4, s6;
	[dreg:$0x0] =	wrdreg $0x0  }
0xb7: {  	s6 =	sshll.u32 s28, $0x1;
	[dreg:$0x2] =	wrdreg s4  }
0xb8: {  	[dreg:$0x3] =	wrdreg s6  }
0xb9: {  	[dreg:$0x4] =	wrdreg $0xC0  }
0xba: {  	_ =	task [dreg:s22], $0x5FFFF  }
0xbb: {  	[dreg:$0x1] =	wrdreg $0xFFFFFFFF  }
0xbc: {  	[dreg:$0x0] =	wrdreg $0x60  }
0xbd: {  	[dreg:$0x2] =	wrdreg s24  }
0xbe: {  	[dreg:$0x3] =	wrdreg s18  }
0xbf: {  	[dreg:$0x4] =	wrdreg $0xA  }
0xc0: {  	_ =	task.clear_ibuf [dreg:s22], $0x5FFFF;
	_ =	strace $0x90000049  }
0xc1: {  	s29 =	simm.s32 $0xA;
	_ =	strace $0x8000004B  }
0xc2: {  	_ =	swait.ge [sflag:s29], $0x1  }
0xc3: {  	[sflag:s29] =	ssyncadd.s32 $0xFFFFFFFF  }
0xc4: {  	_ =	strace $0x9000004B  }
0xc5: {  	_ =	sfence  }
0xc6: {  	s30 =	sld [smem:$0x0];
	_ =	sdelay $0x2  }
0xc7: {  	s31 =	sshll.u32 s1, $0xD;
	s1 =	sshrl.u32 s1, $0x2  }
0xc8: {  	s4 =	sand.u32 $0x4000, s31;
	s1 =	sadd.s32 s1, s30  }
0xc9: {  	s0 =	sor.u32 s4, s0;
	s1 =	sshll.u32 s1, $0x11  }
0xca: {  	s0 =	sor.u32 s1, s0  }
0xcb: {  	s0 =	sadd.s32 $0x8F2B, s0  }
0xcc: {  	[sflag:s0] =	ssyncadd.remote.s32 $0x1  }
0xcd: {  	_ =	sfence.sel $0xFFFF  }
0xce: {  	[dreg:$0x0] =	wrdreg $0xFFFFFFFF;
	(pc) =	sbr.abs _section_cstart, $3  }
0xcf: {  	[dreg:$0x1] =	wrdreg $0xFFFFFFFF  }
0xd0: {  	_ =	task.clear_ibuf [dreg:s22], $0x2FFFF;
	_ =	strace $0x9FFFFFFF  }
0xd1: {  	(tm) =	ssettm $0x7FFFFFFF  }
tec
execute0_lowered:
.L_overlay_start_1:
0x0: {  	(tag) =	ssettag $0x1  }
0x1: {  	s4 =	rddreg [dreg:$0x0]  }
0x2: {  	s2 =	rddreg [dreg:$0x1]  }
0x3: {  	s0 =	rddreg [dreg:$0x2];
	s5 =	srdreg.scid  }
0x4: {  	s3 =	simm.s32 $0x0;
	s1 =	stileid.u32;
	s10 =	simm.s32 $0x1  }
0x5: {  	s11 =	simm.s32 $0x0;
	s5 =	sand.u32 $0x1, s5;
	[smem:$0x7FF] =	sst s3  }
0x6: {  	s6 =	sshll.u32 s1, $0x9;
	s8 =	sshll.u32 s1, $0xB;
	s7 =	sshll.u32 s5, $0x8  }
0x7: {  	_ =	strace $0x8000004A;
	s29 =	ssub.s32 $0x2, s5;
	s8 =	sadd.s32 s8, s4  }
0x8: {  	s30 =	sshll.u32 s5, $0xA;
	s6 =	sor.u32 s7, s6;
	s9 =	sshrl.u32 s29, $0x1  }
0x9: {  	s31 =	sadd.s32 s30, s8;
	s8 =	simm.s32 $0x40;
	s6 =	sadd.s32 s6, s4  }
0xa: {  	s7 =	ssub.s32 s29, s9;
	s9 =	simm.s32 $0x800;
	s4 =	sadd.s32 $0x86A00, s6  }
0xb: {  	s5 =	smax.u32 s7, $0x1;
	s6 =	sadd.s32 $0x88A00, s31;
	s7 =	simm.s32 $0x2  }
.LBB2_1:
0xc: {  	[tilespmem:s3], [sflag:$0x2] =	stream.linear.gather [hbm4b:s4+s3], $0x800, $0x38;
	[tilespmem:$0x2800] =	vst v63  }
0xd: {  	_ =	swait.ge [sflag:s7], $0x800  }
0xe: {  	[sflag:s7] =	ssyncset.done $0x0  }
0xf: {  	s12 =	simm.s32 $0x0;
	[sflag:s7] =	ssyncadd.s32 $0xFFFFF800  }
0x10: {  	[tilespmem:s9], [sflag:$0x1] =	stream.indirect.gather [hbm4b:s2+s8], $0x80, s12, s8, $0xb8;
	[tilespmem:$0x2800] =	vst v63  }
0x11: {  	_ =	swait.ge [sflag:s10], $0x2000  }
0x12: {  	[sflag:s10] =	ssyncset.done $0x0  }
0x13: {  	[sflag:s10] =	ssyncadd.s32 $0xFFFFE000  }
0x14: {  	[hbm4b:s6+s3] =	stream.linear.scatter [tilespmem:s9], [sflag:$0x2], $0x2000, $0x38;
	[tilespmem:$0x2800] =	vst v63  }
0x15: {  	s13 =	simm.s32 $0x200;
	_ =	swait.ge [sflag:s7], $0x2000  }
0x16: {  	s14 =	simm.s32 $0x400;
	s12 =	sadd.s32 $0x8000, s6;
	[sflag:s7] =	ssyncset.done $0x0  }
.LBB2_2:
0x17: {  	s15 =	sshra.s32 s13, $0x2  }
0x18: {  	[sflag:s7] =	ssyncadd.s32 $0xFFFFE000;
	s13 =	smov.u32 s14;
	s16 =	sadd.s32 $0x200, s14  }
0x19: {  	[tilespmem:s9], [sflag:$0x1] =	stream.indirect.gather [hbm4b:s2+s8], $0x80, s15, s8, $0xb8;
	[tilespmem:$0x2800] =	vst v63  }
0x1a: {  	p0 =	sne.s32 s14, $0x1E00;
	_ =	swait.ge [sflag:s10], $0x2000  }
.Ltmp0:
0x1b: {  	[sflag:s10] =	ssyncset.done $0x0;
	(pc) =	sbr.rel @p0 .LBB2_2-.Ltmp0, $4  }
0x1c: {  	[sflag:s10] =	ssyncadd.s32 $0xFFFFE000  }
0x1d: {  	[hbm4b:s12+s3] =	stream.linear.scatter [tilespmem:s9], [sflag:$0x2], $0x2000, $0x38;
	[tilespmem:$0x2800] =	vst v63  }
0x1e: {  	_ =	swait.ge [sflag:s7], $0x2000  }
0x1f: {  	s14 =	smov.u32 s16;
	s12 =	sadd.s32 $0x8000, s12;
	[sflag:s7] =	ssyncset.done $0x0  }
0x20: {  	s13 =	sshra.s32 s13, $0x2;
	[sflag:s7] =	ssyncadd.s32 $0xFFFFE000  }
0x21: {  	[tilespmem:s9], [sflag:$0x1] =	stream.indirect.gather [hbm4b:s2+s8], $0x80, s13, s8, $0xb8;
	[tilespmem:$0x2800] =	vst v63  }
0x22: {  	s11 =	sadd.s32 $0x1, s11;
	_ =	swait.ge [sflag:s10], $0x2000  }
0x23: {  	p0 =	sne.s32 s11, s5;
	[sflag:s10] =	ssyncset.done $0x0  }
.Ltmp1:
0x24: {  	[sflag:s10] =	ssyncadd.s32 $0xFFFFE000;
	(pc) =	sbr.rel @p0 .LBB2_1-.Ltmp1, $4  }
0x25: {  	[hbm4b:s12+s3] =	stream.linear.scatter [tilespmem:s9], [sflag:$0x2], $0x2000, $0x38;
	[tilespmem:$0x2800] =	vst v63  }
0x26: {  	_ =	swait.ge [sflag:s7], $0x2000  }
0x27: {  	[sflag:s7] =	ssyncset.done $0x0  }
0x28: {  	[sflag:s7] =	ssyncadd.s32 $0xFFFFE000  }
0x29: {  	_ =	sfence.sel $0x180000  }
0x2a: {  	[bflag:$0x0] =	sbarrier.arrive $0xFFFF  }
0x2b: {  	p0 =	sne.s32 s1, $0x0;
	_ =	strace $0x9000004A  }
0x2c: {  	s0 =	sadd.s32 @!p0 $0x100000, s0;
	[bflag:$0x2] =	sbarrier.arrive $0xFFFF  }
0x2d: {  	[sflag:s0] =	ssyncadd.tile.s32 @!p0 $0x1;
	_ =	shalt  }
.Lfunc_end2:
_tile_overlayer_lowered:
.L_overlay_start_2:
0x2e: {  	(tag) =	ssettag $0x2  }
0x2f: {  	s0 =	rddreg [dreg:$0x0];
	s2 =	stileid.u32  }
0x30: {  	s1 =	rddreg [dreg:$0x1];
	p0 =	sne.s32 s2, $0x0  }
0x31: {  	s3 =	rddreg [dreg:$0x2];
	[bflag:$0x3] =	sbarrier.arrive $0xFFFF;
	s2 =	simm.s32 @!p0 $0x1C02  }
0x32: {  	[timem:s3], [sflag:s2] =	dma.local @!p0 [hbm:s0], s1  }
0x33: {  	s0 =	simm.s32 @!p0 $0x2  }
0x34: {  	_ =	swait.ge @!p0 [sflag:s0], s1  }
0x35: {  	s1 =	ssub.s32 @!p0 $0x0, s1;
	[sflag:s0] =	ssyncset.done @!p0 $0x0  }
0x36: {  	[sflag:s0] =	ssyncadd.s32 @!p0 s1  }
0x37: {  	[bflag:$0x3] =	sbarrier.arrive $0xFFFF  }
0x38: {  	_ =	shalt  }

// kernel: kernel.33.cloned.1.call-start
scs
__scs_entry_jumppad:
0x0: {  	(pc) =	sbr.rel $0x88, $3  }
0x1: {  	(tag) =	ssettag $0x0;
	lr =	simm.s32 $0x1  }
0x2: {  	[smem:$0x3F96] =	sst lr;
	_ =	strace $0xD0000000  }
0x3: {  	_ = 	snop  }
0x4: {  	_ = 	snop  }
0x5: {  	_ = 	snop  }
0x6: {  	_ = 	snop  }
0x7: {  	_ = 	snop  }
__scs_overlays_trampoline_lowered:
0x8: {  	[smem:$0x3FA5] =	sst s0  }
0x9: {  	[smem:$0x3FA6] =	sst s1  }
0xa: {  	[smem:$0x3FA7] =	sst s2  }
0xb: {  	[smem:$0x3FA8] =	sst s3  }
0xc: {  	[smem:$0x3FA9] =	sst s4  }
0xd: {  	[smem:$0x3FAA] =	sst s5  }
0xe: {  	[smem:$0x3FAB] =	sst s6  }
0xf: {  	[smem:$0x3FAC] =	sst s7  }
0x10: {  	[smem:$0x3FAD] =	sst s8  }
0x11: {  	[smem:$0x3FAE] =	sst s9;
	s0 =	simm.s32 @!p0 $0x0  }
0x12: {  	s1 =	sld [smem:$0x3F94];
	s0 =	simm.s32 @p0 $0x1  }
0x13: {  	[smem:$0x3FAF] =	sst s0;
	s0 =	simm.s32 @!p1 $0x0  }
0x14: {  	s2 =	sld [smem:$0x3F93];
	s0 =	simm.s32 @p1 $0x1  }
0x15: {  	[smem:$0x3FB0] =	sst s0;
	s0 =	simm.s32 @!p2 $0x0  }
0x16: {  	s3 =	sld [smem:$0x3FDB];
	s0 =	simm.s32 @p2 $0x1  }
0x17: {  	s4 =	simm.s32 $0x1BF5;
	[smem:$0x3FB2] =	sst s0  }
0x18: {  	s0 =	sld [smem:$0x3F95];
	_ =	swait.ge [sflag:s4], $0x0  }
0x19: {  	s7 =	sld [smem:$0x3F96]  }
0x1a: {  	s8 =	sadd.s32 $0xFFFFE003, lr  }
0x1b: {  	s9 =	sadd.s32 $0xFFFFFEF7, lr;
	s5 =	simm.s32 $0xFFFFFFFF;
	p2 =	slt.u32 s8, $0xFFFFF086  }
0x1c: {  	p1 =	slt.u32 s9, $0xF7A;
	s5 =	simm.s32 @!p2 $0x0  }
0x1d: {  	s5 =	simm.s32 @p1 $0x1;
	p0 =	seq.s32 s7, s2  }
0x1e: {  	s7 =	smul.u32 @!p0 $0xF7A, s2;
	p2 =	seq.s32 @!p0 s5, $0x0  }
0x1f: {  	s9 =	smul.u32 $0xF7A, s1;
	s8 =	simm.s32 @!p0 $0x1BF5;
	p2 =	por !p2, p0  }
0x20: {  	[sflag:s8] =	ssyncset.s32 @!p0 $0xFFFFF086;
	s6 =	sadd.s32 @!p0 s3, s7;
	s7 =	simm.s32 @!p0 $0x108  }
0x21: {  	s3 =	sadd.s32 s3, s9;
	s6 =	sadd.s32 @!p0 $0x88, s6;
	s7 =	simm.s32 @p2 $0x1082  }
0x22: {  	[simem:s7], [sflag:s8] =	dma.local @!p0 [hbm:s6], $0xF7A  }
0x23: {  	s9 =	sor.u32 $0xD0000000, s2;
	s6 =	simm.s32 $0x108;
	_ =	swait.ge @!p0 [sflag:s8], $0x0  }
0x24: {  	s3 =	sadd.s32 $0x88, s3;
	s6 =	simm.s32 @!p1 $0x1082;
	[sflag:s4] =	ssyncset.s32 $0xFFFFF086  }
0x25: {  	[simem:s6], [sflag:s4] =	dma.local [hbm:s3], $0xF7A  }
0x26: {  	[smem:$0x3F96] =	sst s1;
	(tag) =	ssettag s2;
	_ =	strace s9  }
0x27: {  	s1 =	sld [smem:$0x3FA6]  }
0x28: {  	s2 =	sld [smem:$0x3FA7]  }
0x29: {  	s4 =	sld [smem:$0x3FA9]  }
0x2a: {  	p0 =	seq.s32 s5, $0x0;
	s5 =	sld [smem:$0x3FAA]  }
0x2b: {  	s6 =	sld [smem:$0x3FAB]  }
0x2c: {  	s7 =	sld [smem:$0x3FAC]  }
0x2d: {  	s3 =	simm.s32 $0x108;
	s8 =	sld [smem:$0x3FAD]  }
0x2e: {  	s3 =	simm.s32 @!p0 $0x1082;
	s9 =	sld [smem:$0x3FAE]  }
0x2f: {  	lr =	sadd.s32 s0, s3;
	s0 =	sld [smem:$0x3FA5]  }
0x30: {  	s3 =	sld [smem:$0x3FA8]  }
0x31: {  	[smem:$0x3FB1] =	sst s10  }
0x32: {  	s10 =	sld [smem:$0x3FAF];
	_ =	sdelay $0x3  }
0x33: {  	p0 =	seq.s32 s10, $0x1;
	s10 =	sld [smem:$0x3FB1];
	_ =	sdelay $0x3  }
0x34: {  	[smem:$0x3FB1] =	sst s10  }
0x35: {  	s10 =	sld [smem:$0x3FB0];
	_ =	sdelay $0x3  }
0x36: {  	p1 =	seq.s32 s10, $0x1;
	s10 =	sld [smem:$0x3FB1];
	_ =	sdelay $0x3  }
0x37: {  	[smem:$0x3FB1] =	sst s10  }
0x38: {  	s10 =	sld [smem:$0x3FB2]  }
0x39: {  	_ = 	snop;
	(pc) =	sbr.ind lr, $3  }
0x3a: {  	_ = 	snop  }
0x3b: {  	_ = 	snop  }
0x3c: {  	p2 =	seq.s32 s10, $0x1;
	s10 =	sld [smem:$0x3FB1]  }
0x3d: {  	_ =	shalt  }
0x3e: {  	_ =	shalt  }
0x3f: {  	_ =	shalt  }
0x40: {  	_ =	shalt  }
0x41: {  	_ =	shalt  }
0x42: {  	_ =	shalt  }
0x43: {  	_ =	shalt  }
0x44: {  	_ =	shalt  }
0x45: {  	_ =	shalt  }
0x46: {  	_ =	shalt  }
0x47: {  	_ =	shalt  }
0x48: {  	_ =	shalt  }
0x49: {  	_ =	shalt  }
0x4a: {  	_ =	shalt  }
0x4b: {  	_ =	shalt  }
0x4c: {  	_ =	shalt  }
0x4d: {  	_ =	shalt  }
0x4e: {  	_ =	shalt  }
0x4f: {  	_ =	shalt  }
0x50: {  	_ =	shalt  }
0x51: {  	_ =	shalt  }
0x52: {  	_ =	shalt  }
0x53: {  	_ =	shalt  }
0x54: {  	_ =	shalt  }
0x55: {  	_ =	shalt  }
0x56: {  	_ =	shalt  }
0x57: {  	_ =	shalt  }
0x58: {  	_ =	shalt  }
0x59: {  	_ =	shalt  }
0x5a: {  	_ =	shalt  }
0x5b: {  	_ =	shalt  }
0x5c: {  	_ =	shalt  }
0x5d: {  	_ =	shalt  }
0x5e: {  	_ =	shalt  }
0x5f: {  	_ =	shalt  }
0x60: {  	_ =	shalt  }
0x61: {  	_ =	shalt  }
0x62: {  	_ =	shalt  }
0x63: {  	_ =	shalt  }
0x64: {  	_ =	shalt  }
0x65: {  	_ =	shalt  }
0x66: {  	_ =	shalt  }
0x67: {  	_ =	shalt  }
0x68: {  	_ =	shalt  }
0x69: {  	_ =	shalt  }
0x6a: {  	_ =	shalt  }
0x6b: {  	_ =	shalt  }
0x6c: {  	_ =	shalt  }
0x6d: {  	_ =	shalt  }
0x6e: {  	_ =	shalt  }
0x6f: {  	_ =	shalt  }
0x70: {  	_ =	shalt  }
0x71: {  	_ =	shalt  }
0x72: {  	_ =	shalt  }
0x73: {  	_ =	shalt  }
0x74: {  	_ =	shalt  }
0x75: {  	_ =	shalt  }
0x76: {  	_ =	shalt  }
0x77: {  	_ =	shalt  }
0x78: {  	_ =	shalt  }
0x79: {  	_ =	shalt  }
0x7a: {  	_ =	shalt  }
0x7b: {  	_ =	shalt  }
0x7c: {  	_ =	shalt  }
0x7d: {  	_ =	shalt  }
0x7e: {  	_ =	shalt  }
0x7f: {  	_ =	shalt  }
0x80: {  	_ =	shalt  }
0x81: {  	_ =	shalt  }
0x82: {  	_ =	shalt  }
0x83: {  	_ =	shalt  }
0x84: {  	_ =	shalt  }
0x85: {  	_ =	shalt  }
0x86: {  	_ =	shalt  }
0x87: {  	_ =	shalt  }
.Lfunc_end0:
.L_simem_size_0:
called_computation.2_lowered:
.L_overlay_start_0:
0x88: {  	s2 =	sld [smem:$0x3FD9]  }
0x89: {  	s3 =	sld [smem:$0x3FFE];
	_ =	sdelay $0x1  }
0x8a: {  	s1 =	srdreg.scid  }
0x8b: {  	s0 =	sand.u32 $0x1, s1  }
0x8c: {  	s17 =	sshll.u32 s0, $0xA;
	s2 =	sadd.s32 s3, s2  }
0x8d: {  	s2 =	sadd.s32 s2, s17  }
0x8e: {  	[smem:$0x3FBD] =	sst s2  }
0x8f: {  	_ = 	snop  }
0x90: {  	s2 =	sld [smem:$0x3FD0];
	(tm) =	ssettm $0x1  }
0x91: {  	s18 =	sld [smem:$0x3FFB];
	_ =	sdelay $0x3  }
0x92: {  	_ =	strace s18  }
0x93: {  	s3 =	sld [smem:$0x3FFC];
	_ =	sdelay $0x3  }
0x94: {  	_ =	strace s3  }
0x95: {  	s3 =	sld [smem:$0x3FFD];
	_ =	sdelay $0x3  }
0x96: {  	_ =	strace s3  }
0x97: {  	_ =	strace $0x8FFFFFFF  }
0x98: {  	s19 =	sld [smem:$0x3FDB];
	_ =	sdelay $0x1  }
0x99: {  	s4 =	simm.s32 $_scs_section_size  }
0x9a: {  	s5 =	simm.s32 $_size__tile_overlayer_lowered;
	s6 =	simm.s32 $_tile_overlayer_lowered  }
0x9b: {  	s22 =	simm.s32 $0x1BFF;
	s21 =	sshll.u32 s6, $0x1;
	s3 =	sadd.s32 s4, s19  }
0x9c: {  	s7 =	simm.s32 $0x0;
	s20 =	sshll.u32 s5, $0x1;
	s5 =	sadd.s32 s21, s3  }
0x9d: {  	[timem:s7], [sflag:s22] =	dma.local [hbm:s5], s20  }
0x9e: {  	_ =	swait.ge [sflag:s22], s20  }
0x9f: {  	s4 =	ssub.s32 $0x0, s20;
	[sflag:s22] =	ssyncset.done $0x0  }
0xa0: {  	[sflag:s22] =	ssyncadd.s32 s4;
	_ =	sdelay $0x1  }
0xa1: {  	s23 =	simm.s32 $0x1B8B  }
0xa2: {  	_ =	swait.ge [sflag:s23], $0x1  }
0xa3: {  	[sflag:s23] =	ssyncset.done $0x0  }
0xa4: {  	s25 =	simm.s32 $0x1B8E;
	s24 =	sld [smem:$0x3FFE];
	[sflag:s23] =	ssyncadd.s32 $0xFFFFFFFF  }
0xa5: {  	s26 =	simm.s32 $execute0_lowered;
	[smem:$0x3FD2] =	sst s25  }
0xa6: {  	s5 =	sshll.u32 s26, $0x1;
	_ =	strace $0x8000004C;
	[dreg:$0x1] =	wrdreg $0xFFFFFFFF  }
0xa7: {  	s28 =	simm.s32 $_size_execute0_lowered;
	s3 =	sadd.s32 s3, s5;
	[dreg:$0x0] =	wrdreg $0x0  }
0xa8: {  	s5 =	sshll.u32 s28, $0x1;
	[dreg:$0x2] =	wrdreg s3  }
0xa9: {  	[dreg:$0x3] =	wrdreg s5  }
0xaa: {  	[dreg:$0x4] =	wrdreg $0xC0  }
0xab: {  	_ =	task [dreg:s7], $0x5FFFF  }
0xac: {  	[dreg:$0x1] =	wrdreg $0xFFFFFFFF  }
0xad: {  	[dreg:$0x0] =	wrdreg $0x60  }
0xae: {  	[dreg:$0x2] =	wrdreg s24  }
0xaf: {  	[dreg:$0x3] =	wrdreg s2  }
0xb0: {  	[dreg:$0x4] =	wrdreg $0x9  }
0xb1: {  	_ =	task.clear_ibuf [dreg:s7], $0x5FFFF;
	_ =	strace $0x9000004C  }
0xb2: {  	s29 =	simm.s32 $0x9;
	_ =	strace $0x8000004E  }
0xb3: {  	_ =	swait.ge [sflag:s29], $0x1  }
0xb4: {  	[sflag:s29] =	ssyncadd.s32 $0xFFFFFFFF  }
0xb5: {  	_ =	strace $0x9000004E  }
0xb6: {  	_ =	sfence  }
0xb7: {  	s30 =	sld [smem:$0x0];
	_ =	sdelay $0x2  }
0xb8: {  	s31 =	sshll.u32 s1, $0xD;
	s1 =	sshrl.u32 s1, $0x2  }
0xb9: {  	s3 =	sand.u32 $0x4000, s31;
	s1 =	sadd.s32 s1, s30  }
0xba: {  	s0 =	sor.u32 s3, s0;
	s1 =	sshll.u32 s1, $0x11  }
0xbb: {  	s0 =	sor.u32 s1, s0  }
0xbc: {  	s0 =	sadd.s32 $0x8F2B, s0  }
0xbd: {  	[sflag:s0] =	ssyncadd.remote.s32 $0x1  }
0xbe: {  	_ =	sfence.sel $0xFFFF  }
0xbf: {  	[dreg:$0x0] =	wrdreg $0xFFFFFFFF;
	(pc) =	sbr.abs _section_cstart, $3  }
0xc0: {  	[dreg:$0x1] =	wrdreg $0xFFFFFFFF  }
0xc1: {  	_ =	task.clear_ibuf [dreg:s7], $0x2FFFF;
	_ =	strace $0x9FFFFFFF  }
0xc2: {  	(tm) =	ssettm $0x7FFFFFFF  }
0xc3: {  	_ =	shalt  }
tec
execute0_lowered:
.L_overlay_start_1:
0x0: {  	(tag) =	ssettag $0x1  }
0x1: {  	s4 =	rddreg [dreg:$0x0]  }
0x2: {  	s2 =	rddreg [dreg:$0x1]  }
0x3: {  	s0 =	rddreg [dreg:$0x2];
	s5 =	srdreg.scid  }
0x4: {  	s3 =	simm.s32 $0x0;
	s1 =	stileid.u32;
	s10 =	simm.s32 $0x1  }
0x5: {  	s11 =	simm.s32 $0x0;
	s5 =	sand.u32 $0x1, s5;
	[smem:$0x7FF] =	sst s3  }
0x6: {  	s6 =	sshll.u32 s1, $0x9;
	s8 =	sshll.u32 s1, $0xB;
	s7 =	sshll.u32 s5, $0x8  }
0x7: {  	_ =	strace $0x8000004D;
	s29 =	ssub.s32 $0x2, s5;
	s8 =	sadd.s32 s8, s4  }
0x8: {  	s30 =	sshll.u32 s5, $0xA;
	s6 =	sor.u32 s7, s6;
	s9 =	sshrl.u32 s29, $0x1  }
0x9: {  	s31 =	sadd.s32 s30, s8;
	s8 =	simm.s32 $0x40;
	s6 =	sadd.s32 s6, s4  }
0xa: {  	s7 =	ssub.s32 s29, s9;
	s9 =	simm.s32 $0x800;
	s4 =	sadd.s32 $0x4A00, s6  }
0xb: {  	s5 =	smax.u32 s7, $0x1;
	s6 =	sadd.s32 $0x6A00, s31;
	s7 =	simm.s32 $0x2  }
.LBB2_1:
0xc: {  	[tilespmem:s3], [sflag:$0x2] =	stream.linear.gather [hbm4b:s4+s3], $0x800, $0x38;
	[tilespmem:$0x2800] =	vst v63  }
0xd: {  	_ =	swait.ge [sflag:s7], $0x800  }
0xe: {  	[sflag:s7] =	ssyncset.done $0x0  }
0xf: {  	s12 =	simm.s32 $0x0;
	[sflag:s7] =	ssyncadd.s32 $0xFFFFF800  }
0x10: {  	[tilespmem:s9], [sflag:$0x1] =	stream.indirect.gather [hbm4b:s2+s8], $0x80, s12, s8, $0xb8;
	[tilespmem:$0x2800] =	vst v63  }
0x11: {  	_ =	swait.ge [sflag:s10], $0x2000  }
0x12: {  	[sflag:s10] =	ssyncset.done $0x0  }
0x13: {  	[sflag:s10] =	ssyncadd.s32 $0xFFFFE000  }
0x14: {  	[hbm4b:s6+s3] =	stream.linear.scatter [tilespmem:s9], [sflag:$0x2], $0x2000, $0x38;
	[tilespmem:$0x2800] =	vst v63  }
0x15: {  	s13 =	simm.s32 $0x200;
	_ =	swait.ge [sflag:s7], $0x2000  }
0x16: {  	s14 =	simm.s32 $0x400;
	s12 =	sadd.s32 $0x8000, s6;
	[sflag:s7] =	ssyncset.done $0x0  }
.LBB2_2:
0x17: {  	s15 =	sshra.s32 s13, $0x2  }
0x18: {  	[sflag:s7] =	ssyncadd.s32 $0xFFFFE000;
	s13 =	smov.u32 s14;
	s16 =	sadd.s32 $0x200, s14  }
0x19: {  	[tilespmem:s9], [sflag:$0x1] =	stream.indirect.gather [hbm4b:s2+s8], $0x80, s15, s8, $0xb8;
	[tilespmem:$0x2800] =	vst v63  }
0x1a: {  	p0 =	sne.s32 s14, $0x1E00;
	_ =	swait.ge [sflag:s10], $0x2000  }
.Ltmp0:
0x1b: {  	[sflag:s10] =	ssyncset.done $0x0;
	(pc) =	sbr.rel @p0 .LBB2_2-.Ltmp0, $4  }
0x1c: {  	[sflag:s10] =	ssyncadd.s32 $0xFFFFE000  }
0x1d: {  	[hbm4b:s12+s3] =	stream.linear.scatter [tilespmem:s9], [sflag:$0x2], $0x2000, $0x38;
	[tilespmem:$0x2800] =	vst v63  }
0x1e: {  	_ =	swait.ge [sflag:s7], $0x2000  }
0x1f: {  	s14 =	smov.u32 s16;
	s12 =	sadd.s32 $0x8000, s12;
	[sflag:s7] =	ssyncset.done $0x0  }
0x20: {  	s13 =	sshra.s32 s13, $0x2;
	[sflag:s7] =	ssyncadd.s32 $0xFFFFE000  }
0x21: {  	[tilespmem:s9], [sflag:$0x1] =	stream.indirect.gather [hbm4b:s2+s8], $0x80, s13, s8, $0xb8;
	[tilespmem:$0x2800] =	vst v63  }
0x22: {  	s11 =	sadd.s32 $0x1, s11;
	_ =	swait.ge [sflag:s10], $0x2000  }
0x23: {  	p0 =	sne.s32 s11, s5;
	[sflag:s10] =	ssyncset.done $0x0  }
.Ltmp1:
0x24: {  	[sflag:s10] =	ssyncadd.s32 $0xFFFFE000;
	(pc) =	sbr.rel @p0 .LBB2_1-.Ltmp1, $4  }
0x25: {  	[hbm4b:s12+s3] =	stream.linear.scatter [tilespmem:s9], [sflag:$0x2], $0x2000, $0x38;
	[tilespmem:$0x2800] =	vst v63  }
0x26: {  	_ =	swait.ge [sflag:s7], $0x2000  }
0x27: {  	[sflag:s7] =	ssyncset.done $0x0  }
0x28: {  	[sflag:s7] =	ssyncadd.s32 $0xFFFFE000  }
0x29: {  	_ =	sfence.sel $0x180000  }
0x2a: {  	[bflag:$0x0] =	sbarrier.arrive $0xFFFF  }
0x2b: {  	p0 =	sne.s32 s1, $0x0;
	_ =	strace $0x9000004D  }
0x2c: {  	s0 =	sadd.s32 @!p0 $0x100000, s0;
	[bflag:$0x2] =	sbarrier.arrive $0xFFFF  }
0x2d: {  	[sflag:s0] =	ssyncadd.tile.s32 @!p0 $0x1;
	_ =	shalt  }
.Lfunc_end2:
_tile_overlayer_lowered:
.L_overlay_start_2:
0x2e: {  	(tag) =	ssettag $0x2  }
0x2f: {  	s0 =	rddreg [dreg:$0x0];
	s2 =	stileid.u32  }
0x30: {  	s1 =	rddreg [dreg:$0x1];
	p0 =	sne.s32 s2, $0x0  }
0x31: {  	s3 =	rddreg [dreg:$0x2];
	[bflag:$0x3] =	sbarrier.arrive $0xFFFF;
	s2 =	simm.s32 @!p0 $0x1C02  }
0x32: {  	[timem:s3], [sflag:s2] =	dma.local @!p0 [hbm:s0], s1  }
0x33: {  	s0 =	simm.s32 @!p0 $0x2  }
0x34: {  	_ =	swait.ge @!p0 [sflag:s0], s1  }
0x35: {  	s1 =	ssub.s32 @!p0 $0x0, s1;
	[sflag:s0] =	ssyncset.done @!p0 $0x0  }
0x36: {  	[sflag:s0] =	ssyncadd.s32 @!p0 s1  }
0x37: {  	[bflag:$0x3] =	sbarrier.arrive $0xFFFF  }
0x38: {  	_ =	shalt  }

// kernel: kernel.36.cloned.1.call-start
scs
__scs_entry_jumppad:
0x0: {  	(pc) =	sbr.rel $0x88, $3  }
0x1: {  	(tag) =	ssettag $0x0;
	lr =	simm.s32 $0x1  }
0x2: {  	[smem:$0x3F96] =	sst lr;
	_ =	strace $0xD0000000  }
0x3: {  	_ = 	snop  }
0x4: {  	_ = 	snop  }
0x5: {  	_ = 	snop  }
0x6: {  	_ = 	snop  }
0x7: {  	_ = 	snop  }
__scs_overlays_trampoline_lowered:
0x8: {  	[smem:$0x3FA5] =	sst s0  }
0x9: {  	[smem:$0x3FA6] =	sst s1  }
0xa: {  	[smem:$0x3FA7] =	sst s2  }
0xb: {  	[smem:$0x3FA8] =	sst s3  }
0xc: {  	[smem:$0x3FA9] =	sst s4  }
0xd: {  	[smem:$0x3FAA] =	sst s5  }
0xe: {  	[smem:$0x3FAB] =	sst s6  }
0xf: {  	[smem:$0x3FAC] =	sst s7  }
0x10: {  	[smem:$0x3FAD] =	sst s8  }
0x11: {  	[smem:$0x3FAE] =	sst s9;
	s0 =	simm.s32 @!p0 $0x0  }
0x12: {  	s1 =	sld [smem:$0x3F94];
	s0 =	simm.s32 @p0 $0x1  }
0x13: {  	[smem:$0x3FAF] =	sst s0;
	s0 =	simm.s32 @!p1 $0x0  }
0x14: {  	s2 =	sld [smem:$0x3F93];
	s0 =	simm.s32 @p1 $0x1  }
0x15: {  	[smem:$0x3FB0] =	sst s0;
	s0 =	simm.s32 @!p2 $0x0  }
0x16: {  	s3 =	sld [smem:$0x3FDB];
	s0 =	simm.s32 @p2 $0x1  }
0x17: {  	s4 =	simm.s32 $0x1BF5;
	[smem:$0x3FB2] =	sst s0  }
0x18: {  	s0 =	sld [smem:$0x3F95];
	_ =	swait.ge [sflag:s4], $0x0  }
0x19: {  	s7 =	sld [smem:$0x3F96]  }
0x1a: {  	s8 =	sadd.s32 $0xFFFFE003, lr  }
0x1b: {  	s9 =	sadd.s32 $0xFFFFFEF7, lr;
	s5 =	simm.s32 $0xFFFFFFFF;
	p2 =	slt.u32 s8, $0xFFFFF086  }
0x1c: {  	p1 =	slt.u32 s9, $0xF7A;
	s5 =	simm.s32 @!p2 $0x0  }
0x1d: {  	s5 =	simm.s32 @p1 $0x1;
	p0 =	seq.s32 s7, s2  }
0x1e: {  	s7 =	smul.u32 @!p0 $0xF7A, s2;
	p2 =	seq.s32 @!p0 s5, $0x0  }
0x1f: {  	s9 =	smul.u32 $0xF7A, s1;
	s8 =	simm.s32 @!p0 $0x1BF5;
	p2 =	por !p2, p0  }
0x20: {  	[sflag:s8] =	ssyncset.s32 @!p0 $0xFFFFF086;
	s6 =	sadd.s32 @!p0 s3, s7;
	s7 =	simm.s32 @!p0 $0x108  }
0x21: {  	s3 =	sadd.s32 s3, s9;
	s6 =	sadd.s32 @!p0 $0x88, s6;
	s7 =	simm.s32 @p2 $0x1082  }
0x22: {  	[simem:s7], [sflag:s8] =	dma.local @!p0 [hbm:s6], $0xF7A  }
0x23: {  	s9 =	sor.u32 $0xD0000000, s2;
	s6 =	simm.s32 $0x108;
	_ =	swait.ge @!p0 [sflag:s8], $0x0  }
0x24: {  	s3 =	sadd.s32 $0x88, s3;
	s6 =	simm.s32 @!p1 $0x1082;
	[sflag:s4] =	ssyncset.s32 $0xFFFFF086  }
0x25: {  	[simem:s6], [sflag:s4] =	dma.local [hbm:s3], $0xF7A  }
0x26: {  	[smem:$0x3F96] =	sst s1;
	(tag) =	ssettag s2;
	_ =	strace s9  }
0x27: {  	s1 =	sld [smem:$0x3FA6]  }
0x28: {  	s2 =	sld [smem:$0x3FA7]  }
0x29: {  	s4 =	sld [smem:$0x3FA9]  }
0x2a: {  	p0 =	seq.s32 s5, $0x0;
	s5 =	sld [smem:$0x3FAA]  }
0x2b: {  	s6 =	sld [smem:$0x3FAB]  }
0x2c: {  	s7 =	sld [smem:$0x3FAC]  }
0x2d: {  	s3 =	simm.s32 $0x108;
	s8 =	sld [smem:$0x3FAD]  }
0x2e: {  	s3 =	simm.s32 @!p0 $0x1082;
	s9 =	sld [smem:$0x3FAE]  }
0x2f: {  	lr =	sadd.s32 s0, s3;
	s0 =	sld [smem:$0x3FA5]  }
0x30: {  	s3 =	sld [smem:$0x3FA8]  }
0x31: {  	[smem:$0x3FB1] =	sst s10  }
0x32: {  	s10 =	sld [smem:$0x3FAF];
	_ =	sdelay $0x3  }
0x33: {  	p0 =	seq.s32 s10, $0x1;
	s10 =	sld [smem:$0x3FB1];
	_ =	sdelay $0x3  }
0x34: {  	[smem:$0x3FB1] =	sst s10  }
0x35: {  	s10 =	sld [smem:$0x3FB0];
	_ =	sdelay $0x3  }
0x36: {  	p1 =	seq.s32 s10, $0x1;
	s10 =	sld [smem:$0x3FB1];
	_ =	sdelay $0x3  }
0x37: {  	[smem:$0x3FB1] =	sst s10  }
0x38: {  	s10 =	sld [smem:$0x3FB2]  }
0x39: {  	_ = 	snop;
	(pc) =	sbr.ind lr, $3  }
0x3a: {  	_ = 	snop  }
0x3b: {  	_ = 	snop  }
0x3c: {  	p2 =	seq.s32 s10, $0x1;
	s10 =	sld [smem:$0x3FB1]  }
0x3d: {  	_ =	shalt  }
0x3e: {  	_ =	shalt  }
0x3f: {  	_ =	shalt  }
0x40: {  	_ =	shalt  }
0x41: {  	_ =	shalt  }
0x42: {  	_ =	shalt  }
0x43: {  	_ =	shalt  }
0x44: {  	_ =	shalt  }
0x45: {  	_ =	shalt  }
0x46: {  	_ =	shalt  }
0x47: {  	_ =	shalt  }
0x48: {  	_ =	shalt  }
0x49: {  	_ =	shalt  }
0x4a: {  	_ =	shalt  }
0x4b: {  	_ =	shalt  }
0x4c: {  	_ =	shalt  }
0x4d: {  	_ =	shalt  }
0x4e: {  	_ =	shalt  }
0x4f: {  	_ =	shalt  }
0x50: {  	_ =	shalt  }
0x51: {  	_ =	shalt  }
0x52: {  	_ =	shalt  }
0x53: {  	_ =	shalt  }
0x54: {  	_ =	shalt  }
0x55: {  	_ =	shalt  }
0x56: {  	_ =	shalt  }
0x57: {  	_ =	shalt  }
0x58: {  	_ =	shalt  }
0x59: {  	_ =	shalt  }
0x5a: {  	_ =	shalt  }
0x5b: {  	_ =	shalt  }
0x5c: {  	_ =	shalt  }
0x5d: {  	_ =	shalt  }
0x5e: {  	_ =	shalt  }
0x5f: {  	_ =	shalt  }
0x60: {  	_ =	shalt  }
0x61: {  	_ =	shalt  }
0x62: {  	_ =	shalt  }
0x63: {  	_ =	shalt  }
0x64: {  	_ =	shalt  }
0x65: {  	_ =	shalt  }
0x66: {  	_ =	shalt  }
0x67: {  	_ =	shalt  }
0x68: {  	_ =	shalt  }
0x69: {  	_ =	shalt  }
0x6a: {  	_ =	shalt  }
0x6b: {  	_ =	shalt  }
0x6c: {  	_ =	shalt  }
0x6d: {  	_ =	shalt  }
0x6e: {  	_ =	shalt  }
0x6f: {  	_ =	shalt  }
0x70: {  	_ =	shalt  }
0x71: {  	_ =	shalt  }
0x72: {  	_ =	shalt  }
0x73: {  	_ =	shalt  }
0x74: {  	_ =	shalt  }
0x75: {  	_ =	shalt  }
0x76: {  	_ =	shalt  }
0x77: {  	_ =	shalt  }
0x78: {  	_ =	shalt  }
0x79: {  	_ =	shalt  }
0x7a: {  	_ =	shalt  }
0x7b: {  	_ =	shalt  }
0x7c: {  	_ =	shalt  }
0x7d: {  	_ =	shalt  }
0x7e: {  	_ =	shalt  }
0x7f: {  	_ =	shalt  }
0x80: {  	_ =	shalt  }
0x81: {  	_ =	shalt  }
0x82: {  	_ =	shalt  }
0x83: {  	_ =	shalt  }
0x84: {  	_ =	shalt  }
0x85: {  	_ =	shalt  }
0x86: {  	_ =	shalt  }
0x87: {  	_ =	shalt  }
.Lfunc_end0:
.L_simem_size_0:
called_computation.3_lowered:
.L_overlay_start_0:
0x88: {  	s2 =	sld [smem:$0x3FD9]  }
0x89: {  	s3 =	sld [smem:$0x3FFE];
	_ =	sdelay $0x1  }
0x8a: {  	s1 =	srdreg.scid  }
0x8b: {  	s0 =	sand.u32 $0x1, s1  }
0x8c: {  	s17 =	sshll.u32 s0, $0xA;
	s2 =	sadd.s32 s3, s2  }
0x8d: {  	s2 =	sadd.s32 s2, s17  }
0x8e: {  	[smem:$0x3FBD] =	sst s2  }
0x8f: {  	_ = 	snop  }
0x90: {  	s18 =	sld [smem:$0x3FD0];
	(tm) =	ssettm $0x1  }
0x91: {  	s19 =	sld [smem:$0x3FFB];
	_ =	sdelay $0x3  }
0x92: {  	_ =	strace s19  }
0x93: {  	s2 =	sld [smem:$0x3FFC];
	_ =	sdelay $0x3  }
0x94: {  	_ =	strace s2  }
0x95: {  	s2 =	sld [smem:$0x3FFD];
	_ =	sdelay $0x3  }
0x96: {  	_ =	strace s2  }
0x97: {  	_ =	strace $0x8FFFFFFF  }
0x98: {  	s20 =	sld [smem:$0x3FDB];
	_ =	sdelay $0x1  }
0x99: {  	s4 =	simm.s32 $_scs_section_size  }
0x9a: {  	s5 =	simm.s32 $_size__tile_overlayer_lowered;
	s6 =	simm.s32 $_tile_overlayer_lowered  }
0x9b: {  	s7 =	simm.s32 $0x1BFF;
	s21 =	sshll.u32 s6, $0x1;
	s4 =	sadd.s32 s4, s20  }
0x9c: {  	s22 =	simm.s32 $0x0;
	s5 =	sshll.u32 s5, $0x1;
	s6 =	sadd.s32 s21, s4  }
0x9d: {  	[timem:s22], [sflag:s7] =	dma.local [hbm:s6], s5  }
0x9e: {  	_ =	swait.ge [sflag:s7], s5  }
0x9f: {  	s5 =	ssub.s32 $0x0, s5;
	[sflag:s7] =	ssyncset.done $0x0  }
0xa0: {  	[sflag:s7] =	ssyncadd.s32 s5;
	_ =	sdelay $0x1  }
0xa1: {  	s23 =	simm.s32 $0x1B8B  }
0xa2: {  	_ =	swait.ge [sflag:s23], $0x1  }
0xa3: {  	[sflag:s23] =	ssyncset.done $0x0  }
0xa4: {  	[sflag:s23] =	ssyncadd.s32 $0xFFFFFFFF  }
0xa5: {  	s5 =	sld [smem:$0x0]  }
0xa6: {  	s6 =	sand.u32 $0xFFFFFFFE, s1  }
0xa7: {  	p0 =	sne.s32 s1, s6  }
0xa8: {  	s6 =	sshll.u32 @p0 s6, $0xE  }
0xa9: {  	s6 =	sadd.s32 @p0 $0x11B8D, s6;
	s7 =	sshll.u32 @p0 s5, $0x11  }
0xaa: {  	s6 =	sor.u32 @p0 s7, s6  }
0xab: {  	[sflag:s6] =	ssyncadd.remote.s32 @p0 $0x1;
	_ =	sdelay $0x1  }
0xac: {  	s6 =	simm.s32 @p0 $0x1B8D  }
0xad: {  	_ =	swait.eq @p0 [sflag:s6], $0x1  }
0xae: {  	[sflag:s6] =	ssyncadd.s32 @p0 $0xFFFFFFFF  }
0xaf: {  	s7 =	sshll.u32 @!p0 s1, $0xE  }
0xb0: {  	s7 =	sor.u32 @!p0 $0x4000, s7;
	s6 =	simm.s32 @!p0 $0x1B8D  }
0xb1: {  	s5 =	sshll.u32 @!p0 s5, $0x11;
	s7 =	sadd.s32 @!p0 $0x11B8D, s7;
	_ =	swait.eq @!p0 [sflag:s6], $0x1  }
0xb2: {  	s5 =	sor.u32 @!p0 s5, s7;
	[sflag:s6] =	ssyncadd.s32 @!p0 $0xFFFFFFFF  }
0xb3: {  	s25 =	simm.s32 $0x1B8E;
	s24 =	sld [smem:$0x3FFE];
	[sflag:s5] =	ssyncadd.remote.s32 @!p0 $0x1  }
0xb4: {  	s26 =	simm.s32 $execute0_lowered;
	[smem:$0x3FD2] =	sst s25  }
0xb5: {  	s6 =	sshll.u32 s26, $0x1;
	_ =	strace $0x8000004F;
	[dreg:$0x1] =	wrdreg $0xFFFFFFFF  }
0xb6: {  	s28 =	simm.s32 $_size_execute0_lowered;
	s4 =	sadd.s32 s4, s6;
	[dreg:$0x0] =	wrdreg $0x0  }
0xb7: {  	s6 =	sshll.u32 s28, $0x1;
	[dreg:$0x2] =	wrdreg s4  }
0xb8: {  	[dreg:$0x3] =	wrdreg s6  }
0xb9: {  	[dreg:$0x4] =	wrdreg $0xC0  }
0xba: {  	_ =	task [dreg:s22], $0x5FFFF  }
0xbb: {  	[dreg:$0x1] =	wrdreg $0xFFFFFFFF  }
0xbc: {  	[dreg:$0x0] =	wrdreg $0x60  }
0xbd: {  	[dreg:$0x2] =	wrdreg s24  }
0xbe: {  	[dreg:$0x3] =	wrdreg s18  }
0xbf: {  	[dreg:$0x4] =	wrdreg $0xA  }
0xc0: {  	_ =	task.clear_ibuf [dreg:s22], $0x5FFFF;
	_ =	strace $0x9000004F  }
0xc1: {  	s29 =	simm.s32 $0xA;
	_ =	strace $0x80000051  }
0xc2: {  	_ =	swait.ge [sflag:s29], $0x1  }
0xc3: {  	[sflag:s29] =	ssyncadd.s32 $0xFFFFFFFF  }
0xc4: {  	_ =	strace $0x90000051  }
0xc5: {  	_ =	sfence  }
0xc6: {  	s30 =	sld [smem:$0x0];
	_ =	sdelay $0x2  }
0xc7: {  	s31 =	sshll.u32 s1, $0xD;
	s1 =	sshrl.u32 s1, $0x2  }
0xc8: {  	s4 =	sand.u32 $0x4000, s31;
	s1 =	sadd.s32 s1, s30  }
0xc9: {  	s0 =	sor.u32 s4, s0;
	s1 =	sshll.u32 s1, $0x11  }
0xca: {  	s0 =	sor.u32 s1, s0  }
0xcb: {  	s0 =	sadd.s32 $0x8F2B, s0  }
0xcc: {  	[sflag:s0] =	ssyncadd.remote.s32 $0x1  }
0xcd: {  	_ =	sfence.sel $0xFFFF  }
0xce: {  	[dreg:$0x0] =	wrdreg $0xFFFFFFFF;
	(pc) =	sbr.abs _section_cstart, $3  }
0xcf: {  	[dreg:$0x1] =	wrdreg $0xFFFFFFFF  }
0xd0: {  	_ =	task.clear_ibuf [dreg:s22], $0x2FFFF;
	_ =	strace $0x9FFFFFFF  }
0xd1: {  	(tm) =	ssettm $0x7FFFFFFF  }
tec
execute0_lowered:
.L_overlay_start_1:
0x0: {  	(tag) =	ssettag $0x1  }
0x1: {  	s4 =	rddreg [dreg:$0x0]  }
0x2: {  	s2 =	rddreg [dreg:$0x1]  }
0x3: {  	s0 =	rddreg [dreg:$0x2];
	s5 =	srdreg.scid  }
0x4: {  	s3 =	simm.s32 $0x0;
	s1 =	stileid.u32;
	s10 =	simm.s32 $0x1  }
0x5: {  	s11 =	simm.s32 $0x0;
	s5 =	sand.u32 $0x1, s5;
	[smem:$0x7FF] =	sst s3  }
0x6: {  	s6 =	sshll.u32 s1, $0x9;
	s8 =	sshll.u32 s1, $0xB;
	s7 =	sshll.u32 s5, $0x8  }
0x7: {  	_ =	strace $0x80000050;
	s29 =	ssub.s32 $0x2, s5;
	s8 =	sadd.s32 s8, s4  }
0x8: {  	s30 =	sshll.u32 s5, $0xA;
	s6 =	sor.u32 s7, s6;
	s9 =	sshrl.u32 s29, $0x1  }
0x9: {  	s31 =	sadd.s32 s30, s8;
	s8 =	simm.s32 $0x40;
	s6 =	sadd.s32 s6, s4  }
0xa: {  	s7 =	ssub.s32 s29, s9;
	s9 =	simm.s32 $0x800;
	s4 =	sadd.s32 $0x86A00, s6  }
0xb: {  	s5 =	smax.u32 s7, $0x1;
	s6 =	sadd.s32 $0x88A00, s31;
	s7 =	simm.s32 $0x2  }
.LBB2_1:
0xc: {  	[tilespmem:s3], [sflag:$0x2] =	stream.linear.gather [hbm4b:s4+s3], $0x800, $0x38;
	[tilespmem:$0x2800] =	vst v63  }
0xd: {  	_ =	swait.ge [sflag:s7], $0x800  }
0xe: {  	[sflag:s7] =	ssyncset.done $0x0  }
0xf: {  	s12 =	simm.s32 $0x0;
	[sflag:s7] =	ssyncadd.s32 $0xFFFFF800  }
0x10: {  	[tilespmem:s9], [sflag:$0x1] =	stream.indirect.gather [hbm4b:s2+s8], $0x80, s12, s8, $0xb8;
	[tilespmem:$0x2800] =	vst v63  }
0x11: {  	_ =	swait.ge [sflag:s10], $0x2000  }
0x12: {  	[sflag:s10] =	ssyncset.done $0x0  }
0x13: {  	[sflag:s10] =	ssyncadd.s32 $0xFFFFE000  }
0x14: {  	[hbm4b:s6+s3] =	stream.linear.scatter [tilespmem:s9], [sflag:$0x2], $0x2000, $0x38;
	[tilespmem:$0x2800] =	vst v63  }
0x15: {  	s13 =	simm.s32 $0x200;
	_ =	swait.ge [sflag:s7], $0x2000  }
0x16: {  	s14 =	simm.s32 $0x400;
	s12 =	sadd.s32 $0x8000, s6;
	[sflag:s7] =	ssyncset.done $0x0  }
.LBB2_2:
0x17: {  	s15 =	sshra.s32 s13, $0x2  }
0x18: {  	[sflag:s7] =	ssyncadd.s32 $0xFFFFE000;
	s13 =	smov.u32 s14;
	s16 =	sadd.s32 $0x200, s14  }
0x19: {  	[tilespmem:s9], [sflag:$0x1] =	stream.indirect.gather [hbm4b:s2+s8], $0x80, s15, s8, $0xb8;
	[tilespmem:$0x2800] =	vst v63  }
0x1a: {  	p0 =	sne.s32 s14, $0x1E00;
	_ =	swait.ge [sflag:s10], $0x2000  }
.Ltmp0:
0x1b: {  	[sflag:s10] =	ssyncset.done $0x0;
	(pc) =	sbr.rel @p0 .LBB2_2-.Ltmp0, $4  }
0x1c: {  	[sflag:s10] =	ssyncadd.s32 $0xFFFFE000  }
0x1d: {  	[hbm4b:s12+s3] =	stream.linear.scatter [tilespmem:s9], [sflag:$0x2], $0x2000, $0x38;
	[tilespmem:$0x2800] =	vst v63  }
0x1e: {  	_ =	swait.ge [sflag:s7], $0x2000  }
0x1f: {  	s14 =	smov.u32 s16;
	s12 =	sadd.s32 $0x8000, s12;
	[sflag:s7] =	ssyncset.done $0x0  }
0x20: {  	s13 =	sshra.s32 s13, $0x2;
	[sflag:s7] =	ssyncadd.s32 $0xFFFFE000  }
0x21: {  	[tilespmem:s9], [sflag:$0x1] =	stream.indirect.gather [hbm4b:s2+s8], $0x80, s13, s8, $0xb8;
	[tilespmem:$0x2800] =	vst v63  }
0x22: {  	s11 =	sadd.s32 $0x1, s11;
	_ =	swait.ge [sflag:s10], $0x2000  }
0x23: {  	p0 =	sne.s32 s11, s5;
	[sflag:s10] =	ssyncset.done $0x0  }
.Ltmp1:
0x24: {  	[sflag:s10] =	ssyncadd.s32 $0xFFFFE000;
	(pc) =	sbr.rel @p0 .LBB2_1-.Ltmp1, $4  }
0x25: {  	[hbm4b:s12+s3] =	stream.linear.scatter [tilespmem:s9], [sflag:$0x2], $0x2000, $0x38;
	[tilespmem:$0x2800] =	vst v63  }
0x26: {  	_ =	swait.ge [sflag:s7], $0x2000  }
0x27: {  	[sflag:s7] =	ssyncset.done $0x0  }
0x28: {  	[sflag:s7] =	ssyncadd.s32 $0xFFFFE000  }
0x29: {  	_ =	sfence.sel $0x180000  }
0x2a: {  	[bflag:$0x0] =	sbarrier.arrive $0xFFFF  }
0x2b: {  	p0 =	sne.s32 s1, $0x0;
	_ =	strace $0x90000050  }
0x2c: {  	s0 =	sadd.s32 @!p0 $0x100000, s0;
	[bflag:$0x2] =	sbarrier.arrive $0xFFFF  }
0x2d: {  	[sflag:s0] =	ssyncadd.tile.s32 @!p0 $0x1;
	_ =	shalt  }
.Lfunc_end2:
_tile_overlayer_lowered:
.L_overlay_start_2:
0x2e: {  	(tag) =	ssettag $0x2  }
0x2f: {  	s0 =	rddreg [dreg:$0x0];
	s2 =	stileid.u32  }
0x30: {  	s1 =	rddreg [dreg:$0x1];
	p0 =	sne.s32 s2, $0x0  }
0x31: {  	s3 =	rddreg [dreg:$0x2];
	[bflag:$0x3] =	sbarrier.arrive $0xFFFF;
	s2 =	simm.s32 @!p0 $0x1C02  }
0x32: {  	[timem:s3], [sflag:s2] =	dma.local @!p0 [hbm:s0], s1  }
0x33: {  	s0 =	simm.s32 @!p0 $0x2  }
0x34: {  	_ =	swait.ge @!p0 [sflag:s0], s1  }
0x35: {  	s1 =	ssub.s32 @!p0 $0x0, s1;
	[sflag:s0] =	ssyncset.done @!p0 $0x0  }
0x36: {  	[sflag:s0] =	ssyncadd.s32 @!p0 s1  }
0x37: {  	[bflag:$0x3] =	sbarrier.arrive $0xFFFF  }
0x38: {  	_ =	shalt  }

// kernel: kernel.39.cloned.1.call-start
scs
__scs_entry_jumppad:
0x0: {  	(pc) =	sbr.rel $0x88, $3  }
0x1: {  	(tag) =	ssettag $0x0;
	lr =	simm.s32 $0x1  }
0x2: {  	[smem:$0x3F96] =	sst lr;
	_ =	strace $0xD0000000  }
0x3: {  	_ = 	snop  }
0x4: {  	_ = 	snop  }
0x5: {  	_ = 	snop  }
0x6: {  	_ = 	snop  }
0x7: {  	_ = 	snop  }
__scs_overlays_trampoline_lowered:
0x8: {  	[smem:$0x3FA5] =	sst s0  }
0x9: {  	[smem:$0x3FA6] =	sst s1  }
0xa: {  	[smem:$0x3FA7] =	sst s2  }
0xb: {  	[smem:$0x3FA8] =	sst s3  }
0xc: {  	[smem:$0x3FA9] =	sst s4  }
0xd: {  	[smem:$0x3FAA] =	sst s5  }
0xe: {  	[smem:$0x3FAB] =	sst s6  }
0xf: {  	[smem:$0x3FAC] =	sst s7  }
0x10: {  	[smem:$0x3FAD] =	sst s8  }
0x11: {  	[smem:$0x3FAE] =	sst s9;
	s0 =	simm.s32 @!p0 $0x0  }
0x12: {  	s1 =	sld [smem:$0x3F94];
	s0 =	simm.s32 @p0 $0x1  }
0x13: {  	[smem:$0x3FAF] =	sst s0;
	s0 =	simm.s32 @!p1 $0x0  }
0x14: {  	s2 =	sld [smem:$0x3F93];
	s0 =	simm.s32 @p1 $0x1  }
0x15: {  	[smem:$0x3FB0] =	sst s0;
	s0 =	simm.s32 @!p2 $0x0  }
0x16: {  	s3 =	sld [smem:$0x3FDB];
	s0 =	simm.s32 @p2 $0x1  }
0x17: {  	s4 =	simm.s32 $0x1BF5;
	[smem:$0x3FB2] =	sst s0  }
0x18: {  	s0 =	sld [smem:$0x3F95];
	_ =	swait.ge [sflag:s4], $0x0  }
0x19: {  	s7 =	sld [smem:$0x3F96]  }
0x1a: {  	s8 =	sadd.s32 $0xFFFFE003, lr  }
0x1b: {  	s9 =	sadd.s32 $0xFFFFFEF7, lr;
	s5 =	simm.s32 $0xFFFFFFFF;
	p2 =	slt.u32 s8, $0xFFFFF086  }
0x1c: {  	p1 =	slt.u32 s9, $0xF7A;
	s5 =	simm.s32 @!p2 $0x0  }
0x1d: {  	s5 =	simm.s32 @p1 $0x1;
	p0 =	seq.s32 s7, s2  }
0x1e: {  	s7 =	smul.u32 @!p0 $0xF7A, s2;
	p2 =	seq.s32 @!p0 s5, $0x0  }
0x1f: {  	s9 =	smul.u32 $0xF7A, s1;
	s8 =	simm.s32 @!p0 $0x1BF5;
	p2 =	por !p2, p0  }
0x20: {  	[sflag:s8] =	ssyncset.s32 @!p0 $0xFFFFF086;
	s6 =	sadd.s32 @!p0 s3, s7;
	s7 =	simm.s32 @!p0 $0x108  }
0x21: {  	s3 =	sadd.s32 s3, s9;
	s6 =	sadd.s32 @!p0 $0x88, s6;
	s7 =	simm.s32 @p2 $0x1082  }
0x22: {  	[simem:s7], [sflag:s8] =	dma.local @!p0 [hbm:s6], $0xF7A  }
0x23: {  	s9 =	sor.u32 $0xD0000000, s2;
	s6 =	simm.s32 $0x108;
	_ =	swait.ge @!p0 [sflag:s8], $0x0  }
0x24: {  	s3 =	sadd.s32 $0x88, s3;
	s6 =	simm.s32 @!p1 $0x1082;
	[sflag:s4] =	ssyncset.s32 $0xFFFFF086  }
0x25: {  	[simem:s6], [sflag:s4] =	dma.local [hbm:s3], $0xF7A  }
0x26: {  	[smem:$0x3F96] =	sst s1;
	(tag) =	ssettag s2;
	_ =	strace s9  }
0x27: {  	s1 =	sld [smem:$0x3FA6]  }
0x28: {  	s2 =	sld [smem:$0x3FA7]  }
0x29: {  	s4 =	sld [smem:$0x3FA9]  }
0x2a: {  	p0 =	seq.s32 s5, $0x0;
	s5 =	sld [smem:$0x3FAA]  }
0x2b: {  	s6 =	sld [smem:$0x3FAB]  }
0x2c: {  	s7 =	sld [smem:$0x3FAC]  }
0x2d: {  	s3 =	simm.s32 $0x108;
	s8 =	sld [smem:$0x3FAD]  }
0x2e: {  	s3 =	simm.s32 @!p0 $0x1082;
	s9 =	sld [smem:$0x3FAE]  }
0x2f: {  	lr =	sadd.s32 s0, s3;
	s0 =	sld [smem:$0x3FA5]  }
0x30: {  	s3 =	sld [smem:$0x3FA8]  }
0x31: {  	[smem:$0x3FB1] =	sst s10  }
0x32: {  	s10 =	sld [smem:$0x3FAF];
	_ =	sdelay $0x3  }
0x33: {  	p0 =	seq.s32 s10, $0x1;
	s10 =	sld [smem:$0x3FB1];
	_ =	sdelay $0x3  }
0x34: {  	[smem:$0x3FB1] =	sst s10  }
0x35: {  	s10 =	sld [smem:$0x3FB0];
	_ =	sdelay $0x3  }
0x36: {  	p1 =	seq.s32 s10, $0x1;
	s10 =	sld [smem:$0x3FB1];
	_ =	sdelay $0x3  }
0x37: {  	[smem:$0x3FB1] =	sst s10  }
0x38: {  	s10 =	sld [smem:$0x3FB2]  }
0x39: {  	_ = 	snop;
	(pc) =	sbr.ind lr, $3  }
0x3a: {  	_ = 	snop  }
0x3b: {  	_ = 	snop  }
0x3c: {  	p2 =	seq.s32 s10, $0x1;
	s10 =	sld [smem:$0x3FB1]  }
0x3d: {  	_ =	shalt  }
0x3e: {  	_ =	shalt  }
0x3f: {  	_ =	shalt  }
0x40: {  	_ =	shalt  }
0x41: {  	_ =	shalt  }
0x42: {  	_ =	shalt  }
0x43: {  	_ =	shalt  }
0x44: {  	_ =	shalt  }
0x45: {  	_ =	shalt  }
0x46: {  	_ =	shalt  }
0x47: {  	_ =	shalt  }
0x48: {  	_ =	shalt  }
0x49: {  	_ =	shalt  }
0x4a: {  	_ =	shalt  }
0x4b: {  	_ =	shalt  }
0x4c: {  	_ =	shalt  }
0x4d: {  	_ =	shalt  }
0x4e: {  	_ =	shalt  }
0x4f: {  	_ =	shalt  }
0x50: {  	_ =	shalt  }
0x51: {  	_ =	shalt  }
0x52: {  	_ =	shalt  }
0x53: {  	_ =	shalt  }
0x54: {  	_ =	shalt  }
0x55: {  	_ =	shalt  }
0x56: {  	_ =	shalt  }
0x57: {  	_ =	shalt  }
0x58: {  	_ =	shalt  }
0x59: {  	_ =	shalt  }
0x5a: {  	_ =	shalt  }
0x5b: {  	_ =	shalt  }
0x5c: {  	_ =	shalt  }
0x5d: {  	_ =	shalt  }
0x5e: {  	_ =	shalt  }
0x5f: {  	_ =	shalt  }
0x60: {  	_ =	shalt  }
0x61: {  	_ =	shalt  }
0x62: {  	_ =	shalt  }
0x63: {  	_ =	shalt  }
0x64: {  	_ =	shalt  }
0x65: {  	_ =	shalt  }
0x66: {  	_ =	shalt  }
0x67: {  	_ =	shalt  }
0x68: {  	_ =	shalt  }
0x69: {  	_ =	shalt  }
0x6a: {  	_ =	shalt  }
0x6b: {  	_ =	shalt  }
0x6c: {  	_ =	shalt  }
0x6d: {  	_ =	shalt  }
0x6e: {  	_ =	shalt  }
0x6f: {  	_ =	shalt  }
0x70: {  	_ =	shalt  }
0x71: {  	_ =	shalt  }
0x72: {  	_ =	shalt  }
0x73: {  	_ =	shalt  }
0x74: {  	_ =	shalt  }
0x75: {  	_ =	shalt  }
0x76: {  	_ =	shalt  }
0x77: {  	_ =	shalt  }
0x78: {  	_ =	shalt  }
0x79: {  	_ =	shalt  }
0x7a: {  	_ =	shalt  }
0x7b: {  	_ =	shalt  }
0x7c: {  	_ =	shalt  }
0x7d: {  	_ =	shalt  }
0x7e: {  	_ =	shalt  }
0x7f: {  	_ =	shalt  }
0x80: {  	_ =	shalt  }
0x81: {  	_ =	shalt  }
0x82: {  	_ =	shalt  }
0x83: {  	_ =	shalt  }
0x84: {  	_ =	shalt  }
0x85: {  	_ =	shalt  }
0x86: {  	_ =	shalt  }
0x87: {  	_ =	shalt  }
.Lfunc_end0:
.L_simem_size_0:
called_computation.4_lowered:
.L_overlay_start_0:
0x88: {  	s2 =	sld [smem:$0x3FD9]  }
0x89: {  	s3 =	sld [smem:$0x3FFE];
	_ =	sdelay $0x1  }
0x8a: {  	s1 =	srdreg.scid  }
0x8b: {  	s0 =	sand.u32 $0x1, s1  }
0x8c: {  	s17 =	sshll.u32 s0, $0xA;
	s2 =	sadd.s32 s3, s2  }
0x8d: {  	s2 =	sadd.s32 s2, s17  }
0x8e: {  	[smem:$0x3FBD] =	sst s2  }
0x8f: {  	_ = 	snop  }
0x90: {  	s2 =	sld [smem:$0x3FD0];
	(tm) =	ssettm $0x1  }
0x91: {  	s18 =	sld [smem:$0x3FFB];
	_ =	sdelay $0x3  }
0x92: {  	_ =	strace s18  }
0x93: {  	s3 =	sld [smem:$0x3FFC];
	_ =	sdelay $0x3  }
0x94: {  	_ =	strace s3  }
0x95: {  	s3 =	sld [smem:$0x3FFD];
	_ =	sdelay $0x3  }
0x96: {  	_ =	strace s3  }
0x97: {  	_ =	strace $0x8FFFFFFF  }
0x98: {  	s19 =	sld [smem:$0x3FDB];
	_ =	sdelay $0x1  }
0x99: {  	s4 =	simm.s32 $_scs_section_size  }
0x9a: {  	s5 =	simm.s32 $_size__tile_overlayer_lowered;
	s6 =	simm.s32 $_tile_overlayer_lowered  }
0x9b: {  	s22 =	simm.s32 $0x1BFF;
	s21 =	sshll.u32 s6, $0x1;
	s3 =	sadd.s32 s4, s19  }
0x9c: {  	s7 =	simm.s32 $0x0;
	s20 =	sshll.u32 s5, $0x1;
	s5 =	sadd.s32 s21, s3  }
0x9d: {  	[timem:s7], [sflag:s22] =	dma.local [hbm:s5], s20  }
0x9e: {  	_ =	swait.ge [sflag:s22], s20  }
0x9f: {  	s4 =	ssub.s32 $0x0, s20;
	[sflag:s22] =	ssyncset.done $0x0  }
0xa0: {  	[sflag:s22] =	ssyncadd.s32 s4;
	_ =	sdelay $0x1  }
0xa1: {  	s23 =	simm.s32 $0x1B8B  }
0xa2: {  	_ =	swait.ge [sflag:s23], $0x1  }
0xa3: {  	[sflag:s23] =	ssyncset.done $0x0  }
0xa4: {  	s25 =	simm.s32 $0x1B8E;
	s24 =	sld [smem:$0x3FFE];
	[sflag:s23] =	ssyncadd.s32 $0xFFFFFFFF  }
0xa5: {  	s26 =	simm.s32 $execute0_lowered;
	[smem:$0x3FD2] =	sst s25  }
0xa6: {  	s5 =	sshll.u32 s26, $0x1;
	_ =	strace $0x80000052;
	[dreg:$0x1] =	wrdreg $0xFFFFFFFF  }
0xa7: {  	s28 =	simm.s32 $_size_execute0_lowered;
	s3 =	sadd.s32 s3, s5;
	[dreg:$0x0] =	wrdreg $0x0  }
0xa8: {  	s5 =	sshll.u32 s28, $0x1;
	[dreg:$0x2] =	wrdreg s3  }
0xa9: {  	[dreg:$0x3] =	wrdreg s5  }
0xaa: {  	[dreg:$0x4] =	wrdreg $0xC0  }
0xab: {  	_ =	task [dreg:s7], $0x5FFFF  }
0xac: {  	[dreg:$0x1] =	wrdreg $0xFFFFFFFF  }
0xad: {  	[dreg:$0x0] =	wrdreg $0x60  }
0xae: {  	[dreg:$0x2] =	wrdreg s24  }
0xaf: {  	[dreg:$0x3] =	wrdreg s2  }
0xb0: {  	[dreg:$0x4] =	wrdreg $0x9  }
0xb1: {  	_ =	task.clear_ibuf [dreg:s7], $0x5FFFF;
	_ =	strace $0x90000052  }
0xb2: {  	s29 =	simm.s32 $0x9;
	_ =	strace $0x80000054  }
0xb3: {  	_ =	swait.ge [sflag:s29], $0x1  }
0xb4: {  	[sflag:s29] =	ssyncadd.s32 $0xFFFFFFFF  }
0xb5: {  	_ =	strace $0x90000054  }
0xb6: {  	_ =	sfence  }
0xb7: {  	s30 =	sld [smem:$0x0];
	_ =	sdelay $0x2  }
0xb8: {  	s31 =	sshll.u32 s1, $0xD;
	s1 =	sshrl.u32 s1, $0x2  }
0xb9: {  	s3 =	sand.u32 $0x4000, s31;
	s1 =	sadd.s32 s1, s30  }
0xba: {  	s0 =	sor.u32 s3, s0;
	s1 =	sshll.u32 s1, $0x11  }
0xbb: {  	s0 =	sor.u32 s1, s0  }
0xbc: {  	s0 =	sadd.s32 $0x8F2B, s0  }
0xbd: {  	[sflag:s0] =	ssyncadd.remote.s32 $0x1  }
0xbe: {  	_ =	sfence.sel $0xFFFF  }
0xbf: {  	[dreg:$0x0] =	wrdreg $0xFFFFFFFF;
	(pc) =	sbr.abs _section_cstart, $3  }
0xc0: {  	[dreg:$0x1] =	wrdreg $0xFFFFFFFF  }
0xc1: {  	_ =	task.clear_ibuf [dreg:s7], $0x2FFFF;
	_ =	strace $0x9FFFFFFF  }
0xc2: {  	(tm) =	ssettm $0x7FFFFFFF  }
0xc3: {  	_ =	shalt  }
tec
execute0_lowered:
.L_overlay_start_1:
0x0: {  	(tag) =	ssettag $0x1  }
0x1: {  	s4 =	rddreg [dreg:$0x0]  }
0x2: {  	s2 =	rddreg [dreg:$0x1]  }
0x3: {  	s0 =	rddreg [dreg:$0x2];
	s5 =	srdreg.scid  }
0x4: {  	s3 =	simm.s32 $0x0;
	s1 =	stileid.u32;
	s10 =	simm.s32 $0x1  }
0x5: {  	s11 =	simm.s32 $0x0;
	s5 =	sand.u32 $0x1, s5;
	[smem:$0x7FF] =	sst s3  }
0x6: {  	s6 =	sshll.u32 s1, $0x9;
	s8 =	sshll.u32 s1, $0xB;
	s7 =	sshll.u32 s5, $0x8  }
0x7: {  	_ =	strace $0x80000053;
	s29 =	ssub.s32 $0x2, s5;
	s8 =	sadd.s32 s8, s4  }
0x8: {  	s30 =	sshll.u32 s5, $0xA;
	s6 =	sor.u32 s7, s6;
	s9 =	sshrl.u32 s29, $0x1  }
0x9: {  	s31 =	sadd.s32 s30, s8;
	s8 =	simm.s32 $0x40;
	s6 =	sadd.s32 s6, s4  }
0xa: {  	s7 =	ssub.s32 s29, s9;
	s9 =	simm.s32 $0x800;
	s4 =	sadd.s32 $0x4A00, s6  }
0xb: {  	s5 =	smax.u32 s7, $0x1;
	s6 =	sadd.s32 $0x6A00, s31;
	s7 =	simm.s32 $0x2  }
.LBB2_1:
0xc: {  	[tilespmem:s3], [sflag:$0x2] =	stream.linear.gather [hbm4b:s4+s3], $0x800, $0x38;
	[tilespmem:$0x2800] =	vst v63  }
0xd: {  	_ =	swait.ge [sflag:s7], $0x800  }
0xe: {  	[sflag:s7] =	ssyncset.done $0x0  }
0xf: {  	s12 =	simm.s32 $0x0;
	[sflag:s7] =	ssyncadd.s32 $0xFFFFF800  }
0x10: {  	[tilespmem:s9], [sflag:$0x1] =	stream.indirect.gather [hbm4b:s2+s8], $0x80, s12, s8, $0xb8;
	[tilespmem:$0x2800] =	vst v63  }
0x11: {  	_ =	swait.ge [sflag:s10], $0x2000  }
0x12: {  	[sflag:s10] =	ssyncset.done $0x0  }
0x13: {  	[sflag:s10] =	ssyncadd.s32 $0xFFFFE000  }
0x14: {  	[hbm4b:s6+s3] =	stream.linear.scatter [tilespmem:s9], [sflag:$0x2], $0x2000, $0x38;
	[tilespmem:$0x2800] =	vst v63  }
0x15: {  	s13 =	simm.s32 $0x200;
	_ =	swait.ge [sflag:s7], $0x2000  }
0x16: {  	s14 =	simm.s32 $0x400;
	s12 =	sadd.s32 $0x8000, s6;
	[sflag:s7] =	ssyncset.done $0x0  }
.LBB2_2:
0x17: {  	s15 =	sshra.s32 s13, $0x2  }
0x18: {  	[sflag:s7] =	ssyncadd.s32 $0xFFFFE000;
	s13 =	smov.u32 s14;
	s16 =	sadd.s32 $0x200, s14  }
0x19: {  	[tilespmem:s9], [sflag:$0x1] =	stream.indirect.gather [hbm4b:s2+s8], $0x80, s15, s8, $0xb8;
	[tilespmem:$0x2800] =	vst v63  }
0x1a: {  	p0 =	sne.s32 s14, $0x1E00;
	_ =	swait.ge [sflag:s10], $0x2000  }
.Ltmp0:
0x1b: {  	[sflag:s10] =	ssyncset.done $0x0;
	(pc) =	sbr.rel @p0 .LBB2_2-.Ltmp0, $4  }
0x1c: {  	[sflag:s10] =	ssyncadd.s32 $0xFFFFE000  }
0x1d: {  	[hbm4b:s12+s3] =	stream.linear.scatter [tilespmem:s9], [sflag:$0x2], $0x2000, $0x38;
	[tilespmem:$0x2800] =	vst v63  }
0x1e: {  	_ =	swait.ge [sflag:s7], $0x2000  }
0x1f: {  	s14 =	smov.u32 s16;
	s12 =	sadd.s32 $0x8000, s12;
	[sflag:s7] =	ssyncset.done $0x0  }
0x20: {  	s13 =	sshra.s32 s13, $0x2;
	[sflag:s7] =	ssyncadd.s32 $0xFFFFE000  }
0x21: {  	[tilespmem:s9], [sflag:$0x1] =	stream.indirect.gather [hbm4b:s2+s8], $0x80, s13, s8, $0xb8;
	[tilespmem:$0x2800] =	vst v63  }
0x22: {  	s11 =	sadd.s32 $0x1, s11;
	_ =	swait.ge [sflag:s10], $0x2000  }
0x23: {  	p0 =	sne.s32 s11, s5;
	[sflag:s10] =	ssyncset.done $0x0  }
.Ltmp1:
0x24: {  	[sflag:s10] =	ssyncadd.s32 $0xFFFFE000;
	(pc) =	sbr.rel @p0 .LBB2_1-.Ltmp1, $4  }
0x25: {  	[hbm4b:s12+s3] =	stream.linear.scatter [tilespmem:s9], [sflag:$0x2], $0x2000, $0x38;
	[tilespmem:$0x2800] =	vst v63  }
0x26: {  	_ =	swait.ge [sflag:s7], $0x2000  }
0x27: {  	[sflag:s7] =	ssyncset.done $0x0  }
0x28: {  	[sflag:s7] =	ssyncadd.s32 $0xFFFFE000  }
0x29: {  	_ =	sfence.sel $0x180000  }
0x2a: {  	[bflag:$0x0] =	sbarrier.arrive $0xFFFF  }
0x2b: {  	p0 =	sne.s32 s1, $0x0;
	_ =	strace $0x90000053  }
0x2c: {  	s0 =	sadd.s32 @!p0 $0x100000, s0;
	[bflag:$0x2] =	sbarrier.arrive $0xFFFF  }
0x2d: {  	[sflag:s0] =	ssyncadd.tile.s32 @!p0 $0x1;
	_ =	shalt  }
.Lfunc_end2:
_tile_overlayer_lowered:
.L_overlay_start_2:
0x2e: {  	(tag) =	ssettag $0x2  }
0x2f: {  	s0 =	rddreg [dreg:$0x0];
	s2 =	stileid.u32  }
0x30: {  	s1 =	rddreg [dreg:$0x1];
	p0 =	sne.s32 s2, $0x0  }
0x31: {  	s3 =	rddreg [dreg:$0x2];
	[bflag:$0x3] =	sbarrier.arrive $0xFFFF;
	s2 =	simm.s32 @!p0 $0x1C02  }
0x32: {  	[timem:s3], [sflag:s2] =	dma.local @!p0 [hbm:s0], s1  }
0x33: {  	s0 =	simm.s32 @!p0 $0x2  }
0x34: {  	_ =	swait.ge @!p0 [sflag:s0], s1  }
0x35: {  	s1 =	ssub.s32 @!p0 $0x0, s1;
	[sflag:s0] =	ssyncset.done @!p0 $0x0  }
0x36: {  	[sflag:s0] =	ssyncadd.s32 @!p0 s1  }
0x37: {  	[bflag:$0x3] =	sbarrier.arrive $0xFFFF  }
0x38: {  	_ =	shalt  }

// kernel: kernel.42.cloned.1.call-start
scs
__scs_entry_jumppad:
0x0: {  	(pc) =	sbr.rel $0x88, $3  }
0x1: {  	(tag) =	ssettag $0x0;
	lr =	simm.s32 $0x1  }
0x2: {  	[smem:$0x3F96] =	sst lr;
	_ =	strace $0xD0000000  }
0x3: {  	_ = 	snop  }
0x4: {  	_ = 	snop  }
0x5: {  	_ = 	snop  }
0x6: {  	_ = 	snop  }
0x7: {  	_ = 	snop  }
__scs_overlays_trampoline_lowered:
0x8: {  	[smem:$0x3FA5] =	sst s0  }
0x9: {  	[smem:$0x3FA6] =	sst s1  }
0xa: {  	[smem:$0x3FA7] =	sst s2  }
0xb: {  	[smem:$0x3FA8] =	sst s3  }
0xc: {  	[smem:$0x3FA9] =	sst s4  }
0xd: {  	[smem:$0x3FAA] =	sst s5  }
0xe: {  	[smem:$0x3FAB] =	sst s6  }
0xf: {  	[smem:$0x3FAC] =	sst s7  }
0x10: {  	[smem:$0x3FAD] =	sst s8  }
0x11: {  	[smem:$0x3FAE] =	sst s9;
	s0 =	simm.s32 @!p0 $0x0  }
0x12: {  	s1 =	sld [smem:$0x3F94];
	s0 =	simm.s32 @p0 $0x1  }
0x13: {  	[smem:$0x3FAF] =	sst s0;
	s0 =	simm.s32 @!p1 $0x0  }
0x14: {  	s2 =	sld [smem:$0x3F93];
	s0 =	simm.s32 @p1 $0x1  }
0x15: {  	[smem:$0x3FB0] =	sst s0;
	s0 =	simm.s32 @!p2 $0x0  }
0x16: {  	s3 =	sld [smem:$0x3FDB];
	s0 =	simm.s32 @p2 $0x1  }
0x17: {  	s4 =	simm.s32 $0x1BF5;
	[smem:$0x3FB2] =	sst s0  }
0x18: {  	s0 =	sld [smem:$0x3F95];
	_ =	swait.ge [sflag:s4], $0x0  }
0x19: {  	s7 =	sld [smem:$0x3F96]  }
0x1a: {  	s8 =	sadd.s32 $0xFFFFE003, lr  }
0x1b: {  	s9 =	sadd.s32 $0xFFFFFEF7, lr;
	s5 =	simm.s32 $0xFFFFFFFF;
	p2 =	slt.u32 s8, $0xFFFFF086  }
0x1c: {  	p1 =	slt.u32 s9, $0xF7A;
	s5 =	simm.s32 @!p2 $0x0  }
0x1d: {  	s5 =	simm.s32 @p1 $0x1;
	p0 =	seq.s32 s7, s2  }
0x1e: {  	s7 =	smul.u32 @!p0 $0xF7A, s2;
	p2 =	seq.s32 @!p0 s5, $0x0  }
0x1f: {  	s9 =	smul.u32 $0xF7A, s1;
	s8 =	simm.s32 @!p0 $0x1BF5;
	p2 =	por !p2, p0  }
0x20: {  	[sflag:s8] =	ssyncset.s32 @!p0 $0xFFFFF086;
	s6 =	sadd.s32 @!p0 s3, s7;
	s7 =	simm.s32 @!p0 $0x108  }
0x21: {  	s3 =	sadd.s32 s3, s9;
	s6 =	sadd.s32 @!p0 $0x88, s6;
	s7 =	simm.s32 @p2 $0x1082  }
0x22: {  	[simem:s7], [sflag:s8] =	dma.local @!p0 [hbm:s6], $0xF7A  }
0x23: {  	s9 =	sor.u32 $0xD0000000, s2;
	s6 =	simm.s32 $0x108;
	_ =	swait.ge @!p0 [sflag:s8], $0x0  }
0x24: {  	s3 =	sadd.s32 $0x88, s3;
	s6 =	simm.s32 @!p1 $0x1082;
	[sflag:s4] =	ssyncset.s32 $0xFFFFF086  }
0x25: {  	[simem:s6], [sflag:s4] =	dma.local [hbm:s3], $0xF7A  }
0x26: {  	[smem:$0x3F96] =	sst s1;
	(tag) =	ssettag s2;
	_ =	strace s9  }
0x27: {  	s1 =	sld [smem:$0x3FA6]  }
0x28: {  	s2 =	sld [smem:$0x3FA7]  }
0x29: {  	s4 =	sld [smem:$0x3FA9]  }
0x2a: {  	p0 =	seq.s32 s5, $0x0;
	s5 =	sld [smem:$0x3FAA]  }
0x2b: {  	s6 =	sld [smem:$0x3FAB]  }
0x2c: {  	s7 =	sld [smem:$0x3FAC]  }
0x2d: {  	s3 =	simm.s32 $0x108;
	s8 =	sld [smem:$0x3FAD]  }
0x2e: {  	s3 =	simm.s32 @!p0 $0x1082;
	s9 =	sld [smem:$0x3FAE]  }
0x2f: {  	lr =	sadd.s32 s0, s3;
	s0 =	sld [smem:$0x3FA5]  }
0x30: {  	s3 =	sld [smem:$0x3FA8]  }
0x31: {  	[smem:$0x3FB1] =	sst s10  }
0x32: {  	s10 =	sld [smem:$0x3FAF];
	_ =	sdelay $0x3  }
0x33: {  	p0 =	seq.s32 s10, $0x1;
	s10 =	sld [smem:$0x3FB1];
	_ =	sdelay $0x3  }
0x34: {  	[smem:$0x3FB1] =	sst s10  }
0x35: {  	s10 =	sld [smem:$0x3FB0];
	_ =	sdelay $0x3  }
0x36: {  	p1 =	seq.s32 s10, $0x1;
	s10 =	sld [smem:$0x3FB1];
	_ =	sdelay $0x3  }
0x37: {  	[smem:$0x3FB1] =	sst s10  }
0x38: {  	s10 =	sld [smem:$0x3FB2]  }
0x39: {  	_ = 	snop;
	(pc) =	sbr.ind lr, $3  }
0x3a: {  	_ = 	snop  }
0x3b: {  	_ = 	snop  }
0x3c: {  	p2 =	seq.s32 s10, $0x1;
	s10 =	sld [smem:$0x3FB1]  }
0x3d: {  	_ =	shalt  }
0x3e: {  	_ =	shalt  }
0x3f: {  	_ =	shalt  }
0x40: {  	_ =	shalt  }
0x41: {  	_ =	shalt  }
0x42: {  	_ =	shalt  }
0x43: {  	_ =	shalt  }
0x44: {  	_ =	shalt  }
0x45: {  	_ =	shalt  }
0x46: {  	_ =	shalt  }
0x47: {  	_ =	shalt  }
0x48: {  	_ =	shalt  }
0x49: {  	_ =	shalt  }
0x4a: {  	_ =	shalt  }
0x4b: {  	_ =	shalt  }
0x4c: {  	_ =	shalt  }
0x4d: {  	_ =	shalt  }
0x4e: {  	_ =	shalt  }
0x4f: {  	_ =	shalt  }
0x50: {  	_ =	shalt  }
0x51: {  	_ =	shalt  }
0x52: {  	_ =	shalt  }
0x53: {  	_ =	shalt  }
0x54: {  	_ =	shalt  }
0x55: {  	_ =	shalt  }
0x56: {  	_ =	shalt  }
0x57: {  	_ =	shalt  }
0x58: {  	_ =	shalt  }
0x59: {  	_ =	shalt  }
0x5a: {  	_ =	shalt  }
0x5b: {  	_ =	shalt  }
0x5c: {  	_ =	shalt  }
0x5d: {  	_ =	shalt  }
0x5e: {  	_ =	shalt  }
0x5f: {  	_ =	shalt  }
0x60: {  	_ =	shalt  }
0x61: {  	_ =	shalt  }
0x62: {  	_ =	shalt  }
0x63: {  	_ =	shalt  }
0x64: {  	_ =	shalt  }
0x65: {  	_ =	shalt  }
0x66: {  	_ =	shalt  }
0x67: {  	_ =	shalt  }
0x68: {  	_ =	shalt  }
0x69: {  	_ =	shalt  }
0x6a: {  	_ =	shalt  }
0x6b: {  	_ =	shalt  }
0x6c: {  	_ =	shalt  }
0x6d: {  	_ =	shalt  }
0x6e: {  	_ =	shalt  }
0x6f: {  	_ =	shalt  }
0x70: {  	_ =	shalt  }
0x71: {  	_ =	shalt  }
0x72: {  	_ =	shalt  }
0x73: {  	_ =	shalt  }
0x74: {  	_ =	shalt  }
0x75: {  	_ =	shalt  }
0x76: {  	_ =	shalt  }
0x77: {  	_ =	shalt  }
0x78: {  	_ =	shalt  }
0x79: {  	_ =	shalt  }
0x7a: {  	_ =	shalt  }
0x7b: {  	_ =	shalt  }
0x7c: {  	_ =	shalt  }
0x7d: {  	_ =	shalt  }
0x7e: {  	_ =	shalt  }
0x7f: {  	_ =	shalt  }
0x80: {  	_ =	shalt  }
0x81: {  	_ =	shalt  }
0x82: {  	_ =	shalt  }
0x83: {  	_ =	shalt  }
0x84: {  	_ =	shalt  }
0x85: {  	_ =	shalt  }
0x86: {  	_ =	shalt  }
0x87: {  	_ =	shalt  }
.Lfunc_end0:
.L_simem_size_0:
called_computation.5_lowered:
.L_overlay_start_0:
0x88: {  	s2 =	sld [smem:$0x3FD9]  }
0x89: {  	s3 =	sld [smem:$0x3FFE];
	_ =	sdelay $0x1  }
0x8a: {  	s1 =	srdreg.scid  }
0x8b: {  	s0 =	sand.u32 $0x1, s1  }
0x8c: {  	s17 =	sshll.u32 s0, $0xA;
	s2 =	sadd.s32 s3, s2  }
0x8d: {  	s2 =	sadd.s32 s2, s17  }
0x8e: {  	[smem:$0x3FBD] =	sst s2  }
0x8f: {  	_ = 	snop  }
0x90: {  	s18 =	sld [smem:$0x3FD0];
	(tm) =	ssettm $0x1  }
0x91: {  	s19 =	sld [smem:$0x3FFB];
	_ =	sdelay $0x3  }
0x92: {  	_ =	strace s19  }
0x93: {  	s2 =	sld [smem:$0x3FFC];
	_ =	sdelay $0x3  }
0x94: {  	_ =	strace s2  }
0x95: {  	s2 =	sld [smem:$0x3FFD];
	_ =	sdelay $0x3  }
0x96: {  	_ =	strace s2  }
0x97: {  	_ =	strace $0x8FFFFFFF  }
0x98: {  	s20 =	sld [smem:$0x3FDB];
	_ =	sdelay $0x1  }
0x99: {  	s4 =	simm.s32 $_scs_section_size  }
0x9a: {  	s5 =	simm.s32 $_size__tile_overlayer_lowered;
	s6 =	simm.s32 $_tile_overlayer_lowered  }
0x9b: {  	s7 =	simm.s32 $0x1BFF;
	s21 =	sshll.u32 s6, $0x1;
	s4 =	sadd.s32 s4, s20  }
0x9c: {  	s22 =	simm.s32 $0x0;
	s5 =	sshll.u32 s5, $0x1;
	s6 =	sadd.s32 s21, s4  }
0x9d: {  	[timem:s22], [sflag:s7] =	dma.local [hbm:s6], s5  }
0x9e: {  	_ =	swait.ge [sflag:s7], s5  }
0x9f: {  	s5 =	ssub.s32 $0x0, s5;
	[sflag:s7] =	ssyncset.done $0x0  }
0xa0: {  	[sflag:s7] =	ssyncadd.s32 s5;
	_ =	sdelay $0x1  }
0xa1: {  	s23 =	simm.s32 $0x1B8B  }
0xa2: {  	_ =	swait.ge [sflag:s23], $0x1  }
0xa3: {  	[sflag:s23] =	ssyncset.done $0x0  }
0xa4: {  	[sflag:s23] =	ssyncadd.s32 $0xFFFFFFFF  }
0xa5: {  	s5 =	sld [smem:$0x0]  }
0xa6: {  	s6 =	sand.u32 $0xFFFFFFFE, s1  }
0xa7: {  	p0 =	sne.s32 s1, s6  }
0xa8: {  	s6 =	sshll.u32 @p0 s6, $0xE  }
0xa9: {  	s6 =	sadd.s32 @p0 $0x11B8D, s6;
	s7 =	sshll.u32 @p0 s5, $0x11  }
0xaa: {  	s6 =	sor.u32 @p0 s7, s6  }
0xab: {  	[sflag:s6] =	ssyncadd.remote.s32 @p0 $0x1;
	_ =	sdelay $0x1  }
0xac: {  	s6 =	simm.s32 @p0 $0x1B8D  }
0xad: {  	_ =	swait.eq @p0 [sflag:s6], $0x1  }
0xae: {  	[sflag:s6] =	ssyncadd.s32 @p0 $0xFFFFFFFF  }
0xaf: {  	s7 =	sshll.u32 @!p0 s1, $0xE  }
0xb0: {  	s7 =	sor.u32 @!p0 $0x4000, s7;
	s6 =	simm.s32 @!p0 $0x1B8D  }
0xb1: {  	s5 =	sshll.u32 @!p0 s5, $0x11;
	s7 =	sadd.s32 @!p0 $0x11B8D, s7;
	_ =	swait.eq @!p0 [sflag:s6], $0x1  }
0xb2: {  	s5 =	sor.u32 @!p0 s5, s7;
	[sflag:s6] =	ssyncadd.s32 @!p0 $0xFFFFFFFF  }
0xb3: {  	s25 =	simm.s32 $0x1B8E;
	s24 =	sld [smem:$0x3FFE];
	[sflag:s5] =	ssyncadd.remote.s32 @!p0 $0x1  }
0xb4: {  	s26 =	simm.s32 $execute0_lowered;
	[smem:$0x3FD2] =	sst s25  }
0xb5: {  	s6 =	sshll.u32 s26, $0x1;
	_ =	strace $0x80000055;
	[dreg:$0x1] =	wrdreg $0xFFFFFFFF  }
0xb6: {  	s28 =	simm.s32 $_size_execute0_lowered;
	s4 =	sadd.s32 s4, s6;
	[dreg:$0x0] =	wrdreg $0x0  }
0xb7: {  	s6 =	sshll.u32 s28, $0x1;
	[dreg:$0x2] =	wrdreg s4  }
0xb8: {  	[dreg:$0x3] =	wrdreg s6  }
0xb9: {  	[dreg:$0x4] =	wrdreg $0xC0  }
0xba: {  	_ =	task [dreg:s22], $0x5FFFF  }
0xbb: {  	[dreg:$0x1] =	wrdreg $0xFFFFFFFF  }
0xbc: {  	[dreg:$0x0] =	wrdreg $0x60  }
0xbd: {  	[dreg:$0x2] =	wrdreg s24  }
0xbe: {  	[dreg:$0x3] =	wrdreg s18  }
0xbf: {  	[dreg:$0x4] =	wrdreg $0xA  }
0xc0: {  	_ =	task.clear_ibuf [dreg:s22], $0x5FFFF;
	_ =	strace $0x90000055  }
0xc1: {  	s29 =	simm.s32 $0xA;
	_ =	strace $0x80000057  }
0xc2: {  	_ =	swait.ge [sflag:s29], $0x1  }
0xc3: {  	[sflag:s29] =	ssyncadd.s32 $0xFFFFFFFF  }
0xc4: {  	_ =	strace $0x90000057  }
0xc5: {  	_ =	sfence  }
0xc6: {  	s30 =	sld [smem:$0x0];
	_ =	sdelay $0x2  }
0xc7: {  	s31 =	sshll.u32 s1, $0xD;
	s1 =	sshrl.u32 s1, $0x2  }
0xc8: {  	s4 =	sand.u32 $0x4000, s31;
	s1 =	sadd.s32 s1, s30  }
0xc9: {  	s0 =	sor.u32 s4, s0;
	s1 =	sshll.u32 s1, $0x11  }
0xca: {  	s0 =	sor.u32 s1, s0  }
0xcb: {  	s0 =	sadd.s32 $0x8F2B, s0  }
0xcc: {  	[sflag:s0] =	ssyncadd.remote.s32 $0x1  }
0xcd: {  	_ =	sfence.sel $0xFFFF  }
0xce: {  	[dreg:$0x0] =	wrdreg $0xFFFFFFFF;
	(pc) =	sbr.abs _section_cstart, $3  }
0xcf: {  	[dreg:$0x1] =	wrdreg $0xFFFFFFFF  }
0xd0: {  	_ =	task.clear_ibuf [dreg:s22], $0x2FFFF;
	_ =	strace $0x9FFFFFFF  }
0xd1: {  	(tm) =	ssettm $0x7FFFFFFF  }
tec
execute0_lowered:
.L_overlay_start_1:
0x0: {  	(tag) =	ssettag $0x1  }
0x1: {  	s4 =	rddreg [dreg:$0x0]  }
0x2: {  	s2 =	rddreg [dreg:$0x1]  }
0x3: {  	s0 =	rddreg [dreg:$0x2];
	s5 =	srdreg.scid  }
0x4: {  	s3 =	simm.s32 $0x0;
	s1 =	stileid.u32;
	s10 =	simm.s32 $0x1  }
0x5: {  	s11 =	simm.s32 $0x0;
	s5 =	sand.u32 $0x1, s5;
	[smem:$0x7FF] =	sst s3  }
0x6: {  	s6 =	sshll.u32 s1, $0x9;
	s8 =	sshll.u32 s1, $0xB;
	s7 =	sshll.u32 s5, $0x8  }
0x7: {  	_ =	strace $0x80000056;
	s29 =	ssub.s32 $0x2, s5;
	s8 =	sadd.s32 s8, s4  }
0x8: {  	s30 =	sshll.u32 s5, $0xA;
	s6 =	sor.u32 s7, s6;
	s9 =	sshrl.u32 s29, $0x1  }
0x9: {  	s31 =	sadd.s32 s30, s8;
	s8 =	simm.s32 $0x40;
	s6 =	sadd.s32 s6, s4  }
0xa: {  	s7 =	ssub.s32 s29, s9;
	s9 =	simm.s32 $0x800;
	s4 =	sadd.s32 $0x86A00, s6  }
0xb: {  	s5 =	smax.u32 s7, $0x1;
	s6 =	sadd.s32 $0x88A00, s31;
	s7 =	simm.s32 $0x2  }
.LBB2_1:
0xc: {  	[tilespmem:s3], [sflag:$0x2] =	stream.linear.gather [hbm4b:s4+s3], $0x800, $0x38;
	[tilespmem:$0x2800] =	vst v63  }
0xd: {  	_ =	swait.ge [sflag:s7], $0x800  }
0xe: {  	[sflag:s7] =	ssyncset.done $0x0  }
0xf: {  	s12 =	simm.s32 $0x0;
	[sflag:s7] =	ssyncadd.s32 $0xFFFFF800  }
0x10: {  	[tilespmem:s9], [sflag:$0x1] =	stream.indirect.gather [hbm4b:s2+s8], $0x80, s12, s8, $0xb8;
	[tilespmem:$0x2800] =	vst v63  }
0x11: {  	_ =	swait.ge [sflag:s10], $0x2000  }
0x12: {  	[sflag:s10] =	ssyncset.done $0x0  }
0x13: {  	[sflag:s10] =	ssyncadd.s32 $0xFFFFE000  }
0x14: {  	[hbm4b:s6+s3] =	stream.linear.scatter [tilespmem:s9], [sflag:$0x2], $0x2000, $0x38;
	[tilespmem:$0x2800] =	vst v63  }
0x15: {  	s13 =	simm.s32 $0x200;
	_ =	swait.ge [sflag:s7], $0x2000  }
0x16: {  	s14 =	simm.s32 $0x400;
	s12 =	sadd.s32 $0x8000, s6;
	[sflag:s7] =	ssyncset.done $0x0  }
.LBB2_2:
0x17: {  	s15 =	sshra.s32 s13, $0x2  }
0x18: {  	[sflag:s7] =	ssyncadd.s32 $0xFFFFE000;
	s13 =	smov.u32 s14;
	s16 =	sadd.s32 $0x200, s14  }
0x19: {  	[tilespmem:s9], [sflag:$0x1] =	stream.indirect.gather [hbm4b:s2+s8], $0x80, s15, s8, $0xb8;
	[tilespmem:$0x2800] =	vst v63  }
0x1a: {  	p0 =	sne.s32 s14, $0x1E00;
	_ =	swait.ge [sflag:s10], $0x2000  }
.Ltmp0:
0x1b: {  	[sflag:s10] =	ssyncset.done $0x0;
	(pc) =	sbr.rel @p0 .LBB2_2-.Ltmp0, $4  }
0x1c: {  	[sflag:s10] =	ssyncadd.s32 $0xFFFFE000  }
0x1d: {  	[hbm4b:s12+s3] =	stream.linear.scatter [tilespmem:s9], [sflag:$0x2], $0x2000, $0x38;
	[tilespmem:$0x2800] =	vst v63  }
0x1e: {  	_ =	swait.ge [sflag:s7], $0x2000  }
0x1f: {  	s14 =	smov.u32 s16;
	s12 =	sadd.s32 $0x8000, s12;
	[sflag:s7] =	ssyncset.done $0x0  }
0x20: {  	s13 =	sshra.s32 s13, $0x2;
	[sflag:s7] =	ssyncadd.s32 $0xFFFFE000  }
0x21: {  	[tilespmem:s9], [sflag:$0x1] =	stream.indirect.gather [hbm4b:s2+s8], $0x80, s13, s8, $0xb8;
	[tilespmem:$0x2800] =	vst v63  }
0x22: {  	s11 =	sadd.s32 $0x1, s11;
	_ =	swait.ge [sflag:s10], $0x2000  }
0x23: {  	p0 =	sne.s32 s11, s5;
	[sflag:s10] =	ssyncset.done $0x0  }
.Ltmp1:
0x24: {  	[sflag:s10] =	ssyncadd.s32 $0xFFFFE000;
	(pc) =	sbr.rel @p0 .LBB2_1-.Ltmp1, $4  }
0x25: {  	[hbm4b:s12+s3] =	stream.linear.scatter [tilespmem:s9], [sflag:$0x2], $0x2000, $0x38;
	[tilespmem:$0x2800] =	vst v63  }
0x26: {  	_ =	swait.ge [sflag:s7], $0x2000  }
0x27: {  	[sflag:s7] =	ssyncset.done $0x0  }
0x28: {  	[sflag:s7] =	ssyncadd.s32 $0xFFFFE000  }
0x29: {  	_ =	sfence.sel $0x180000  }
0x2a: {  	[bflag:$0x0] =	sbarrier.arrive $0xFFFF  }
0x2b: {  	p0 =	sne.s32 s1, $0x0;
	_ =	strace $0x90000056  }
0x2c: {  	s0 =	sadd.s32 @!p0 $0x100000, s0;
	[bflag:$0x2] =	sbarrier.arrive $0xFFFF  }
0x2d: {  	[sflag:s0] =	ssyncadd.tile.s32 @!p0 $0x1;
	_ =	shalt  }
.Lfunc_end2:
_tile_overlayer_lowered:
.L_overlay_start_2:
0x2e: {  	(tag) =	ssettag $0x2  }
0x2f: {  	s0 =	rddreg [dreg:$0x0];
	s2 =	stileid.u32  }
0x30: {  	s1 =	rddreg [dreg:$0x1];
	p0 =	sne.s32 s2, $0x0  }
0x31: {  	s3 =	rddreg [dreg:$0x2];
	[bflag:$0x3] =	sbarrier.arrive $0xFFFF;
	s2 =	simm.s32 @!p0 $0x1C02  }
0x32: {  	[timem:s3], [sflag:s2] =	dma.local @!p0 [hbm:s0], s1  }
0x33: {  	s0 =	simm.s32 @!p0 $0x2  }
0x34: {  	_ =	swait.ge @!p0 [sflag:s0], s1  }
0x35: {  	s1 =	ssub.s32 @!p0 $0x0, s1;
	[sflag:s0] =	ssyncset.done @!p0 $0x0  }
0x36: {  	[sflag:s0] =	ssyncadd.s32 @!p0 s1  }
0x37: {  	[bflag:$0x3] =	sbarrier.arrive $0xFFFF  }
0x38: {  	_ =	shalt  }

// kernel: kernel.45.cloned.1.call-start
scs
__scs_entry_jumppad:
0x0: {  	(pc) =	sbr.rel $0x88, $3  }
0x1: {  	(tag) =	ssettag $0x0;
	lr =	simm.s32 $0x1  }
0x2: {  	[smem:$0x3F96] =	sst lr;
	_ =	strace $0xD0000000  }
0x3: {  	_ = 	snop  }
0x4: {  	_ = 	snop  }
0x5: {  	_ = 	snop  }
0x6: {  	_ = 	snop  }
0x7: {  	_ = 	snop  }
__scs_overlays_trampoline_lowered:
0x8: {  	[smem:$0x3FA5] =	sst s0  }
0x9: {  	[smem:$0x3FA6] =	sst s1  }
0xa: {  	[smem:$0x3FA7] =	sst s2  }
0xb: {  	[smem:$0x3FA8] =	sst s3  }
0xc: {  	[smem:$0x3FA9] =	sst s4  }
0xd: {  	[smem:$0x3FAA] =	sst s5  }
0xe: {  	[smem:$0x3FAB] =	sst s6  }
0xf: {  	[smem:$0x3FAC] =	sst s7  }
0x10: {  	[smem:$0x3FAD] =	sst s8  }
0x11: {  	[smem:$0x3FAE] =	sst s9;
	s0 =	simm.s32 @!p0 $0x0  }
0x12: {  	s1 =	sld [smem:$0x3F94];
	s0 =	simm.s32 @p0 $0x1  }
0x13: {  	[smem:$0x3FAF] =	sst s0;
	s0 =	simm.s32 @!p1 $0x0  }
0x14: {  	s2 =	sld [smem:$0x3F93];
	s0 =	simm.s32 @p1 $0x1  }
0x15: {  	[smem:$0x3FB0] =	sst s0;
	s0 =	simm.s32 @!p2 $0x0  }
0x16: {  	s3 =	sld [smem:$0x3FDB];
	s0 =	simm.s32 @p2 $0x1  }
0x17: {  	s4 =	simm.s32 $0x1BF5;
	[smem:$0x3FB2] =	sst s0  }
0x18: {  	s0 =	sld [smem:$0x3F95];
	_ =	swait.ge [sflag:s4], $0x0  }
0x19: {  	s7 =	sld [smem:$0x3F96]  }
0x1a: {  	s8 =	sadd.s32 $0xFFFFE003, lr  }
0x1b: {  	s9 =	sadd.s32 $0xFFFFFEF7, lr;
	s5 =	simm.s32 $0xFFFFFFFF;
	p2 =	slt.u32 s8, $0xFFFFF086  }
0x1c: {  	p1 =	slt.u32 s9, $0xF7A;
	s5 =	simm.s32 @!p2 $0x0  }
0x1d: {  	s5 =	simm.s32 @p1 $0x1;
	p0 =	seq.s32 s7, s2  }
0x1e: {  	s7 =	smul.u32 @!p0 $0xF7A, s2;
	p2 =	seq.s32 @!p0 s5, $0x0  }
0x1f: {  	s9 =	smul.u32 $0xF7A, s1;
	s8 =	simm.s32 @!p0 $0x1BF5;
	p2 =	por !p2, p0  }
0x20: {  	[sflag:s8] =	ssyncset.s32 @!p0 $0xFFFFF086;
	s6 =	sadd.s32 @!p0 s3, s7;
	s7 =	simm.s32 @!p0 $0x108  }
0x21: {  	s3 =	sadd.s32 s3, s9;
	s6 =	sadd.s32 @!p0 $0x88, s6;
	s7 =	simm.s32 @p2 $0x1082  }
0x22: {  	[simem:s7], [sflag:s8] =	dma.local @!p0 [hbm:s6], $0xF7A  }
0x23: {  	s9 =	sor.u32 $0xD0000000, s2;
	s6 =	simm.s32 $0x108;
	_ =	swait.ge @!p0 [sflag:s8], $0x0  }
0x24: {  	s3 =	sadd.s32 $0x88, s3;
	s6 =	simm.s32 @!p1 $0x1082;
	[sflag:s4] =	ssyncset.s32 $0xFFFFF086  }
0x25: {  	[simem:s6], [sflag:s4] =	dma.local [hbm:s3], $0xF7A  }
0x26: {  	[smem:$0x3F96] =	sst s1;
	(tag) =	ssettag s2;
	_ =	strace s9  }
0x27: {  	s1 =	sld [smem:$0x3FA6]  }
0x28: {  	s2 =	sld [smem:$0x3FA7]  }
0x29: {  	s4 =	sld [smem:$0x3FA9]  }
0x2a: {  	p0 =	seq.s32 s5, $0x0;
	s5 =	sld [smem:$0x3FAA]  }
0x2b: {  	s6 =	sld [smem:$0x3FAB]  }
0x2c: {  	s7 =	sld [smem:$0x3FAC]  }
0x2d: {  	s3 =	simm.s32 $0x108;
	s8 =	sld [smem:$0x3FAD]  }
0x2e: {  	s3 =	simm.s32 @!p0 $0x1082;
	s9 =	sld [smem:$0x3FAE]  }
0x2f: {  	lr =	sadd.s32 s0, s3;
	s0 =	sld [smem:$0x3FA5]  }
0x30: {  	s3 =	sld [smem:$0x3FA8]  }
0x31: {  	[smem:$0x3FB1] =	sst s10  }
0x32: {  	s10 =	sld [smem:$0x3FAF];
	_ =	sdelay $0x3  }
0x33: {  	p0 =	seq.s32 s10, $0x1;
	s10 =	sld [smem:$0x3FB1];
	_ =	sdelay $0x3  }
0x34: {  	[smem:$0x3FB1] =	sst s10  }
0x35: {  	s10 =	sld [smem:$0x3FB0];
	_ =	sdelay $0x3  }
0x36: {  	p1 =	seq.s32 s10, $0x1;
	s10 =	sld [smem:$0x3FB1];
	_ =	sdelay $0x3  }
0x37: {  	[smem:$0x3FB1] =	sst s10  }
0x38: {  	s10 =	sld [smem:$0x3FB2]  }
0x39: {  	_ = 	snop;
	(pc) =	sbr.ind lr, $3  }
0x3a: {  	_ = 	snop  }
0x3b: {  	_ = 	snop  }
0x3c: {  	p2 =	seq.s32 s10, $0x1;
	s10 =	sld [smem:$0x3FB1]  }
0x3d: {  	_ =	shalt  }
0x3e: {  	_ =	shalt  }
0x3f: {  	_ =	shalt  }
0x40: {  	_ =	shalt  }
0x41: {  	_ =	shalt  }
0x42: {  	_ =	shalt  }
0x43: {  	_ =	shalt  }
0x44: {  	_ =	shalt  }
0x45: {  	_ =	shalt  }
0x46: {  	_ =	shalt  }
0x47: {  	_ =	shalt  }
0x48: {  	_ =	shalt  }
0x49: {  	_ =	shalt  }
0x4a: {  	_ =	shalt  }
0x4b: {  	_ =	shalt  }
0x4c: {  	_ =	shalt  }
0x4d: {  	_ =	shalt  }
0x4e: {  	_ =	shalt  }
0x4f: {  	_ =	shalt  }
0x50: {  	_ =	shalt  }
0x51: {  	_ =	shalt  }
0x52: {  	_ =	shalt  }
0x53: {  	_ =	shalt  }
0x54: {  	_ =	shalt  }
0x55: {  	_ =	shalt  }
0x56: {  	_ =	shalt  }
0x57: {  	_ =	shalt  }
0x58: {  	_ =	shalt  }
0x59: {  	_ =	shalt  }
0x5a: {  	_ =	shalt  }
0x5b: {  	_ =	shalt  }
0x5c: {  	_ =	shalt  }
0x5d: {  	_ =	shalt  }
0x5e: {  	_ =	shalt  }
0x5f: {  	_ =	shalt  }
0x60: {  	_ =	shalt  }
0x61: {  	_ =	shalt  }
0x62: {  	_ =	shalt  }
0x63: {  	_ =	shalt  }
0x64: {  	_ =	shalt  }
0x65: {  	_ =	shalt  }
0x66: {  	_ =	shalt  }
0x67: {  	_ =	shalt  }
0x68: {  	_ =	shalt  }
0x69: {  	_ =	shalt  }
0x6a: {  	_ =	shalt  }
0x6b: {  	_ =	shalt  }
0x6c: {  	_ =	shalt  }
0x6d: {  	_ =	shalt  }
0x6e: {  	_ =	shalt  }
0x6f: {  	_ =	shalt  }
0x70: {  	_ =	shalt  }
0x71: {  	_ =	shalt  }
0x72: {  	_ =	shalt  }
0x73: {  	_ =	shalt  }
0x74: {  	_ =	shalt  }
0x75: {  	_ =	shalt  }
0x76: {  	_ =	shalt  }
0x77: {  	_ =	shalt  }
0x78: {  	_ =	shalt  }
0x79: {  	_ =	shalt  }
0x7a: {  	_ =	shalt  }
0x7b: {  	_ =	shalt  }
0x7c: {  	_ =	shalt  }
0x7d: {  	_ =	shalt  }
0x7e: {  	_ =	shalt  }
0x7f: {  	_ =	shalt  }
0x80: {  	_ =	shalt  }
0x81: {  	_ =	shalt  }
0x82: {  	_ =	shalt  }
0x83: {  	_ =	shalt  }
0x84: {  	_ =	shalt  }
0x85: {  	_ =	shalt  }
0x86: {  	_ =	shalt  }
0x87: {  	_ =	shalt  }
.Lfunc_end0:
.L_simem_size_0:
called_computation.6_lowered:
.L_overlay_start_0:
0x88: {  	s2 =	sld [smem:$0x3FD9]  }
0x89: {  	s3 =	sld [smem:$0x3FFE];
	_ =	sdelay $0x1  }
0x8a: {  	s1 =	srdreg.scid  }
0x8b: {  	s0 =	sand.u32 $0x1, s1  }
0x8c: {  	s17 =	sshll.u32 s0, $0xA;
	s2 =	sadd.s32 s3, s2  }
0x8d: {  	s2 =	sadd.s32 s2, s17  }
0x8e: {  	[smem:$0x3FBD] =	sst s2  }
0x8f: {  	_ = 	snop  }
0x90: {  	s2 =	sld [smem:$0x3FD0];
	(tm) =	ssettm $0x1  }
0x91: {  	s18 =	sld [smem:$0x3FFB];
	_ =	sdelay $0x3  }
0x92: {  	_ =	strace s18  }
0x93: {  	s3 =	sld [smem:$0x3FFC];
	_ =	sdelay $0x3  }
0x94: {  	_ =	strace s3  }
0x95: {  	s3 =	sld [smem:$0x3FFD];
	_ =	sdelay $0x3  }
0x96: {  	_ =	strace s3  }
0x97: {  	_ =	strace $0x8FFFFFFF  }
0x98: {  	s19 =	sld [smem:$0x3FDB];
	_ =	sdelay $0x1  }
0x99: {  	s4 =	simm.s32 $_scs_section_size  }
0x9a: {  	s5 =	simm.s32 $_size__tile_overlayer_lowered;
	s6 =	simm.s32 $_tile_overlayer_lowered  }
0x9b: {  	s22 =	simm.s32 $0x1BFF;
	s21 =	sshll.u32 s6, $0x1;
	s3 =	sadd.s32 s4, s19  }
0x9c: {  	s7 =	simm.s32 $0x0;
	s20 =	sshll.u32 s5, $0x1;
	s5 =	sadd.s32 s21, s3  }
0x9d: {  	[timem:s7], [sflag:s22] =	dma.local [hbm:s5], s20  }
0x9e: {  	_ =	swait.ge [sflag:s22], s20  }
0x9f: {  	s4 =	ssub.s32 $0x0, s20;
	[sflag:s22] =	ssyncset.done $0x0  }
0xa0: {  	[sflag:s22] =	ssyncadd.s32 s4;
	_ =	sdelay $0x1  }
0xa1: {  	s23 =	simm.s32 $0x1B8B  }
0xa2: {  	_ =	swait.ge [sflag:s23], $0x1  }
0xa3: {  	[sflag:s23] =	ssyncset.done $0x0  }
0xa4: {  	s25 =	simm.s32 $0x1B8E;
	s24 =	sld [smem:$0x3FFE];
	[sflag:s23] =	ssyncadd.s32 $0xFFFFFFFF  }
0xa5: {  	s26 =	simm.s32 $execute0_lowered;
	[smem:$0x3FD2] =	sst s25  }
0xa6: {  	s5 =	sshll.u32 s26, $0x1;
	_ =	strace $0x80000058;
	[dreg:$0x1] =	wrdreg $0xFFFFFFFF  }
0xa7: {  	s28 =	simm.s32 $_size_execute0_lowered;
	s3 =	sadd.s32 s3, s5;
	[dreg:$0x0] =	wrdreg $0x0  }
0xa8: {  	s5 =	sshll.u32 s28, $0x1;
	[dreg:$0x2] =	wrdreg s3  }
0xa9: {  	[dreg:$0x3] =	wrdreg s5  }
0xaa: {  	[dreg:$0x4] =	wrdreg $0xC0  }
0xab: {  	_ =	task [dreg:s7], $0x5FFFF  }
0xac: {  	[dreg:$0x1] =	wrdreg $0xFFFFFFFF  }
0xad: {  	[dreg:$0x0] =	wrdreg $0x60  }
0xae: {  	[dreg:$0x2] =	wrdreg s24  }
0xaf: {  	[dreg:$0x3] =	wrdreg s2  }
0xb0: {  	[dreg:$0x4] =	wrdreg $0x9  }
0xb1: {  	_ =	task.clear_ibuf [dreg:s7], $0x5FFFF;
	_ =	strace $0x90000058  }
0xb2: {  	s29 =	simm.s32 $0x9;
	_ =	strace $0x8000005A  }
0xb3: {  	_ =	swait.ge [sflag:s29], $0x1  }
0xb4: {  	[sflag:s29] =	ssyncadd.s32 $0xFFFFFFFF  }
0xb5: {  	_ =	strace $0x9000005A  }
0xb6: {  	_ =	sfence  }
0xb7: {  	s30 =	sld [smem:$0x0];
	_ =	sdelay $0x2  }
0xb8: {  	s31 =	sshll.u32 s1, $0xD;
	s1 =	sshrl.u32 s1, $0x2  }
0xb9: {  	s3 =	sand.u32 $0x4000, s31;
	s1 =	sadd.s32 s1, s30  }
0xba: {  	s0 =	sor.u32 s3, s0;
	s1 =	sshll.u32 s1, $0x11  }
0xbb: {  	s0 =	sor.u32 s1, s0  }
0xbc: {  	s0 =	sadd.s32 $0x8F2B, s0  }
0xbd: {  	[sflag:s0] =	ssyncadd.remote.s32 $0x1  }
0xbe: {  	_ =	sfence.sel $0xFFFF  }
0xbf: {  	[dreg:$0x0] =	wrdreg $0xFFFFFFFF;
	(pc) =	sbr.abs _section_cstart, $3  }
0xc0: {  	[dreg:$0x1] =	wrdreg $0xFFFFFFFF  }
0xc1: {  	_ =	task.clear_ibuf [dreg:s7], $0x2FFFF;
	_ =	strace $0x9FFFFFFF  }
0xc2: {  	(tm) =	ssettm $0x7FFFFFFF  }
0xc3: {  	_ =	shalt  }
tec
execute0_lowered:
.L_overlay_start_1:
0x0: {  	(tag) =	ssettag $0x1  }
0x1: {  	s4 =	rddreg [dreg:$0x0]  }
0x2: {  	s2 =	rddreg [dreg:$0x1]  }
0x3: {  	s0 =	rddreg [dreg:$0x2];
	s5 =	srdreg.scid  }
0x4: {  	s3 =	simm.s32 $0x0;
	s1 =	stileid.u32;
	s10 =	simm.s32 $0x1  }
0x5: {  	s11 =	simm.s32 $0x0;
	s5 =	sand.u32 $0x1, s5;
	[smem:$0x7FF] =	sst s3  }
0x6: {  	s6 =	sshll.u32 s1, $0x9;
	s8 =	sshll.u32 s1, $0xB;
	s7 =	sshll.u32 s5, $0x8  }
0x7: {  	_ =	strace $0x80000059;
	s29 =	ssub.s32 $0x2, s5;
	s8 =	sadd.s32 s8, s4  }
0x8: {  	s30 =	sshll.u32 s5, $0xA;
	s6 =	sor.u32 s7, s6;
	s9 =	sshrl.u32 s29, $0x1  }
0x9: {  	s31 =	sadd.s32 s30, s8;
	s8 =	simm.s32 $0x40;
	s6 =	sadd.s32 s6, s4  }
0xa: {  	s7 =	ssub.s32 s29, s9;
	s9 =	simm.s32 $0x800;
	s4 =	sadd.s32 $0x4A00, s6  }
0xb: {  	s5 =	smax.u32 s7, $0x1;
	s6 =	sadd.s32 $0x6A00, s31;
	s7 =	simm.s32 $0x2  }
.LBB2_1:
0xc: {  	[tilespmem:s3], [sflag:$0x2] =	stream.linear.gather [hbm4b:s4+s3], $0x800, $0x38;
	[tilespmem:$0x2800] =	vst v63  }
0xd: {  	_ =	swait.ge [sflag:s7], $0x800  }
0xe: {  	[sflag:s7] =	ssyncset.done $0x0  }
0xf: {  	s12 =	simm.s32 $0x0;
	[sflag:s7] =	ssyncadd.s32 $0xFFFFF800  }
0x10: {  	[tilespmem:s9], [sflag:$0x1] =	stream.indirect.gather [hbm4b:s2+s8], $0x80, s12, s8, $0xb8;
	[tilespmem:$0x2800] =	vst v63  }
0x11: {  	_ =	swait.ge [sflag:s10], $0x2000  }
0x12: {  	[sflag:s10] =	ssyncset.done $0x0  }
0x13: {  	[sflag:s10] =	ssyncadd.s32 $0xFFFFE000  }
0x14: {  	[hbm4b:s6+s3] =	stream.linear.scatter [tilespmem:s9], [sflag:$0x2], $0x2000, $0x38;
	[tilespmem:$0x2800] =	vst v63  }
0x15: {  	s13 =	simm.s32 $0x200;
	_ =	swait.ge [sflag:s7], $0x2000  }
0x16: {  	s14 =	simm.s32 $0x400;
	s12 =	sadd.s32 $0x8000, s6;
	[sflag:s7] =	ssyncset.done $0x0  }
.LBB2_2:
0x17: {  	s15 =	sshra.s32 s13, $0x2  }
0x18: {  	[sflag:s7] =	ssyncadd.s32 $0xFFFFE000;
	s13 =	smov.u32 s14;
	s16 =	sadd.s32 $0x200, s14  }
0x19: {  	[tilespmem:s9], [sflag:$0x1] =	stream.indirect.gather [hbm4b:s2+s8], $0x80, s15, s8, $0xb8;
	[tilespmem:$0x2800] =	vst v63  }
0x1a: {  	p0 =	sne.s32 s14, $0x1E00;
	_ =	swait.ge [sflag:s10], $0x2000  }
.Ltmp0:
0x1b: {  	[sflag:s10] =	ssyncset.done $0x0;
	(pc) =	sbr.rel @p0 .LBB2_2-.Ltmp0, $4  }
0x1c: {  	[sflag:s10] =	ssyncadd.s32 $0xFFFFE000  }
0x1d: {  	[hbm4b:s12+s3] =	stream.linear.scatter [tilespmem:s9], [sflag:$0x2], $0x2000, $0x38;
	[tilespmem:$0x2800] =	vst v63  }
0x1e: {  	_ =	swait.ge [sflag:s7], $0x2000  }
0x1f: {  	s14 =	smov.u32 s16;
	s12 =	sadd.s32 $0x8000, s12;
	[sflag:s7] =	ssyncset.done $0x0  }
0x20: {  	s13 =	sshra.s32 s13, $0x2;
	[sflag:s7] =	ssyncadd.s32 $0xFFFFE000  }
0x21: {  	[tilespmem:s9], [sflag:$0x1] =	stream.indirect.gather [hbm4b:s2+s8], $0x80, s13, s8, $0xb8;
	[tilespmem:$0x2800] =	vst v63  }
0x22: {  	s11 =	sadd.s32 $0x1, s11;
	_ =	swait.ge [sflag:s10], $0x2000  }
0x23: {  	p0 =	sne.s32 s11, s5;
	[sflag:s10] =	ssyncset.done $0x0  }
.Ltmp1:
0x24: {  	[sflag:s10] =	ssyncadd.s32 $0xFFFFE000;
	(pc) =	sbr.rel @p0 .LBB2_1-.Ltmp1, $4  }
0x25: {  	[hbm4b:s12+s3] =	stream.linear.scatter [tilespmem:s9], [sflag:$0x2], $0x2000, $0x38;
	[tilespmem:$0x2800] =	vst v63  }
0x26: {  	_ =	swait.ge [sflag:s7], $0x2000  }
0x27: {  	[sflag:s7] =	ssyncset.done $0x0  }
0x28: {  	[sflag:s7] =	ssyncadd.s32 $0xFFFFE000  }
0x29: {  	_ =	sfence.sel $0x180000  }
0x2a: {  	[bflag:$0x0] =	sbarrier.arrive $0xFFFF  }
0x2b: {  	p0 =	sne.s32 s1, $0x0;
	_ =	strace $0x90000059  }
0x2c: {  	s0 =	sadd.s32 @!p0 $0x100000, s0;
	[bflag:$0x2] =	sbarrier.arrive $0xFFFF  }
0x2d: {  	[sflag:s0] =	ssyncadd.tile.s32 @!p0 $0x1;
	_ =	shalt  }
.Lfunc_end2:
_tile_overlayer_lowered:
.L_overlay_start_2:
0x2e: {  	(tag) =	ssettag $0x2  }
0x2f: {  	s0 =	rddreg [dreg:$0x0];
	s2 =	stileid.u32  }
0x30: {  	s1 =	rddreg [dreg:$0x1];
	p0 =	sne.s32 s2, $0x0  }
0x31: {  	s3 =	rddreg [dreg:$0x2];
	[bflag:$0x3] =	sbarrier.arrive $0xFFFF;
	s2 =	simm.s32 @!p0 $0x1C02  }
0x32: {  	[timem:s3], [sflag:s2] =	dma.local @!p0 [hbm:s0], s1  }
0x33: {  	s0 =	simm.s32 @!p0 $0x2  }
0x34: {  	_ =	swait.ge @!p0 [sflag:s0], s1  }
0x35: {  	s1 =	ssub.s32 @!p0 $0x0, s1;
	[sflag:s0] =	ssyncset.done @!p0 $0x0  }
0x36: {  	[sflag:s0] =	ssyncadd.s32 @!p0 s1  }
0x37: {  	[bflag:$0x3] =	sbarrier.arrive $0xFFFF  }
0x38: {  	_ =	shalt  }

// kernel: kernel.48.cloned.1.call-start
scs
__scs_entry_jumppad:
0x0: {  	(pc) =	sbr.rel $0x88, $3  }
0x1: {  	(tag) =	ssettag $0x0;
	lr =	simm.s32 $0x1  }
0x2: {  	[smem:$0x3F96] =	sst lr;
	_ =	strace $0xD0000000  }
0x3: {  	_ = 	snop  }
0x4: {  	_ = 	snop  }
0x5: {  	_ = 	snop  }
0x6: {  	_ = 	snop  }
0x7: {  	_ = 	snop  }
__scs_overlays_trampoline_lowered:
0x8: {  	[smem:$0x3FA5] =	sst s0  }
0x9: {  	[smem:$0x3FA6] =	sst s1  }
0xa: {  	[smem:$0x3FA7] =	sst s2  }
0xb: {  	[smem:$0x3FA8] =	sst s3  }
0xc: {  	[smem:$0x3FA9] =	sst s4  }
0xd: {  	[smem:$0x3FAA] =	sst s5  }
0xe: {  	[smem:$0x3FAB] =	sst s6  }
0xf: {  	[smem:$0x3FAC] =	sst s7  }
0x10: {  	[smem:$0x3FAD] =	sst s8  }
0x11: {  	[smem:$0x3FAE] =	sst s9;
	s0 =	simm.s32 @!p0 $0x0  }
0x12: {  	s1 =	sld [smem:$0x3F94];
	s0 =	simm.s32 @p0 $0x1  }
0x13: {  	[smem:$0x3FAF] =	sst s0;
	s0 =	simm.s32 @!p1 $0x0  }
0x14: {  	s2 =	sld [smem:$0x3F93];
	s0 =	simm.s32 @p1 $0x1  }
0x15: {  	[smem:$0x3FB0] =	sst s0;
	s0 =	simm.s32 @!p2 $0x0  }
0x16: {  	s3 =	sld [smem:$0x3FDB];
	s0 =	simm.s32 @p2 $0x1  }
0x17: {  	s4 =	simm.s32 $0x1BF5;
	[smem:$0x3FB2] =	sst s0  }
0x18: {  	s0 =	sld [smem:$0x3F95];
	_ =	swait.ge [sflag:s4], $0x0  }
0x19: {  	s7 =	sld [smem:$0x3F96]  }
0x1a: {  	s8 =	sadd.s32 $0xFFFFE003, lr  }
0x1b: {  	s9 =	sadd.s32 $0xFFFFFEF7, lr;
	s5 =	simm.s32 $0xFFFFFFFF;
	p2 =	slt.u32 s8, $0xFFFFF086  }
0x1c: {  	p1 =	slt.u32 s9, $0xF7A;
	s5 =	simm.s32 @!p2 $0x0  }
0x1d: {  	s5 =	simm.s32 @p1 $0x1;
	p0 =	seq.s32 s7, s2  }
0x1e: {  	s7 =	smul.u32 @!p0 $0xF7A, s2;
	p2 =	seq.s32 @!p0 s5, $0x0  }
0x1f: {  	s9 =	smul.u32 $0xF7A, s1;
	s8 =	simm.s32 @!p0 $0x1BF5;
	p2 =	por !p2, p0  }
0x20: {  	[sflag:s8] =	ssyncset.s32 @!p0 $0xFFFFF086;
	s6 =	sadd.s32 @!p0 s3, s7;
	s7 =	simm.s32 @!p0 $0x108  }
0x21: {  	s3 =	sadd.s32 s3, s9;
	s6 =	sadd.s32 @!p0 $0x88, s6;
	s7 =	simm.s32 @p2 $0x1082  }
0x22: {  	[simem:s7], [sflag:s8] =	dma.local @!p0 [hbm:s6], $0xF7A  }
0x23: {  	s9 =	sor.u32 $0xD0000000, s2;
	s6 =	simm.s32 $0x108;
	_ =	swait.ge @!p0 [sflag:s8], $0x0  }
0x24: {  	s3 =	sadd.s32 $0x88, s3;
	s6 =	simm.s32 @!p1 $0x1082;
	[sflag:s4] =	ssyncset.s32 $0xFFFFF086  }
0x25: {  	[simem:s6], [sflag:s4] =	dma.local [hbm:s3], $0xF7A  }
0x26: {  	[smem:$0x3F96] =	sst s1;
	(tag) =	ssettag s2;
	_ =	strace s9  }
0x27: {  	s1 =	sld [smem:$0x3FA6]  }
0x28: {  	s2 =	sld [smem:$0x3FA7]  }
0x29: {  	s4 =	sld [smem:$0x3FA9]  }
0x2a: {  	p0 =	seq.s32 s5, $0x0;
	s5 =	sld [smem:$0x3FAA]  }
0x2b: {  	s6 =	sld [smem:$0x3FAB]  }
0x2c: {  	s7 =	sld [smem:$0x3FAC]  }
0x2d: {  	s3 =	simm.s32 $0x108;
	s8 =	sld [smem:$0x3FAD]  }
0x2e: {  	s3 =	simm.s32 @!p0 $0x1082;
	s9 =	sld [smem:$0x3FAE]  }
0x2f: {  	lr =	sadd.s32 s0, s3;
	s0 =	sld [smem:$0x3FA5]  }
0x30: {  	s3 =	sld [smem:$0x3FA8]  }
0x31: {  	[smem:$0x3FB1] =	sst s10  }
0x32: {  	s10 =	sld [smem:$0x3FAF];
	_ =	sdelay $0x3  }
0x33: {  	p0 =	seq.s32 s10, $0x1;
	s10 =	sld [smem:$0x3FB1];
	_ =	sdelay $0x3  }
0x34: {  	[smem:$0x3FB1] =	sst s10  }
0x35: {  	s10 =	sld [smem:$0x3FB0];
	_ =	sdelay $0x3  }
0x36: {  	p1 =	seq.s32 s10, $0x1;
	s10 =	sld [smem:$0x3FB1];
	_ =	sdelay $0x3  }
0x37: {  	[smem:$0x3FB1] =	sst s10  }
0x38: {  	s10 =	sld [smem:$0x3FB2]  }
0x39: {  	_ = 	snop;
	(pc) =	sbr.ind lr, $3  }
0x3a: {  	_ = 	snop  }
0x3b: {  	_ = 	snop  }
0x3c: {  	p2 =	seq.s32 s10, $0x1;
	s10 =	sld [smem:$0x3FB1]  }
0x3d: {  	_ =	shalt  }
0x3e: {  	_ =	shalt  }
0x3f: {  	_ =	shalt  }
0x40: {  	_ =	shalt  }
0x41: {  	_ =	shalt  }
0x42: {  	_ =	shalt  }
0x43: {  	_ =	shalt  }
0x44: {  	_ =	shalt  }
0x45: {  	_ =	shalt  }
0x46: {  	_ =	shalt  }
0x47: {  	_ =	shalt  }
0x48: {  	_ =	shalt  }
0x49: {  	_ =	shalt  }
0x4a: {  	_ =	shalt  }
0x4b: {  	_ =	shalt  }
0x4c: {  	_ =	shalt  }
0x4d: {  	_ =	shalt  }
0x4e: {  	_ =	shalt  }
0x4f: {  	_ =	shalt  }
0x50: {  	_ =	shalt  }
0x51: {  	_ =	shalt  }
0x52: {  	_ =	shalt  }
0x53: {  	_ =	shalt  }
0x54: {  	_ =	shalt  }
0x55: {  	_ =	shalt  }
0x56: {  	_ =	shalt  }
0x57: {  	_ =	shalt  }
0x58: {  	_ =	shalt  }
0x59: {  	_ =	shalt  }
0x5a: {  	_ =	shalt  }
0x5b: {  	_ =	shalt  }
0x5c: {  	_ =	shalt  }
0x5d: {  	_ =	shalt  }
0x5e: {  	_ =	shalt  }
0x5f: {  	_ =	shalt  }
0x60: {  	_ =	shalt  }
0x61: {  	_ =	shalt  }
0x62: {  	_ =	shalt  }
0x63: {  	_ =	shalt  }
0x64: {  	_ =	shalt  }
0x65: {  	_ =	shalt  }
0x66: {  	_ =	shalt  }
0x67: {  	_ =	shalt  }
0x68: {  	_ =	shalt  }
0x69: {  	_ =	shalt  }
0x6a: {  	_ =	shalt  }
0x6b: {  	_ =	shalt  }
0x6c: {  	_ =	shalt  }
0x6d: {  	_ =	shalt  }
0x6e: {  	_ =	shalt  }
0x6f: {  	_ =	shalt  }
0x70: {  	_ =	shalt  }
0x71: {  	_ =	shalt  }
0x72: {  	_ =	shalt  }
0x73: {  	_ =	shalt  }
0x74: {  	_ =	shalt  }
0x75: {  	_ =	shalt  }
0x76: {  	_ =	shalt  }
0x77: {  	_ =	shalt  }
0x78: {  	_ =	shalt  }
0x79: {  	_ =	shalt  }
0x7a: {  	_ =	shalt  }
0x7b: {  	_ =	shalt  }
0x7c: {  	_ =	shalt  }
0x7d: {  	_ =	shalt  }
0x7e: {  	_ =	shalt  }
0x7f: {  	_ =	shalt  }
0x80: {  	_ =	shalt  }
0x81: {  	_ =	shalt  }
0x82: {  	_ =	shalt  }
0x83: {  	_ =	shalt  }
0x84: {  	_ =	shalt  }
0x85: {  	_ =	shalt  }
0x86: {  	_ =	shalt  }
0x87: {  	_ =	shalt  }
.Lfunc_end0:
.L_simem_size_0:
called_computation.7_lowered:
.L_overlay_start_0:
0x88: {  	s2 =	sld [smem:$0x3FD9]  }
0x89: {  	s3 =	sld [smem:$0x3FFE];
	_ =	sdelay $0x1  }
0x8a: {  	s1 =	srdreg.scid  }
0x8b: {  	s0 =	sand.u32 $0x1, s1  }
0x8c: {  	s17 =	sshll.u32 s0, $0xA;
	s2 =	sadd.s32 s3, s2  }
0x8d: {  	s2 =	sadd.s32 s2, s17  }
0x8e: {  	[smem:$0x3FBD] =	sst s2  }
0x8f: {  	_ = 	snop  }
0x90: {  	s18 =	sld [smem:$0x3FD0];
	(tm) =	ssettm $0x1  }
0x91: {  	s19 =	sld [smem:$0x3FFB];
	_ =	sdelay $0x3  }
0x92: {  	_ =	strace s19  }
0x93: {  	s2 =	sld [smem:$0x3FFC];
	_ =	sdelay $0x3  }
0x94: {  	_ =	strace s2  }
0x95: {  	s2 =	sld [smem:$0x3FFD];
	_ =	sdelay $0x3  }
0x96: {  	_ =	strace s2  }
0x97: {  	_ =	strace $0x8FFFFFFF  }
0x98: {  	s20 =	sld [smem:$0x3FDB];
	_ =	sdelay $0x1  }
0x99: {  	s4 =	simm.s32 $_scs_section_size  }
0x9a: {  	s5 =	simm.s32 $_size__tile_overlayer_lowered;
	s6 =	simm.s32 $_tile_overlayer_lowered  }
0x9b: {  	s7 =	simm.s32 $0x1BFF;
	s21 =	sshll.u32 s6, $0x1;
	s4 =	sadd.s32 s4, s20  }
0x9c: {  	s22 =	simm.s32 $0x0;
	s5 =	sshll.u32 s5, $0x1;
	s6 =	sadd.s32 s21, s4  }
0x9d: {  	[timem:s22], [sflag:s7] =	dma.local [hbm:s6], s5  }
0x9e: {  	_ =	swait.ge [sflag:s7], s5  }
0x9f: {  	s5 =	ssub.s32 $0x0, s5;
	[sflag:s7] =	ssyncset.done $0x0  }
0xa0: {  	[sflag:s7] =	ssyncadd.s32 s5;
	_ =	sdelay $0x1  }
0xa1: {  	s23 =	simm.s32 $0x1B8B  }
0xa2: {  	_ =	swait.ge [sflag:s23], $0x1  }
0xa3: {  	[sflag:s23] =	ssyncset.done $0x0  }
0xa4: {  	[sflag:s23] =	ssyncadd.s32 $0xFFFFFFFF  }
0xa5: {  	s5 =	sld [smem:$0x0]  }
0xa6: {  	s6 =	sand.u32 $0xFFFFFFFE, s1  }
0xa7: {  	p0 =	sne.s32 s1, s6  }
0xa8: {  	s6 =	sshll.u32 @p0 s6, $0xE  }
0xa9: {  	s6 =	sadd.s32 @p0 $0x11B8D, s6;
	s7 =	sshll.u32 @p0 s5, $0x11  }
0xaa: {  	s6 =	sor.u32 @p0 s7, s6  }
0xab: {  	[sflag:s6] =	ssyncadd.remote.s32 @p0 $0x1;
	_ =	sdelay $0x1  }
0xac: {  	s6 =	simm.s32 @p0 $0x1B8D  }
0xad: {  	_ =	swait.eq @p0 [sflag:s6], $0x1  }
0xae: {  	[sflag:s6] =	ssyncadd.s32 @p0 $0xFFFFFFFF  }
0xaf: {  	s7 =	sshll.u32 @!p0 s1, $0xE  }
0xb0: {  	s7 =	sor.u32 @!p0 $0x4000, s7;
	s6 =	simm.s32 @!p0 $0x1B8D  }
0xb1: {  	s5 =	sshll.u32 @!p0 s5, $0x11;
	s7 =	sadd.s32 @!p0 $0x11B8D, s7;
	_ =	swait.eq @!p0 [sflag:s6], $0x1  }
0xb2: {  	s5 =	sor.u32 @!p0 s5, s7;
	[sflag:s6] =	ssyncadd.s32 @!p0 $0xFFFFFFFF  }
0xb3: {  	s25 =	simm.s32 $0x1B8E;
	s24 =	sld [smem:$0x3FFE];
	[sflag:s5] =	ssyncadd.remote.s32 @!p0 $0x1  }
0xb4: {  	s26 =	simm.s32 $execute0_lowered;
	[smem:$0x3FD2] =	sst s25  }
0xb5: {  	s6 =	sshll.u32 s26, $0x1;
	_ =	strace $0x8000005B;
	[dreg:$0x1] =	wrdreg $0xFFFFFFFF  }
0xb6: {  	s28 =	simm.s32 $_size_execute0_lowered;
	s4 =	sadd.s32 s4, s6;
	[dreg:$0x0] =	wrdreg $0x0  }
0xb7: {  	s6 =	sshll.u32 s28, $0x1;
	[dreg:$0x2] =	wrdreg s4  }
0xb8: {  	[dreg:$0x3] =	wrdreg s6  }
0xb9: {  	[dreg:$0x4] =	wrdreg $0xC0  }
0xba: {  	_ =	task [dreg:s22], $0x5FFFF  }
0xbb: {  	[dreg:$0x1] =	wrdreg $0xFFFFFFFF  }
0xbc: {  	[dreg:$0x0] =	wrdreg $0x60  }
0xbd: {  	[dreg:$0x2] =	wrdreg s24  }
0xbe: {  	[dreg:$0x3] =	wrdreg s18  }
0xbf: {  	[dreg:$0x4] =	wrdreg $0xA  }
0xc0: {  	_ =	task.clear_ibuf [dreg:s22], $0x5FFFF;
	_ =	strace $0x9000005B  }
0xc1: {  	s29 =	simm.s32 $0xA;
	_ =	strace $0x8000005D  }
0xc2: {  	_ =	swait.ge [sflag:s29], $0x1  }
0xc3: {  	[sflag:s29] =	ssyncadd.s32 $0xFFFFFFFF  }
0xc4: {  	_ =	strace $0x9000005D  }
0xc5: {  	_ =	sfence  }
0xc6: {  	s30 =	sld [smem:$0x0];
	_ =	sdelay $0x2  }
0xc7: {  	s31 =	sshll.u32 s1, $0xD;
	s1 =	sshrl.u32 s1, $0x2  }
0xc8: {  	s4 =	sand.u32 $0x4000, s31;
	s1 =	sadd.s32 s1, s30  }
0xc9: {  	s0 =	sor.u32 s4, s0;
	s1 =	sshll.u32 s1, $0x11  }
0xca: {  	s0 =	sor.u32 s1, s0  }
0xcb: {  	s0 =	sadd.s32 $0x8F2B, s0  }
0xcc: {  	[sflag:s0] =	ssyncadd.remote.s32 $0x1  }
0xcd: {  	_ =	sfence.sel $0xFFFF  }
0xce: {  	[dreg:$0x0] =	wrdreg $0xFFFFFFFF;
	(pc) =	sbr.abs _section_cstart, $3  }
0xcf: {  	[dreg:$0x1] =	wrdreg $0xFFFFFFFF  }
0xd0: {  	_ =	task.clear_ibuf [dreg:s22], $0x2FFFF;
	_ =	strace $0x9FFFFFFF  }
0xd1: {  	(tm) =	ssettm $0x7FFFFFFF  }
tec
execute0_lowered:
.L_overlay_start_1:
0x0: {  	(tag) =	ssettag $0x1  }
0x1: {  	s4 =	rddreg [dreg:$0x0]  }
0x2: {  	s2 =	rddreg [dreg:$0x1]  }
0x3: {  	s0 =	rddreg [dreg:$0x2];
	s5 =	srdreg.scid  }
0x4: {  	s3 =	simm.s32 $0x0;
	s1 =	stileid.u32;
	s10 =	simm.s32 $0x1  }
0x5: {  	s11 =	simm.s32 $0x0;
	s5 =	sand.u32 $0x1, s5;
	[smem:$0x7FF] =	sst s3  }
0x6: {  	s6 =	sshll.u32 s1, $0x9;
	s8 =	sshll.u32 s1, $0xB;
	s7 =	sshll.u32 s5, $0x8  }
0x7: {  	_ =	strace $0x8000005C;
	s29 =	ssub.s32 $0x2, s5;
	s8 =	sadd.s32 s8, s4  }
0x8: {  	s30 =	sshll.u32 s5, $0xA;
	s6 =	sor.u32 s7, s6;
	s9 =	sshrl.u32 s29, $0x1  }
0x9: {  	s31 =	sadd.s32 s30, s8;
	s8 =	simm.s32 $0x40;
	s6 =	sadd.s32 s6, s4  }
0xa: {  	s7 =	ssub.s32 s29, s9;
	s9 =	simm.s32 $0x800;
	s4 =	sadd.s32 $0x86A00, s6  }
0xb: {  	s5 =	smax.u32 s7, $0x1;
	s6 =	sadd.s32 $0x88A00, s31;
	s7 =	simm.s32 $0x2  }
.LBB2_1:
0xc: {  	[tilespmem:s3], [sflag:$0x2] =	stream.linear.gather [hbm4b:s4+s3], $0x800, $0x38;
	[tilespmem:$0x2800] =	vst v63  }
0xd: {  	_ =	swait.ge [sflag:s7], $0x800  }
0xe: {  	[sflag:s7] =	ssyncset.done $0x0  }
0xf: {  	s12 =	simm.s32 $0x0;
	[sflag:s7] =	ssyncadd.s32 $0xFFFFF800  }
0x10: {  	[tilespmem:s9], [sflag:$0x1] =	stream.indirect.gather [hbm4b:s2+s8], $0x80, s12, s8, $0xb8;
	[tilespmem:$0x2800] =	vst v63  }
0x11: {  	_ =	swait.ge [sflag:s10], $0x2000  }
0x12: {  	[sflag:s10] =	ssyncset.done $0x0  }
0x13: {  	[sflag:s10] =	ssyncadd.s32 $0xFFFFE000  }
0x14: {  	[hbm4b:s6+s3] =	stream.linear.scatter [tilespmem:s9], [sflag:$0x2], $0x2000, $0x38;
	[tilespmem:$0x2800] =	vst v63  }
0x15: {  	s13 =	simm.s32 $0x200;
	_ =	swait.ge [sflag:s7], $0x2000  }
0x16: {  	s14 =	simm.s32 $0x400;
	s12 =	sadd.s32 $0x8000, s6;
	[sflag:s7] =	ssyncset.done $0x0  }
.LBB2_2:
0x17: {  	s15 =	sshra.s32 s13, $0x2  }
0x18: {  	[sflag:s7] =	ssyncadd.s32 $0xFFFFE000;
	s13 =	smov.u32 s14;
	s16 =	sadd.s32 $0x200, s14  }
0x19: {  	[tilespmem:s9], [sflag:$0x1] =	stream.indirect.gather [hbm4b:s2+s8], $0x80, s15, s8, $0xb8;
	[tilespmem:$0x2800] =	vst v63  }
0x1a: {  	p0 =	sne.s32 s14, $0x1E00;
	_ =	swait.ge [sflag:s10], $0x2000  }
.Ltmp0:
0x1b: {  	[sflag:s10] =	ssyncset.done $0x0;
	(pc) =	sbr.rel @p0 .LBB2_2-.Ltmp0, $4  }
0x1c: {  	[sflag:s10] =	ssyncadd.s32 $0xFFFFE000  }
0x1d: {  	[hbm4b:s12+s3] =	stream.linear.scatter [tilespmem:s9], [sflag:$0x2], $0x2000, $0x38;
	[tilespmem:$0x2800] =	vst v63  }
0x1e: {  	_ =	swait.ge [sflag:s7], $0x2000  }
0x1f: {  	s14 =	smov.u32 s16;
	s12 =	sadd.s32 $0x8000, s12;
	[sflag:s7] =	ssyncset.done $0x0  }
0x20: {  	s13 =	sshra.s32 s13, $0x2;
	[sflag:s7] =	ssyncadd.s32 $0xFFFFE000  }
0x21: {  	[tilespmem:s9], [sflag:$0x1] =	stream.indirect.gather [hbm4b:s2+s8], $0x80, s13, s8, $0xb8;
	[tilespmem:$0x2800] =	vst v63  }
0x22: {  	s11 =	sadd.s32 $0x1, s11;
	_ =	swait.ge [sflag:s10], $0x2000  }
0x23: {  	p0 =	sne.s32 s11, s5;
	[sflag:s10] =	ssyncset.done $0x0  }
.Ltmp1:
0x24: {  	[sflag:s10] =	ssyncadd.s32 $0xFFFFE000;
	(pc) =	sbr.rel @p0 .LBB2_1-.Ltmp1, $4  }
0x25: {  	[hbm4b:s12+s3] =	stream.linear.scatter [tilespmem:s9], [sflag:$0x2], $0x2000, $0x38;
	[tilespmem:$0x2800] =	vst v63  }
0x26: {  	_ =	swait.ge [sflag:s7], $0x2000  }
0x27: {  	[sflag:s7] =	ssyncset.done $0x0  }
0x28: {  	[sflag:s7] =	ssyncadd.s32 $0xFFFFE000  }
0x29: {  	_ =	sfence.sel $0x180000  }
0x2a: {  	[bflag:$0x0] =	sbarrier.arrive $0xFFFF  }
0x2b: {  	p0 =	sne.s32 s1, $0x0;
	_ =	strace $0x9000005C  }
0x2c: {  	s0 =	sadd.s32 @!p0 $0x100000, s0;
	[bflag:$0x2] =	sbarrier.arrive $0xFFFF  }
0x2d: {  	[sflag:s0] =	ssyncadd.tile.s32 @!p0 $0x1;
	_ =	shalt  }
.Lfunc_end2:
_tile_overlayer_lowered:
.L_overlay_start_2:
0x2e: {  	(tag) =	ssettag $0x2  }
0x2f: {  	s0 =	rddreg [dreg:$0x0];
	s2 =	stileid.u32  }
0x30: {  	s1 =	rddreg [dreg:$0x1];
	p0 =	sne.s32 s2, $0x0  }
0x31: {  	s3 =	rddreg [dreg:$0x2];
	[bflag:$0x3] =	sbarrier.arrive $0xFFFF;
	s2 =	simm.s32 @!p0 $0x1C02  }
0x32: {  	[timem:s3], [sflag:s2] =	dma.local @!p0 [hbm:s0], s1  }
0x33: {  	s0 =	simm.s32 @!p0 $0x2  }
0x34: {  	_ =	swait.ge @!p0 [sflag:s0], s1  }
0x35: {  	s1 =	ssub.s32 @!p0 $0x0, s1;
	[sflag:s0] =	ssyncset.done @!p0 $0x0  }
0x36: {  	[sflag:s0] =	ssyncadd.s32 @!p0 s1  }
0x37: {  	[bflag:$0x3] =	sbarrier.arrive $0xFFFF  }
0x38: {  	_ =	shalt  }

</sc_bundles>
